<compile_context>
chip_gen: v7x
topology: tpu7x:2x2x1
jax: 0.10.2.dev20260603
libtpu: 0.0.44.dev20260713+nightly
codegen_flags: <defaults>
</compile_context>

<pallas_src>
import jax
import jax.numpy as jnp
from jax import lax
from jax.experimental import pallas as pl
from jax.experimental.pallas import tpu as pltpu
from jax.experimental.pallas import tpu_sc as plsc

N_NODES = 10000
D = 128
E = 320000

NC, NS, LANES = 2, 16, 16
NW = NC * NS
CH = 128
RPW = 80
EP = NW * RPW * CH
NCHUNK = EP // CH
ACC_ROWS = 10240
TPR = ACC_ROWS // NS
PAD_DST = 10048
NPAD_ROWS = 32

_SC_MESH = plsc.VectorSubcoreMesh(
    core_axis_name="c", subcore_axis_name="s", num_cores=NC, num_subcores=NS)


def _deg_body(col_hbm, deg_hbm, idx_v, ones_v, buf1_v, buf2_v, deg_sh, sem):
    c = lax.axis_index("c")
    s = lax.axis_index("s")
    wid = c * NS + s
    zero16 = jnp.zeros((LANES,), jnp.float32)
    one16 = jnp.ones((LANES,), jnp.float32)
    for k in range(TPR // LANES):
        buf1_v[pl.ds(k * LANES, LANES)] = zero16
    for k in range(64 // LANES):
        ones_v[pl.ds(k * LANES, LANES)] = one16
    pltpu.sync_copy(buf1_v, deg_sh.at[pl.ds(s * TPR, TPR)])
    pltpu.sync_copy(col_hbm.at[pl.ds(wid * (RPW * 2), RPW * 2)], idx_v)
    plsc.subcore_barrier()

    def fire(j, carry):
        pltpu.async_copy(ones_v, deg_sh.at[idx_v.at[j]], sem, add=True)
        return carry

    lax.fori_loop(0, RPW * 2, fire, 0)

    def drain(j, carry):
        pltpu.make_async_copy(ones_v, deg_sh.at[idx_v.at[j]], sem).wait()
        return carry

    lax.fori_loop(0, RPW * 2, drain, 0)
    plsc.subcore_barrier()
    pltpu.sync_copy(deg_sh.at[pl.ds(s * TPR, TPR)], buf1_v)
    for k in range(TPR // LANES):
        buf2_v[k // 8, pl.ds((k % 8) * LANES, LANES)] = buf1_v[pl.ds(k * LANES, LANES)]
    pltpu.sync_copy(buf2_v, deg_hbm.at[c, s])


_deg_call = pl.kernel(
    _deg_body,
    out_type=jax.ShapeDtypeStruct((NC, NS, TPR // CH, CH), jnp.float32),
    mesh=_SC_MESH,
    scratch_types=[
        pltpu.VMEM((RPW * 2, 64), jnp.int32),
        pltpu.VMEM((64,), jnp.float32),
        pltpu.VMEM((TPR,), jnp.float32),
        pltpu.VMEM((TPR // CH, CH), jnp.float32),
        pltpu.VMEM_SHARED((ACC_ROWS,), jnp.float32),
        pltpu.SemaphoreType.DMA,
    ],
)


def _mm_body(x_ref, w_ref, dc_ref, y_ref, sc_ref):
    xw = jnp.dot(x_ref[...], w_ref[...], preferred_element_type=jnp.float32)
    scale = lax.rsqrt(dc_ref[...])
    y_ref[...] = xw * scale
    sc_ref[...] = scale


def _mm_call(x, w, deg_col):
    blk = 1000
    return pl.pallas_call(
        _mm_body,
        grid=(N_NODES // blk,),
        in_specs=[
            pl.BlockSpec((blk, D), lambda i: (i, 0)),
            pl.BlockSpec((D, D), lambda i: (0, 0)),
            pl.BlockSpec((blk, 1), lambda i: (i, 0)),
        ],
        out_specs=[
            pl.BlockSpec((blk, D), lambda i: (i, 0)),
            pl.BlockSpec((blk, 1), lambda i: (i, 0)),
        ],
        out_shape=[
            jax.ShapeDtypeStruct((N_NODES, D), jnp.float32),
            jax.ShapeDtypeStruct((N_NODES, 1), jnp.float32),
        ],
    )(x, w, deg_col)


NBUF = 4
CW = 64
CPW = RPW * (CH // CW)
HCPW = CPW // 5


NPH = CPW // HCPW


def _agg_body(y_hbm, row_hbm, col_hbm, acc_hbm,
              rids, cids, gbufs, acc_sh, gsems, ssems, isems):
    c = lax.axis_index("c")
    s = lax.axis_index("s")
    wid = c * NS + s
    base = wid * CPW
    zero16 = jnp.zeros((LANES,), jnp.float32)
    g0 = gbufs[0]

    def zrow(i, carry):
        for k in range(D // LANES):
            g0[i, pl.ds(k * LANES, LANES)] = zero16
        return carry

    lax.fori_loop(0, CW, zrow, 0)
    for k in range(TPR // CW):
        pltpu.sync_copy(g0, acc_sh.at[pl.ds(s * TPR + k * CW, CW)])
    plsc.subcore_barrier()

    def g_start(sl, j, b):
        pltpu.async_copy(y_hbm.at[rids[sl].at[j]], gbufs[b], gsems[b])

    def g_wait(sl, j, b):
        pltpu.make_async_copy(y_hbm.at[rids[sl].at[j]], gbufs[b], gsems[b]).wait()

    def s_start(sl, j, b):
        pltpu.async_copy(gbufs[b], acc_sh.at[cids[sl].at[j]], ssems[b], add=True)

    def s_wait(sl, j, b):
        pltpu.make_async_copy(gbufs[b], acc_sh.at[cids[sl].at[j]], ssems[b]).wait()

    def i_start(ph, sl):
        pltpu.async_copy(row_hbm.at[pl.ds(base + ph * HCPW, HCPW)], rids[sl],
                         isems[sl])
        pltpu.async_copy(col_hbm.at[pl.ds(base + ph * HCPW, HCPW)], cids[sl],
                         isems[sl])

    def i_wait(ph, sl):
        pltpu.make_async_copy(row_hbm.at[pl.ds(base + ph * HCPW, HCPW)],
                              rids[sl], isems[sl]).wait()
        pltpu.make_async_copy(col_hbm.at[pl.ds(base + ph * HCPW, HCPW)],
                              cids[sl], isems[sl]).wait()

    pltpu.sync_copy(row_hbm.at[pl.ds(base, HCPW)], rids[0])
    pltpu.sync_copy(col_hbm.at[pl.ds(base, HCPW)], cids[0])
    for b in range(NBUF):
        g_start(0, b, b)

    for h in range(NPH):
        sl = h % 2
        nsl = (h + 1) % 2
        if h + 1 < NPH:
            i_start(h + 1, nsl)

        def step(t, carry):
            j0 = NBUF * t
            for b in range(NBUF):
                g_wait(sl, j0 + b, b)
                s_start(sl, j0 + b, b)
            for b in range(NBUF):
                s_wait(sl, j0 + b, b)
                g_start(sl, j0 + b + NBUF, b)
            return carry

        lax.fori_loop(0, HCPW // NBUF - 1, step, 0)
        if h + 1 < NPH:
            i_wait(h + 1, nsl)
        jt = HCPW - NBUF
        for b in range(NBUF):
            g_wait(sl, jt + b, b)
            s_start(sl, jt + b, b)
        for b in range(NBUF):
            s_wait(sl, jt + b, b)
            if h + 1 < NPH:
                g_start(nsl, b, b)
    plsc.subcore_barrier()
    pltpu.sync_copy(acc_sh.at[pl.ds(s * TPR, TPR)],
                    acc_hbm.at[c, pl.ds(s * TPR, TPR)])


_agg_call = pl.kernel(
    _agg_body,
    out_type=jax.ShapeDtypeStruct((NC, ACC_ROWS, D), jnp.float32),
    mesh=_SC_MESH,
    scratch_types=[
        [pltpu.VMEM((HCPW, CW), jnp.int32) for _ in range(2)],
        [pltpu.VMEM((HCPW, CW), jnp.int32) for _ in range(2)],
        [pltpu.VMEM((CW, D), jnp.float32) for _ in range(NBUF)],
        pltpu.VMEM_SHARED((ACC_ROWS, D), jnp.float32),
        [pltpu.SemaphoreType.DMA for _ in range(NBUF)],
        [pltpu.SemaphoreType.DMA for _ in range(NBUF)],
        [pltpu.SemaphoreType.DMA for _ in range(2)],
    ],
)


def _out_body(acc_ref, y_ref, sc_ref, b_ref, o_ref):
    t = sc_ref[...] * (acc_ref[0] + acc_ref[1] + y_ref[...]) + b_ref[...]
    h = jnp.maximum(t, 0.0)
    m = jnp.max(h, axis=1, keepdims=True)
    e = jnp.exp(h - m)
    o_ref[...] = e / jnp.sum(e, axis=1, keepdims=True)


def _out_call(accs, y, scale_col, b2):
    blk = 1000
    return pl.pallas_call(
        _out_body,
        grid=(N_NODES // blk,),
        in_specs=[
            pl.BlockSpec((NC, blk, D), lambda i: (0, i, 0)),
            pl.BlockSpec((blk, D), lambda i: (i, 0)),
            pl.BlockSpec((blk, 1), lambda i: (i, 0)),
            pl.BlockSpec((1, D), lambda i: (0, 0)),
        ],
        out_specs=pl.BlockSpec((blk, D), lambda i: (i, 0)),
        out_shape=jax.ShapeDtypeStruct((N_NODES, D), jnp.float32),
    )(accs, y, scale_col, b2)


def kernel(x, edge_index, W, b):
    row = edge_index[0]
    col = edge_index[1]
    npad = EP - E
    ar = jnp.arange(npad, dtype=jnp.int32)
    row64 = jnp.concatenate([row, (ar * 131) % N_NODES]).reshape(EP // CW, CW)
    col64 = jnp.concatenate([col, PAD_DST + (ar % NPAD_ROWS)]).reshape(EP // CW, CW)

    degs = _deg_call(col64)
    deg_col = ((degs[0] + degs[1]).reshape(-1)[:N_NODES]
               .reshape(N_NODES, 1) + 1.0)
    y, scale_col = _mm_call(x, W, deg_col)
    accs = _agg_call(y, row64, col64)
    return _out_call(accs, y, scale_col, b.reshape(1, D))

# --- scband reference (transcript-rebuilt; emitter-appended) ---
"""Pipeline reference for scband-gnnmodel-3032246911085 (READ-ONLY COPY).

The authoritative reference and input builder live on the scoring server;
editing this copy changes nothing except your own understanding.
"""

import jax, jax.numpy as jnp
import numpy as np

N_NODES = 10000
N_EDGES = 320000
D_IN = 128
D_OUT = 128


def setup_inputs(seed: int = 0) -> dict:
    key = jax.random.key(seed)
    k1, k2, k3 = jax.random.split(key, 3)
    x = jax.random.normal(k1, (N_NODES, D_IN), dtype=jnp.float32)
    edge_index = jax.random.randint(k2, (2, N_EDGES), 0, N_NODES, dtype=jnp.int32)
    # GCNConv linear weight + bias (glorot-ish init)
    W = jax.random.normal(k3, (D_IN, D_OUT), dtype=jnp.float32) * (1.0 / np.sqrt(D_IN))
    b = jnp.zeros((D_OUT,), dtype=jnp.float32)
    return {"x": x, "edge_index": edge_index, "W": W, "b": b}


def _gcn_conv(x, edge_index, W, b):
    # Faithful GCNConv: add self-loops, symmetric deg^-1/2 normalization,
    # linear transform, scatter-add aggregation at target nodes.
    n = x.shape[0]
    loops = jnp.arange(n, dtype=edge_index.dtype)
    ei = jnp.concatenate([edge_index, jnp.stack([loops, loops], axis=0)], axis=1)
    row, col = ei[0], ei[1]  # row = source, col = target (PyG source_to_target flow)
    xw = x @ W
    ones = jnp.ones((ei.shape[1],), dtype=x.dtype)
    deg = jax.ops.segment_sum(ones, col, num_segments=n)
    deg_inv_sqrt = jnp.where(deg > 0, deg ** -0.5, 0.0)
    norm = deg_inv_sqrt[row] * deg_inv_sqrt[col]
    msg = norm[:, None] * jnp.take(xw, row, axis=0)
    out = jax.ops.segment_sum(msg, col, num_segments=n)
    return out + b


def reference(x, edge_index, W, b):
    # GNNModel with hidden_dims=None: single GCNConv -> ReLU -> Softmax(dim=1)
    h = _gcn_conv(x, edge_index, W, b)
    h = jax.nn.relu(h)
    h = jax.nn.softmax(h, axis=1)
    return h

if __name__ == "__main__":
    import jax
    _d = setup_inputs()
    print(jax.jit(kernel)(*tuple(_d.values())))

</pallas_src>

<mosaic_0001>
#map = affine_map<(d0, d1) -> (0, 0)>
#map1 = affine_map<(d0, d1) -> (0, 0, 0)>
module attributes {stable_mosaic.version = 14 : i64} {
  func.func @_agg_body(%arg0: i32, %arg1: i32, %arg2: memref<10000x128xf32, #tpu.memory_space<hbm>>, %arg3: memref<5120x64xi32, #tpu.memory_space<hbm>>, %arg4: memref<5120x64xi32, #tpu.memory_space<hbm>>, %arg5: memref<2x10240x128xf32, #tpu.memory_space<hbm>>, %arg6: memref<32x64xi32, #tpu.memory_space<vmem>>, %arg7: memref<32x64xi32, #tpu.memory_space<vmem>>, %arg8: memref<32x64xi32, #tpu.memory_space<vmem>>, %arg9: memref<32x64xi32, #tpu.memory_space<vmem>>, %arg10: memref<64x128xf32, #tpu.memory_space<vmem>>, %arg11: memref<64x128xf32, #tpu.memory_space<vmem>>, %arg12: memref<64x128xf32, #tpu.memory_space<vmem>>, %arg13: memref<64x128xf32, #tpu.memory_space<vmem>>, %arg14: memref<10240x128xf32, #tpu.memory_space<vmem_shared>>, %arg15: memref<!tpu.dma_semaphore, #tpu.memory_space<semaphore_mem>>, %arg16: memref<!tpu.dma_semaphore, #tpu.memory_space<semaphore_mem>>, %arg17: memref<!tpu.dma_semaphore, #tpu.memory_space<semaphore_mem>>, %arg18: memref<!tpu.dma_semaphore, #tpu.memory_space<semaphore_mem>>, %arg19: memref<!tpu.dma_semaphore, #tpu.memory_space<semaphore_mem>>, %arg20: memref<!tpu.dma_semaphore, #tpu.memory_space<semaphore_mem>>, %arg21: memref<!tpu.dma_semaphore, #tpu.memory_space<semaphore_mem>>, %arg22: memref<!tpu.dma_semaphore, #tpu.memory_space<semaphore_mem>>, %arg23: memref<!tpu.dma_semaphore, #tpu.memory_space<semaphore_mem>>, %arg24: memref<!tpu.dma_semaphore, #tpu.memory_space<semaphore_mem>>) attributes {dimension_semantics = [#tpu.dimension_semantics<core_parallel>, #tpu.dimension_semantics<subcore_parallel>], iteration_bounds = array<i64: 2, 16>, scalar_prefetch = 0 : i64, scratch_operands = 19 : i64, tpu.core_type = #tpu.core_type<sc_vector_subcore>, window_params = [{transform_indices = #map}, {transform_indices = #map}, {transform_indices = #map}, {transform_indices = #map1}]} {
    %mul3A = arith.constant 16 : i32
    %mul3A_0 = arith.muli %arg0, %mul3A : i32
    %add3A = arith.addi %mul3A_0, %arg1 : i32
    %mul3A_1 = arith.constant 160 : i32
    %mul3A_2 = arith.muli %add3A, %mul3A_1 : i32
    %broadcast_in_dim3A = arith.constant 0.000000e+00 : f32
    %broadcast_in_dim3A_3 = vector.broadcast %broadcast_in_dim3A : f32 to vector<16xf32>
    %scan3A = arith.constant 0 : i32
    %scan3A_4 = arith.constant 0 : i32
    %scan3A_5 = arith.constant 64 : i32
    %scan3A_6 = arith.addi %scan3A_4, %scan3A_5 : i32
    %scan3A_7 = arith.constant 1 : i32
    scf.for %scan3A_738 = %scan3A_4 to %scan3A_6 step %scan3A_7  : i32 {
      %swap3A = arith.index_cast %scan3A_738 : i32 to index
      %swap3A_739 = arith.constant 0 : index
      %swap3A_740 = tpu.vector_load %arg10[%swap3A, %swap3A_739] {strides = array<i32>} : memref<64x128xf32, #tpu.memory_space<vmem>>, vector<1x16xf32>,
      %swap3A_741 = vector.shape_cast %swap3A_740 : vector<1x16xf32> to vector<16xf32>
      %swap3A_742 = vector.shape_cast %broadcast_in_dim3A_3 : vector<16xf32> to vector<1x16xf32>
      tpu.vector_store %arg10[%swap3A, %swap3A_739], %swap3A_742 {strides = array<i32>} : memref<64x128xf32, #tpu.memory_space<vmem>>, vector<1x16xf32>,
      %swap3A_743 = arith.index_cast %scan3A_738 : i32 to index
      %swap3A_744 = arith.constant 16 : index
      %swap3A_745 = tpu.vector_load %arg10[%swap3A_743, %swap3A_744] {strides = array<i32>} : memref<64x128xf32, #tpu.memory_space<vmem>>, vector<1x16xf32>,
      %swap3A_746 = vector.shape_cast %swap3A_745 : vector<1x16xf32> to vector<16xf32>
      %swap3A_747 = vector.shape_cast %broadcast_in_dim3A_3 : vector<16xf32> to vector<1x16xf32>
      tpu.vector_store %arg10[%swap3A_743, %swap3A_744], %swap3A_747 {strides = array<i32>} : memref<64x128xf32, #tpu.memory_space<vmem>>, vector<1x16xf32>,
      %swap3A_748 = arith.index_cast %scan3A_738 : i32 to index
      %swap3A_749 = arith.constant 32 : index
      %swap3A_750 = tpu.vector_load %arg10[%swap3A_748, %swap3A_749] {strides = array<i32>} : memref<64x128xf32, #tpu.memory_space<vmem>>, vector<1x16xf32>,
      %swap3A_751 = vector.shape_cast %swap3A_750 : vector<1x16xf32> to vector<16xf32>
      %swap3A_752 = vector.shape_cast %broadcast_in_dim3A_3 : vector<16xf32> to vector<1x16xf32>
      tpu.vector_store %arg10[%swap3A_748, %swap3A_749], %swap3A_752 {strides = array<i32>} : memref<64x128xf32, #tpu.memory_space<vmem>>, vector<1x16xf32>,
      %swap3A_753 = arith.index_cast %scan3A_738 : i32 to index
      %swap3A_754 = arith.constant 48 : index
      %swap3A_755 = tpu.vector_load %arg10[%swap3A_753, %swap3A_754] {strides = array<i32>} : memref<64x128xf32, #tpu.memory_space<vmem>>, vector<1x16xf32>,
      %swap3A_756 = vector.shape_cast %swap3A_755 : vector<1x16xf32> to vector<16xf32>
      %swap3A_757 = vector.shape_cast %broadcast_in_dim3A_3 : vector<16xf32> to vector<1x16xf32>
      tpu.vector_store %arg10[%swap3A_753, %swap3A_754], %swap3A_757 {strides = array<i32>} : memref<64x128xf32, #tpu.memory_space<vmem>>, vector<1x16xf32>,
      %swap3A_758 = arith.index_cast %scan3A_738 : i32 to index
      %swap3A_759 = arith.constant 64 : index
      %swap3A_760 = tpu.vector_load %arg10[%swap3A_758, %swap3A_759] {strides = array<i32>} : memref<64x128xf32, #tpu.memory_space<vmem>>, vector<1x16xf32>,
      %swap3A_761 = vector.shape_cast %swap3A_760 : vector<1x16xf32> to vector<16xf32>
      %swap3A_762 = vector.shape_cast %broadcast_in_dim3A_3 : vector<16xf32> to vector<1x16xf32>
      tpu.vector_store %arg10[%swap3A_758, %swap3A_759], %swap3A_762 {strides = array<i32>} : memref<64x128xf32, #tpu.memory_space<vmem>>, vector<1x16xf32>,
      %swap3A_763 = arith.index_cast %scan3A_738 : i32 to index
      %swap3A_764 = arith.constant 80 : index
      %swap3A_765 = tpu.vector_load %arg10[%swap3A_763, %swap3A_764] {strides = array<i32>} : memref<64x128xf32, #tpu.memory_space<vmem>>, vector<1x16xf32>,
      %swap3A_766 = vector.shape_cast %swap3A_765 : vector<1x16xf32> to vector<16xf32>
      %swap3A_767 = vector.shape_cast %broadcast_in_dim3A_3 : vector<16xf32> to vector<1x16xf32>
      tpu.vector_store %arg10[%swap3A_763, %swap3A_764], %swap3A_767 {strides = array<i32>} : memref<64x128xf32, #tpu.memory_space<vmem>>, vector<1x16xf32>,
      %swap3A_768 = arith.index_cast %scan3A_738 : i32 to index
      %swap3A_769 = arith.constant 96 : index
      %swap3A_770 = tpu.vector_load %arg10[%swap3A_768, %swap3A_769] {strides = array<i32>} : memref<64x128xf32, #tpu.memory_space<vmem>>, vector<1x16xf32>,
      %swap3A_771 = vector.shape_cast %swap3A_770 : vector<1x16xf32> to vector<16xf32>
      %swap3A_772 = vector.shape_cast %broadcast_in_dim3A_3 : vector<16xf32> to vector<1x16xf32>
      tpu.vector_store %arg10[%swap3A_768, %swap3A_769], %swap3A_772 {strides = array<i32>} : memref<64x128xf32, #tpu.memory_space<vmem>>, vector<1x16xf32>,
      %swap3A_773 = arith.index_cast %scan3A_738 : i32 to index
      %swap3A_774 = arith.constant 112 : index
      %swap3A_775 = tpu.vector_load %arg10[%swap3A_773, %swap3A_774] {strides = array<i32>} : memref<64x128xf32, #tpu.memory_space<vmem>>, vector<1x16xf32>,
      %swap3A_776 = vector.shape_cast %swap3A_775 : vector<1x16xf32> to vector<16xf32>
      %swap3A_777 = vector.shape_cast %broadcast_in_dim3A_3 : vector<16xf32> to vector<1x16xf32>
      tpu.vector_store %arg10[%swap3A_773, %swap3A_774], %swap3A_777 {strides = array<i32>} : memref<64x128xf32, #tpu.memory_space<vmem>>, vector<1x16xf32>,
    }
    %scan3A_8 = arith.constant 64 : i32
    %mul3A_9 = arith.constant 640 : i32
    %mul3A_10 = arith.muli %arg1, %mul3A_9 : i32
    %add3A_11 = arith.constant 0 : i32
    %add3A_12 = arith.addi %mul3A_10, %add3A_11 : i32
    "tpu.region"() ({
      %run_scoped3A = tpu.sem_alloc : memref<!tpu.dma_semaphore, #tpu.memory_space<semaphore_mem>>
      %dma_start3A_738 = arith.constant 0 : i32
      %dma_start3A_739 = tpu.memref_slice %arg14[%add3A_12, %dma_start3A_738] : memref<10240x128xf32, #tpu.memory_space<vmem_shared>> -> memref<64x128xf32, #tpu.memory_space<vmem_shared>>
      %dma_start3A_740 = arith.constant 0 : i32
      %dma_start3A_741 = tpu.memref_slice %arg14[%add3A_12, %dma_start3A_740] : memref<10240x128xf32, #tpu.memory_space<vmem_shared>> -> memref<64x128xf32, #tpu.memory_space<vmem_shared>>
      tpu.enqueue_dma source(%arg10 : memref<64x128xf32, #tpu.memory_space<vmem>>) target(%dma_start3A_741 : memref<64x128xf32, #tpu.memory_space<vmem_shared>>) target_semaphore(%run_scoped3A : memref<!tpu.dma_semaphore, #tpu.memory_space<semaphore_mem>>)
      %dma_wait3A_742 = arith.constant 0 : i32
      %dma_wait3A_743 = tpu.memref_slice %arg14[%add3A_12, %dma_wait3A_742] : memref<10240x128xf32, #tpu.memory_space<vmem_shared>> -> memref<64x128xf32, #tpu.memory_space<vmem_shared>>
      %dma_wait3A_744 = arith.constant 0 : i32
      %dma_wait3A_745 = tpu.memref_slice %arg14[%add3A_12, %dma_wait3A_744] : memref<10240x128xf32, #tpu.memory_space<vmem_shared>> -> memref<64x128xf32, #tpu.memory_space<vmem_shared>>
      tpu.wait_dma2 semaphore(%run_scoped3A : memref<!tpu.dma_semaphore, #tpu.memory_space<semaphore_mem>>) src(%arg10 : memref<64x128xf32, #tpu.memory_space<vmem>>) dst(%dma_wait3A_745 : memref<64x128xf32, #tpu.memory_space<vmem_shared>>)
      tpu.yield
    }) : () -> ()
    %mul3A_13 = arith.constant 640 : i32
    %mul3A_14 = arith.muli %arg1, %mul3A_13 : i32
    %add3A_15 = arith.constant 64 : i32
    %add3A_16 = arith.addi %mul3A_14, %add3A_15 : i32
    "tpu.region"() ({
      %run_scoped3A = tpu.sem_alloc : memref<!tpu.dma_semaphore, #tpu.memory_space<semaphore_mem>>
      %dma_start3A_738 = arith.constant 0 : i32
      %dma_start3A_739 = tpu.memref_slice %arg14[%add3A_16, %dma_start3A_738] : memref<10240x128xf32, #tpu.memory_space<vmem_shared>> -> memref<64x128xf32, #tpu.memory_space<vmem_shared>>
      %dma_start3A_740 = arith.constant 0 : i32
      %dma_start3A_741 = tpu.memref_slice %arg14[%add3A_16, %dma_start3A_740] : memref<10240x128xf32, #tpu.memory_space<vmem_shared>> -> memref<64x128xf32, #tpu.memory_space<vmem_shared>>
      tpu.enqueue_dma source(%arg10 : memref<64x128xf32, #tpu.memory_space<vmem>>) target(%dma_start3A_741 : memref<64x128xf32, #tpu.memory_space<vmem_shared>>) target_semaphore(%run_scoped3A : memref<!tpu.dma_semaphore, #tpu.memory_space<semaphore_mem>>)
      %dma_wait3A_742 = arith.constant 0 : i32
      %dma_wait3A_743 = tpu.memref_slice %arg14[%add3A_16, %dma_wait3A_742] : memref<10240x128xf32, #tpu.memory_space<vmem_shared>> -> memref<64x128xf32, #tpu.memory_space<vmem_shared>>
      %dma_wait3A_744 = arith.constant 0 : i32
      %dma_wait3A_745 = tpu.memref_slice %arg14[%add3A_16, %dma_wait3A_744] : memref<10240x128xf32, #tpu.memory_space<vmem_shared>> -> memref<64x128xf32, #tpu.memory_space<vmem_shared>>
      tpu.wait_dma2 semaphore(%run_scoped3A : memref<!tpu.dma_semaphore, #tpu.memory_space<semaphore_mem>>) src(%arg10 : memref<64x128xf32, #tpu.memory_space<vmem>>) dst(%dma_wait3A_745 : memref<64x128xf32, #tpu.memory_space<vmem_shared>>)
      tpu.yield
    }) : () -> ()
    %mul3A_17 = arith.constant 640 : i32
    %mul3A_18 = arith.muli %arg1, %mul3A_17 : i32
    %add3A_19 = arith.constant 128 : i32
    %add3A_20 = arith.addi %mul3A_18, %add3A_19 : i32
    "tpu.region"() ({
      %run_scoped3A = tpu.sem_alloc : memref<!tpu.dma_semaphore, #tpu.memory_space<semaphore_mem>>
      %dma_start3A_738 = arith.constant 0 : i32
      %dma_start3A_739 = tpu.memref_slice %arg14[%add3A_20, %dma_start3A_738] : memref<10240x128xf32, #tpu.memory_space<vmem_shared>> -> memref<64x128xf32, #tpu.memory_space<vmem_shared>>
      %dma_start3A_740 = arith.constant 0 : i32
      %dma_start3A_741 = tpu.memref_slice %arg14[%add3A_20, %dma_start3A_740] : memref<10240x128xf32, #tpu.memory_space<vmem_shared>> -> memref<64x128xf32, #tpu.memory_space<vmem_shared>>
      tpu.enqueue_dma source(%arg10 : memref<64x128xf32, #tpu.memory_space<vmem>>) target(%dma_start3A_741 : memref<64x128xf32, #tpu.memory_space<vmem_shared>>) target_semaphore(%run_scoped3A : memref<!tpu.dma_semaphore, #tpu.memory_space<semaphore_mem>>)
      %dma_wait3A_742 = arith.constant 0 : i32
      %dma_wait3A_743 = tpu.memref_slice %arg14[%add3A_20, %dma_wait3A_742] : memref<10240x128xf32, #tpu.memory_space<vmem_shared>> -> memref<64x128xf32, #tpu.memory_space<vmem_shared>>
      %dma_wait3A_744 = arith.constant 0 : i32
      %dma_wait3A_745 = tpu.memref_slice %arg14[%add3A_20, %dma_wait3A_744] : memref<10240x128xf32, #tpu.memory_space<vmem_shared>> -> memref<64x128xf32, #tpu.memory_space<vmem_shared>>
      tpu.wait_dma2 semaphore(%run_scoped3A : memref<!tpu.dma_semaphore, #tpu.memory_space<semaphore_mem>>) src(%arg10 : memref<64x128xf32, #tpu.memory_space<vmem>>) dst(%dma_wait3A_745 : memref<64x128xf32, #tpu.memory_space<vmem_shared>>)
      tpu.yield
    }) : () -> ()
    %mul3A_21 = arith.constant 640 : i32
    %mul3A_22 = arith.muli %arg1, %mul3A_21 : i32
    %add3A_23 = arith.constant 192 : i32
    %add3A_24 = arith.addi %mul3A_22, %add3A_23 : i32
    "tpu.region"() ({
      %run_scoped3A = tpu.sem_alloc : memref<!tpu.dma_semaphore, #tpu.memory_space<semaphore_mem>>
      %dma_start3A_738 = arith.constant 0 : i32
      %dma_start3A_739 = tpu.memref_slice %arg14[%add3A_24, %dma_start3A_738] : memref<10240x128xf32, #tpu.memory_space<vmem_shared>> -> memref<64x128xf32, #tpu.memory_space<vmem_shared>>
      %dma_start3A_740 = arith.constant 0 : i32
      %dma_start3A_741 = tpu.memref_slice %arg14[%add3A_24, %dma_start3A_740] : memref<10240x128xf32, #tpu.memory_space<vmem_shared>> -> memref<64x128xf32, #tpu.memory_space<vmem_shared>>
      tpu.enqueue_dma source(%arg10 : memref<64x128xf32, #tpu.memory_space<vmem>>) target(%dma_start3A_741 : memref<64x128xf32, #tpu.memory_space<vmem_shared>>) target_semaphore(%run_scoped3A : memref<!tpu.dma_semaphore, #tpu.memory_space<semaphore_mem>>)
      %dma_wait3A_742 = arith.constant 0 : i32
      %dma_wait3A_743 = tpu.memref_slice %arg14[%add3A_24, %dma_wait3A_742] : memref<10240x128xf32, #tpu.memory_space<vmem_shared>> -> memref<64x128xf32, #tpu.memory_space<vmem_shared>>
      %dma_wait3A_744 = arith.constant 0 : i32
      %dma_wait3A_745 = tpu.memref_slice %arg14[%add3A_24, %dma_wait3A_744] : memref<10240x128xf32, #tpu.memory_space<vmem_shared>> -> memref<64x128xf32, #tpu.memory_space<vmem_shared>>
      tpu.wait_dma2 semaphore(%run_scoped3A : memref<!tpu.dma_semaphore, #tpu.memory_space<semaphore_mem>>) src(%arg10 : memref<64x128xf32, #tpu.memory_space<vmem>>) dst(%dma_wait3A_745 : memref<64x128xf32, #tpu.memory_space<vmem_shared>>)
      tpu.yield
    }) : () -> ()
    %mul3A_25 = arith.constant 640 : i32
    %mul3A_26 = arith.muli %arg1, %mul3A_25 : i32
    %add3A_27 = arith.constant 256 : i32
    %add3A_28 = arith.addi %mul3A_26, %add3A_27 : i32
    "tpu.region"() ({
      %run_scoped3A = tpu.sem_alloc : memref<!tpu.dma_semaphore, #tpu.memory_space<semaphore_mem>>
      %dma_start3A_738 = arith.constant 0 : i32
      %dma_start3A_739 = tpu.memref_slice %arg14[%add3A_28, %dma_start3A_738] : memref<10240x128xf32, #tpu.memory_space<vmem_shared>> -> memref<64x128xf32, #tpu.memory_space<vmem_shared>>
      %dma_start3A_740 = arith.constant 0 : i32
      %dma_start3A_741 = tpu.memref_slice %arg14[%add3A_28, %dma_start3A_740] : memref<10240x128xf32, #tpu.memory_space<vmem_shared>> -> memref<64x128xf32, #tpu.memory_space<vmem_shared>>
      tpu.enqueue_dma source(%arg10 : memref<64x128xf32, #tpu.memory_space<vmem>>) target(%dma_start3A_741 : memref<64x128xf32, #tpu.memory_space<vmem_shared>>) target_semaphore(%run_scoped3A : memref<!tpu.dma_semaphore, #tpu.memory_space<semaphore_mem>>)
      %dma_wait3A_742 = arith.constant 0 : i32
      %dma_wait3A_743 = tpu.memref_slice %arg14[%add3A_28, %dma_wait3A_742] : memref<10240x128xf32, #tpu.memory_space<vmem_shared>> -> memref<64x128xf32, #tpu.memory_space<vmem_shared>>
      %dma_wait3A_744 = arith.constant 0 : i32
      %dma_wait3A_745 = tpu.memref_slice %arg14[%add3A_28, %dma_wait3A_744] : memref<10240x128xf32, #tpu.memory_space<vmem_shared>> -> memref<64x128xf32, #tpu.memory_space<vmem_shared>>
      tpu.wait_dma2 semaphore(%run_scoped3A : memref<!tpu.dma_semaphore, #tpu.memory_space<semaphore_mem>>) src(%arg10 : memref<64x128xf32, #tpu.memory_space<vmem>>) dst(%dma_wait3A_745 : memref<64x128xf32, #tpu.memory_space<vmem_shared>>)
      tpu.yield
    }) : () -> ()
    %mul3A_29 = arith.constant 640 : i32
    %mul3A_30 = arith.muli %arg1, %mul3A_29 : i32
    %add3A_31 = arith.constant 320 : i32
    %add3A_32 = arith.addi %mul3A_30, %add3A_31 : i32
    "tpu.region"() ({
      %run_scoped3A = tpu.sem_alloc : memref<!tpu.dma_semaphore, #tpu.memory_space<semaphore_mem>>
      %dma_start3A_738 = arith.constant 0 : i32
      %dma_start3A_739 = tpu.memref_slice %arg14[%add3A_32, %dma_start3A_738] : memref<10240x128xf32, #tpu.memory_space<vmem_shared>> -> memref<64x128xf32, #tpu.memory_space<vmem_shared>>
      %dma_start3A_740 = arith.constant 0 : i32
      %dma_start3A_741 = tpu.memref_slice %arg14[%add3A_32, %dma_start3A_740] : memref<10240x128xf32, #tpu.memory_space<vmem_shared>> -> memref<64x128xf32, #tpu.memory_space<vmem_shared>>
      tpu.enqueue_dma source(%arg10 : memref<64x128xf32, #tpu.memory_space<vmem>>) target(%dma_start3A_741 : memref<64x128xf32, #tpu.memory_space<vmem_shared>>) target_semaphore(%run_scoped3A : memref<!tpu.dma_semaphore, #tpu.memory_space<semaphore_mem>>)
      %dma_wait3A_742 = arith.constant 0 : i32
      %dma_wait3A_743 = tpu.memref_slice %arg14[%add3A_32, %dma_wait3A_742] : memref<10240x128xf32, #tpu.memory_space<vmem_shared>> -> memref<64x128xf32, #tpu.memory_space<vmem_shared>>
      %dma_wait3A_744 = arith.constant 0 : i32
      %dma_wait3A_745 = tpu.memref_slice %arg14[%add3A_32, %dma_wait3A_744] : memref<10240x128xf32, #tpu.memory_space<vmem_shared>> -> memref<64x128xf32, #tpu.memory_space<vmem_shared>>
      tpu.wait_dma2 semaphore(%run_scoped3A : memref<!tpu.dma_semaphore, #tpu.memory_space<semaphore_mem>>) src(%arg10 : memref<64x128xf32, #tpu.memory_space<vmem>>) dst(%dma_wait3A_745 : memref<64x128xf32, #tpu.memory_space<vmem_shared>>)
      tpu.yield
    }) : () -> ()
    %mul3A_33 = arith.constant 640 : i32
    %mul3A_34 = arith.muli %arg1, %mul3A_33 : i32
    %add3A_35 = arith.constant 384 : i32
    %add3A_36 = arith.addi %mul3A_34, %add3A_35 : i32
    "tpu.region"() ({
      %run_scoped3A = tpu.sem_alloc : memref<!tpu.dma_semaphore, #tpu.memory_space<semaphore_mem>>
      %dma_start3A_738 = arith.constant 0 : i32
      %dma_start3A_739 = tpu.memref_slice %arg14[%add3A_36, %dma_start3A_738] : memref<10240x128xf32, #tpu.memory_space<vmem_shared>> -> memref<64x128xf32, #tpu.memory_space<vmem_shared>>
      %dma_start3A_740 = arith.constant 0 : i32
      %dma_start3A_741 = tpu.memref_slice %arg14[%add3A_36, %dma_start3A_740] : memref<10240x128xf32, #tpu.memory_space<vmem_shared>> -> memref<64x128xf32, #tpu.memory_space<vmem_shared>>
      tpu.enqueue_dma source(%arg10 : memref<64x128xf32, #tpu.memory_space<vmem>>) target(%dma_start3A_741 : memref<64x128xf32, #tpu.memory_space<vmem_shared>>) target_semaphore(%run_scoped3A : memref<!tpu.dma_semaphore, #tpu.memory_space<semaphore_mem>>)
      %dma_wait3A_742 = arith.constant 0 : i32
      %dma_wait3A_743 = tpu.memref_slice %arg14[%add3A_36, %dma_wait3A_742] : memref<10240x128xf32, #tpu.memory_space<vmem_shared>> -> memref<64x128xf32, #tpu.memory_space<vmem_shared>>
      %dma_wait3A_744 = arith.constant 0 : i32
      %dma_wait3A_745 = tpu.memref_slice %arg14[%add3A_36, %dma_wait3A_744] : memref<10240x128xf32, #tpu.memory_space<vmem_shared>> -> memref<64x128xf32, #tpu.memory_space<vmem_shared>>
      tpu.wait_dma2 semaphore(%run_scoped3A : memref<!tpu.dma_semaphore, #tpu.memory_space<semaphore_mem>>) src(%arg10 : memref<64x128xf32, #tpu.memory_space<vmem>>) dst(%dma_wait3A_745 : memref<64x128xf32, #tpu.memory_space<vmem_shared>>)
      tpu.yield
    }) : () -> ()
    %mul3A_37 = arith.constant 640 : i32
    %mul3A_38 = arith.muli %arg1, %mul3A_37 : i32
    %add3A_39 = arith.constant 448 : i32
    %add3A_40 = arith.addi %mul3A_38, %add3A_39 : i32
    "tpu.region"() ({
      %run_scoped3A = tpu.sem_alloc : memref<!tpu.dma_semaphore, #tpu.memory_space<semaphore_mem>>
      %dma_start3A_738 = arith.constant 0 : i32
      %dma_start3A_739 = tpu.memref_slice %arg14[%add3A_40, %dma_start3A_738] : memref<10240x128xf32, #tpu.memory_space<vmem_shared>> -> memref<64x128xf32, #tpu.memory_space<vmem_shared>>
      %dma_start3A_740 = arith.constant 0 : i32
      %dma_start3A_741 = tpu.memref_slice %arg14[%add3A_40, %dma_start3A_740] : memref<10240x128xf32, #tpu.memory_space<vmem_shared>> -> memref<64x128xf32, #tpu.memory_space<vmem_shared>>
      tpu.enqueue_dma source(%arg10 : memref<64x128xf32, #tpu.memory_space<vmem>>) target(%dma_start3A_741 : memref<64x128xf32, #tpu.memory_space<vmem_shared>>) target_semaphore(%run_scoped3A : memref<!tpu.dma_semaphore, #tpu.memory_space<semaphore_mem>>)
      %dma_wait3A_742 = arith.constant 0 : i32
      %dma_wait3A_743 = tpu.memref_slice %arg14[%add3A_40, %dma_wait3A_742] : memref<10240x128xf32, #tpu.memory_space<vmem_shared>> -> memref<64x128xf32, #tpu.memory_space<vmem_shared>>
      %dma_wait3A_744 = arith.constant 0 : i32
      %dma_wait3A_745 = tpu.memref_slice %arg14[%add3A_40, %dma_wait3A_744] : memref<10240x128xf32, #tpu.memory_space<vmem_shared>> -> memref<64x128xf32, #tpu.memory_space<vmem_shared>>
      tpu.wait_dma2 semaphore(%run_scoped3A : memref<!tpu.dma_semaphore, #tpu.memory_space<semaphore_mem>>) src(%arg10 : memref<64x128xf32, #tpu.memory_space<vmem>>) dst(%dma_wait3A_745 : memref<64x128xf32, #tpu.memory_space<vmem_shared>>)
      tpu.yield
    }) : () -> ()
    %mul3A_41 = arith.constant 640 : i32
    %mul3A_42 = arith.muli %arg1, %mul3A_41 : i32
    %add3A_43 = arith.constant 512 : i32
    %add3A_44 = arith.addi %mul3A_42, %add3A_43 : i32
    "tpu.region"() ({
      %run_scoped3A = tpu.sem_alloc : memref<!tpu.dma_semaphore, #tpu.memory_space<semaphore_mem>>
      %dma_start3A_738 = arith.constant 0 : i32
      %dma_start3A_739 = tpu.memref_slice %arg14[%add3A_44, %dma_start3A_738] : memref<10240x128xf32, #tpu.memory_space<vmem_shared>> -> memref<64x128xf32, #tpu.memory_space<vmem_shared>>
      %dma_start3A_740 = arith.constant 0 : i32
      %dma_start3A_741 = tpu.memref_slice %arg14[%add3A_44, %dma_start3A_740] : memref<10240x128xf32, #tpu.memory_space<vmem_shared>> -> memref<64x128xf32, #tpu.memory_space<vmem_shared>>
      tpu.enqueue_dma source(%arg10 : memref<64x128xf32, #tpu.memory_space<vmem>>) target(%dma_start3A_741 : memref<64x128xf32, #tpu.memory_space<vmem_shared>>) target_semaphore(%run_scoped3A : memref<!tpu.dma_semaphore, #tpu.memory_space<semaphore_mem>>)
      %dma_wait3A_742 = arith.constant 0 : i32
      %dma_wait3A_743 = tpu.memref_slice %arg14[%add3A_44, %dma_wait3A_742] : memref<10240x128xf32, #tpu.memory_space<vmem_shared>> -> memref<64x128xf32, #tpu.memory_space<vmem_shared>>
      %dma_wait3A_744 = arith.constant 0 : i32
      %dma_wait3A_745 = tpu.memref_slice %arg14[%add3A_44, %dma_wait3A_744] : memref<10240x128xf32, #tpu.memory_space<vmem_shared>> -> memref<64x128xf32, #tpu.memory_space<vmem_shared>>
      tpu.wait_dma2 semaphore(%run_scoped3A : memref<!tpu.dma_semaphore, #tpu.memory_space<semaphore_mem>>) src(%arg10 : memref<64x128xf32, #tpu.memory_space<vmem>>) dst(%dma_wait3A_745 : memref<64x128xf32, #tpu.memory_space<vmem_shared>>)
      tpu.yield
    }) : () -> ()
    %mul3A_45 = arith.constant 640 : i32
    %mul3A_46 = arith.muli %arg1, %mul3A_45 : i32
    %add3A_47 = arith.constant 576 : i32
    %add3A_48 = arith.addi %mul3A_46, %add3A_47 : i32
    "tpu.region"() ({
      %run_scoped3A = tpu.sem_alloc : memref<!tpu.dma_semaphore, #tpu.memory_space<semaphore_mem>>
      %dma_start3A_738 = arith.constant 0 : i32
      %dma_start3A_739 = tpu.memref_slice %arg14[%add3A_48, %dma_start3A_738] : memref<10240x128xf32, #tpu.memory_space<vmem_shared>> -> memref<64x128xf32, #tpu.memory_space<vmem_shared>>
      %dma_start3A_740 = arith.constant 0 : i32
      %dma_start3A_741 = tpu.memref_slice %arg14[%add3A_48, %dma_start3A_740] : memref<10240x128xf32, #tpu.memory_space<vmem_shared>> -> memref<64x128xf32, #tpu.memory_space<vmem_shared>>
      tpu.enqueue_dma source(%arg10 : memref<64x128xf32, #tpu.memory_space<vmem>>) target(%dma_start3A_741 : memref<64x128xf32, #tpu.memory_space<vmem_shared>>) target_semaphore(%run_scoped3A : memref<!tpu.dma_semaphore, #tpu.memory_space<semaphore_mem>>)
      %dma_wait3A_742 = arith.constant 0 : i32
      %dma_wait3A_743 = tpu.memref_slice %arg14[%add3A_48, %dma_wait3A_742] : memref<10240x128xf32, #tpu.memory_space<vmem_shared>> -> memref<64x128xf32, #tpu.memory_space<vmem_shared>>
      %dma_wait3A_744 = arith.constant 0 : i32
      %dma_wait3A_745 = tpu.memref_slice %arg14[%add3A_48, %dma_wait3A_744] : memref<10240x128xf32, #tpu.memory_space<vmem_shared>> -> memref<64x128xf32, #tpu.memory_space<vmem_shared>>
      tpu.wait_dma2 semaphore(%run_scoped3A : memref<!tpu.dma_semaphore, #tpu.memory_space<semaphore_mem>>) src(%arg10 : memref<64x128xf32, #tpu.memory_space<vmem>>) dst(%dma_wait3A_745 : memref<64x128xf32, #tpu.memory_space<vmem_shared>>)
      tpu.yield
    }) : () -> ()
    %barrier3A = arith.constant 0 : index
    tpu.barrier barrier_id(%barrier3A)
    "tpu.region"() ({
      %run_scoped3A = tpu.sem_alloc : memref<!tpu.dma_semaphore, #tpu.memory_space<semaphore_mem>>
      %dma_start3A_738 = arith.constant 0 : i32
      %dma_start3A_739 = tpu.memref_slice %arg3[%mul3A_2, %dma_start3A_738] : memref<5120x64xi32, #tpu.memory_space<hbm>> -> memref<32x64xi32, #tpu.memory_space<hbm>>
      %dma_start3A_740 = arith.constant 0 : i32
      %dma_start3A_741 = tpu.memref_slice %arg3[%mul3A_2, %dma_start3A_740] : memref<5120x64xi32, #tpu.memory_space<hbm>> -> memref<32x64xi32, #tpu.memory_space<hbm>>
      tpu.enqueue_dma source(%dma_start3A_741 : memref<32x64xi32, #tpu.memory_space<hbm>>) target(%arg6 : memref<32x64xi32, #tpu.memory_space<vmem>>) target_semaphore(%run_scoped3A : memref<!tpu.dma_semaphore, #tpu.memory_space<semaphore_mem>>)
      %dma_wait3A_742 = arith.constant 0 : i32
      %dma_wait3A_743 = tpu.memref_slice %arg3[%mul3A_2, %dma_wait3A_742] : memref<5120x64xi32, #tpu.memory_space<hbm>> -> memref<32x64xi32, #tpu.memory_space<hbm>>
      %dma_wait3A_744 = arith.constant 0 : i32
      %dma_wait3A_745 = tpu.memref_slice %arg3[%mul3A_2, %dma_wait3A_744] : memref<5120x64xi32, #tpu.memory_space<hbm>> -> memref<32x64xi32, #tpu.memory_space<hbm>>
      tpu.wait_dma2 semaphore(%run_scoped3A : memref<!tpu.dma_semaphore, #tpu.memory_space<semaphore_mem>>) src(%dma_wait3A_745 : memref<32x64xi32, #tpu.memory_space<hbm>>) dst(%arg6 : memref<32x64xi32, #tpu.memory_space<vmem>>)
      tpu.yield
    }) : () -> ()
    "tpu.region"() ({
      %run_scoped3A = tpu.sem_alloc : memref<!tpu.dma_semaphore, #tpu.memory_space<semaphore_mem>>
      %dma_start3A_738 = arith.constant 0 : i32
      %dma_start3A_739 = tpu.memref_slice %arg4[%mul3A_2, %dma_start3A_738] : memref<5120x64xi32, #tpu.memory_space<hbm>> -> memref<32x64xi32, #tpu.memory_space<hbm>>
      %dma_start3A_740 = arith.constant 0 : i32
      %dma_start3A_741 = tpu.memref_slice %arg4[%mul3A_2, %dma_start3A_740] : memref<5120x64xi32, #tpu.memory_space<hbm>> -> memref<32x64xi32, #tpu.memory_space<hbm>>
      tpu.enqueue_dma source(%dma_start3A_741 : memref<32x64xi32, #tpu.memory_space<hbm>>) target(%arg8 : memref<32x64xi32, #tpu.memory_space<vmem>>) target_semaphore(%run_scoped3A : memref<!tpu.dma_semaphore, #tpu.memory_space<semaphore_mem>>)
      %dma_wait3A_742 = arith.constant 0 : i32
      %dma_wait3A_743 = tpu.memref_slice %arg4[%mul3A_2, %dma_wait3A_742] : memref<5120x64xi32, #tpu.memory_space<hbm>> -> memref<32x64xi32, #tpu.memory_space<hbm>>
      %dma_wait3A_744 = arith.constant 0 : i32
      %dma_wait3A_745 = tpu.memref_slice %arg4[%mul3A_2, %dma_wait3A_744] : memref<5120x64xi32, #tpu.memory_space<hbm>> -> memref<32x64xi32, #tpu.memory_space<hbm>>
      tpu.wait_dma2 semaphore(%run_scoped3A : memref<!tpu.dma_semaphore, #tpu.memory_space<semaphore_mem>>) src(%dma_wait3A_745 : memref<32x64xi32, #tpu.memory_space<hbm>>) dst(%arg8 : memref<32x64xi32, #tpu.memory_space<vmem>>)
      tpu.yield
    }) : () -> ()
    %dma_start3A = arith.constant 0 : i32
    %dma_start3A_49 = arith.constant 0 : i32
    %dma_start3A_50 = tpu.memref_slice %arg6[%dma_start3A, %dma_start3A_49] : memref<32x64xi32, #tpu.memory_space<vmem>> -> memref<1x64xi32, #tpu.memory_space<vmem>>
    %dma_start3A_51 = tpu.memref_squeeze %dma_start3A_50 : memref<1x64xi32, #tpu.memory_space<vmem>> -> memref<64xi32, #tpu.memory_space<vmem>>
    %dma_start3A_52 = arith.constant 0 : i32
    %dma_start3A_53 = arith.constant 0 : i32
    %dma_start3A_54 = tpu.memref_slice %arg2[%dma_start3A_52, %dma_start3A_53] : memref<10000x128xf32, #tpu.memory_space<hbm>> -> memref<10000x128xf32, #tpu.memory_space<hbm>>
    tpu.enqueue_indirect_dma source(%dma_start3A_54 : memref<10000x128xf32, #tpu.memory_space<hbm>>) target(%arg10 : memref<64x128xf32, #tpu.memory_space<vmem>>) offsets(%dma_start3A_51 : memref<64xi32, #tpu.memory_space<vmem>>) semaphore(%arg15 : memref<!tpu.dma_semaphore, #tpu.memory_space<semaphore_mem>>)
    %dma_start3A_55 = arith.constant 1 : i32
    %dma_start3A_56 = arith.constant 0 : i32
    %dma_start3A_57 = tpu.memref_slice %arg6[%dma_start3A_55, %dma_start3A_56] : memref<32x64xi32, #tpu.memory_space<vmem>> -> memref<1x64xi32, #tpu.memory_space<vmem>>
    %dma_start3A_58 = tpu.memref_squeeze %dma_start3A_57 : memref<1x64xi32, #tpu.memory_space<vmem>> -> memref<64xi32, #tpu.memory_space<vmem>>
    %dma_start3A_59 = arith.constant 0 : i32
    %dma_start3A_60 = arith.constant 0 : i32
    %dma_start3A_61 = tpu.memref_slice %arg2[%dma_start3A_59, %dma_start3A_60] : memref<10000x128xf32, #tpu.memory_space<hbm>> -> memref<10000x128xf32, #tpu.memory_space<hbm>>
    tpu.enqueue_indirect_dma source(%dma_start3A_61 : memref<10000x128xf32, #tpu.memory_space<hbm>>) target(%arg11 : memref<64x128xf32, #tpu.memory_space<vmem>>) offsets(%dma_start3A_58 : memref<64xi32, #tpu.memory_space<vmem>>) semaphore(%arg16 : memref<!tpu.dma_semaphore, #tpu.memory_space<semaphore_mem>>)
    %dma_start3A_62 = arith.constant 2 : i32
    %dma_start3A_63 = arith.constant 0 : i32
    %dma_start3A_64 = tpu.memref_slice %arg6[%dma_start3A_62, %dma_start3A_63] : memref<32x64xi32, #tpu.memory_space<vmem>> -> memref<1x64xi32, #tpu.memory_space<vmem>>
    %dma_start3A_65 = tpu.memref_squeeze %dma_start3A_64 : memref<1x64xi32, #tpu.memory_space<vmem>> -> memref<64xi32, #tpu.memory_space<vmem>>
    %dma_start3A_66 = arith.constant 0 : i32
    %dma_start3A_67 = arith.constant 0 : i32
    %dma_start3A_68 = tpu.memref_slice %arg2[%dma_start3A_66, %dma_start3A_67] : memref<10000x128xf32, #tpu.memory_space<hbm>> -> memref<10000x128xf32, #tpu.memory_space<hbm>>
    tpu.enqueue_indirect_dma source(%dma_start3A_68 : memref<10000x128xf32, #tpu.memory_space<hbm>>) target(%arg12 : memref<64x128xf32, #tpu.memory_space<vmem>>) offsets(%dma_start3A_65 : memref<64xi32, #tpu.memory_space<vmem>>) semaphore(%arg17 : memref<!tpu.dma_semaphore, #tpu.memory_space<semaphore_mem>>)
    %dma_start3A_69 = arith.constant 3 : i32
    %dma_start3A_70 = arith.constant 0 : i32
    %dma_start3A_71 = tpu.memref_slice %arg6[%dma_start3A_69, %dma_start3A_70] : memref<32x64xi32, #tpu.memory_space<vmem>> -> memref<1x64xi32, #tpu.memory_space<vmem>>
    %dma_start3A_72 = tpu.memref_squeeze %dma_start3A_71 : memref<1x64xi32, #tpu.memory_space<vmem>> -> memref<64xi32, #tpu.memory_space<vmem>>
    %dma_start3A_73 = arith.constant 0 : i32
    %dma_start3A_74 = arith.constant 0 : i32
    %dma_start3A_75 = tpu.memref_slice %arg2[%dma_start3A_73, %dma_start3A_74] : memref<10000x128xf32, #tpu.memory_space<hbm>> -> memref<10000x128xf32, #tpu.memory_space<hbm>>
    tpu.enqueue_indirect_dma source(%dma_start3A_75 : memref<10000x128xf32, #tpu.memory_space<hbm>>) target(%arg13 : memref<64x128xf32, #tpu.memory_space<vmem>>) offsets(%dma_start3A_72 : memref<64xi32, #tpu.memory_space<vmem>>) semaphore(%arg18 : memref<!tpu.dma_semaphore, #tpu.memory_space<semaphore_mem>>)
    %add3A_76 = arith.constant 32 : i32
    %add3A_77 = arith.addi %mul3A_2, %add3A_76 : i32
    %dma_start3A_78 = arith.constant 0 : i32
    %dma_start3A_79 = tpu.memref_slice %arg3[%add3A_77, %dma_start3A_78] : memref<5120x64xi32, #tpu.memory_space<hbm>> -> memref<32x64xi32, #tpu.memory_space<hbm>>
    %dma_start3A_80 = arith.constant 0 : i32
    %dma_start3A_81 = tpu.memref_slice %arg3[%add3A_77, %dma_start3A_80] : memref<5120x64xi32, #tpu.memory_space<hbm>> -> memref<32x64xi32, #tpu.memory_space<hbm>>
    tpu.enqueue_dma source(%dma_start3A_81 : memref<32x64xi32, #tpu.memory_space<hbm>>) target(%arg7 : memref<32x64xi32, #tpu.memory_space<vmem>>) target_semaphore(%arg24 : memref<!tpu.dma_semaphore, #tpu.memory_space<semaphore_mem>>)
    %add3A_82 = arith.constant 32 : i32
    %add3A_83 = arith.addi %mul3A_2, %add3A_82 : i32
    %dma_start3A_84 = arith.constant 0 : i32
    %dma_start3A_85 = tpu.memref_slice %arg4[%add3A_83, %dma_start3A_84] : memref<5120x64xi32, #tpu.memory_space<hbm>> -> memref<32x64xi32, #tpu.memory_space<hbm>>
    %dma_start3A_86 = arith.constant 0 : i32
    %dma_start3A_87 = tpu.memref_slice %arg4[%add3A_83, %dma_start3A_86] : memref<5120x64xi32, #tpu.memory_space<hbm>> -> memref<32x64xi32, #tpu.memory_space<hbm>>
    tpu.enqueue_dma source(%dma_start3A_87 : memref<32x64xi32, #tpu.memory_space<hbm>>) target(%arg9 : memref<32x64xi32, #tpu.memory_space<vmem>>) target_semaphore(%arg24 : memref<!tpu.dma_semaphore, #tpu.memory_space<semaphore_mem>>)
    %scan3A_88 = arith.constant 0 : i32
    %scan3A_89 = arith.constant 0 : i32
    %scan3A_90 = arith.constant 7 : i32
    %scan3A_91 = arith.addi %scan3A_89, %scan3A_90 : i32
    %scan3A_92 = arith.constant 1 : i32
    scf.for %scan3A_738 = %scan3A_89 to %scan3A_91 step %scan3A_92  : i32 {
      %mul3A_739 = arith.constant 4 : i32
      %mul3A_740 = arith.muli %mul3A_739, %scan3A_738 : i32
      %add3A_741 = arith.constant 0 : i32
      %add3A_742 = arith.addi %mul3A_740, %add3A_741 : i32
      %dma_wait3A_743 = arith.constant 0 : i32
      %dma_wait3A_744 = tpu.memref_slice %arg6[%add3A_742, %dma_wait3A_743] : memref<32x64xi32, #tpu.memory_space<vmem>> -> memref<1x64xi32, #tpu.memory_space<vmem>>
      %dma_wait3A_745 = tpu.memref_squeeze %dma_wait3A_744 : memref<1x64xi32, #tpu.memory_space<vmem>> -> memref<64xi32, #tpu.memory_space<vmem>>
      %dma_wait3A_746 = arith.constant 0 : i32
      %dma_wait3A_747 = arith.constant 0 : i32
      %dma_wait3A_748 = tpu.memref_slice %arg2[%dma_wait3A_746, %dma_wait3A_747] : memref<10000x128xf32, #tpu.memory_space<hbm>> -> memref<10000x128xf32, #tpu.memory_space<hbm>>
      tpu.wait_indirect_dma semaphore(%arg15 : memref<!tpu.dma_semaphore, #tpu.memory_space<semaphore_mem>>) src(%dma_wait3A_748 : memref<10000x128xf32, #tpu.memory_space<hbm>>) dst(%arg10 : memref<64x128xf32, #tpu.memory_space<vmem>>)
      %add3A_749 = arith.constant 0 : i32
      %add3A_750 = arith.addi %mul3A_740, %add3A_749 : i32
      %dma_start3A_751 = arith.constant 0 : i32
      %dma_start3A_752 = tpu.memref_slice %arg8[%add3A_750, %dma_start3A_751] : memref<32x64xi32, #tpu.memory_space<vmem>> -> memref<1x64xi32, #tpu.memory_space<vmem>>
      %dma_start3A_753 = tpu.memref_squeeze %dma_start3A_752 : memref<1x64xi32, #tpu.memory_space<vmem>> -> memref<64xi32, #tpu.memory_space<vmem>>
      %dma_start3A_754 = arith.constant 0 : i32
      %dma_start3A_755 = arith.constant 0 : i32
      %dma_start3A_756 = tpu.memref_slice %arg14[%dma_start3A_754, %dma_start3A_755] : memref<10240x128xf32, #tpu.memory_space<vmem_shared>> -> memref<10240x128xf32, #tpu.memory_space<vmem_shared>>
      tpu.enqueue_indirect_dma source(%arg10 : memref<64x128xf32, #tpu.memory_space<vmem>>) target(%dma_start3A_756 : memref<10240x128xf32, #tpu.memory_space<vmem_shared>>) offsets(%dma_start3A_753 : memref<64xi32, #tpu.memory_space<vmem>>) semaphore(%arg19 : memref<!tpu.dma_semaphore, #tpu.memory_space<semaphore_mem>>) {add = true}
      %add3A_757 = arith.constant 1 : i32
      %add3A_758 = arith.addi %mul3A_740, %add3A_757 : i32
      %dma_wait3A_759 = arith.constant 0 : i32
      %dma_wait3A_760 = tpu.memref_slice %arg6[%add3A_758, %dma_wait3A_759] : memref<32x64xi32, #tpu.memory_space<vmem>> -> memref<1x64xi32, #tpu.memory_space<vmem>>
      %dma_wait3A_761 = tpu.memref_squeeze %dma_wait3A_760 : memref<1x64xi32, #tpu.memory_space<vmem>> -> memref<64xi32, #tpu.memory_space<vmem>>
      %dma_wait3A_762 = arith.constant 0 : i32
      %dma_wait3A_763 = arith.constant 0 : i32
      %dma_wait3A_764 = tpu.memref_slice %arg2[%dma_wait3A_762, %dma_wait3A_763] : memref<10000x128xf32, #tpu.memory_space<hbm>> -> memref<10000x128xf32, #tpu.memory_space<hbm>>
      tpu.wait_indirect_dma semaphore(%arg16 : memref<!tpu.dma_semaphore, #tpu.memory_space<semaphore_mem>>) src(%dma_wait3A_764 : memref<10000x128xf32, #tpu.memory_space<hbm>>) dst(%arg11 : memref<64x128xf32, #tpu.memory_space<vmem>>)
      %add3A_765 = arith.constant 1 : i32
      %add3A_766 = arith.addi %mul3A_740, %add3A_765 : i32
      %dma_start3A_767 = arith.constant 0 : i32
      %dma_start3A_768 = tpu.memref_slice %arg8[%add3A_766, %dma_start3A_767] : memref<32x64xi32, #tpu.memory_space<vmem>> -> memref<1x64xi32, #tpu.memory_space<vmem>>
      %dma_start3A_769 = tpu.memref_squeeze %dma_start3A_768 : memref<1x64xi32, #tpu.memory_space<vmem>> -> memref<64xi32, #tpu.memory_space<vmem>>
      %dma_start3A_770 = arith.constant 0 : i32
      %dma_start3A_771 = arith.constant 0 : i32
      %dma_start3A_772 = tpu.memref_slice %arg14[%dma_start3A_770, %dma_start3A_771] : memref<10240x128xf32, #tpu.memory_space<vmem_shared>> -> memref<10240x128xf32, #tpu.memory_space<vmem_shared>>
      tpu.enqueue_indirect_dma source(%arg11 : memref<64x128xf32, #tpu.memory_space<vmem>>) target(%dma_start3A_772 : memref<10240x128xf32, #tpu.memory_space<vmem_shared>>) offsets(%dma_start3A_769 : memref<64xi32, #tpu.memory_space<vmem>>) semaphore(%arg20 : memref<!tpu.dma_semaphore, #tpu.memory_space<semaphore_mem>>) {add = true}
      %add3A_773 = arith.constant 2 : i32
      %add3A_774 = arith.addi %mul3A_740, %add3A_773 : i32
      %dma_wait3A_775 = arith.constant 0 : i32
      %dma_wait3A_776 = tpu.memref_slice %arg6[%add3A_774, %dma_wait3A_775] : memref<32x64xi32, #tpu.memory_space<vmem>> -> memref<1x64xi32, #tpu.memory_space<vmem>>
      %dma_wait3A_777 = tpu.memref_squeeze %dma_wait3A_776 : memref<1x64xi32, #tpu.memory_space<vmem>> -> memref<64xi32, #tpu.memory_space<vmem>>
      %dma_wait3A_778 = arith.constant 0 : i32
      %dma_wait3A_779 = arith.constant 0 : i32
      %dma_wait3A_780 = tpu.memref_slice %arg2[%dma_wait3A_778, %dma_wait3A_779] : memref<10000x128xf32, #tpu.memory_space<hbm>> -> memref<10000x128xf32, #tpu.memory_space<hbm>>
      tpu.wait_indirect_dma semaphore(%arg17 : memref<!tpu.dma_semaphore, #tpu.memory_space<semaphore_mem>>) src(%dma_wait3A_780 : memref<10000x128xf32, #tpu.memory_space<hbm>>) dst(%arg12 : memref<64x128xf32, #tpu.memory_space<vmem>>)
      %add3A_781 = arith.constant 2 : i32
      %add3A_782 = arith.addi %mul3A_740, %add3A_781 : i32
      %dma_start3A_783 = arith.constant 0 : i32
      %dma_start3A_784 = tpu.memref_slice %arg8[%add3A_782, %dma_start3A_783] : memref<32x64xi32, #tpu.memory_space<vmem>> -> memref<1x64xi32, #tpu.memory_space<vmem>>
      %dma_start3A_785 = tpu.memref_squeeze %dma_start3A_784 : memref<1x64xi32, #tpu.memory_space<vmem>> -> memref<64xi32, #tpu.memory_space<vmem>>
      %dma_start3A_786 = arith.constant 0 : i32
      %dma_start3A_787 = arith.constant 0 : i32
      %dma_start3A_788 = tpu.memref_slice %arg14[%dma_start3A_786, %dma_start3A_787] : memref<10240x128xf32, #tpu.memory_space<vmem_shared>> -> memref<10240x128xf32, #tpu.memory_space<vmem_shared>>
      tpu.enqueue_indirect_dma source(%arg12 : memref<64x128xf32, #tpu.memory_space<vmem>>) target(%dma_start3A_788 : memref<10240x128xf32, #tpu.memory_space<vmem_shared>>) offsets(%dma_start3A_785 : memref<64xi32, #tpu.memory_space<vmem>>) semaphore(%arg21 : memref<!tpu.dma_semaphore, #tpu.memory_space<semaphore_mem>>) {add = true}
      %add3A_789 = arith.constant 3 : i32
      %add3A_790 = arith.addi %mul3A_740, %add3A_789 : i32
      %dma_wait3A_791 = arith.constant 0 : i32
      %dma_wait3A_792 = tpu.memref_slice %arg6[%add3A_790, %dma_wait3A_791] : memref<32x64xi32, #tpu.memory_space<vmem>> -> memref<1x64xi32, #tpu.memory_space<vmem>>
      %dma_wait3A_793 = tpu.memref_squeeze %dma_wait3A_792 : memref<1x64xi32, #tpu.memory_space<vmem>> -> memref<64xi32, #tpu.memory_space<vmem>>
      %dma_wait3A_794 = arith.constant 0 : i32
      %dma_wait3A_795 = arith.constant 0 : i32
      %dma_wait3A_796 = tpu.memref_slice %arg2[%dma_wait3A_794, %dma_wait3A_795] : memref<10000x128xf32, #tpu.memory_space<hbm>> -> memref<10000x128xf32, #tpu.memory_space<hbm>>
      tpu.wait_indirect_dma semaphore(%arg18 : memref<!tpu.dma_semaphore, #tpu.memory_space<semaphore_mem>>) src(%dma_wait3A_796 : memref<10000x128xf32, #tpu.memory_space<hbm>>) dst(%arg13 : memref<64x128xf32, #tpu.memory_space<vmem>>)
      %add3A_797 = arith.constant 3 : i32
      %add3A_798 = arith.addi %mul3A_740, %add3A_797 : i32
      %dma_start3A_799 = arith.constant 0 : i32
      %dma_start3A_800 = tpu.memref_slice %arg8[%add3A_798, %dma_start3A_799] : memref<32x64xi32, #tpu.memory_space<vmem>> -> memref<1x64xi32, #tpu.memory_space<vmem>>
      %dma_start3A_801 = tpu.memref_squeeze %dma_start3A_800 : memref<1x64xi32, #tpu.memory_space<vmem>> -> memref<64xi32, #tpu.memory_space<vmem>>
      %dma_start3A_802 = arith.constant 0 : i32
      %dma_start3A_803 = arith.constant 0 : i32
      %dma_start3A_804 = tpu.memref_slice %arg14[%dma_start3A_802, %dma_start3A_803] : memref<10240x128xf32, #tpu.memory_space<vmem_shared>> -> memref<10240x128xf32, #tpu.memory_space<vmem_shared>>
      tpu.enqueue_indirect_dma source(%arg13 : memref<64x128xf32, #tpu.memory_space<vmem>>) target(%dma_start3A_804 : memref<10240x128xf32, #tpu.memory_space<vmem_shared>>) offsets(%dma_start3A_801 : memref<64xi32, #tpu.memory_space<vmem>>) semaphore(%arg22 : memref<!tpu.dma_semaphore, #tpu.memory_space<semaphore_mem>>) {add = true}
      %add3A_805 = arith.constant 0 : i32
      %add3A_806 = arith.addi %mul3A_740, %add3A_805 : i32
      %dma_wait3A_807 = arith.constant 0 : i32
      %dma_wait3A_808 = tpu.memref_slice %arg8[%add3A_806, %dma_wait3A_807] : memref<32x64xi32, #tpu.memory_space<vmem>> -> memref<1x64xi32, #tpu.memory_space<vmem>>
      %dma_wait3A_809 = tpu.memref_squeeze %dma_wait3A_808 : memref<1x64xi32, #tpu.memory_space<vmem>> -> memref<64xi32, #tpu.memory_space<vmem>>
      %dma_wait3A_810 = arith.constant 0 : i32
      %dma_wait3A_811 = arith.constant 0 : i32
      %dma_wait3A_812 = tpu.memref_slice %arg14[%dma_wait3A_810, %dma_wait3A_811] : memref<10240x128xf32, #tpu.memory_space<vmem_shared>> -> memref<10240x128xf32, #tpu.memory_space<vmem_shared>>
      tpu.wait_indirect_dma semaphore(%arg19 : memref<!tpu.dma_semaphore, #tpu.memory_space<semaphore_mem>>) src(%arg10 : memref<64x128xf32, #tpu.memory_space<vmem>>) dst(%dma_wait3A_812 : memref<10240x128xf32, #tpu.memory_space<vmem_shared>>)
      %add3A_813 = arith.constant 0 : i32
      %add3A_814 = arith.addi %mul3A_740, %add3A_813 : i32
      %add3A_815 = arith.constant 4 : i32
      %add3A_816 = arith.addi %add3A_814, %add3A_815 : i32
      %dma_start3A_817 = arith.constant 0 : i32
      %dma_start3A_818 = tpu.memref_slice %arg6[%add3A_816, %dma_start3A_817] : memref<32x64xi32, #tpu.memory_space<vmem>> -> memref<1x64xi32, #tpu.memory_space<vmem>>
      %dma_start3A_819 = tpu.memref_squeeze %dma_start3A_818 : memref<1x64xi32, #tpu.memory_space<vmem>> -> memref<64xi32, #tpu.memory_space<vmem>>
      %dma_start3A_820 = arith.constant 0 : i32
      %dma_start3A_821 = arith.constant 0 : i32
      %dma_start3A_822 = tpu.memref_slice %arg2[%dma_start3A_820, %dma_start3A_821] : memref<10000x128xf32, #tpu.memory_space<hbm>> -> memref<10000x128xf32, #tpu.memory_space<hbm>>
      tpu.enqueue_indirect_dma source(%dma_start3A_822 : memref<10000x128xf32, #tpu.memory_space<hbm>>) target(%arg10 : memref<64x128xf32, #tpu.memory_space<vmem>>) offsets(%dma_start3A_819 : memref<64xi32, #tpu.memory_space<vmem>>) semaphore(%arg15 : memref<!tpu.dma_semaphore, #tpu.memory_space<semaphore_mem>>)
      %add3A_823 = arith.constant 1 : i32
      %add3A_824 = arith.addi %mul3A_740, %add3A_823 : i32
      %dma_wait3A_825 = arith.constant 0 : i32
      %dma_wait3A_826 = tpu.memref_slice %arg8[%add3A_824, %dma_wait3A_825] : memref<32x64xi32, #tpu.memory_space<vmem>> -> memref<1x64xi32, #tpu.memory_space<vmem>>
      %dma_wait3A_827 = tpu.memref_squeeze %dma_wait3A_826 : memref<1x64xi32, #tpu.memory_space<vmem>> -> memref<64xi32, #tpu.memory_space<vmem>>
      %dma_wait3A_828 = arith.constant 0 : i32
      %dma_wait3A_829 = arith.constant 0 : i32
      %dma_wait3A_830 = tpu.memref_slice %arg14[%dma_wait3A_828, %dma_wait3A_829] : memref<10240x128xf32, #tpu.memory_space<vmem_shared>> -> memref<10240x128xf32, #tpu.memory_space<vmem_shared>>
      tpu.wait_indirect_dma semaphore(%arg20 : memref<!tpu.dma_semaphore, #tpu.memory_space<semaphore_mem>>) src(%arg11 : memref<64x128xf32, #tpu.memory_space<vmem>>) dst(%dma_wait3A_830 : memref<10240x128xf32, #tpu.memory_space<vmem_shared>>)
      %add3A_831 = arith.constant 1 : i32
      %add3A_832 = arith.addi %mul3A_740, %add3A_831 : i32
      %add3A_833 = arith.constant 4 : i32
      %add3A_834 = arith.addi %add3A_832, %add3A_833 : i32
      %dma_start3A_835 = arith.constant 0 : i32
      %dma_start3A_836 = tpu.memref_slice %arg6[%add3A_834, %dma_start3A_835] : memref<32x64xi32, #tpu.memory_space<vmem>> -> memref<1x64xi32, #tpu.memory_space<vmem>>
      %dma_start3A_837 = tpu.memref_squeeze %dma_start3A_836 : memref<1x64xi32, #tpu.memory_space<vmem>> -> memref<64xi32, #tpu.memory_space<vmem>>
      %dma_start3A_838 = arith.constant 0 : i32
      %dma_start3A_839 = arith.constant 0 : i32
      %dma_start3A_840 = tpu.memref_slice %arg2[%dma_start3A_838, %dma_start3A_839] : memref<10000x128xf32, #tpu.memory_space<hbm>> -> memref<10000x128xf32, #tpu.memory_space<hbm>>
      tpu.enqueue_indirect_dma source(%dma_start3A_840 : memref<10000x128xf32, #tpu.memory_space<hbm>>) target(%arg11 : memref<64x128xf32, #tpu.memory_space<vmem>>) offsets(%dma_start3A_837 : memref<64xi32, #tpu.memory_space<vmem>>) semaphore(%arg16 : memref<!tpu.dma_semaphore, #tpu.memory_space<semaphore_mem>>)
      %add3A_841 = arith.constant 2 : i32
      %add3A_842 = arith.addi %mul3A_740, %add3A_841 : i32
      %dma_wait3A_843 = arith.constant 0 : i32
      %dma_wait3A_844 = tpu.memref_slice %arg8[%add3A_842, %dma_wait3A_843] : memref<32x64xi32, #tpu.memory_space<vmem>> -> memref<1x64xi32, #tpu.memory_space<vmem>>
      %dma_wait3A_845 = tpu.memref_squeeze %dma_wait3A_844 : memref<1x64xi32, #tpu.memory_space<vmem>> -> memref<64xi32, #tpu.memory_space<vmem>>
      %dma_wait3A_846 = arith.constant 0 : i32
      %dma_wait3A_847 = arith.constant 0 : i32
      %dma_wait3A_848 = tpu.memref_slice %arg14[%dma_wait3A_846, %dma_wait3A_847] : memref<10240x128xf32, #tpu.memory_space<vmem_shared>> -> memref<10240x128xf32, #tpu.memory_space<vmem_shared>>
      tpu.wait_indirect_dma semaphore(%arg21 : memref<!tpu.dma_semaphore, #tpu.memory_space<semaphore_mem>>) src(%arg12 : memref<64x128xf32, #tpu.memory_space<vmem>>) dst(%dma_wait3A_848 : memref<10240x128xf32, #tpu.memory_space<vmem_shared>>)
      %add3A_849 = arith.constant 2 : i32
      %add3A_850 = arith.addi %mul3A_740, %add3A_849 : i32
      %add3A_851 = arith.constant 4 : i32
      %add3A_852 = arith.addi %add3A_850, %add3A_851 : i32
      %dma_start3A_853 = arith.constant 0 : i32
      %dma_start3A_854 = tpu.memref_slice %arg6[%add3A_852, %dma_start3A_853] : memref<32x64xi32, #tpu.memory_space<vmem>> -> memref<1x64xi32, #tpu.memory_space<vmem>>
      %dma_start3A_855 = tpu.memref_squeeze %dma_start3A_854 : memref<1x64xi32, #tpu.memory_space<vmem>> -> memref<64xi32, #tpu.memory_space<vmem>>
      %dma_start3A_856 = arith.constant 0 : i32
      %dma_start3A_857 = arith.constant 0 : i32
      %dma_start3A_858 = tpu.memref_slice %arg2[%dma_start3A_856, %dma_start3A_857] : memref<10000x128xf32, #tpu.memory_space<hbm>> -> memref<10000x128xf32, #tpu.memory_space<hbm>>
      tpu.enqueue_indirect_dma source(%dma_start3A_858 : memref<10000x128xf32, #tpu.memory_space<hbm>>) target(%arg12 : memref<64x128xf32, #tpu.memory_space<vmem>>) offsets(%dma_start3A_855 : memref<64xi32, #tpu.memory_space<vmem>>) semaphore(%arg17 : memref<!tpu.dma_semaphore, #tpu.memory_space<semaphore_mem>>)
      %add3A_859 = arith.constant 3 : i32
      %add3A_860 = arith.addi %mul3A_740, %add3A_859 : i32
      %dma_wait3A_861 = arith.constant 0 : i32
      %dma_wait3A_862 = tpu.memref_slice %arg8[%add3A_860, %dma_wait3A_861] : memref<32x64xi32, #tpu.memory_space<vmem>> -> memref<1x64xi32, #tpu.memory_space<vmem>>
      %dma_wait3A_863 = tpu.memref_squeeze %dma_wait3A_862 : memref<1x64xi32, #tpu.memory_space<vmem>> -> memref<64xi32, #tpu.memory_space<vmem>>
      %dma_wait3A_864 = arith.constant 0 : i32
      %dma_wait3A_865 = arith.constant 0 : i32
      %dma_wait3A_866 = tpu.memref_slice %arg14[%dma_wait3A_864, %dma_wait3A_865] : memref<10240x128xf32, #tpu.memory_space<vmem_shared>> -> memref<10240x128xf32, #tpu.memory_space<vmem_shared>>
      tpu.wait_indirect_dma semaphore(%arg22 : memref<!tpu.dma_semaphore, #tpu.memory_space<semaphore_mem>>) src(%arg13 : memref<64x128xf32, #tpu.memory_space<vmem>>) dst(%dma_wait3A_866 : memref<10240x128xf32, #tpu.memory_space<vmem_shared>>)
      %add3A_867 = arith.constant 3 : i32
      %add3A_868 = arith.addi %mul3A_740, %add3A_867 : i32
      %add3A_869 = arith.constant 4 : i32
      %add3A_870 = arith.addi %add3A_868, %add3A_869 : i32
      %dma_start3A_871 = arith.constant 0 : i32
      %dma_start3A_872 = tpu.memref_slice %arg6[%add3A_870, %dma_start3A_871] : memref<32x64xi32, #tpu.memory_space<vmem>> -> memref<1x64xi32, #tpu.memory_space<vmem>>
      %dma_start3A_873 = tpu.memref_squeeze %dma_start3A_872 : memref<1x64xi32, #tpu.memory_space<vmem>> -> memref<64xi32, #tpu.memory_space<vmem>>
      %dma_start3A_874 = arith.constant 0 : i32
      %dma_start3A_875 = arith.constant 0 : i32
      %dma_start3A_876 = tpu.memref_slice %arg2[%dma_start3A_874, %dma_start3A_875] : memref<10000x128xf32, #tpu.memory_space<hbm>> -> memref<10000x128xf32, #tpu.memory_space<hbm>>
      tpu.enqueue_indirect_dma source(%dma_start3A_876 : memref<10000x128xf32, #tpu.memory_space<hbm>>) target(%arg13 : memref<64x128xf32, #tpu.memory_space<vmem>>) offsets(%dma_start3A_873 : memref<64xi32, #tpu.memory_space<vmem>>) semaphore(%arg18 : memref<!tpu.dma_semaphore, #tpu.memory_space<semaphore_mem>>)
    }
    %scan3A_93 = arith.constant 7 : i32
    %add3A_94 = arith.constant 32 : i32
    %add3A_95 = arith.addi %mul3A_2, %add3A_94 : i32
    %dma_wait3A = arith.constant 0 : i32
    %dma_wait3A_96 = tpu.memref_slice %arg3[%add3A_95, %dma_wait3A] : memref<5120x64xi32, #tpu.memory_space<hbm>> -> memref<32x64xi32, #tpu.memory_space<hbm>>
    %dma_wait3A_97 = arith.constant 0 : i32
    %dma_wait3A_98 = tpu.memref_slice %arg3[%add3A_95, %dma_wait3A_97] : memref<5120x64xi32, #tpu.memory_space<hbm>> -> memref<32x64xi32, #tpu.memory_space<hbm>>
    tpu.wait_dma2 semaphore(%arg24 : memref<!tpu.dma_semaphore, #tpu.memory_space<semaphore_mem>>) src(%dma_wait3A_98 : memref<32x64xi32, #tpu.memory_space<hbm>>) dst(%arg7 : memref<32x64xi32, #tpu.memory_space<vmem>>)
    %add3A_99 = arith.constant 32 : i32
    %add3A_100 = arith.addi %mul3A_2, %add3A_99 : i32
    %dma_wait3A_101 = arith.constant 0 : i32
    %dma_wait3A_102 = tpu.memref_slice %arg4[%add3A_100, %dma_wait3A_101] : memref<5120x64xi32, #tpu.memory_space<hbm>> -> memref<32x64xi32, #tpu.memory_space<hbm>>
    %dma_wait3A_103 = arith.constant 0 : i32
    %dma_wait3A_104 = tpu.memref_slice %arg4[%add3A_100, %dma_wait3A_103] : memref<5120x64xi32, #tpu.memory_space<hbm>> -> memref<32x64xi32, #tpu.memory_space<hbm>>
    tpu.wait_dma2 semaphore(%arg24 : memref<!tpu.dma_semaphore, #tpu.memory_space<semaphore_mem>>) src(%dma_wait3A_104 : memref<32x64xi32, #tpu.memory_space<hbm>>) dst(%arg9 : memref<32x64xi32, #tpu.memory_space<vmem>>)
    %dma_wait3A_105 = arith.constant 28 : i32
    %dma_wait3A_106 = arith.constant 0 : i32
    %dma_wait3A_107 = tpu.memref_slice %arg6[%dma_wait3A_105, %dma_wait3A_106] : memref<32x64xi32, #tpu.memory_space<vmem>> -> memref<1x64xi32, #tpu.memory_space<vmem>>
    %dma_wait3A_108 = tpu.memref_squeeze %dma_wait3A_107 : memref<1x64xi32, #tpu.memory_space<vmem>> -> memref<64xi32, #tpu.memory_space<vmem>>
    %dma_wait3A_109 = arith.constant 0 : i32
    %dma_wait3A_110 = arith.constant 0 : i32
    %dma_wait3A_111 = tpu.memref_slice %arg2[%dma_wait3A_109, %dma_wait3A_110] : memref<10000x128xf32, #tpu.memory_space<hbm>> -> memref<10000x128xf32, #tpu.memory_space<hbm>>
    tpu.wait_indirect_dma semaphore(%arg15 : memref<!tpu.dma_semaphore, #tpu.memory_space<semaphore_mem>>) src(%dma_wait3A_111 : memref<10000x128xf32, #tpu.memory_space<hbm>>) dst(%arg10 : memref<64x128xf32, #tpu.memory_space<vmem>>)
    %dma_start3A_112 = arith.constant 28 : i32
    %dma_start3A_113 = arith.constant 0 : i32
    %dma_start3A_114 = tpu.memref_slice %arg8[%dma_start3A_112, %dma_start3A_113] : memref<32x64xi32, #tpu.memory_space<vmem>> -> memref<1x64xi32, #tpu.memory_space<vmem>>
    %dma_start3A_115 = tpu.memref_squeeze %dma_start3A_114 : memref<1x64xi32, #tpu.memory_space<vmem>> -> memref<64xi32, #tpu.memory_space<vmem>>
    %dma_start3A_116 = arith.constant 0 : i32
    %dma_start3A_117 = arith.constant 0 : i32
    %dma_start3A_118 = tpu.memref_slice %arg14[%dma_start3A_116, %dma_start3A_117] : memref<10240x128xf32, #tpu.memory_space<vmem_shared>> -> memref<10240x128xf32, #tpu.memory_space<vmem_shared>>
    tpu.enqueue_indirect_dma source(%arg10 : memref<64x128xf32, #tpu.memory_space<vmem>>) target(%dma_start3A_118 : memref<10240x128xf32, #tpu.memory_space<vmem_shared>>) offsets(%dma_start3A_115 : memref<64xi32, #tpu.memory_space<vmem>>) semaphore(%arg19 : memref<!tpu.dma_semaphore, #tpu.memory_space<semaphore_mem>>) {add = true}
    %dma_wait3A_119 = arith.constant 29 : i32
    %dma_wait3A_120 = arith.constant 0 : i32
    %dma_wait3A_121 = tpu.memref_slice %arg6[%dma_wait3A_119, %dma_wait3A_120] : memref<32x64xi32, #tpu.memory_space<vmem>> -> memref<1x64xi32, #tpu.memory_space<vmem>>
    %dma_wait3A_122 = tpu.memref_squeeze %dma_wait3A_121 : memref<1x64xi32, #tpu.memory_space<vmem>> -> memref<64xi32, #tpu.memory_space<vmem>>
    %dma_wait3A_123 = arith.constant 0 : i32
    %dma_wait3A_124 = arith.constant 0 : i32
    %dma_wait3A_125 = tpu.memref_slice %arg2[%dma_wait3A_123, %dma_wait3A_124] : memref<10000x128xf32, #tpu.memory_space<hbm>> -> memref<10000x128xf32, #tpu.memory_space<hbm>>
    tpu.wait_indirect_dma semaphore(%arg16 : memref<!tpu.dma_semaphore, #tpu.memory_space<semaphore_mem>>) src(%dma_wait3A_125 : memref<10000x128xf32, #tpu.memory_space<hbm>>) dst(%arg11 : memref<64x128xf32, #tpu.memory_space<vmem>>)
    %dma_start3A_126 = arith.constant 29 : i32
    %dma_start3A_127 = arith.constant 0 : i32
    %dma_start3A_128 = tpu.memref_slice %arg8[%dma_start3A_126, %dma_start3A_127] : memref<32x64xi32, #tpu.memory_space<vmem>> -> memref<1x64xi32, #tpu.memory_space<vmem>>
    %dma_start3A_129 = tpu.memref_squeeze %dma_start3A_128 : memref<1x64xi32, #tpu.memory_space<vmem>> -> memref<64xi32, #tpu.memory_space<vmem>>
    %dma_start3A_130 = arith.constant 0 : i32
    %dma_start3A_131 = arith.constant 0 : i32
    %dma_start3A_132 = tpu.memref_slice %arg14[%dma_start3A_130, %dma_start3A_131] : memref<10240x128xf32, #tpu.memory_space<vmem_shared>> -> memref<10240x128xf32, #tpu.memory_space<vmem_shared>>
    tpu.enqueue_indirect_dma source(%arg11 : memref<64x128xf32, #tpu.memory_space<vmem>>) target(%dma_start3A_132 : memref<10240x128xf32, #tpu.memory_space<vmem_shared>>) offsets(%dma_start3A_129 : memref<64xi32, #tpu.memory_space<vmem>>) semaphore(%arg20 : memref<!tpu.dma_semaphore, #tpu.memory_space<semaphore_mem>>) {add = true}
    %dma_wait3A_133 = arith.constant 30 : i32
    %dma_wait3A_134 = arith.constant 0 : i32
    %dma_wait3A_135 = tpu.memref_slice %arg6[%dma_wait3A_133, %dma_wait3A_134] : memref<32x64xi32, #tpu.memory_space<vmem>> -> memref<1x64xi32, #tpu.memory_space<vmem>>
    %dma_wait3A_136 = tpu.memref_squeeze %dma_wait3A_135 : memref<1x64xi32, #tpu.memory_space<vmem>> -> memref<64xi32, #tpu.memory_space<vmem>>
    %dma_wait3A_137 = arith.constant 0 : i32
    %dma_wait3A_138 = arith.constant 0 : i32
    %dma_wait3A_139 = tpu.memref_slice %arg2[%dma_wait3A_137, %dma_wait3A_138] : memref<10000x128xf32, #tpu.memory_space<hbm>> -> memref<10000x128xf32, #tpu.memory_space<hbm>>
    tpu.wait_indirect_dma semaphore(%arg17 : memref<!tpu.dma_semaphore, #tpu.memory_space<semaphore_mem>>) src(%dma_wait3A_139 : memref<10000x128xf32, #tpu.memory_space<hbm>>) dst(%arg12 : memref<64x128xf32, #tpu.memory_space<vmem>>)
    %dma_start3A_140 = arith.constant 30 : i32
    %dma_start3A_141 = arith.constant 0 : i32
    %dma_start3A_142 = tpu.memref_slice %arg8[%dma_start3A_140, %dma_start3A_141] : memref<32x64xi32, #tpu.memory_space<vmem>> -> memref<1x64xi32, #tpu.memory_space<vmem>>
    %dma_start3A_143 = tpu.memref_squeeze %dma_start3A_142 : memref<1x64xi32, #tpu.memory_space<vmem>> -> memref<64xi32, #tpu.memory_space<vmem>>
    %dma_start3A_144 = arith.constant 0 : i32
    %dma_start3A_145 = arith.constant 0 : i32
    %dma_start3A_146 = tpu.memref_slice %arg14[%dma_start3A_144, %dma_start3A_145] : memref<10240x128xf32, #tpu.memory_space<vmem_shared>> -> memref<10240x128xf32, #tpu.memory_space<vmem_shared>>
    tpu.enqueue_indirect_dma source(%arg12 : memref<64x128xf32, #tpu.memory_space<vmem>>) target(%dma_start3A_146 : memref<10240x128xf32, #tpu.memory_space<vmem_shared>>) offsets(%dma_start3A_143 : memref<64xi32, #tpu.memory_space<vmem>>) semaphore(%arg21 : memref<!tpu.dma_semaphore, #tpu.memory_space<semaphore_mem>>) {add = true}
    %dma_wait3A_147 = arith.constant 31 : i32
    %dma_wait3A_148 = arith.constant 0 : i32
    %dma_wait3A_149 = tpu.memref_slice %arg6[%dma_wait3A_147, %dma_wait3A_148] : memref<32x64xi32, #tpu.memory_space<vmem>> -> memref<1x64xi32, #tpu.memory_space<vmem>>
    %dma_wait3A_150 = tpu.memref_squeeze %dma_wait3A_149 : memref<1x64xi32, #tpu.memory_space<vmem>> -> memref<64xi32, #tpu.memory_space<vmem>>
    %dma_wait3A_151 = arith.constant 0 : i32
    %dma_wait3A_152 = arith.constant 0 : i32
    %dma_wait3A_153 = tpu.memref_slice %arg2[%dma_wait3A_151, %dma_wait3A_152] : memref<10000x128xf32, #tpu.memory_space<hbm>> -> memref<10000x128xf32, #tpu.memory_space<hbm>>
    tpu.wait_indirect_dma semaphore(%arg18 : memref<!tpu.dma_semaphore, #tpu.memory_space<semaphore_mem>>) src(%dma_wait3A_153 : memref<10000x128xf32, #tpu.memory_space<hbm>>) dst(%arg13 : memref<64x128xf32, #tpu.memory_space<vmem>>)
    %dma_start3A_154 = arith.constant 31 : i32
    %dma_start3A_155 = arith.constant 0 : i32
    %dma_start3A_156 = tpu.memref_slice %arg8[%dma_start3A_154, %dma_start3A_155] : memref<32x64xi32, #tpu.memory_space<vmem>> -> memref<1x64xi32, #tpu.memory_space<vmem>>
    %dma_start3A_157 = tpu.memref_squeeze %dma_start3A_156 : memref<1x64xi32, #tpu.memory_space<vmem>> -> memref<64xi32, #tpu.memory_space<vmem>>
    %dma_start3A_158 = arith.constant 0 : i32
    %dma_start3A_159 = arith.constant 0 : i32
    %dma_start3A_160 = tpu.memref_slice %arg14[%dma_start3A_158, %dma_start3A_159] : memref<10240x128xf32, #tpu.memory_space<vmem_shared>> -> memref<10240x128xf32, #tpu.memory_space<vmem_shared>>
    tpu.enqueue_indirect_dma source(%arg13 : memref<64x128xf32, #tpu.memory_space<vmem>>) target(%dma_start3A_160 : memref<10240x128xf32, #tpu.memory_space<vmem_shared>>) offsets(%dma_start3A_157 : memref<64xi32, #tpu.memory_space<vmem>>) semaphore(%arg22 : memref<!tpu.dma_semaphore, #tpu.memory_space<semaphore_mem>>) {add = true}
    %dma_wait3A_161 = arith.constant 28 : i32
    %dma_wait3A_162 = arith.constant 0 : i32
    %dma_wait3A_163 = tpu.memref_slice %arg8[%dma_wait3A_161, %dma_wait3A_162] : memref<32x64xi32, #tpu.memory_space<vmem>> -> memref<1x64xi32, #tpu.memory_space<vmem>>
    %dma_wait3A_164 = tpu.memref_squeeze %dma_wait3A_163 : memref<1x64xi32, #tpu.memory_space<vmem>> -> memref<64xi32, #tpu.memory_space<vmem>>
    %dma_wait3A_165 = arith.constant 0 : i32
    %dma_wait3A_166 = arith.constant 0 : i32
    %dma_wait3A_167 = tpu.memref_slice %arg14[%dma_wait3A_165, %dma_wait3A_166] : memref<10240x128xf32, #tpu.memory_space<vmem_shared>> -> memref<10240x128xf32, #tpu.memory_space<vmem_shared>>
    tpu.wait_indirect_dma semaphore(%arg19 : memref<!tpu.dma_semaphore, #tpu.memory_space<semaphore_mem>>) src(%arg10 : memref<64x128xf32, #tpu.memory_space<vmem>>) dst(%dma_wait3A_167 : memref<10240x128xf32, #tpu.memory_space<vmem_shared>>)
    %dma_start3A_168 = arith.constant 0 : i32
    %dma_start3A_169 = arith.constant 0 : i32
    %dma_start3A_170 = tpu.memref_slice %arg7[%dma_start3A_168, %dma_start3A_169] : memref<32x64xi32, #tpu.memory_space<vmem>> -> memref<1x64xi32, #tpu.memory_space<vmem>>
    %dma_start3A_171 = tpu.memref_squeeze %dma_start3A_170 : memref<1x64xi32, #tpu.memory_space<vmem>> -> memref<64xi32, #tpu.memory_space<vmem>>
    %dma_start3A_172 = arith.constant 0 : i32
    %dma_start3A_173 = arith.constant 0 : i32
    %dma_start3A_174 = tpu.memref_slice %arg2[%dma_start3A_172, %dma_start3A_173] : memref<10000x128xf32, #tpu.memory_space<hbm>> -> memref<10000x128xf32, #tpu.memory_space<hbm>>
    tpu.enqueue_indirect_dma source(%dma_start3A_174 : memref<10000x128xf32, #tpu.memory_space<hbm>>) target(%arg10 : memref<64x128xf32, #tpu.memory_space<vmem>>) offsets(%dma_start3A_171 : memref<64xi32, #tpu.memory_space<vmem>>) semaphore(%arg15 : memref<!tpu.dma_semaphore, #tpu.memory_space<semaphore_mem>>)
    %dma_wait3A_175 = arith.constant 29 : i32
    %dma_wait3A_176 = arith.constant 0 : i32
    %dma_wait3A_177 = tpu.memref_slice %arg8[%dma_wait3A_175, %dma_wait3A_176] : memref<32x64xi32, #tpu.memory_space<vmem>> -> memref<1x64xi32, #tpu.memory_space<vmem>>
    %dma_wait3A_178 = tpu.memref_squeeze %dma_wait3A_177 : memref<1x64xi32, #tpu.memory_space<vmem>> -> memref<64xi32, #tpu.memory_space<vmem>>
    %dma_wait3A_179 = arith.constant 0 : i32
    %dma_wait3A_180 = arith.constant 0 : i32
    %dma_wait3A_181 = tpu.memref_slice %arg14[%dma_wait3A_179, %dma_wait3A_180] : memref<10240x128xf32, #tpu.memory_space<vmem_shared>> -> memref<10240x128xf32, #tpu.memory_space<vmem_shared>>
    tpu.wait_indirect_dma semaphore(%arg20 : memref<!tpu.dma_semaphore, #tpu.memory_space<semaphore_mem>>) src(%arg11 : memref<64x128xf32, #tpu.memory_space<vmem>>) dst(%dma_wait3A_181 : memref<10240x128xf32, #tpu.memory_space<vmem_shared>>)
    %dma_start3A_182 = arith.constant 1 : i32
    %dma_start3A_183 = arith.constant 0 : i32
    %dma_start3A_184 = tpu.memref_slice %arg7[%dma_start3A_182, %dma_start3A_183] : memref<32x64xi32, #tpu.memory_space<vmem>> -> memref<1x64xi32, #tpu.memory_space<vmem>>
    %dma_start3A_185 = tpu.memref_squeeze %dma_start3A_184 : memref<1x64xi32, #tpu.memory_space<vmem>> -> memref<64xi32, #tpu.memory_space<vmem>>
    %dma_start3A_186 = arith.constant 0 : i32
    %dma_start3A_187 = arith.constant 0 : i32
    %dma_start3A_188 = tpu.memref_slice %arg2[%dma_start3A_186, %dma_start3A_187] : memref<10000x128xf32, #tpu.memory_space<hbm>> -> memref<10000x128xf32, #tpu.memory_space<hbm>>
    tpu.enqueue_indirect_dma source(%dma_start3A_188 : memref<10000x128xf32, #tpu.memory_space<hbm>>) target(%arg11 : memref<64x128xf32, #tpu.memory_space<vmem>>) offsets(%dma_start3A_185 : memref<64xi32, #tpu.memory_space<vmem>>) semaphore(%arg16 : memref<!tpu.dma_semaphore, #tpu.memory_space<semaphore_mem>>)
    %dma_wait3A_189 = arith.constant 30 : i32
    %dma_wait3A_190 = arith.constant 0 : i32
    %dma_wait3A_191 = tpu.memref_slice %arg8[%dma_wait3A_189, %dma_wait3A_190] : memref<32x64xi32, #tpu.memory_space<vmem>> -> memref<1x64xi32, #tpu.memory_space<vmem>>
    %dma_wait3A_192 = tpu.memref_squeeze %dma_wait3A_191 : memref<1x64xi32, #tpu.memory_space<vmem>> -> memref<64xi32, #tpu.memory_space<vmem>>
    %dma_wait3A_193 = arith.constant 0 : i32
    %dma_wait3A_194 = arith.constant 0 : i32
    %dma_wait3A_195 = tpu.memref_slice %arg14[%dma_wait3A_193, %dma_wait3A_194] : memref<10240x128xf32, #tpu.memory_space<vmem_shared>> -> memref<10240x128xf32, #tpu.memory_space<vmem_shared>>
    tpu.wait_indirect_dma semaphore(%arg21 : memref<!tpu.dma_semaphore, #tpu.memory_space<semaphore_mem>>) src(%arg12 : memref<64x128xf32, #tpu.memory_space<vmem>>) dst(%dma_wait3A_195 : memref<10240x128xf32, #tpu.memory_space<vmem_shared>>)
    %dma_start3A_196 = arith.constant 2 : i32
    %dma_start3A_197 = arith.constant 0 : i32
    %dma_start3A_198 = tpu.memref_slice %arg7[%dma_start3A_196, %dma_start3A_197] : memref<32x64xi32, #tpu.memory_space<vmem>> -> memref<1x64xi32, #tpu.memory_space<vmem>>
    %dma_start3A_199 = tpu.memref_squeeze %dma_start3A_198 : memref<1x64xi32, #tpu.memory_space<vmem>> -> memref<64xi32, #tpu.memory_space<vmem>>
    %dma_start3A_200 = arith.constant 0 : i32
    %dma_start3A_201 = arith.constant 0 : i32
    %dma_start3A_202 = tpu.memref_slice %arg2[%dma_start3A_200, %dma_start3A_201] : memref<10000x128xf32, #tpu.memory_space<hbm>> -> memref<10000x128xf32, #tpu.memory_space<hbm>>
    tpu.enqueue_indirect_dma source(%dma_start3A_202 : memref<10000x128xf32, #tpu.memory_space<hbm>>) target(%arg12 : memref<64x128xf32, #tpu.memory_space<vmem>>) offsets(%dma_start3A_199 : memref<64xi32, #tpu.memory_space<vmem>>) semaphore(%arg17 : memref<!tpu.dma_semaphore, #tpu.memory_space<semaphore_mem>>)
    %dma_wait3A_203 = arith.constant 31 : i32
    %dma_wait3A_204 = arith.constant 0 : i32
    %dma_wait3A_205 = tpu.memref_slice %arg8[%dma_wait3A_203, %dma_wait3A_204] : memref<32x64xi32, #tpu.memory_space<vmem>> -> memref<1x64xi32, #tpu.memory_space<vmem>>
    %dma_wait3A_206 = tpu.memref_squeeze %dma_wait3A_205 : memref<1x64xi32, #tpu.memory_space<vmem>> -> memref<64xi32, #tpu.memory_space<vmem>>
    %dma_wait3A_207 = arith.constant 0 : i32
    %dma_wait3A_208 = arith.constant 0 : i32
    %dma_wait3A_209 = tpu.memref_slice %arg14[%dma_wait3A_207, %dma_wait3A_208] : memref<10240x128xf32, #tpu.memory_space<vmem_shared>> -> memref<10240x128xf32, #tpu.memory_space<vmem_shared>>
    tpu.wait_indirect_dma semaphore(%arg22 : memref<!tpu.dma_semaphore, #tpu.memory_space<semaphore_mem>>) src(%arg13 : memref<64x128xf32, #tpu.memory_space<vmem>>) dst(%dma_wait3A_209 : memref<10240x128xf32, #tpu.memory_space<vmem_shared>>)
    %dma_start3A_210 = arith.constant 3 : i32
    %dma_start3A_211 = arith.constant 0 : i32
    %dma_start3A_212 = tpu.memref_slice %arg7[%dma_start3A_210, %dma_start3A_211] : memref<32x64xi32, #tpu.memory_space<vmem>> -> memref<1x64xi32, #tpu.memory_space<vmem>>
    %dma_start3A_213 = tpu.memref_squeeze %dma_start3A_212 : memref<1x64xi32, #tpu.memory_space<vmem>> -> memref<64xi32, #tpu.memory_space<vmem>>
    %dma_start3A_214 = arith.constant 0 : i32
    %dma_start3A_215 = arith.constant 0 : i32
    %dma_start3A_216 = tpu.memref_slice %arg2[%dma_start3A_214, %dma_start3A_215] : memref<10000x128xf32, #tpu.memory_space<hbm>> -> memref<10000x128xf32, #tpu.memory_space<hbm>>
    tpu.enqueue_indirect_dma source(%dma_start3A_216 : memref<10000x128xf32, #tpu.memory_space<hbm>>) target(%arg13 : memref<64x128xf32, #tpu.memory_space<vmem>>) offsets(%dma_start3A_213 : memref<64xi32, #tpu.memory_space<vmem>>) semaphore(%arg18 : memref<!tpu.dma_semaphore, #tpu.memory_space<semaphore_mem>>)
    %add3A_217 = arith.constant 64 : i32
    %add3A_218 = arith.addi %mul3A_2, %add3A_217 : i32
    %dma_start3A_219 = arith.constant 0 : i32
    %dma_start3A_220 = tpu.memref_slice %arg3[%add3A_218, %dma_start3A_219] : memref<5120x64xi32, #tpu.memory_space<hbm>> -> memref<32x64xi32, #tpu.memory_space<hbm>>
    %dma_start3A_221 = arith.constant 0 : i32
    %dma_start3A_222 = tpu.memref_slice %arg3[%add3A_218, %dma_start3A_221] : memref<5120x64xi32, #tpu.memory_space<hbm>> -> memref<32x64xi32, #tpu.memory_space<hbm>>
    tpu.enqueue_dma source(%dma_start3A_222 : memref<32x64xi32, #tpu.memory_space<hbm>>) target(%arg6 : memref<32x64xi32, #tpu.memory_space<vmem>>) target_semaphore(%arg23 : memref<!tpu.dma_semaphore, #tpu.memory_space<semaphore_mem>>)
    %add3A_223 = arith.constant 64 : i32
    %add3A_224 = arith.addi %mul3A_2, %add3A_223 : i32
    %dma_start3A_225 = arith.constant 0 : i32
    %dma_start3A_226 = tpu.memref_slice %arg4[%add3A_224, %dma_start3A_225] : memref<5120x64xi32, #tpu.memory_space<hbm>> -> memref<32x64xi32, #tpu.memory_space<hbm>>
    %dma_start3A_227 = arith.constant 0 : i32
    %dma_start3A_228 = tpu.memref_slice %arg4[%add3A_224, %dma_start3A_227] : memref<5120x64xi32, #tpu.memory_space<hbm>> -> memref<32x64xi32, #tpu.memory_space<hbm>>
    tpu.enqueue_dma source(%dma_start3A_228 : memref<32x64xi32, #tpu.memory_space<hbm>>) target(%arg8 : memref<32x64xi32, #tpu.memory_space<vmem>>) target_semaphore(%arg23 : memref<!tpu.dma_semaphore, #tpu.memory_space<semaphore_mem>>)
    %scan3A_229 = arith.constant 0 : i32
    %scan3A_230 = arith.constant 0 : i32
    %scan3A_231 = arith.constant 7 : i32
    %scan3A_232 = arith.addi %scan3A_230, %scan3A_231 : i32
    %scan3A_233 = arith.constant 1 : i32
    scf.for %scan3A_738 = %scan3A_230 to %scan3A_232 step %scan3A_233  : i32 {
      %mul3A_739 = arith.constant 4 : i32
      %mul3A_740 = arith.muli %mul3A_739, %scan3A_738 : i32
      %add3A_741 = arith.constant 0 : i32
      %add3A_742 = arith.addi %mul3A_740, %add3A_741 : i32
      %dma_wait3A_743 = arith.constant 0 : i32
      %dma_wait3A_744 = tpu.memref_slice %arg7[%add3A_742, %dma_wait3A_743] : memref<32x64xi32, #tpu.memory_space<vmem>> -> memref<1x64xi32, #tpu.memory_space<vmem>>
      %dma_wait3A_745 = tpu.memref_squeeze %dma_wait3A_744 : memref<1x64xi32, #tpu.memory_space<vmem>> -> memref<64xi32, #tpu.memory_space<vmem>>
      %dma_wait3A_746 = arith.constant 0 : i32
      %dma_wait3A_747 = arith.constant 0 : i32
      %dma_wait3A_748 = tpu.memref_slice %arg2[%dma_wait3A_746, %dma_wait3A_747] : memref<10000x128xf32, #tpu.memory_space<hbm>> -> memref<10000x128xf32, #tpu.memory_space<hbm>>
      tpu.wait_indirect_dma semaphore(%arg15 : memref<!tpu.dma_semaphore, #tpu.memory_space<semaphore_mem>>) src(%dma_wait3A_748 : memref<10000x128xf32, #tpu.memory_space<hbm>>) dst(%arg10 : memref<64x128xf32, #tpu.memory_space<vmem>>)
      %add3A_749 = arith.constant 0 : i32
      %add3A_750 = arith.addi %mul3A_740, %add3A_749 : i32
      %dma_start3A_751 = arith.constant 0 : i32
      %dma_start3A_752 = tpu.memref_slice %arg9[%add3A_750, %dma_start3A_751] : memref<32x64xi32, #tpu.memory_space<vmem>> -> memref<1x64xi32, #tpu.memory_space<vmem>>
      %dma_start3A_753 = tpu.memref_squeeze %dma_start3A_752 : memref<1x64xi32, #tpu.memory_space<vmem>> -> memref<64xi32, #tpu.memory_space<vmem>>
      %dma_start3A_754 = arith.constant 0 : i32
      %dma_start3A_755 = arith.constant 0 : i32
      %dma_start3A_756 = tpu.memref_slice %arg14[%dma_start3A_754, %dma_start3A_755] : memref<10240x128xf32, #tpu.memory_space<vmem_shared>> -> memref<10240x128xf32, #tpu.memory_space<vmem_shared>>
      tpu.enqueue_indirect_dma source(%arg10 : memref<64x128xf32, #tpu.memory_space<vmem>>) target(%dma_start3A_756 : memref<10240x128xf32, #tpu.memory_space<vmem_shared>>) offsets(%dma_start3A_753 : memref<64xi32, #tpu.memory_space<vmem>>) semaphore(%arg19 : memref<!tpu.dma_semaphore, #tpu.memory_space<semaphore_mem>>) {add = true}
      %add3A_757 = arith.constant 1 : i32
      %add3A_758 = arith.addi %mul3A_740, %add3A_757 : i32
      %dma_wait3A_759 = arith.constant 0 : i32
      %dma_wait3A_760 = tpu.memref_slice %arg7[%add3A_758, %dma_wait3A_759] : memref<32x64xi32, #tpu.memory_space<vmem>> -> memref<1x64xi32, #tpu.memory_space<vmem>>
      %dma_wait3A_761 = tpu.memref_squeeze %dma_wait3A_760 : memref<1x64xi32, #tpu.memory_space<vmem>> -> memref<64xi32, #tpu.memory_space<vmem>>
      %dma_wait3A_762 = arith.constant 0 : i32
      %dma_wait3A_763 = arith.constant 0 : i32
      %dma_wait3A_764 = tpu.memref_slice %arg2[%dma_wait3A_762, %dma_wait3A_763] : memref<10000x128xf32, #tpu.memory_space<hbm>> -> memref<10000x128xf32, #tpu.memory_space<hbm>>
      tpu.wait_indirect_dma semaphore(%arg16 : memref<!tpu.dma_semaphore, #tpu.memory_space<semaphore_mem>>) src(%dma_wait3A_764 : memref<10000x128xf32, #tpu.memory_space<hbm>>) dst(%arg11 : memref<64x128xf32, #tpu.memory_space<vmem>>)
      %add3A_765 = arith.constant 1 : i32
      %add3A_766 = arith.addi %mul3A_740, %add3A_765 : i32
      %dma_start3A_767 = arith.constant 0 : i32
      %dma_start3A_768 = tpu.memref_slice %arg9[%add3A_766, %dma_start3A_767] : memref<32x64xi32, #tpu.memory_space<vmem>> -> memref<1x64xi32, #tpu.memory_space<vmem>>
      %dma_start3A_769 = tpu.memref_squeeze %dma_start3A_768 : memref<1x64xi32, #tpu.memory_space<vmem>> -> memref<64xi32, #tpu.memory_space<vmem>>
      %dma_start3A_770 = arith.constant 0 : i32
      %dma_start3A_771 = arith.constant 0 : i32
      %dma_start3A_772 = tpu.memref_slice %arg14[%dma_start3A_770, %dma_start3A_771] : memref<10240x128xf32, #tpu.memory_space<vmem_shared>> -> memref<10240x128xf32, #tpu.memory_space<vmem_shared>>
      tpu.enqueue_indirect_dma source(%arg11 : memref<64x128xf32, #tpu.memory_space<vmem>>) target(%dma_start3A_772 : memref<10240x128xf32, #tpu.memory_space<vmem_shared>>) offsets(%dma_start3A_769 : memref<64xi32, #tpu.memory_space<vmem>>) semaphore(%arg20 : memref<!tpu.dma_semaphore, #tpu.memory_space<semaphore_mem>>) {add = true}
      %add3A_773 = arith.constant 2 : i32
      %add3A_774 = arith.addi %mul3A_740, %add3A_773 : i32
      %dma_wait3A_775 = arith.constant 0 : i32
      %dma_wait3A_776 = tpu.memref_slice %arg7[%add3A_774, %dma_wait3A_775] : memref<32x64xi32, #tpu.memory_space<vmem>> -> memref<1x64xi32, #tpu.memory_space<vmem>>
      %dma_wait3A_777 = tpu.memref_squeeze %dma_wait3A_776 : memref<1x64xi32, #tpu.memory_space<vmem>> -> memref<64xi32, #tpu.memory_space<vmem>>
      %dma_wait3A_778 = arith.constant 0 : i32
      %dma_wait3A_779 = arith.constant 0 : i32
      %dma_wait3A_780 = tpu.memref_slice %arg2[%dma_wait3A_778, %dma_wait3A_779] : memref<10000x128xf32, #tpu.memory_space<hbm>> -> memref<10000x128xf32, #tpu.memory_space<hbm>>
      tpu.wait_indirect_dma semaphore(%arg17 : memref<!tpu.dma_semaphore, #tpu.memory_space<semaphore_mem>>) src(%dma_wait3A_780 : memref<10000x128xf32, #tpu.memory_space<hbm>>) dst(%arg12 : memref<64x128xf32, #tpu.memory_space<vmem>>)
      %add3A_781 = arith.constant 2 : i32
      %add3A_782 = arith.addi %mul3A_740, %add3A_781 : i32
      %dma_start3A_783 = arith.constant 0 : i32
      %dma_start3A_784 = tpu.memref_slice %arg9[%add3A_782, %dma_start3A_783] : memref<32x64xi32, #tpu.memory_space<vmem>> -> memref<1x64xi32, #tpu.memory_space<vmem>>
      %dma_start3A_785 = tpu.memref_squeeze %dma_start3A_784 : memref<1x64xi32, #tpu.memory_space<vmem>> -> memref<64xi32, #tpu.memory_space<vmem>>
      %dma_start3A_786 = arith.constant 0 : i32
      %dma_start3A_787 = arith.constant 0 : i32
      %dma_start3A_788 = tpu.memref_slice %arg14[%dma_start3A_786, %dma_start3A_787] : memref<10240x128xf32, #tpu.memory_space<vmem_shared>> -> memref<10240x128xf32, #tpu.memory_space<vmem_shared>>
      tpu.enqueue_indirect_dma source(%arg12 : memref<64x128xf32, #tpu.memory_space<vmem>>) target(%dma_start3A_788 : memref<10240x128xf32, #tpu.memory_space<vmem_shared>>) offsets(%dma_start3A_785 : memref<64xi32, #tpu.memory_space<vmem>>) semaphore(%arg21 : memref<!tpu.dma_semaphore, #tpu.memory_space<semaphore_mem>>) {add = true}
      %add3A_789 = arith.constant 3 : i32
      %add3A_790 = arith.addi %mul3A_740, %add3A_789 : i32
      %dma_wait3A_791 = arith.constant 0 : i32
      %dma_wait3A_792 = tpu.memref_slice %arg7[%add3A_790, %dma_wait3A_791] : memref<32x64xi32, #tpu.memory_space<vmem>> -> memref<1x64xi32, #tpu.memory_space<vmem>>
      %dma_wait3A_793 = tpu.memref_squeeze %dma_wait3A_792 : memref<1x64xi32, #tpu.memory_space<vmem>> -> memref<64xi32, #tpu.memory_space<vmem>>
      %dma_wait3A_794 = arith.constant 0 : i32
      %dma_wait3A_795 = arith.constant 0 : i32
      %dma_wait3A_796 = tpu.memref_slice %arg2[%dma_wait3A_794, %dma_wait3A_795] : memref<10000x128xf32, #tpu.memory_space<hbm>> -> memref<10000x128xf32, #tpu.memory_space<hbm>>
      tpu.wait_indirect_dma semaphore(%arg18 : memref<!tpu.dma_semaphore, #tpu.memory_space<semaphore_mem>>) src(%dma_wait3A_796 : memref<10000x128xf32, #tpu.memory_space<hbm>>) dst(%arg13 : memref<64x128xf32, #tpu.memory_space<vmem>>)
      %add3A_797 = arith.constant 3 : i32
      %add3A_798 = arith.addi %mul3A_740, %add3A_797 : i32
      %dma_start3A_799 = arith.constant 0 : i32
      %dma_start3A_800 = tpu.memref_slice %arg9[%add3A_798, %dma_start3A_799] : memref<32x64xi32, #tpu.memory_space<vmem>> -> memref<1x64xi32, #tpu.memory_space<vmem>>
      %dma_start3A_801 = tpu.memref_squeeze %dma_start3A_800 : memref<1x64xi32, #tpu.memory_space<vmem>> -> memref<64xi32, #tpu.memory_space<vmem>>
      %dma_start3A_802 = arith.constant 0 : i32
      %dma_start3A_803 = arith.constant 0 : i32
      %dma_start3A_804 = tpu.memref_slice %arg14[%dma_start3A_802, %dma_start3A_803] : memref<10240x128xf32, #tpu.memory_space<vmem_shared>> -> memref<10240x128xf32, #tpu.memory_space<vmem_shared>>
      tpu.enqueue_indirect_dma source(%arg13 : memref<64x128xf32, #tpu.memory_space<vmem>>) target(%dma_start3A_804 : memref<10240x128xf32, #tpu.memory_space<vmem_shared>>) offsets(%dma_start3A_801 : memref<64xi32, #tpu.memory_space<vmem>>) semaphore(%arg22 : memref<!tpu.dma_semaphore, #tpu.memory_space<semaphore_mem>>) {add = true}
      %add3A_805 = arith.constant 0 : i32
      %add3A_806 = arith.addi %mul3A_740, %add3A_805 : i32
      %dma_wait3A_807 = arith.constant 0 : i32
      %dma_wait3A_808 = tpu.memref_slice %arg9[%add3A_806, %dma_wait3A_807] : memref<32x64xi32, #tpu.memory_space<vmem>> -> memref<1x64xi32, #tpu.memory_space<vmem>>
      %dma_wait3A_809 = tpu.memref_squeeze %dma_wait3A_808 : memref<1x64xi32, #tpu.memory_space<vmem>> -> memref<64xi32, #tpu.memory_space<vmem>>
      %dma_wait3A_810 = arith.constant 0 : i32
      %dma_wait3A_811 = arith.constant 0 : i32
      %dma_wait3A_812 = tpu.memref_slice %arg14[%dma_wait3A_810, %dma_wait3A_811] : memref<10240x128xf32, #tpu.memory_space<vmem_shared>> -> memref<10240x128xf32, #tpu.memory_space<vmem_shared>>
      tpu.wait_indirect_dma semaphore(%arg19 : memref<!tpu.dma_semaphore, #tpu.memory_space<semaphore_mem>>) src(%arg10 : memref<64x128xf32, #tpu.memory_space<vmem>>) dst(%dma_wait3A_812 : memref<10240x128xf32, #tpu.memory_space<vmem_shared>>)
      %add3A_813 = arith.constant 0 : i32
      %add3A_814 = arith.addi %mul3A_740, %add3A_813 : i32
      %add3A_815 = arith.constant 4 : i32
      %add3A_816 = arith.addi %add3A_814, %add3A_815 : i32
      %dma_start3A_817 = arith.constant 0 : i32
      %dma_start3A_818 = tpu.memref_slice %arg7[%add3A_816, %dma_start3A_817] : memref<32x64xi32, #tpu.memory_space<vmem>> -> memref<1x64xi32, #tpu.memory_space<vmem>>
      %dma_start3A_819 = tpu.memref_squeeze %dma_start3A_818 : memref<1x64xi32, #tpu.memory_space<vmem>> -> memref<64xi32, #tpu.memory_space<vmem>>
      %dma_start3A_820 = arith.constant 0 : i32
      %dma_start3A_821 = arith.constant 0 : i32
      %dma_start3A_822 = tpu.memref_slice %arg2[%dma_start3A_820, %dma_start3A_821] : memref<10000x128xf32, #tpu.memory_space<hbm>> -> memref<10000x128xf32, #tpu.memory_space<hbm>>
      tpu.enqueue_indirect_dma source(%dma_start3A_822 : memref<10000x128xf32, #tpu.memory_space<hbm>>) target(%arg10 : memref<64x128xf32, #tpu.memory_space<vmem>>) offsets(%dma_start3A_819 : memref<64xi32, #tpu.memory_space<vmem>>) semaphore(%arg15 : memref<!tpu.dma_semaphore, #tpu.memory_space<semaphore_mem>>)
      %add3A_823 = arith.constant 1 : i32
      %add3A_824 = arith.addi %mul3A_740, %add3A_823 : i32
      %dma_wait3A_825 = arith.constant 0 : i32
      %dma_wait3A_826 = tpu.memref_slice %arg9[%add3A_824, %dma_wait3A_825] : memref<32x64xi32, #tpu.memory_space<vmem>> -> memref<1x64xi32, #tpu.memory_space<vmem>>
      %dma_wait3A_827 = tpu.memref_squeeze %dma_wait3A_826 : memref<1x64xi32, #tpu.memory_space<vmem>> -> memref<64xi32, #tpu.memory_space<vmem>>
      %dma_wait3A_828 = arith.constant 0 : i32
      %dma_wait3A_829 = arith.constant 0 : i32
      %dma_wait3A_830 = tpu.memref_slice %arg14[%dma_wait3A_828, %dma_wait3A_829] : memref<10240x128xf32, #tpu.memory_space<vmem_shared>> -> memref<10240x128xf32, #tpu.memory_space<vmem_shared>>
      tpu.wait_indirect_dma semaphore(%arg20 : memref<!tpu.dma_semaphore, #tpu.memory_space<semaphore_mem>>) src(%arg11 : memref<64x128xf32, #tpu.memory_space<vmem>>) dst(%dma_wait3A_830 : memref<10240x128xf32, #tpu.memory_space<vmem_shared>>)
      %add3A_831 = arith.constant 1 : i32
      %add3A_832 = arith.addi %mul3A_740, %add3A_831 : i32
      %add3A_833 = arith.constant 4 : i32
      %add3A_834 = arith.addi %add3A_832, %add3A_833 : i32
      %dma_start3A_835 = arith.constant 0 : i32
      %dma_start3A_836 = tpu.memref_slice %arg7[%add3A_834, %dma_start3A_835] : memref<32x64xi32, #tpu.memory_space<vmem>> -> memref<1x64xi32, #tpu.memory_space<vmem>>
      %dma_start3A_837 = tpu.memref_squeeze %dma_start3A_836 : memref<1x64xi32, #tpu.memory_space<vmem>> -> memref<64xi32, #tpu.memory_space<vmem>>
      %dma_start3A_838 = arith.constant 0 : i32
      %dma_start3A_839 = arith.constant 0 : i32
      %dma_start3A_840 = tpu.memref_slice %arg2[%dma_start3A_838, %dma_start3A_839] : memref<10000x128xf32, #tpu.memory_space<hbm>> -> memref<10000x128xf32, #tpu.memory_space<hbm>>
      tpu.enqueue_indirect_dma source(%dma_start3A_840 : memref<10000x128xf32, #tpu.memory_space<hbm>>) target(%arg11 : memref<64x128xf32, #tpu.memory_space<vmem>>) offsets(%dma_start3A_837 : memref<64xi32, #tpu.memory_space<vmem>>) semaphore(%arg16 : memref<!tpu.dma_semaphore, #tpu.memory_space<semaphore_mem>>)
      %add3A_841 = arith.constant 2 : i32
      %add3A_842 = arith.addi %mul3A_740, %add3A_841 : i32
      %dma_wait3A_843 = arith.constant 0 : i32
      %dma_wait3A_844 = tpu.memref_slice %arg9[%add3A_842, %dma_wait3A_843] : memref<32x64xi32, #tpu.memory_space<vmem>> -> memref<1x64xi32, #tpu.memory_space<vmem>>
      %dma_wait3A_845 = tpu.memref_squeeze %dma_wait3A_844 : memref<1x64xi32, #tpu.memory_space<vmem>> -> memref<64xi32, #tpu.memory_space<vmem>>
      %dma_wait3A_846 = arith.constant 0 : i32
      %dma_wait3A_847 = arith.constant 0 : i32
      %dma_wait3A_848 = tpu.memref_slice %arg14[%dma_wait3A_846, %dma_wait3A_847] : memref<10240x128xf32, #tpu.memory_space<vmem_shared>> -> memref<10240x128xf32, #tpu.memory_space<vmem_shared>>
      tpu.wait_indirect_dma semaphore(%arg21 : memref<!tpu.dma_semaphore, #tpu.memory_space<semaphore_mem>>) src(%arg12 : memref<64x128xf32, #tpu.memory_space<vmem>>) dst(%dma_wait3A_848 : memref<10240x128xf32, #tpu.memory_space<vmem_shared>>)
      %add3A_849 = arith.constant 2 : i32
      %add3A_850 = arith.addi %mul3A_740, %add3A_849 : i32
      %add3A_851 = arith.constant 4 : i32
      %add3A_852 = arith.addi %add3A_850, %add3A_851 : i32
      %dma_start3A_853 = arith.constant 0 : i32
      %dma_start3A_854 = tpu.memref_slice %arg7[%add3A_852, %dma_start3A_853] : memref<32x64xi32, #tpu.memory_space<vmem>> -> memref<1x64xi32, #tpu.memory_space<vmem>>
      %dma_start3A_855 = tpu.memref_squeeze %dma_start3A_854 : memref<1x64xi32, #tpu.memory_space<vmem>> -> memref<64xi32, #tpu.memory_space<vmem>>
      %dma_start3A_856 = arith.constant 0 : i32
      %dma_start3A_857 = arith.constant 0 : i32
      %dma_start3A_858 = tpu.memref_slice %arg2[%dma_start3A_856, %dma_start3A_857] : memref<10000x128xf32, #tpu.memory_space<hbm>> -> memref<10000x128xf32, #tpu.memory_space<hbm>>
      tpu.enqueue_indirect_dma source(%dma_start3A_858 : memref<10000x128xf32, #tpu.memory_space<hbm>>) target(%arg12 : memref<64x128xf32, #tpu.memory_space<vmem>>) offsets(%dma_start3A_855 : memref<64xi32, #tpu.memory_space<vmem>>) semaphore(%arg17 : memref<!tpu.dma_semaphore, #tpu.memory_space<semaphore_mem>>)
      %add3A_859 = arith.constant 3 : i32
      %add3A_860 = arith.addi %mul3A_740, %add3A_859 : i32
      %dma_wait3A_861 = arith.constant 0 : i32
      %dma_wait3A_862 = tpu.memref_slice %arg9[%add3A_860, %dma_wait3A_861] : memref<32x64xi32, #tpu.memory_space<vmem>> -> memref<1x64xi32, #tpu.memory_space<vmem>>
      %dma_wait3A_863 = tpu.memref_squeeze %dma_wait3A_862 : memref<1x64xi32, #tpu.memory_space<vmem>> -> memref<64xi32, #tpu.memory_space<vmem>>
      %dma_wait3A_864 = arith.constant 0 : i32
      %dma_wait3A_865 = arith.constant 0 : i32
      %dma_wait3A_866 = tpu.memref_slice %arg14[%dma_wait3A_864, %dma_wait3A_865] : memref<10240x128xf32, #tpu.memory_space<vmem_shared>> -> memref<10240x128xf32, #tpu.memory_space<vmem_shared>>
      tpu.wait_indirect_dma semaphore(%arg22 : memref<!tpu.dma_semaphore, #tpu.memory_space<semaphore_mem>>) src(%arg13 : memref<64x128xf32, #tpu.memory_space<vmem>>) dst(%dma_wait3A_866 : memref<10240x128xf32, #tpu.memory_space<vmem_shared>>)
      %add3A_867 = arith.constant 3 : i32
      %add3A_868 = arith.addi %mul3A_740, %add3A_867 : i32
      %add3A_869 = arith.constant 4 : i32
      %add3A_870 = arith.addi %add3A_868, %add3A_869 : i32
      %dma_start3A_871 = arith.constant 0 : i32
      %dma_start3A_872 = tpu.memref_slice %arg7[%add3A_870, %dma_start3A_871] : memref<32x64xi32, #tpu.memory_space<vmem>> -> memref<1x64xi32, #tpu.memory_space<vmem>>
      %dma_start3A_873 = tpu.memref_squeeze %dma_start3A_872 : memref<1x64xi32, #tpu.memory_space<vmem>> -> memref<64xi32, #tpu.memory_space<vmem>>
      %dma_start3A_874 = arith.constant 0 : i32
      %dma_start3A_875 = arith.constant 0 : i32
      %dma_start3A_876 = tpu.memref_slice %arg2[%dma_start3A_874, %dma_start3A_875] : memref<10000x128xf32, #tpu.memory_space<hbm>> -> memref<10000x128xf32, #tpu.memory_space<hbm>>
      tpu.enqueue_indirect_dma source(%dma_start3A_876 : memref<10000x128xf32, #tpu.memory_space<hbm>>) target(%arg13 : memref<64x128xf32, #tpu.memory_space<vmem>>) offsets(%dma_start3A_873 : memref<64xi32, #tpu.memory_space<vmem>>) semaphore(%arg18 : memref<!tpu.dma_semaphore, #tpu.memory_space<semaphore_mem>>)
    }
    %scan3A_234 = arith.constant 7 : i32
    %add3A_235 = arith.constant 64 : i32
    %add3A_236 = arith.addi %mul3A_2, %add3A_235 : i32
    %dma_wait3A_237 = arith.constant 0 : i32
    %dma_wait3A_238 = tpu.memref_slice %arg3[%add3A_236, %dma_wait3A_237] : memref<5120x64xi32, #tpu.memory_space<hbm>> -> memref<32x64xi32, #tpu.memory_space<hbm>>
    %dma_wait3A_239 = arith.constant 0 : i32
    %dma_wait3A_240 = tpu.memref_slice %arg3[%add3A_236, %dma_wait3A_239] : memref<5120x64xi32, #tpu.memory_space<hbm>> -> memref<32x64xi32, #tpu.memory_space<hbm>>
    tpu.wait_dma2 semaphore(%arg23 : memref<!tpu.dma_semaphore, #tpu.memory_space<semaphore_mem>>) src(%dma_wait3A_240 : memref<32x64xi32, #tpu.memory_space<hbm>>) dst(%arg6 : memref<32x64xi32, #tpu.memory_space<vmem>>)
    %add3A_241 = arith.constant 64 : i32
    %add3A_242 = arith.addi %mul3A_2, %add3A_241 : i32
    %dma_wait3A_243 = arith.constant 0 : i32
    %dma_wait3A_244 = tpu.memref_slice %arg4[%add3A_242, %dma_wait3A_243] : memref<5120x64xi32, #tpu.memory_space<hbm>> -> memref<32x64xi32, #tpu.memory_space<hbm>>
    %dma_wait3A_245 = arith.constant 0 : i32
    %dma_wait3A_246 = tpu.memref_slice %arg4[%add3A_242, %dma_wait3A_245] : memref<5120x64xi32, #tpu.memory_space<hbm>> -> memref<32x64xi32, #tpu.memory_space<hbm>>
    tpu.wait_dma2 semaphore(%arg23 : memref<!tpu.dma_semaphore, #tpu.memory_space<semaphore_mem>>) src(%dma_wait3A_246 : memref<32x64xi32, #tpu.memory_space<hbm>>) dst(%arg8 : memref<32x64xi32, #tpu.memory_space<vmem>>)
    %dma_wait3A_247 = arith.constant 28 : i32
    %dma_wait3A_248 = arith.constant 0 : i32
    %dma_wait3A_249 = tpu.memref_slice %arg7[%dma_wait3A_247, %dma_wait3A_248] : memref<32x64xi32, #tpu.memory_space<vmem>> -> memref<1x64xi32, #tpu.memory_space<vmem>>
    %dma_wait3A_250 = tpu.memref_squeeze %dma_wait3A_249 : memref<1x64xi32, #tpu.memory_space<vmem>> -> memref<64xi32, #tpu.memory_space<vmem>>
    %dma_wait3A_251 = arith.constant 0 : i32
    %dma_wait3A_252 = arith.constant 0 : i32
    %dma_wait3A_253 = tpu.memref_slice %arg2[%dma_wait3A_251, %dma_wait3A_252] : memref<10000x128xf32, #tpu.memory_space<hbm>> -> memref<10000x128xf32, #tpu.memory_space<hbm>>
    tpu.wait_indirect_dma semaphore(%arg15 : memref<!tpu.dma_semaphore, #tpu.memory_space<semaphore_mem>>) src(%dma_wait3A_253 : memref<10000x128xf32, #tpu.memory_space<hbm>>) dst(%arg10 : memref<64x128xf32, #tpu.memory_space<vmem>>)
    %dma_start3A_254 = arith.constant 28 : i32
    %dma_start3A_255 = arith.constant 0 : i32
    %dma_start3A_256 = tpu.memref_slice %arg9[%dma_start3A_254, %dma_start3A_255] : memref<32x64xi32, #tpu.memory_space<vmem>> -> memref<1x64xi32, #tpu.memory_space<vmem>>
    %dma_start3A_257 = tpu.memref_squeeze %dma_start3A_256 : memref<1x64xi32, #tpu.memory_space<vmem>> -> memref<64xi32, #tpu.memory_space<vmem>>
    %dma_start3A_258 = arith.constant 0 : i32
    %dma_start3A_259 = arith.constant 0 : i32
    %dma_start3A_260 = tpu.memref_slice %arg14[%dma_start3A_258, %dma_start3A_259] : memref<10240x128xf32, #tpu.memory_space<vmem_shared>> -> memref<10240x128xf32, #tpu.memory_space<vmem_shared>>
    tpu.enqueue_indirect_dma source(%arg10 : memref<64x128xf32, #tpu.memory_space<vmem>>) target(%dma_start3A_260 : memref<10240x128xf32, #tpu.memory_space<vmem_shared>>) offsets(%dma_start3A_257 : memref<64xi32, #tpu.memory_space<vmem>>) semaphore(%arg19 : memref<!tpu.dma_semaphore, #tpu.memory_space<semaphore_mem>>) {add = true}
    %dma_wait3A_261 = arith.constant 29 : i32
    %dma_wait3A_262 = arith.constant 0 : i32
    %dma_wait3A_263 = tpu.memref_slice %arg7[%dma_wait3A_261, %dma_wait3A_262] : memref<32x64xi32, #tpu.memory_space<vmem>> -> memref<1x64xi32, #tpu.memory_space<vmem>>
    %dma_wait3A_264 = tpu.memref_squeeze %dma_wait3A_263 : memref<1x64xi32, #tpu.memory_space<vmem>> -> memref<64xi32, #tpu.memory_space<vmem>>
    %dma_wait3A_265 = arith.constant 0 : i32
    %dma_wait3A_266 = arith.constant 0 : i32
    %dma_wait3A_267 = tpu.memref_slice %arg2[%dma_wait3A_265, %dma_wait3A_266] : memref<10000x128xf32, #tpu.memory_space<hbm>> -> memref<10000x128xf32, #tpu.memory_space<hbm>>
    tpu.wait_indirect_dma semaphore(%arg16 : memref<!tpu.dma_semaphore, #tpu.memory_space<semaphore_mem>>) src(%dma_wait3A_267 : memref<10000x128xf32, #tpu.memory_space<hbm>>) dst(%arg11 : memref<64x128xf32, #tpu.memory_space<vmem>>)
    %dma_start3A_268 = arith.constant 29 : i32
    %dma_start3A_269 = arith.constant 0 : i32
    %dma_start3A_270 = tpu.memref_slice %arg9[%dma_start3A_268, %dma_start3A_269] : memref<32x64xi32, #tpu.memory_space<vmem>> -> memref<1x64xi32, #tpu.memory_space<vmem>>
    %dma_start3A_271 = tpu.memref_squeeze %dma_start3A_270 : memref<1x64xi32, #tpu.memory_space<vmem>> -> memref<64xi32, #tpu.memory_space<vmem>>
    %dma_start3A_272 = arith.constant 0 : i32
    %dma_start3A_273 = arith.constant 0 : i32
    %dma_start3A_274 = tpu.memref_slice %arg14[%dma_start3A_272, %dma_start3A_273] : memref<10240x128xf32, #tpu.memory_space<vmem_shared>> -> memref<10240x128xf32, #tpu.memory_space<vmem_shared>>
    tpu.enqueue_indirect_dma source(%arg11 : memref<64x128xf32, #tpu.memory_space<vmem>>) target(%dma_start3A_274 : memref<10240x128xf32, #tpu.memory_space<vmem_shared>>) offsets(%dma_start3A_271 : memref<64xi32, #tpu.memory_space<vmem>>) semaphore(%arg20 : memref<!tpu.dma_semaphore, #tpu.memory_space<semaphore_mem>>) {add = true}
    %dma_wait3A_275 = arith.constant 30 : i32
    %dma_wait3A_276 = arith.constant 0 : i32
    %dma_wait3A_277 = tpu.memref_slice %arg7[%dma_wait3A_275, %dma_wait3A_276] : memref<32x64xi32, #tpu.memory_space<vmem>> -> memref<1x64xi32, #tpu.memory_space<vmem>>
    %dma_wait3A_278 = tpu.memref_squeeze %dma_wait3A_277 : memref<1x64xi32, #tpu.memory_space<vmem>> -> memref<64xi32, #tpu.memory_space<vmem>>
    %dma_wait3A_279 = arith.constant 0 : i32
    %dma_wait3A_280 = arith.constant 0 : i32
    %dma_wait3A_281 = tpu.memref_slice %arg2[%dma_wait3A_279, %dma_wait3A_280] : memref<10000x128xf32, #tpu.memory_space<hbm>> -> memref<10000x128xf32, #tpu.memory_space<hbm>>
    tpu.wait_indirect_dma semaphore(%arg17 : memref<!tpu.dma_semaphore, #tpu.memory_space<semaphore_mem>>) src(%dma_wait3A_281 : memref<10000x128xf32, #tpu.memory_space<hbm>>) dst(%arg12 : memref<64x128xf32, #tpu.memory_space<vmem>>)
    %dma_start3A_282 = arith.constant 30 : i32
    %dma_start3A_283 = arith.constant 0 : i32
    %dma_start3A_284 = tpu.memref_slice %arg9[%dma_start3A_282, %dma_start3A_283] : memref<32x64xi32, #tpu.memory_space<vmem>> -> memref<1x64xi32, #tpu.memory_space<vmem>>
    %dma_start3A_285 = tpu.memref_squeeze %dma_start3A_284 : memref<1x64xi32, #tpu.memory_space<vmem>> -> memref<64xi32, #tpu.memory_space<vmem>>
    %dma_start3A_286 = arith.constant 0 : i32
    %dma_start3A_287 = arith.constant 0 : i32
    %dma_start3A_288 = tpu.memref_slice %arg14[%dma_start3A_286, %dma_start3A_287] : memref<10240x128xf32, #tpu.memory_space<vmem_shared>> -> memref<10240x128xf32, #tpu.memory_space<vmem_shared>>
    tpu.enqueue_indirect_dma source(%arg12 : memref<64x128xf32, #tpu.memory_space<vmem>>) target(%dma_start3A_288 : memref<10240x128xf32, #tpu.memory_space<vmem_shared>>) offsets(%dma_start3A_285 : memref<64xi32, #tpu.memory_space<vmem>>) semaphore(%arg21 : memref<!tpu.dma_semaphore, #tpu.memory_space<semaphore_mem>>) {add = true}
    %dma_wait3A_289 = arith.constant 31 : i32
    %dma_wait3A_290 = arith.constant 0 : i32
    %dma_wait3A_291 = tpu.memref_slice %arg7[%dma_wait3A_289, %dma_wait3A_290] : memref<32x64xi32, #tpu.memory_space<vmem>> -> memref<1x64xi32, #tpu.memory_space<vmem>>
    %dma_wait3A_292 = tpu.memref_squeeze %dma_wait3A_291 : memref<1x64xi32, #tpu.memory_space<vmem>> -> memref<64xi32, #tpu.memory_space<vmem>>
    %dma_wait3A_293 = arith.constant 0 : i32
    %dma_wait3A_294 = arith.constant 0 : i32
    %dma_wait3A_295 = tpu.memref_slice %arg2[%dma_wait3A_293, %dma_wait3A_294] : memref<10000x128xf32, #tpu.memory_space<hbm>> -> memref<10000x128xf32, #tpu.memory_space<hbm>>
    tpu.wait_indirect_dma semaphore(%arg18 : memref<!tpu.dma_semaphore, #tpu.memory_space<semaphore_mem>>) src(%dma_wait3A_295 : memref<10000x128xf32, #tpu.memory_space<hbm>>) dst(%arg13 : memref<64x128xf32, #tpu.memory_space<vmem>>)
    %dma_start3A_296 = arith.constant 31 : i32
    %dma_start3A_297 = arith.constant 0 : i32
    %dma_start3A_298 = tpu.memref_slice %arg9[%dma_start3A_296, %dma_start3A_297] : memref<32x64xi32, #tpu.memory_space<vmem>> -> memref<1x64xi32, #tpu.memory_space<vmem>>
    %dma_start3A_299 = tpu.memref_squeeze %dma_start3A_298 : memref<1x64xi32, #tpu.memory_space<vmem>> -> memref<64xi32, #tpu.memory_space<vmem>>
    %dma_start3A_300 = arith.constant 0 : i32
    %dma_start3A_301 = arith.constant 0 : i32
    %dma_start3A_302 = tpu.memref_slice %arg14[%dma_start3A_300, %dma_start3A_301] : memref<10240x128xf32, #tpu.memory_space<vmem_shared>> -> memref<10240x128xf32, #tpu.memory_space<vmem_shared>>
    tpu.enqueue_indirect_dma source(%arg13 : memref<64x128xf32, #tpu.memory_space<vmem>>) target(%dma_start3A_302 : memref<10240x128xf32, #tpu.memory_space<vmem_shared>>) offsets(%dma_start3A_299 : memref<64xi32, #tpu.memory_space<vmem>>) semaphore(%arg22 : memref<!tpu.dma_semaphore, #tpu.memory_space<semaphore_mem>>) {add = true}
    %dma_wait3A_303 = arith.constant 28 : i32
    %dma_wait3A_304 = arith.constant 0 : i32
    %dma_wait3A_305 = tpu.memref_slice %arg9[%dma_wait3A_303, %dma_wait3A_304] : memref<32x64xi32, #tpu.memory_space<vmem>> -> memref<1x64xi32, #tpu.memory_space<vmem>>
    %dma_wait3A_306 = tpu.memref_squeeze %dma_wait3A_305 : memref<1x64xi32, #tpu.memory_space<vmem>> -> memref<64xi32, #tpu.memory_space<vmem>>
    %dma_wait3A_307 = arith.constant 0 : i32
    %dma_wait3A_308 = arith.constant 0 : i32
    %dma_wait3A_309 = tpu.memref_slice %arg14[%dma_wait3A_307, %dma_wait3A_308] : memref<10240x128xf32, #tpu.memory_space<vmem_shared>> -> memref<10240x128xf32, #tpu.memory_space<vmem_shared>>
    tpu.wait_indirect_dma semaphore(%arg19 : memref<!tpu.dma_semaphore, #tpu.memory_space<semaphore_mem>>) src(%arg10 : memref<64x128xf32, #tpu.memory_space<vmem>>) dst(%dma_wait3A_309 : memref<10240x128xf32, #tpu.memory_space<vmem_shared>>)
    %dma_start3A_310 = arith.constant 0 : i32
    %dma_start3A_311 = arith.constant 0 : i32
    %dma_start3A_312 = tpu.memref_slice %arg6[%dma_start3A_310, %dma_start3A_311] : memref<32x64xi32, #tpu.memory_space<vmem>> -> memref<1x64xi32, #tpu.memory_space<vmem>>
    %dma_start3A_313 = tpu.memref_squeeze %dma_start3A_312 : memref<1x64xi32, #tpu.memory_space<vmem>> -> memref<64xi32, #tpu.memory_space<vmem>>
    %dma_start3A_314 = arith.constant 0 : i32
    %dma_start3A_315 = arith.constant 0 : i32
    %dma_start3A_316 = tpu.memref_slice %arg2[%dma_start3A_314, %dma_start3A_315] : memref<10000x128xf32, #tpu.memory_space<hbm>> -> memref<10000x128xf32, #tpu.memory_space<hbm>>
    tpu.enqueue_indirect_dma source(%dma_start3A_316 : memref<10000x128xf32, #tpu.memory_space<hbm>>) target(%arg10 : memref<64x128xf32, #tpu.memory_space<vmem>>) offsets(%dma_start3A_313 : memref<64xi32, #tpu.memory_space<vmem>>) semaphore(%arg15 : memref<!tpu.dma_semaphore, #tpu.memory_space<semaphore_mem>>)
    %dma_wait3A_317 = arith.constant 29 : i32
    %dma_wait3A_318 = arith.constant 0 : i32
    %dma_wait3A_319 = tpu.memref_slice %arg9[%dma_wait3A_317, %dma_wait3A_318] : memref<32x64xi32, #tpu.memory_space<vmem>> -> memref<1x64xi32, #tpu.memory_space<vmem>>
    %dma_wait3A_320 = tpu.memref_squeeze %dma_wait3A_319 : memref<1x64xi32, #tpu.memory_space<vmem>> -> memref<64xi32, #tpu.memory_space<vmem>>
    %dma_wait3A_321 = arith.constant 0 : i32
    %dma_wait3A_322 = arith.constant 0 : i32
    %dma_wait3A_323 = tpu.memref_slice %arg14[%dma_wait3A_321, %dma_wait3A_322] : memref<10240x128xf32, #tpu.memory_space<vmem_shared>> -> memref<10240x128xf32, #tpu.memory_space<vmem_shared>>
    tpu.wait_indirect_dma semaphore(%arg20 : memref<!tpu.dma_semaphore, #tpu.memory_space<semaphore_mem>>) src(%arg11 : memref<64x128xf32, #tpu.memory_space<vmem>>) dst(%dma_wait3A_323 : memref<10240x128xf32, #tpu.memory_space<vmem_shared>>)
    %dma_start3A_324 = arith.constant 1 : i32
    %dma_start3A_325 = arith.constant 0 : i32
    %dma_start3A_326 = tpu.memref_slice %arg6[%dma_start3A_324, %dma_start3A_325] : memref<32x64xi32, #tpu.memory_space<vmem>> -> memref<1x64xi32, #tpu.memory_space<vmem>>
    %dma_start3A_327 = tpu.memref_squeeze %dma_start3A_326 : memref<1x64xi32, #tpu.memory_space<vmem>> -> memref<64xi32, #tpu.memory_space<vmem>>
    %dma_start3A_328 = arith.constant 0 : i32
    %dma_start3A_329 = arith.constant 0 : i32
    %dma_start3A_330 = tpu.memref_slice %arg2[%dma_start3A_328, %dma_start3A_329] : memref<10000x128xf32, #tpu.memory_space<hbm>> -> memref<10000x128xf32, #tpu.memory_space<hbm>>
    tpu.enqueue_indirect_dma source(%dma_start3A_330 : memref<10000x128xf32, #tpu.memory_space<hbm>>) target(%arg11 : memref<64x128xf32, #tpu.memory_space<vmem>>) offsets(%dma_start3A_327 : memref<64xi32, #tpu.memory_space<vmem>>) semaphore(%arg16 : memref<!tpu.dma_semaphore, #tpu.memory_space<semaphore_mem>>)
    %dma_wait3A_331 = arith.constant 30 : i32
    %dma_wait3A_332 = arith.constant 0 : i32
    %dma_wait3A_333 = tpu.memref_slice %arg9[%dma_wait3A_331, %dma_wait3A_332] : memref<32x64xi32, #tpu.memory_space<vmem>> -> memref<1x64xi32, #tpu.memory_space<vmem>>
    %dma_wait3A_334 = tpu.memref_squeeze %dma_wait3A_333 : memref<1x64xi32, #tpu.memory_space<vmem>> -> memref<64xi32, #tpu.memory_space<vmem>>
    %dma_wait3A_335 = arith.constant 0 : i32
    %dma_wait3A_336 = arith.constant 0 : i32
    %dma_wait3A_337 = tpu.memref_slice %arg14[%dma_wait3A_335, %dma_wait3A_336] : memref<10240x128xf32, #tpu.memory_space<vmem_shared>> -> memref<10240x128xf32, #tpu.memory_space<vmem_shared>>
    tpu.wait_indirect_dma semaphore(%arg21 : memref<!tpu.dma_semaphore, #tpu.memory_space<semaphore_mem>>) src(%arg12 : memref<64x128xf32, #tpu.memory_space<vmem>>) dst(%dma_wait3A_337 : memref<10240x128xf32, #tpu.memory_space<vmem_shared>>)
    %dma_start3A_338 = arith.constant 2 : i32
    %dma_start3A_339 = arith.constant 0 : i32
    %dma_start3A_340 = tpu.memref_slice %arg6[%dma_start3A_338, %dma_start3A_339] : memref<32x64xi32, #tpu.memory_space<vmem>> -> memref<1x64xi32, #tpu.memory_space<vmem>>
    %dma_start3A_341 = tpu.memref_squeeze %dma_start3A_340 : memref<1x64xi32, #tpu.memory_space<vmem>> -> memref<64xi32, #tpu.memory_space<vmem>>
    %dma_start3A_342 = arith.constant 0 : i32
    %dma_start3A_343 = arith.constant 0 : i32
    %dma_start3A_344 = tpu.memref_slice %arg2[%dma_start3A_342, %dma_start3A_343] : memref<10000x128xf32, #tpu.memory_space<hbm>> -> memref<10000x128xf32, #tpu.memory_space<hbm>>
    tpu.enqueue_indirect_dma source(%dma_start3A_344 : memref<10000x128xf32, #tpu.memory_space<hbm>>) target(%arg12 : memref<64x128xf32, #tpu.memory_space<vmem>>) offsets(%dma_start3A_341 : memref<64xi32, #tpu.memory_space<vmem>>) semaphore(%arg17 : memref<!tpu.dma_semaphore, #tpu.memory_space<semaphore_mem>>)
    %dma_wait3A_345 = arith.constant 31 : i32
    %dma_wait3A_346 = arith.constant 0 : i32
    %dma_wait3A_347 = tpu.memref_slice %arg9[%dma_wait3A_345, %dma_wait3A_346] : memref<32x64xi32, #tpu.memory_space<vmem>> -> memref<1x64xi32, #tpu.memory_space<vmem>>
    %dma_wait3A_348 = tpu.memref_squeeze %dma_wait3A_347 : memref<1x64xi32, #tpu.memory_space<vmem>> -> memref<64xi32, #tpu.memory_space<vmem>>
    %dma_wait3A_349 = arith.constant 0 : i32
    %dma_wait3A_350 = arith.constant 0 : i32
    %dma_wait3A_351 = tpu.memref_slice %arg14[%dma_wait3A_349, %dma_wait3A_350] : memref<10240x128xf32, #tpu.memory_space<vmem_shared>> -> memref<10240x128xf32, #tpu.memory_space<vmem_shared>>
    tpu.wait_indirect_dma semaphore(%arg22 : memref<!tpu.dma_semaphore, #tpu.memory_space<semaphore_mem>>) src(%arg13 : memref<64x128xf32, #tpu.memory_space<vmem>>) dst(%dma_wait3A_351 : memref<10240x128xf32, #tpu.memory_space<vmem_shared>>)
    %dma_start3A_352 = arith.constant 3 : i32
    %dma_start3A_353 = arith.constant 0 : i32
    %dma_start3A_354 = tpu.memref_slice %arg6[%dma_start3A_352, %dma_start3A_353] : memref<32x64xi32, #tpu.memory_space<vmem>> -> memref<1x64xi32, #tpu.memory_space<vmem>>
    %dma_start3A_355 = tpu.memref_squeeze %dma_start3A_354 : memref<1x64xi32, #tpu.memory_space<vmem>> -> memref<64xi32, #tpu.memory_space<vmem>>
    %dma_start3A_356 = arith.constant 0 : i32
    %dma_start3A_357 = arith.constant 0 : i32
    %dma_start3A_358 = tpu.memref_slice %arg2[%dma_start3A_356, %dma_start3A_357] : memref<10000x128xf32, #tpu.memory_space<hbm>> -> memref<10000x128xf32, #tpu.memory_space<hbm>>
    tpu.enqueue_indirect_dma source(%dma_start3A_358 : memref<10000x128xf32, #tpu.memory_space<hbm>>) target(%arg13 : memref<64x128xf32, #tpu.memory_space<vmem>>) offsets(%dma_start3A_355 : memref<64xi32, #tpu.memory_space<vmem>>) semaphore(%arg18 : memref<!tpu.dma_semaphore, #tpu.memory_space<semaphore_mem>>)
    %add3A_359 = arith.constant 96 : i32
    %add3A_360 = arith.addi %mul3A_2, %add3A_359 : i32
    %dma_start3A_361 = arith.constant 0 : i32
    %dma_start3A_362 = tpu.memref_slice %arg3[%add3A_360, %dma_start3A_361] : memref<5120x64xi32, #tpu.memory_space<hbm>> -> memref<32x64xi32, #tpu.memory_space<hbm>>
    %dma_start3A_363 = arith.constant 0 : i32
    %dma_start3A_364 = tpu.memref_slice %arg3[%add3A_360, %dma_start3A_363] : memref<5120x64xi32, #tpu.memory_space<hbm>> -> memref<32x64xi32, #tpu.memory_space<hbm>>
    tpu.enqueue_dma source(%dma_start3A_364 : memref<32x64xi32, #tpu.memory_space<hbm>>) target(%arg7 : memref<32x64xi32, #tpu.memory_space<vmem>>) target_semaphore(%arg24 : memref<!tpu.dma_semaphore, #tpu.memory_space<semaphore_mem>>)
    %add3A_365 = arith.constant 96 : i32
    %add3A_366 = arith.addi %mul3A_2, %add3A_365 : i32
    %dma_start3A_367 = arith.constant 0 : i32
    %dma_start3A_368 = tpu.memref_slice %arg4[%add3A_366, %dma_start3A_367] : memref<5120x64xi32, #tpu.memory_space<hbm>> -> memref<32x64xi32, #tpu.memory_space<hbm>>
    %dma_start3A_369 = arith.constant 0 : i32
    %dma_start3A_370 = tpu.memref_slice %arg4[%add3A_366, %dma_start3A_369] : memref<5120x64xi32, #tpu.memory_space<hbm>> -> memref<32x64xi32, #tpu.memory_space<hbm>>
    tpu.enqueue_dma source(%dma_start3A_370 : memref<32x64xi32, #tpu.memory_space<hbm>>) target(%arg9 : memref<32x64xi32, #tpu.memory_space<vmem>>) target_semaphore(%arg24 : memref<!tpu.dma_semaphore, #tpu.memory_space<semaphore_mem>>)
    %scan3A_371 = arith.constant 0 : i32
    %scan3A_372 = arith.constant 0 : i32
    %scan3A_373 = arith.constant 7 : i32
    %scan3A_374 = arith.addi %scan3A_372, %scan3A_373 : i32
    %scan3A_375 = arith.constant 1 : i32
    scf.for %scan3A_738 = %scan3A_372 to %scan3A_374 step %scan3A_375  : i32 {
      %mul3A_739 = arith.constant 4 : i32
      %mul3A_740 = arith.muli %mul3A_739, %scan3A_738 : i32
      %add3A_741 = arith.constant 0 : i32
      %add3A_742 = arith.addi %mul3A_740, %add3A_741 : i32
      %dma_wait3A_743 = arith.constant 0 : i32
      %dma_wait3A_744 = tpu.memref_slice %arg6[%add3A_742, %dma_wait3A_743] : memref<32x64xi32, #tpu.memory_space<vmem>> -> memref<1x64xi32, #tpu.memory_space<vmem>>
      %dma_wait3A_745 = tpu.memref_squeeze %dma_wait3A_744 : memref<1x64xi32, #tpu.memory_space<vmem>> -> memref<64xi32, #tpu.memory_space<vmem>>
      %dma_wait3A_746 = arith.constant 0 : i32
      %dma_wait3A_747 = arith.constant 0 : i32
      %dma_wait3A_748 = tpu.memref_slice %arg2[%dma_wait3A_746, %dma_wait3A_747] : memref<10000x128xf32, #tpu.memory_space<hbm>> -> memref<10000x128xf32, #tpu.memory_space<hbm>>
      tpu.wait_indirect_dma semaphore(%arg15 : memref<!tpu.dma_semaphore, #tpu.memory_space<semaphore_mem>>) src(%dma_wait3A_748 : memref<10000x128xf32, #tpu.memory_space<hbm>>) dst(%arg10 : memref<64x128xf32, #tpu.memory_space<vmem>>)
      %add3A_749 = arith.constant 0 : i32
      %add3A_750 = arith.addi %mul3A_740, %add3A_749 : i32
      %dma_start3A_751 = arith.constant 0 : i32
      %dma_start3A_752 = tpu.memref_slice %arg8[%add3A_750, %dma_start3A_751] : memref<32x64xi32, #tpu.memory_space<vmem>> -> memref<1x64xi32, #tpu.memory_space<vmem>>
      %dma_start3A_753 = tpu.memref_squeeze %dma_start3A_752 : memref<1x64xi32, #tpu.memory_space<vmem>> -> memref<64xi32, #tpu.memory_space<vmem>>
      %dma_start3A_754 = arith.constant 0 : i32
      %dma_start3A_755 = arith.constant 0 : i32
      %dma_start3A_756 = tpu.memref_slice %arg14[%dma_start3A_754, %dma_start3A_755] : memref<10240x128xf32, #tpu.memory_space<vmem_shared>> -> memref<10240x128xf32, #tpu.memory_space<vmem_shared>>
      tpu.enqueue_indirect_dma source(%arg10 : memref<64x128xf32, #tpu.memory_space<vmem>>) target(%dma_start3A_756 : memref<10240x128xf32, #tpu.memory_space<vmem_shared>>) offsets(%dma_start3A_753 : memref<64xi32, #tpu.memory_space<vmem>>) semaphore(%arg19 : memref<!tpu.dma_semaphore, #tpu.memory_space<semaphore_mem>>) {add = true}
      %add3A_757 = arith.constant 1 : i32
      %add3A_758 = arith.addi %mul3A_740, %add3A_757 : i32
      %dma_wait3A_759 = arith.constant 0 : i32
      %dma_wait3A_760 = tpu.memref_slice %arg6[%add3A_758, %dma_wait3A_759] : memref<32x64xi32, #tpu.memory_space<vmem>> -> memref<1x64xi32, #tpu.memory_space<vmem>>
      %dma_wait3A_761 = tpu.memref_squeeze %dma_wait3A_760 : memref<1x64xi32, #tpu.memory_space<vmem>> -> memref<64xi32, #tpu.memory_space<vmem>>
      %dma_wait3A_762 = arith.constant 0 : i32
      %dma_wait3A_763 = arith.constant 0 : i32
      %dma_wait3A_764 = tpu.memref_slice %arg2[%dma_wait3A_762, %dma_wait3A_763] : memref<10000x128xf32, #tpu.memory_space<hbm>> -> memref<10000x128xf32, #tpu.memory_space<hbm>>
      tpu.wait_indirect_dma semaphore(%arg16 : memref<!tpu.dma_semaphore, #tpu.memory_space<semaphore_mem>>) src(%dma_wait3A_764 : memref<10000x128xf32, #tpu.memory_space<hbm>>) dst(%arg11 : memref<64x128xf32, #tpu.memory_space<vmem>>)
      %add3A_765 = arith.constant 1 : i32
      %add3A_766 = arith.addi %mul3A_740, %add3A_765 : i32
      %dma_start3A_767 = arith.constant 0 : i32
      %dma_start3A_768 = tpu.memref_slice %arg8[%add3A_766, %dma_start3A_767] : memref<32x64xi32, #tpu.memory_space<vmem>> -> memref<1x64xi32, #tpu.memory_space<vmem>>
      %dma_start3A_769 = tpu.memref_squeeze %dma_start3A_768 : memref<1x64xi32, #tpu.memory_space<vmem>> -> memref<64xi32, #tpu.memory_space<vmem>>
      %dma_start3A_770 = arith.constant 0 : i32
      %dma_start3A_771 = arith.constant 0 : i32
      %dma_start3A_772 = tpu.memref_slice %arg14[%dma_start3A_770, %dma_start3A_771] : memref<10240x128xf32, #tpu.memory_space<vmem_shared>> -> memref<10240x128xf32, #tpu.memory_space<vmem_shared>>
      tpu.enqueue_indirect_dma source(%arg11 : memref<64x128xf32, #tpu.memory_space<vmem>>) target(%dma_start3A_772 : memref<10240x128xf32, #tpu.memory_space<vmem_shared>>) offsets(%dma_start3A_769 : memref<64xi32, #tpu.memory_space<vmem>>) semaphore(%arg20 : memref<!tpu.dma_semaphore, #tpu.memory_space<semaphore_mem>>) {add = true}
      %add3A_773 = arith.constant 2 : i32
      %add3A_774 = arith.addi %mul3A_740, %add3A_773 : i32
      %dma_wait3A_775 = arith.constant 0 : i32
      %dma_wait3A_776 = tpu.memref_slice %arg6[%add3A_774, %dma_wait3A_775] : memref<32x64xi32, #tpu.memory_space<vmem>> -> memref<1x64xi32, #tpu.memory_space<vmem>>
      %dma_wait3A_777 = tpu.memref_squeeze %dma_wait3A_776 : memref<1x64xi32, #tpu.memory_space<vmem>> -> memref<64xi32, #tpu.memory_space<vmem>>
      %dma_wait3A_778 = arith.constant 0 : i32
      %dma_wait3A_779 = arith.constant 0 : i32
      %dma_wait3A_780 = tpu.memref_slice %arg2[%dma_wait3A_778, %dma_wait3A_779] : memref<10000x128xf32, #tpu.memory_space<hbm>> -> memref<10000x128xf32, #tpu.memory_space<hbm>>
      tpu.wait_indirect_dma semaphore(%arg17 : memref<!tpu.dma_semaphore, #tpu.memory_space<semaphore_mem>>) src(%dma_wait3A_780 : memref<10000x128xf32, #tpu.memory_space<hbm>>) dst(%arg12 : memref<64x128xf32, #tpu.memory_space<vmem>>)
      %add3A_781 = arith.constant 2 : i32
      %add3A_782 = arith.addi %mul3A_740, %add3A_781 : i32
      %dma_start3A_783 = arith.constant 0 : i32
      %dma_start3A_784 = tpu.memref_slice %arg8[%add3A_782, %dma_start3A_783] : memref<32x64xi32, #tpu.memory_space<vmem>> -> memref<1x64xi32, #tpu.memory_space<vmem>>
      %dma_start3A_785 = tpu.memref_squeeze %dma_start3A_784 : memref<1x64xi32, #tpu.memory_space<vmem>> -> memref<64xi32, #tpu.memory_space<vmem>>
      %dma_start3A_786 = arith.constant 0 : i32
      %dma_start3A_787 = arith.constant 0 : i32
      %dma_start3A_788 = tpu.memref_slice %arg14[%dma_start3A_786, %dma_start3A_787] : memref<10240x128xf32, #tpu.memory_space<vmem_shared>> -> memref<10240x128xf32, #tpu.memory_space<vmem_shared>>
      tpu.enqueue_indirect_dma source(%arg12 : memref<64x128xf32, #tpu.memory_space<vmem>>) target(%dma_start3A_788 : memref<10240x128xf32, #tpu.memory_space<vmem_shared>>) offsets(%dma_start3A_785 : memref<64xi32, #tpu.memory_space<vmem>>) semaphore(%arg21 : memref<!tpu.dma_semaphore, #tpu.memory_space<semaphore_mem>>) {add = true}
      %add3A_789 = arith.constant 3 : i32
      %add3A_790 = arith.addi %mul3A_740, %add3A_789 : i32
      %dma_wait3A_791 = arith.constant 0 : i32
      %dma_wait3A_792 = tpu.memref_slice %arg6[%add3A_790, %dma_wait3A_791] : memref<32x64xi32, #tpu.memory_space<vmem>> -> memref<1x64xi32, #tpu.memory_space<vmem>>
      %dma_wait3A_793 = tpu.memref_squeeze %dma_wait3A_792 : memref<1x64xi32, #tpu.memory_space<vmem>> -> memref<64xi32, #tpu.memory_space<vmem>>
      %dma_wait3A_794 = arith.constant 0 : i32
      %dma_wait3A_795 = arith.constant 0 : i32
      %dma_wait3A_796 = tpu.memref_slice %arg2[%dma_wait3A_794, %dma_wait3A_795] : memref<10000x128xf32, #tpu.memory_space<hbm>> -> memref<10000x128xf32, #tpu.memory_space<hbm>>
      tpu.wait_indirect_dma semaphore(%arg18 : memref<!tpu.dma_semaphore, #tpu.memory_space<semaphore_mem>>) src(%dma_wait3A_796 : memref<10000x128xf32, #tpu.memory_space<hbm>>) dst(%arg13 : memref<64x128xf32, #tpu.memory_space<vmem>>)
      %add3A_797 = arith.constant 3 : i32
      %add3A_798 = arith.addi %mul3A_740, %add3A_797 : i32
      %dma_start3A_799 = arith.constant 0 : i32
      %dma_start3A_800 = tpu.memref_slice %arg8[%add3A_798, %dma_start3A_799] : memref<32x64xi32, #tpu.memory_space<vmem>> -> memref<1x64xi32, #tpu.memory_space<vmem>>
      %dma_start3A_801 = tpu.memref_squeeze %dma_start3A_800 : memref<1x64xi32, #tpu.memory_space<vmem>> -> memref<64xi32, #tpu.memory_space<vmem>>
      %dma_start3A_802 = arith.constant 0 : i32
      %dma_start3A_803 = arith.constant 0 : i32
      %dma_start3A_804 = tpu.memref_slice %arg14[%dma_start3A_802, %dma_start3A_803] : memref<10240x128xf32, #tpu.memory_space<vmem_shared>> -> memref<10240x128xf32, #tpu.memory_space<vmem_shared>>
      tpu.enqueue_indirect_dma source(%arg13 : memref<64x128xf32, #tpu.memory_space<vmem>>) target(%dma_start3A_804 : memref<10240x128xf32, #tpu.memory_space<vmem_shared>>) offsets(%dma_start3A_801 : memref<64xi32, #tpu.memory_space<vmem>>) semaphore(%arg22 : memref<!tpu.dma_semaphore, #tpu.memory_space<semaphore_mem>>) {add = true}
      %add3A_805 = arith.constant 0 : i32
      %add3A_806 = arith.addi %mul3A_740, %add3A_805 : i32
      %dma_wait3A_807 = arith.constant 0 : i32
      %dma_wait3A_808 = tpu.memref_slice %arg8[%add3A_806, %dma_wait3A_807] : memref<32x64xi32, #tpu.memory_space<vmem>> -> memref<1x64xi32, #tpu.memory_space<vmem>>
      %dma_wait3A_809 = tpu.memref_squeeze %dma_wait3A_808 : memref<1x64xi32, #tpu.memory_space<vmem>> -> memref<64xi32, #tpu.memory_space<vmem>>
      %dma_wait3A_810 = arith.constant 0 : i32
      %dma_wait3A_811 = arith.constant 0 : i32
      %dma_wait3A_812 = tpu.memref_slice %arg14[%dma_wait3A_810, %dma_wait3A_811] : memref<10240x128xf32, #tpu.memory_space<vmem_shared>> -> memref<10240x128xf32, #tpu.memory_space<vmem_shared>>
      tpu.wait_indirect_dma semaphore(%arg19 : memref<!tpu.dma_semaphore, #tpu.memory_space<semaphore_mem>>) src(%arg10 : memref<64x128xf32, #tpu.memory_space<vmem>>) dst(%dma_wait3A_812 : memref<10240x128xf32, #tpu.memory_space<vmem_shared>>)
      %add3A_813 = arith.constant 0 : i32
      %add3A_814 = arith.addi %mul3A_740, %add3A_813 : i32
      %add3A_815 = arith.constant 4 : i32
      %add3A_816 = arith.addi %add3A_814, %add3A_815 : i32
      %dma_start3A_817 = arith.constant 0 : i32
      %dma_start3A_818 = tpu.memref_slice %arg6[%add3A_816, %dma_start3A_817] : memref<32x64xi32, #tpu.memory_space<vmem>> -> memref<1x64xi32, #tpu.memory_space<vmem>>
      %dma_start3A_819 = tpu.memref_squeeze %dma_start3A_818 : memref<1x64xi32, #tpu.memory_space<vmem>> -> memref<64xi32, #tpu.memory_space<vmem>>
      %dma_start3A_820 = arith.constant 0 : i32
      %dma_start3A_821 = arith.constant 0 : i32
      %dma_start3A_822 = tpu.memref_slice %arg2[%dma_start3A_820, %dma_start3A_821] : memref<10000x128xf32, #tpu.memory_space<hbm>> -> memref<10000x128xf32, #tpu.memory_space<hbm>>
      tpu.enqueue_indirect_dma source(%dma_start3A_822 : memref<10000x128xf32, #tpu.memory_space<hbm>>) target(%arg10 : memref<64x128xf32, #tpu.memory_space<vmem>>) offsets(%dma_start3A_819 : memref<64xi32, #tpu.memory_space<vmem>>) semaphore(%arg15 : memref<!tpu.dma_semaphore, #tpu.memory_space<semaphore_mem>>)
      %add3A_823 = arith.constant 1 : i32
      %add3A_824 = arith.addi %mul3A_740, %add3A_823 : i32
      %dma_wait3A_825 = arith.constant 0 : i32
      %dma_wait3A_826 = tpu.memref_slice %arg8[%add3A_824, %dma_wait3A_825] : memref<32x64xi32, #tpu.memory_space<vmem>> -> memref<1x64xi32, #tpu.memory_space<vmem>>
      %dma_wait3A_827 = tpu.memref_squeeze %dma_wait3A_826 : memref<1x64xi32, #tpu.memory_space<vmem>> -> memref<64xi32, #tpu.memory_space<vmem>>
      %dma_wait3A_828 = arith.constant 0 : i32
      %dma_wait3A_829 = arith.constant 0 : i32
      %dma_wait3A_830 = tpu.memref_slice %arg14[%dma_wait3A_828, %dma_wait3A_829] : memref<10240x128xf32, #tpu.memory_space<vmem_shared>> -> memref<10240x128xf32, #tpu.memory_space<vmem_shared>>
      tpu.wait_indirect_dma semaphore(%arg20 : memref<!tpu.dma_semaphore, #tpu.memory_space<semaphore_mem>>) src(%arg11 : memref<64x128xf32, #tpu.memory_space<vmem>>) dst(%dma_wait3A_830 : memref<10240x128xf32, #tpu.memory_space<vmem_shared>>)
      %add3A_831 = arith.constant 1 : i32
      %add3A_832 = arith.addi %mul3A_740, %add3A_831 : i32
      %add3A_833 = arith.constant 4 : i32
      %add3A_834 = arith.addi %add3A_832, %add3A_833 : i32
      %dma_start3A_835 = arith.constant 0 : i32
      %dma_start3A_836 = tpu.memref_slice %arg6[%add3A_834, %dma_start3A_835] : memref<32x64xi32, #tpu.memory_space<vmem>> -> memref<1x64xi32, #tpu.memory_space<vmem>>
      %dma_start3A_837 = tpu.memref_squeeze %dma_start3A_836 : memref<1x64xi32, #tpu.memory_space<vmem>> -> memref<64xi32, #tpu.memory_space<vmem>>
      %dma_start3A_838 = arith.constant 0 : i32
      %dma_start3A_839 = arith.constant 0 : i32
      %dma_start3A_840 = tpu.memref_slice %arg2[%dma_start3A_838, %dma_start3A_839] : memref<10000x128xf32, #tpu.memory_space<hbm>> -> memref<10000x128xf32, #tpu.memory_space<hbm>>
      tpu.enqueue_indirect_dma source(%dma_start3A_840 : memref<10000x128xf32, #tpu.memory_space<hbm>>) target(%arg11 : memref<64x128xf32, #tpu.memory_space<vmem>>) offsets(%dma_start3A_837 : memref<64xi32, #tpu.memory_space<vmem>>) semaphore(%arg16 : memref<!tpu.dma_semaphore, #tpu.memory_space<semaphore_mem>>)
      %add3A_841 = arith.constant 2 : i32
      %add3A_842 = arith.addi %mul3A_740, %add3A_841 : i32
      %dma_wait3A_843 = arith.constant 0 : i32
      %dma_wait3A_844 = tpu.memref_slice %arg8[%add3A_842, %dma_wait3A_843] : memref<32x64xi32, #tpu.memory_space<vmem>> -> memref<1x64xi32, #tpu.memory_space<vmem>>
      %dma_wait3A_845 = tpu.memref_squeeze %dma_wait3A_844 : memref<1x64xi32, #tpu.memory_space<vmem>> -> memref<64xi32, #tpu.memory_space<vmem>>
      %dma_wait3A_846 = arith.constant 0 : i32
      %dma_wait3A_847 = arith.constant 0 : i32
      %dma_wait3A_848 = tpu.memref_slice %arg14[%dma_wait3A_846, %dma_wait3A_847] : memref<10240x128xf32, #tpu.memory_space<vmem_shared>> -> memref<10240x128xf32, #tpu.memory_space<vmem_shared>>
      tpu.wait_indirect_dma semaphore(%arg21 : memref<!tpu.dma_semaphore, #tpu.memory_space<semaphore_mem>>) src(%arg12 : memref<64x128xf32, #tpu.memory_space<vmem>>) dst(%dma_wait3A_848 : memref<10240x128xf32, #tpu.memory_space<vmem_shared>>)
      %add3A_849 = arith.constant 2 : i32
      %add3A_850 = arith.addi %mul3A_740, %add3A_849 : i32
      %add3A_851 = arith.constant 4 : i32
      %add3A_852 = arith.addi %add3A_850, %add3A_851 : i32
      %dma_start3A_853 = arith.constant 0 : i32
      %dma_start3A_854 = tpu.memref_slice %arg6[%add3A_852, %dma_start3A_853] : memref<32x64xi32, #tpu.memory_space<vmem>> -> memref<1x64xi32, #tpu.memory_space<vmem>>
      %dma_start3A_855 = tpu.memref_squeeze %dma_start3A_854 : memref<1x64xi32, #tpu.memory_space<vmem>> -> memref<64xi32, #tpu.memory_space<vmem>>
      %dma_start3A_856 = arith.constant 0 : i32
      %dma_start3A_857 = arith.constant 0 : i32
      %dma_start3A_858 = tpu.memref_slice %arg2[%dma_start3A_856, %dma_start3A_857] : memref<10000x128xf32, #tpu.memory_space<hbm>> -> memref<10000x128xf32, #tpu.memory_space<hbm>>
      tpu.enqueue_indirect_dma source(%dma_start3A_858 : memref<10000x128xf32, #tpu.memory_space<hbm>>) target(%arg12 : memref<64x128xf32, #tpu.memory_space<vmem>>) offsets(%dma_start3A_855 : memref<64xi32, #tpu.memory_space<vmem>>) semaphore(%arg17 : memref<!tpu.dma_semaphore, #tpu.memory_space<semaphore_mem>>)
      %add3A_859 = arith.constant 3 : i32
      %add3A_860 = arith.addi %mul3A_740, %add3A_859 : i32
      %dma_wait3A_861 = arith.constant 0 : i32
      %dma_wait3A_862 = tpu.memref_slice %arg8[%add3A_860, %dma_wait3A_861] : memref<32x64xi32, #tpu.memory_space<vmem>> -> memref<1x64xi32, #tpu.memory_space<vmem>>
      %dma_wait3A_863 = tpu.memref_squeeze %dma_wait3A_862 : memref<1x64xi32, #tpu.memory_space<vmem>> -> memref<64xi32, #tpu.memory_space<vmem>>
      %dma_wait3A_864 = arith.constant 0 : i32
      %dma_wait3A_865 = arith.constant 0 : i32
      %dma_wait3A_866 = tpu.memref_slice %arg14[%dma_wait3A_864, %dma_wait3A_865] : memref<10240x128xf32, #tpu.memory_space<vmem_shared>> -> memref<10240x128xf32, #tpu.memory_space<vmem_shared>>
      tpu.wait_indirect_dma semaphore(%arg22 : memref<!tpu.dma_semaphore, #tpu.memory_space<semaphore_mem>>) src(%arg13 : memref<64x128xf32, #tpu.memory_space<vmem>>) dst(%dma_wait3A_866 : memref<10240x128xf32, #tpu.memory_space<vmem_shared>>)
      %add3A_867 = arith.constant 3 : i32
      %add3A_868 = arith.addi %mul3A_740, %add3A_867 : i32
      %add3A_869 = arith.constant 4 : i32
      %add3A_870 = arith.addi %add3A_868, %add3A_869 : i32
      %dma_start3A_871 = arith.constant 0 : i32
      %dma_start3A_872 = tpu.memref_slice %arg6[%add3A_870, %dma_start3A_871] : memref<32x64xi32, #tpu.memory_space<vmem>> -> memref<1x64xi32, #tpu.memory_space<vmem>>
      %dma_start3A_873 = tpu.memref_squeeze %dma_start3A_872 : memref<1x64xi32, #tpu.memory_space<vmem>> -> memref<64xi32, #tpu.memory_space<vmem>>
      %dma_start3A_874 = arith.constant 0 : i32
      %dma_start3A_875 = arith.constant 0 : i32
      %dma_start3A_876 = tpu.memref_slice %arg2[%dma_start3A_874, %dma_start3A_875] : memref<10000x128xf32, #tpu.memory_space<hbm>> -> memref<10000x128xf32, #tpu.memory_space<hbm>>
      tpu.enqueue_indirect_dma source(%dma_start3A_876 : memref<10000x128xf32, #tpu.memory_space<hbm>>) target(%arg13 : memref<64x128xf32, #tpu.memory_space<vmem>>) offsets(%dma_start3A_873 : memref<64xi32, #tpu.memory_space<vmem>>) semaphore(%arg18 : memref<!tpu.dma_semaphore, #tpu.memory_space<semaphore_mem>>)
    }
    %scan3A_376 = arith.constant 7 : i32
    %add3A_377 = arith.constant 96 : i32
    %add3A_378 = arith.addi %mul3A_2, %add3A_377 : i32
    %dma_wait3A_379 = arith.constant 0 : i32
    %dma_wait3A_380 = tpu.memref_slice %arg3[%add3A_378, %dma_wait3A_379] : memref<5120x64xi32, #tpu.memory_space<hbm>> -> memref<32x64xi32, #tpu.memory_space<hbm>>
    %dma_wait3A_381 = arith.constant 0 : i32
    %dma_wait3A_382 = tpu.memref_slice %arg3[%add3A_378, %dma_wait3A_381] : memref<5120x64xi32, #tpu.memory_space<hbm>> -> memref<32x64xi32, #tpu.memory_space<hbm>>
    tpu.wait_dma2 semaphore(%arg24 : memref<!tpu.dma_semaphore, #tpu.memory_space<semaphore_mem>>) src(%dma_wait3A_382 : memref<32x64xi32, #tpu.memory_space<hbm>>) dst(%arg7 : memref<32x64xi32, #tpu.memory_space<vmem>>)
    %add3A_383 = arith.constant 96 : i32
    %add3A_384 = arith.addi %mul3A_2, %add3A_383 : i32
    %dma_wait3A_385 = arith.constant 0 : i32
    %dma_wait3A_386 = tpu.memref_slice %arg4[%add3A_384, %dma_wait3A_385] : memref<5120x64xi32, #tpu.memory_space<hbm>> -> memref<32x64xi32, #tpu.memory_space<hbm>>
    %dma_wait3A_387 = arith.constant 0 : i32
    %dma_wait3A_388 = tpu.memref_slice %arg4[%add3A_384, %dma_wait3A_387] : memref<5120x64xi32, #tpu.memory_space<hbm>> -> memref<32x64xi32, #tpu.memory_space<hbm>>
    tpu.wait_dma2 semaphore(%arg24 : memref<!tpu.dma_semaphore, #tpu.memory_space<semaphore_mem>>) src(%dma_wait3A_388 : memref<32x64xi32, #tpu.memory_space<hbm>>) dst(%arg9 : memref<32x64xi32, #tpu.memory_space<vmem>>)
    %dma_wait3A_389 = arith.constant 28 : i32
    %dma_wait3A_390 = arith.constant 0 : i32
    %dma_wait3A_391 = tpu.memref_slice %arg6[%dma_wait3A_389, %dma_wait3A_390] : memref<32x64xi32, #tpu.memory_space<vmem>> -> memref<1x64xi32, #tpu.memory_space<vmem>>
    %dma_wait3A_392 = tpu.memref_squeeze %dma_wait3A_391 : memref<1x64xi32, #tpu.memory_space<vmem>> -> memref<64xi32, #tpu.memory_space<vmem>>
    %dma_wait3A_393 = arith.constant 0 : i32
    %dma_wait3A_394 = arith.constant 0 : i32
    %dma_wait3A_395 = tpu.memref_slice %arg2[%dma_wait3A_393, %dma_wait3A_394] : memref<10000x128xf32, #tpu.memory_space<hbm>> -> memref<10000x128xf32, #tpu.memory_space<hbm>>
    tpu.wait_indirect_dma semaphore(%arg15 : memref<!tpu.dma_semaphore, #tpu.memory_space<semaphore_mem>>) src(%dma_wait3A_395 : memref<10000x128xf32, #tpu.memory_space<hbm>>) dst(%arg10 : memref<64x128xf32, #tpu.memory_space<vmem>>)
    %dma_start3A_396 = arith.constant 28 : i32
    %dma_start3A_397 = arith.constant 0 : i32
    %dma_start3A_398 = tpu.memref_slice %arg8[%dma_start3A_396, %dma_start3A_397] : memref<32x64xi32, #tpu.memory_space<vmem>> -> memref<1x64xi32, #tpu.memory_space<vmem>>
    %dma_start3A_399 = tpu.memref_squeeze %dma_start3A_398 : memref<1x64xi32, #tpu.memory_space<vmem>> -> memref<64xi32, #tpu.memory_space<vmem>>
    %dma_start3A_400 = arith.constant 0 : i32
    %dma_start3A_401 = arith.constant 0 : i32
    %dma_start3A_402 = tpu.memref_slice %arg14[%dma_start3A_400, %dma_start3A_401] : memref<10240x128xf32, #tpu.memory_space<vmem_shared>> -> memref<10240x128xf32, #tpu.memory_space<vmem_shared>>
    tpu.enqueue_indirect_dma source(%arg10 : memref<64x128xf32, #tpu.memory_space<vmem>>) target(%dma_start3A_402 : memref<10240x128xf32, #tpu.memory_space<vmem_shared>>) offsets(%dma_start3A_399 : memref<64xi32, #tpu.memory_space<vmem>>) semaphore(%arg19 : memref<!tpu.dma_semaphore, #tpu.memory_space<semaphore_mem>>) {add = true}
    %dma_wait3A_403 = arith.constant 29 : i32
    %dma_wait3A_404 = arith.constant 0 : i32
    %dma_wait3A_405 = tpu.memref_slice %arg6[%dma_wait3A_403, %dma_wait3A_404] : memref<32x64xi32, #tpu.memory_space<vmem>> -> memref<1x64xi32, #tpu.memory_space<vmem>>
    %dma_wait3A_406 = tpu.memref_squeeze %dma_wait3A_405 : memref<1x64xi32, #tpu.memory_space<vmem>> -> memref<64xi32, #tpu.memory_space<vmem>>
    %dma_wait3A_407 = arith.constant 0 : i32
    %dma_wait3A_408 = arith.constant 0 : i32
    %dma_wait3A_409 = tpu.memref_slice %arg2[%dma_wait3A_407, %dma_wait3A_408] : memref<10000x128xf32, #tpu.memory_space<hbm>> -> memref<10000x128xf32, #tpu.memory_space<hbm>>
    tpu.wait_indirect_dma semaphore(%arg16 : memref<!tpu.dma_semaphore, #tpu.memory_space<semaphore_mem>>) src(%dma_wait3A_409 : memref<10000x128xf32, #tpu.memory_space<hbm>>) dst(%arg11 : memref<64x128xf32, #tpu.memory_space<vmem>>)
    %dma_start3A_410 = arith.constant 29 : i32
    %dma_start3A_411 = arith.constant 0 : i32
    %dma_start3A_412 = tpu.memref_slice %arg8[%dma_start3A_410, %dma_start3A_411] : memref<32x64xi32, #tpu.memory_space<vmem>> -> memref<1x64xi32, #tpu.memory_space<vmem>>
    %dma_start3A_413 = tpu.memref_squeeze %dma_start3A_412 : memref<1x64xi32, #tpu.memory_space<vmem>> -> memref<64xi32, #tpu.memory_space<vmem>>
    %dma_start3A_414 = arith.constant 0 : i32
    %dma_start3A_415 = arith.constant 0 : i32
    %dma_start3A_416 = tpu.memref_slice %arg14[%dma_start3A_414, %dma_start3A_415] : memref<10240x128xf32, #tpu.memory_space<vmem_shared>> -> memref<10240x128xf32, #tpu.memory_space<vmem_shared>>
    tpu.enqueue_indirect_dma source(%arg11 : memref<64x128xf32, #tpu.memory_space<vmem>>) target(%dma_start3A_416 : memref<10240x128xf32, #tpu.memory_space<vmem_shared>>) offsets(%dma_start3A_413 : memref<64xi32, #tpu.memory_space<vmem>>) semaphore(%arg20 : memref<!tpu.dma_semaphore, #tpu.memory_space<semaphore_mem>>) {add = true}
    %dma_wait3A_417 = arith.constant 30 : i32
    %dma_wait3A_418 = arith.constant 0 : i32
    %dma_wait3A_419 = tpu.memref_slice %arg6[%dma_wait3A_417, %dma_wait3A_418] : memref<32x64xi32, #tpu.memory_space<vmem>> -> memref<1x64xi32, #tpu.memory_space<vmem>>
    %dma_wait3A_420 = tpu.memref_squeeze %dma_wait3A_419 : memref<1x64xi32, #tpu.memory_space<vmem>> -> memref<64xi32, #tpu.memory_space<vmem>>
    %dma_wait3A_421 = arith.constant 0 : i32
    %dma_wait3A_422 = arith.constant 0 : i32
    %dma_wait3A_423 = tpu.memref_slice %arg2[%dma_wait3A_421, %dma_wait3A_422] : memref<10000x128xf32, #tpu.memory_space<hbm>> -> memref<10000x128xf32, #tpu.memory_space<hbm>>
    tpu.wait_indirect_dma semaphore(%arg17 : memref<!tpu.dma_semaphore, #tpu.memory_space<semaphore_mem>>) src(%dma_wait3A_423 : memref<10000x128xf32, #tpu.memory_space<hbm>>) dst(%arg12 : memref<64x128xf32, #tpu.memory_space<vmem>>)
    %dma_start3A_424 = arith.constant 30 : i32
    %dma_start3A_425 = arith.constant 0 : i32
    %dma_start3A_426 = tpu.memref_slice %arg8[%dma_start3A_424, %dma_start3A_425] : memref<32x64xi32, #tpu.memory_space<vmem>> -> memref<1x64xi32, #tpu.memory_space<vmem>>
    %dma_start3A_427 = tpu.memref_squeeze %dma_start3A_426 : memref<1x64xi32, #tpu.memory_space<vmem>> -> memref<64xi32, #tpu.memory_space<vmem>>
    %dma_start3A_428 = arith.constant 0 : i32
    %dma_start3A_429 = arith.constant 0 : i32
    %dma_start3A_430 = tpu.memref_slice %arg14[%dma_start3A_428, %dma_start3A_429] : memref<10240x128xf32, #tpu.memory_space<vmem_shared>> -> memref<10240x128xf32, #tpu.memory_space<vmem_shared>>
    tpu.enqueue_indirect_dma source(%arg12 : memref<64x128xf32, #tpu.memory_space<vmem>>) target(%dma_start3A_430 : memref<10240x128xf32, #tpu.memory_space<vmem_shared>>) offsets(%dma_start3A_427 : memref<64xi32, #tpu.memory_space<vmem>>) semaphore(%arg21 : memref<!tpu.dma_semaphore, #tpu.memory_space<semaphore_mem>>) {add = true}
    %dma_wait3A_431 = arith.constant 31 : i32
    %dma_wait3A_432 = arith.constant 0 : i32
    %dma_wait3A_433 = tpu.memref_slice %arg6[%dma_wait3A_431, %dma_wait3A_432] : memref<32x64xi32, #tpu.memory_space<vmem>> -> memref<1x64xi32, #tpu.memory_space<vmem>>
    %dma_wait3A_434 = tpu.memref_squeeze %dma_wait3A_433 : memref<1x64xi32, #tpu.memory_space<vmem>> -> memref<64xi32, #tpu.memory_space<vmem>>
    %dma_wait3A_435 = arith.constant 0 : i32
    %dma_wait3A_436 = arith.constant 0 : i32
    %dma_wait3A_437 = tpu.memref_slice %arg2[%dma_wait3A_435, %dma_wait3A_436] : memref<10000x128xf32, #tpu.memory_space<hbm>> -> memref<10000x128xf32, #tpu.memory_space<hbm>>
    tpu.wait_indirect_dma semaphore(%arg18 : memref<!tpu.dma_semaphore, #tpu.memory_space<semaphore_mem>>) src(%dma_wait3A_437 : memref<10000x128xf32, #tpu.memory_space<hbm>>) dst(%arg13 : memref<64x128xf32, #tpu.memory_space<vmem>>)
    %dma_start3A_438 = arith.constant 31 : i32
    %dma_start3A_439 = arith.constant 0 : i32
    %dma_start3A_440 = tpu.memref_slice %arg8[%dma_start3A_438, %dma_start3A_439] : memref<32x64xi32, #tpu.memory_space<vmem>> -> memref<1x64xi32, #tpu.memory_space<vmem>>
    %dma_start3A_441 = tpu.memref_squeeze %dma_start3A_440 : memref<1x64xi32, #tpu.memory_space<vmem>> -> memref<64xi32, #tpu.memory_space<vmem>>
    %dma_start3A_442 = arith.constant 0 : i32
    %dma_start3A_443 = arith.constant 0 : i32
    %dma_start3A_444 = tpu.memref_slice %arg14[%dma_start3A_442, %dma_start3A_443] : memref<10240x128xf32, #tpu.memory_space<vmem_shared>> -> memref<10240x128xf32, #tpu.memory_space<vmem_shared>>
    tpu.enqueue_indirect_dma source(%arg13 : memref<64x128xf32, #tpu.memory_space<vmem>>) target(%dma_start3A_444 : memref<10240x128xf32, #tpu.memory_space<vmem_shared>>) offsets(%dma_start3A_441 : memref<64xi32, #tpu.memory_space<vmem>>) semaphore(%arg22 : memref<!tpu.dma_semaphore, #tpu.memory_space<semaphore_mem>>) {add = true}
    %dma_wait3A_445 = arith.constant 28 : i32
    %dma_wait3A_446 = arith.constant 0 : i32
    %dma_wait3A_447 = tpu.memref_slice %arg8[%dma_wait3A_445, %dma_wait3A_446] : memref<32x64xi32, #tpu.memory_space<vmem>> -> memref<1x64xi32, #tpu.memory_space<vmem>>
    %dma_wait3A_448 = tpu.memref_squeeze %dma_wait3A_447 : memref<1x64xi32, #tpu.memory_space<vmem>> -> memref<64xi32, #tpu.memory_space<vmem>>
    %dma_wait3A_449 = arith.constant 0 : i32
    %dma_wait3A_450 = arith.constant 0 : i32
    %dma_wait3A_451 = tpu.memref_slice %arg14[%dma_wait3A_449, %dma_wait3A_450] : memref<10240x128xf32, #tpu.memory_space<vmem_shared>> -> memref<10240x128xf32, #tpu.memory_space<vmem_shared>>
    tpu.wait_indirect_dma semaphore(%arg19 : memref<!tpu.dma_semaphore, #tpu.memory_space<semaphore_mem>>) src(%arg10 : memref<64x128xf32, #tpu.memory_space<vmem>>) dst(%dma_wait3A_451 : memref<10240x128xf32, #tpu.memory_space<vmem_shared>>)
    %dma_start3A_452 = arith.constant 0 : i32
    %dma_start3A_453 = arith.constant 0 : i32
    %dma_start3A_454 = tpu.memref_slice %arg7[%dma_start3A_452, %dma_start3A_453] : memref<32x64xi32, #tpu.memory_space<vmem>> -> memref<1x64xi32, #tpu.memory_space<vmem>>
    %dma_start3A_455 = tpu.memref_squeeze %dma_start3A_454 : memref<1x64xi32, #tpu.memory_space<vmem>> -> memref<64xi32, #tpu.memory_space<vmem>>
    %dma_start3A_456 = arith.constant 0 : i32
    %dma_start3A_457 = arith.constant 0 : i32
    %dma_start3A_458 = tpu.memref_slice %arg2[%dma_start3A_456, %dma_start3A_457] : memref<10000x128xf32, #tpu.memory_space<hbm>> -> memref<10000x128xf32, #tpu.memory_space<hbm>>
    tpu.enqueue_indirect_dma source(%dma_start3A_458 : memref<10000x128xf32, #tpu.memory_space<hbm>>) target(%arg10 : memref<64x128xf32, #tpu.memory_space<vmem>>) offsets(%dma_start3A_455 : memref<64xi32, #tpu.memory_space<vmem>>) semaphore(%arg15 : memref<!tpu.dma_semaphore, #tpu.memory_space<semaphore_mem>>)
    %dma_wait3A_459 = arith.constant 29 : i32
    %dma_wait3A_460 = arith.constant 0 : i32
    %dma_wait3A_461 = tpu.memref_slice %arg8[%dma_wait3A_459, %dma_wait3A_460] : memref<32x64xi32, #tpu.memory_space<vmem>> -> memref<1x64xi32, #tpu.memory_space<vmem>>
    %dma_wait3A_462 = tpu.memref_squeeze %dma_wait3A_461 : memref<1x64xi32, #tpu.memory_space<vmem>> -> memref<64xi32, #tpu.memory_space<vmem>>
    %dma_wait3A_463 = arith.constant 0 : i32
    %dma_wait3A_464 = arith.constant 0 : i32
    %dma_wait3A_465 = tpu.memref_slice %arg14[%dma_wait3A_463, %dma_wait3A_464] : memref<10240x128xf32, #tpu.memory_space<vmem_shared>> -> memref<10240x128xf32, #tpu.memory_space<vmem_shared>>
    tpu.wait_indirect_dma semaphore(%arg20 : memref<!tpu.dma_semaphore, #tpu.memory_space<semaphore_mem>>) src(%arg11 : memref<64x128xf32, #tpu.memory_space<vmem>>) dst(%dma_wait3A_465 : memref<10240x128xf32, #tpu.memory_space<vmem_shared>>)
    %dma_start3A_466 = arith.constant 1 : i32
    %dma_start3A_467 = arith.constant 0 : i32
    %dma_start3A_468 = tpu.memref_slice %arg7[%dma_start3A_466, %dma_start3A_467] : memref<32x64xi32, #tpu.memory_space<vmem>> -> memref<1x64xi32, #tpu.memory_space<vmem>>
    %dma_start3A_469 = tpu.memref_squeeze %dma_start3A_468 : memref<1x64xi32, #tpu.memory_space<vmem>> -> memref<64xi32, #tpu.memory_space<vmem>>
    %dma_start3A_470 = arith.constant 0 : i32
    %dma_start3A_471 = arith.constant 0 : i32
    %dma_start3A_472 = tpu.memref_slice %arg2[%dma_start3A_470, %dma_start3A_471] : memref<10000x128xf32, #tpu.memory_space<hbm>> -> memref<10000x128xf32, #tpu.memory_space<hbm>>
    tpu.enqueue_indirect_dma source(%dma_start3A_472 : memref<10000x128xf32, #tpu.memory_space<hbm>>) target(%arg11 : memref<64x128xf32, #tpu.memory_space<vmem>>) offsets(%dma_start3A_469 : memref<64xi32, #tpu.memory_space<vmem>>) semaphore(%arg16 : memref<!tpu.dma_semaphore, #tpu.memory_space<semaphore_mem>>)
    %dma_wait3A_473 = arith.constant 30 : i32
    %dma_wait3A_474 = arith.constant 0 : i32
    %dma_wait3A_475 = tpu.memref_slice %arg8[%dma_wait3A_473, %dma_wait3A_474] : memref<32x64xi32, #tpu.memory_space<vmem>> -> memref<1x64xi32, #tpu.memory_space<vmem>>
    %dma_wait3A_476 = tpu.memref_squeeze %dma_wait3A_475 : memref<1x64xi32, #tpu.memory_space<vmem>> -> memref<64xi32, #tpu.memory_space<vmem>>
    %dma_wait3A_477 = arith.constant 0 : i32
    %dma_wait3A_478 = arith.constant 0 : i32
    %dma_wait3A_479 = tpu.memref_slice %arg14[%dma_wait3A_477, %dma_wait3A_478] : memref<10240x128xf32, #tpu.memory_space<vmem_shared>> -> memref<10240x128xf32, #tpu.memory_space<vmem_shared>>
    tpu.wait_indirect_dma semaphore(%arg21 : memref<!tpu.dma_semaphore, #tpu.memory_space<semaphore_mem>>) src(%arg12 : memref<64x128xf32, #tpu.memory_space<vmem>>) dst(%dma_wait3A_479 : memref<10240x128xf32, #tpu.memory_space<vmem_shared>>)
    %dma_start3A_480 = arith.constant 2 : i32
    %dma_start3A_481 = arith.constant 0 : i32
    %dma_start3A_482 = tpu.memref_slice %arg7[%dma_start3A_480, %dma_start3A_481] : memref<32x64xi32, #tpu.memory_space<vmem>> -> memref<1x64xi32, #tpu.memory_space<vmem>>
    %dma_start3A_483 = tpu.memref_squeeze %dma_start3A_482 : memref<1x64xi32, #tpu.memory_space<vmem>> -> memref<64xi32, #tpu.memory_space<vmem>>
    %dma_start3A_484 = arith.constant 0 : i32
    %dma_start3A_485 = arith.constant 0 : i32
    %dma_start3A_486 = tpu.memref_slice %arg2[%dma_start3A_484, %dma_start3A_485] : memref<10000x128xf32, #tpu.memory_space<hbm>> -> memref<10000x128xf32, #tpu.memory_space<hbm>>
    tpu.enqueue_indirect_dma source(%dma_start3A_486 : memref<10000x128xf32, #tpu.memory_space<hbm>>) target(%arg12 : memref<64x128xf32, #tpu.memory_space<vmem>>) offsets(%dma_start3A_483 : memref<64xi32, #tpu.memory_space<vmem>>) semaphore(%arg17 : memref<!tpu.dma_semaphore, #tpu.memory_space<semaphore_mem>>)
    %dma_wait3A_487 = arith.constant 31 : i32
    %dma_wait3A_488 = arith.constant 0 : i32
    %dma_wait3A_489 = tpu.memref_slice %arg8[%dma_wait3A_487, %dma_wait3A_488] : memref<32x64xi32, #tpu.memory_space<vmem>> -> memref<1x64xi32, #tpu.memory_space<vmem>>
    %dma_wait3A_490 = tpu.memref_squeeze %dma_wait3A_489 : memref<1x64xi32, #tpu.memory_space<vmem>> -> memref<64xi32, #tpu.memory_space<vmem>>
    %dma_wait3A_491 = arith.constant 0 : i32
    %dma_wait3A_492 = arith.constant 0 : i32
    %dma_wait3A_493 = tpu.memref_slice %arg14[%dma_wait3A_491, %dma_wait3A_492] : memref<10240x128xf32, #tpu.memory_space<vmem_shared>> -> memref<10240x128xf32, #tpu.memory_space<vmem_shared>>
    tpu.wait_indirect_dma semaphore(%arg22 : memref<!tpu.dma_semaphore, #tpu.memory_space<semaphore_mem>>) src(%arg13 : memref<64x128xf32, #tpu.memory_space<vmem>>) dst(%dma_wait3A_493 : memref<10240x128xf32, #tpu.memory_space<vmem_shared>>)
    %dma_start3A_494 = arith.constant 3 : i32
    %dma_start3A_495 = arith.constant 0 : i32
    %dma_start3A_496 = tpu.memref_slice %arg7[%dma_start3A_494, %dma_start3A_495] : memref<32x64xi32, #tpu.memory_space<vmem>> -> memref<1x64xi32, #tpu.memory_space<vmem>>
    %dma_start3A_497 = tpu.memref_squeeze %dma_start3A_496 : memref<1x64xi32, #tpu.memory_space<vmem>> -> memref<64xi32, #tpu.memory_space<vmem>>
    %dma_start3A_498 = arith.constant 0 : i32
    %dma_start3A_499 = arith.constant 0 : i32
    %dma_start3A_500 = tpu.memref_slice %arg2[%dma_start3A_498, %dma_start3A_499] : memref<10000x128xf32, #tpu.memory_space<hbm>> -> memref<10000x128xf32, #tpu.memory_space<hbm>>
    tpu.enqueue_indirect_dma source(%dma_start3A_500 : memref<10000x128xf32, #tpu.memory_space<hbm>>) target(%arg13 : memref<64x128xf32, #tpu.memory_space<vmem>>) offsets(%dma_start3A_497 : memref<64xi32, #tpu.memory_space<vmem>>) semaphore(%arg18 : memref<!tpu.dma_semaphore, #tpu.memory_space<semaphore_mem>>)
    %add3A_501 = arith.constant 128 : i32
    %add3A_502 = arith.addi %mul3A_2, %add3A_501 : i32
    %dma_start3A_503 = arith.constant 0 : i32
    %dma_start3A_504 = tpu.memref_slice %arg3[%add3A_502, %dma_start3A_503] : memref<5120x64xi32, #tpu.memory_space<hbm>> -> memref<32x64xi32, #tpu.memory_space<hbm>>
    %dma_start3A_505 = arith.constant 0 : i32
    %dma_start3A_506 = tpu.memref_slice %arg3[%add3A_502, %dma_start3A_505] : memref<5120x64xi32, #tpu.memory_space<hbm>> -> memref<32x64xi32, #tpu.memory_space<hbm>>
    tpu.enqueue_dma source(%dma_start3A_506 : memref<32x64xi32, #tpu.memory_space<hbm>>) target(%arg6 : memref<32x64xi32, #tpu.memory_space<vmem>>) target_semaphore(%arg23 : memref<!tpu.dma_semaphore, #tpu.memory_space<semaphore_mem>>)
    %add3A_507 = arith.constant 128 : i32
    %add3A_508 = arith.addi %mul3A_2, %add3A_507 : i32
    %dma_start3A_509 = arith.constant 0 : i32
    %dma_start3A_510 = tpu.memref_slice %arg4[%add3A_508, %dma_start3A_509] : memref<5120x64xi32, #tpu.memory_space<hbm>> -> memref<32x64xi32, #tpu.memory_space<hbm>>
    %dma_start3A_511 = arith.constant 0 : i32
    %dma_start3A_512 = tpu.memref_slice %arg4[%add3A_508, %dma_start3A_511] : memref<5120x64xi32, #tpu.memory_space<hbm>> -> memref<32x64xi32, #tpu.memory_space<hbm>>
    tpu.enqueue_dma source(%dma_start3A_512 : memref<32x64xi32, #tpu.memory_space<hbm>>) target(%arg8 : memref<32x64xi32, #tpu.memory_space<vmem>>) target_semaphore(%arg23 : memref<!tpu.dma_semaphore, #tpu.memory_space<semaphore_mem>>)
    %scan3A_513 = arith.constant 0 : i32
    %scan3A_514 = arith.constant 0 : i32
    %scan3A_515 = arith.constant 7 : i32
    %scan3A_516 = arith.addi %scan3A_514, %scan3A_515 : i32
    %scan3A_517 = arith.constant 1 : i32
    scf.for %scan3A_738 = %scan3A_514 to %scan3A_516 step %scan3A_517  : i32 {
      %mul3A_739 = arith.constant 4 : i32
      %mul3A_740 = arith.muli %mul3A_739, %scan3A_738 : i32
      %add3A_741 = arith.constant 0 : i32
      %add3A_742 = arith.addi %mul3A_740, %add3A_741 : i32
      %dma_wait3A_743 = arith.constant 0 : i32
      %dma_wait3A_744 = tpu.memref_slice %arg7[%add3A_742, %dma_wait3A_743] : memref<32x64xi32, #tpu.memory_space<vmem>> -> memref<1x64xi32, #tpu.memory_space<vmem>>
      %dma_wait3A_745 = tpu.memref_squeeze %dma_wait3A_744 : memref<1x64xi32, #tpu.memory_space<vmem>> -> memref<64xi32, #tpu.memory_space<vmem>>
      %dma_wait3A_746 = arith.constant 0 : i32
      %dma_wait3A_747 = arith.constant 0 : i32
      %dma_wait3A_748 = tpu.memref_slice %arg2[%dma_wait3A_746, %dma_wait3A_747] : memref<10000x128xf32, #tpu.memory_space<hbm>> -> memref<10000x128xf32, #tpu.memory_space<hbm>>
      tpu.wait_indirect_dma semaphore(%arg15 : memref<!tpu.dma_semaphore, #tpu.memory_space<semaphore_mem>>) src(%dma_wait3A_748 : memref<10000x128xf32, #tpu.memory_space<hbm>>) dst(%arg10 : memref<64x128xf32, #tpu.memory_space<vmem>>)
      %add3A_749 = arith.constant 0 : i32
      %add3A_750 = arith.addi %mul3A_740, %add3A_749 : i32
      %dma_start3A_751 = arith.constant 0 : i32
      %dma_start3A_752 = tpu.memref_slice %arg9[%add3A_750, %dma_start3A_751] : memref<32x64xi32, #tpu.memory_space<vmem>> -> memref<1x64xi32, #tpu.memory_space<vmem>>
      %dma_start3A_753 = tpu.memref_squeeze %dma_start3A_752 : memref<1x64xi32, #tpu.memory_space<vmem>> -> memref<64xi32, #tpu.memory_space<vmem>>
      %dma_start3A_754 = arith.constant 0 : i32
      %dma_start3A_755 = arith.constant 0 : i32
      %dma_start3A_756 = tpu.memref_slice %arg14[%dma_start3A_754, %dma_start3A_755] : memref<10240x128xf32, #tpu.memory_space<vmem_shared>> -> memref<10240x128xf32, #tpu.memory_space<vmem_shared>>
      tpu.enqueue_indirect_dma source(%arg10 : memref<64x128xf32, #tpu.memory_space<vmem>>) target(%dma_start3A_756 : memref<10240x128xf32, #tpu.memory_space<vmem_shared>>) offsets(%dma_start3A_753 : memref<64xi32, #tpu.memory_space<vmem>>) semaphore(%arg19 : memref<!tpu.dma_semaphore, #tpu.memory_space<semaphore_mem>>) {add = true}
      %add3A_757 = arith.constant 1 : i32
      %add3A_758 = arith.addi %mul3A_740, %add3A_757 : i32
      %dma_wait3A_759 = arith.constant 0 : i32
      %dma_wait3A_760 = tpu.memref_slice %arg7[%add3A_758, %dma_wait3A_759] : memref<32x64xi32, #tpu.memory_space<vmem>> -> memref<1x64xi32, #tpu.memory_space<vmem>>
      %dma_wait3A_761 = tpu.memref_squeeze %dma_wait3A_760 : memref<1x64xi32, #tpu.memory_space<vmem>> -> memref<64xi32, #tpu.memory_space<vmem>>
      %dma_wait3A_762 = arith.constant 0 : i32
      %dma_wait3A_763 = arith.constant 0 : i32
      %dma_wait3A_764 = tpu.memref_slice %arg2[%dma_wait3A_762, %dma_wait3A_763] : memref<10000x128xf32, #tpu.memory_space<hbm>> -> memref<10000x128xf32, #tpu.memory_space<hbm>>
      tpu.wait_indirect_dma semaphore(%arg16 : memref<!tpu.dma_semaphore, #tpu.memory_space<semaphore_mem>>) src(%dma_wait3A_764 : memref<10000x128xf32, #tpu.memory_space<hbm>>) dst(%arg11 : memref<64x128xf32, #tpu.memory_space<vmem>>)
      %add3A_765 = arith.constant 1 : i32
      %add3A_766 = arith.addi %mul3A_740, %add3A_765 : i32
      %dma_start3A_767 = arith.constant 0 : i32
      %dma_start3A_768 = tpu.memref_slice %arg9[%add3A_766, %dma_start3A_767] : memref<32x64xi32, #tpu.memory_space<vmem>> -> memref<1x64xi32, #tpu.memory_space<vmem>>
      %dma_start3A_769 = tpu.memref_squeeze %dma_start3A_768 : memref<1x64xi32, #tpu.memory_space<vmem>> -> memref<64xi32, #tpu.memory_space<vmem>>
      %dma_start3A_770 = arith.constant 0 : i32
      %dma_start3A_771 = arith.constant 0 : i32
      %dma_start3A_772 = tpu.memref_slice %arg14[%dma_start3A_770, %dma_start3A_771] : memref<10240x128xf32, #tpu.memory_space<vmem_shared>> -> memref<10240x128xf32, #tpu.memory_space<vmem_shared>>
      tpu.enqueue_indirect_dma source(%arg11 : memref<64x128xf32, #tpu.memory_space<vmem>>) target(%dma_start3A_772 : memref<10240x128xf32, #tpu.memory_space<vmem_shared>>) offsets(%dma_start3A_769 : memref<64xi32, #tpu.memory_space<vmem>>) semaphore(%arg20 : memref<!tpu.dma_semaphore, #tpu.memory_space<semaphore_mem>>) {add = true}
      %add3A_773 = arith.constant 2 : i32
      %add3A_774 = arith.addi %mul3A_740, %add3A_773 : i32
      %dma_wait3A_775 = arith.constant 0 : i32
      %dma_wait3A_776 = tpu.memref_slice %arg7[%add3A_774, %dma_wait3A_775] : memref<32x64xi32, #tpu.memory_space<vmem>> -> memref<1x64xi32, #tpu.memory_space<vmem>>
      %dma_wait3A_777 = tpu.memref_squeeze %dma_wait3A_776 : memref<1x64xi32, #tpu.memory_space<vmem>> -> memref<64xi32, #tpu.memory_space<vmem>>
      %dma_wait3A_778 = arith.constant 0 : i32
      %dma_wait3A_779 = arith.constant 0 : i32
      %dma_wait3A_780 = tpu.memref_slice %arg2[%dma_wait3A_778, %dma_wait3A_779] : memref<10000x128xf32, #tpu.memory_space<hbm>> -> memref<10000x128xf32, #tpu.memory_space<hbm>>
      tpu.wait_indirect_dma semaphore(%arg17 : memref<!tpu.dma_semaphore, #tpu.memory_space<semaphore_mem>>) src(%dma_wait3A_780 : memref<10000x128xf32, #tpu.memory_space<hbm>>) dst(%arg12 : memref<64x128xf32, #tpu.memory_space<vmem>>)
      %add3A_781 = arith.constant 2 : i32
      %add3A_782 = arith.addi %mul3A_740, %add3A_781 : i32
      %dma_start3A_783 = arith.constant 0 : i32
      %dma_start3A_784 = tpu.memref_slice %arg9[%add3A_782, %dma_start3A_783] : memref<32x64xi32, #tpu.memory_space<vmem>> -> memref<1x64xi32, #tpu.memory_space<vmem>>
      %dma_start3A_785 = tpu.memref_squeeze %dma_start3A_784 : memref<1x64xi32, #tpu.memory_space<vmem>> -> memref<64xi32, #tpu.memory_space<vmem>>
      %dma_start3A_786 = arith.constant 0 : i32
      %dma_start3A_787 = arith.constant 0 : i32
      %dma_start3A_788 = tpu.memref_slice %arg14[%dma_start3A_786, %dma_start3A_787] : memref<10240x128xf32, #tpu.memory_space<vmem_shared>> -> memref<10240x128xf32, #tpu.memory_space<vmem_shared>>
      tpu.enqueue_indirect_dma source(%arg12 : memref<64x128xf32, #tpu.memory_space<vmem>>) target(%dma_start3A_788 : memref<10240x128xf32, #tpu.memory_space<vmem_shared>>) offsets(%dma_start3A_785 : memref<64xi32, #tpu.memory_space<vmem>>) semaphore(%arg21 : memref<!tpu.dma_semaphore, #tpu.memory_space<semaphore_mem>>) {add = true}
      %add3A_789 = arith.constant 3 : i32
      %add3A_790 = arith.addi %mul3A_740, %add3A_789 : i32
      %dma_wait3A_791 = arith.constant 0 : i32
      %dma_wait3A_792 = tpu.memref_slice %arg7[%add3A_790, %dma_wait3A_791] : memref<32x64xi32, #tpu.memory_space<vmem>> -> memref<1x64xi32, #tpu.memory_space<vmem>>
      %dma_wait3A_793 = tpu.memref_squeeze %dma_wait3A_792 : memref<1x64xi32, #tpu.memory_space<vmem>> -> memref<64xi32, #tpu.memory_space<vmem>>
      %dma_wait3A_794 = arith.constant 0 : i32
      %dma_wait3A_795 = arith.constant 0 : i32
      %dma_wait3A_796 = tpu.memref_slice %arg2[%dma_wait3A_794, %dma_wait3A_795] : memref<10000x128xf32, #tpu.memory_space<hbm>> -> memref<10000x128xf32, #tpu.memory_space<hbm>>
      tpu.wait_indirect_dma semaphore(%arg18 : memref<!tpu.dma_semaphore, #tpu.memory_space<semaphore_mem>>) src(%dma_wait3A_796 : memref<10000x128xf32, #tpu.memory_space<hbm>>) dst(%arg13 : memref<64x128xf32, #tpu.memory_space<vmem>>)
      %add3A_797 = arith.constant 3 : i32
      %add3A_798 = arith.addi %mul3A_740, %add3A_797 : i32
      %dma_start3A_799 = arith.constant 0 : i32
      %dma_start3A_800 = tpu.memref_slice %arg9[%add3A_798, %dma_start3A_799] : memref<32x64xi32, #tpu.memory_space<vmem>> -> memref<1x64xi32, #tpu.memory_space<vmem>>
      %dma_start3A_801 = tpu.memref_squeeze %dma_start3A_800 : memref<1x64xi32, #tpu.memory_space<vmem>> -> memref<64xi32, #tpu.memory_space<vmem>>
      %dma_start3A_802 = arith.constant 0 : i32
      %dma_start3A_803 = arith.constant 0 : i32
      %dma_start3A_804 = tpu.memref_slice %arg14[%dma_start3A_802, %dma_start3A_803] : memref<10240x128xf32, #tpu.memory_space<vmem_shared>> -> memref<10240x128xf32, #tpu.memory_space<vmem_shared>>
      tpu.enqueue_indirect_dma source(%arg13 : memref<64x128xf32, #tpu.memory_space<vmem>>) target(%dma_start3A_804 : memref<10240x128xf32, #tpu.memory_space<vmem_shared>>) offsets(%dma_start3A_801 : memref<64xi32, #tpu.memory_space<vmem>>) semaphore(%arg22 : memref<!tpu.dma_semaphore, #tpu.memory_space<semaphore_mem>>) {add = true}
      %add3A_805 = arith.constant 0 : i32
      %add3A_806 = arith.addi %mul3A_740, %add3A_805 : i32
      %dma_wait3A_807 = arith.constant 0 : i32
      %dma_wait3A_808 = tpu.memref_slice %arg9[%add3A_806, %dma_wait3A_807] : memref<32x64xi32, #tpu.memory_space<vmem>> -> memref<1x64xi32, #tpu.memory_space<vmem>>
      %dma_wait3A_809 = tpu.memref_squeeze %dma_wait3A_808 : memref<1x64xi32, #tpu.memory_space<vmem>> -> memref<64xi32, #tpu.memory_space<vmem>>
      %dma_wait3A_810 = arith.constant 0 : i32
      %dma_wait3A_811 = arith.constant 0 : i32
      %dma_wait3A_812 = tpu.memref_slice %arg14[%dma_wait3A_810, %dma_wait3A_811] : memref<10240x128xf32, #tpu.memory_space<vmem_shared>> -> memref<10240x128xf32, #tpu.memory_space<vmem_shared>>
      tpu.wait_indirect_dma semaphore(%arg19 : memref<!tpu.dma_semaphore, #tpu.memory_space<semaphore_mem>>) src(%arg10 : memref<64x128xf32, #tpu.memory_space<vmem>>) dst(%dma_wait3A_812 : memref<10240x128xf32, #tpu.memory_space<vmem_shared>>)
      %add3A_813 = arith.constant 0 : i32
      %add3A_814 = arith.addi %mul3A_740, %add3A_813 : i32
      %add3A_815 = arith.constant 4 : i32
      %add3A_816 = arith.addi %add3A_814, %add3A_815 : i32
      %dma_start3A_817 = arith.constant 0 : i32
      %dma_start3A_818 = tpu.memref_slice %arg7[%add3A_816, %dma_start3A_817] : memref<32x64xi32, #tpu.memory_space<vmem>> -> memref<1x64xi32, #tpu.memory_space<vmem>>
      %dma_start3A_819 = tpu.memref_squeeze %dma_start3A_818 : memref<1x64xi32, #tpu.memory_space<vmem>> -> memref<64xi32, #tpu.memory_space<vmem>>
      %dma_start3A_820 = arith.constant 0 : i32
      %dma_start3A_821 = arith.constant 0 : i32
      %dma_start3A_822 = tpu.memref_slice %arg2[%dma_start3A_820, %dma_start3A_821] : memref<10000x128xf32, #tpu.memory_space<hbm>> -> memref<10000x128xf32, #tpu.memory_space<hbm>>
      tpu.enqueue_indirect_dma source(%dma_start3A_822 : memref<10000x128xf32, #tpu.memory_space<hbm>>) target(%arg10 : memref<64x128xf32, #tpu.memory_space<vmem>>) offsets(%dma_start3A_819 : memref<64xi32, #tpu.memory_space<vmem>>) semaphore(%arg15 : memref<!tpu.dma_semaphore, #tpu.memory_space<semaphore_mem>>)
      %add3A_823 = arith.constant 1 : i32
      %add3A_824 = arith.addi %mul3A_740, %add3A_823 : i32
      %dma_wait3A_825 = arith.constant 0 : i32
      %dma_wait3A_826 = tpu.memref_slice %arg9[%add3A_824, %dma_wait3A_825] : memref<32x64xi32, #tpu.memory_space<vmem>> -> memref<1x64xi32, #tpu.memory_space<vmem>>
      %dma_wait3A_827 = tpu.memref_squeeze %dma_wait3A_826 : memref<1x64xi32, #tpu.memory_space<vmem>> -> memref<64xi32, #tpu.memory_space<vmem>>
      %dma_wait3A_828 = arith.constant 0 : i32
      %dma_wait3A_829 = arith.constant 0 : i32
      %dma_wait3A_830 = tpu.memref_slice %arg14[%dma_wait3A_828, %dma_wait3A_829] : memref<10240x128xf32, #tpu.memory_space<vmem_shared>> -> memref<10240x128xf32, #tpu.memory_space<vmem_shared>>
      tpu.wait_indirect_dma semaphore(%arg20 : memref<!tpu.dma_semaphore, #tpu.memory_space<semaphore_mem>>) src(%arg11 : memref<64x128xf32, #tpu.memory_space<vmem>>) dst(%dma_wait3A_830 : memref<10240x128xf32, #tpu.memory_space<vmem_shared>>)
      %add3A_831 = arith.constant 1 : i32
      %add3A_832 = arith.addi %mul3A_740, %add3A_831 : i32
      %add3A_833 = arith.constant 4 : i32
      %add3A_834 = arith.addi %add3A_832, %add3A_833 : i32
      %dma_start3A_835 = arith.constant 0 : i32
      %dma_start3A_836 = tpu.memref_slice %arg7[%add3A_834, %dma_start3A_835] : memref<32x64xi32, #tpu.memory_space<vmem>> -> memref<1x64xi32, #tpu.memory_space<vmem>>
      %dma_start3A_837 = tpu.memref_squeeze %dma_start3A_836 : memref<1x64xi32, #tpu.memory_space<vmem>> -> memref<64xi32, #tpu.memory_space<vmem>>
      %dma_start3A_838 = arith.constant 0 : i32
      %dma_start3A_839 = arith.constant 0 : i32
      %dma_start3A_840 = tpu.memref_slice %arg2[%dma_start3A_838, %dma_start3A_839] : memref<10000x128xf32, #tpu.memory_space<hbm>> -> memref<10000x128xf32, #tpu.memory_space<hbm>>
      tpu.enqueue_indirect_dma source(%dma_start3A_840 : memref<10000x128xf32, #tpu.memory_space<hbm>>) target(%arg11 : memref<64x128xf32, #tpu.memory_space<vmem>>) offsets(%dma_start3A_837 : memref<64xi32, #tpu.memory_space<vmem>>) semaphore(%arg16 : memref<!tpu.dma_semaphore, #tpu.memory_space<semaphore_mem>>)
      %add3A_841 = arith.constant 2 : i32
      %add3A_842 = arith.addi %mul3A_740, %add3A_841 : i32
      %dma_wait3A_843 = arith.constant 0 : i32
      %dma_wait3A_844 = tpu.memref_slice %arg9[%add3A_842, %dma_wait3A_843] : memref<32x64xi32, #tpu.memory_space<vmem>> -> memref<1x64xi32, #tpu.memory_space<vmem>>
      %dma_wait3A_845 = tpu.memref_squeeze %dma_wait3A_844 : memref<1x64xi32, #tpu.memory_space<vmem>> -> memref<64xi32, #tpu.memory_space<vmem>>
      %dma_wait3A_846 = arith.constant 0 : i32
      %dma_wait3A_847 = arith.constant 0 : i32
      %dma_wait3A_848 = tpu.memref_slice %arg14[%dma_wait3A_846, %dma_wait3A_847] : memref<10240x128xf32, #tpu.memory_space<vmem_shared>> -> memref<10240x128xf32, #tpu.memory_space<vmem_shared>>
      tpu.wait_indirect_dma semaphore(%arg21 : memref<!tpu.dma_semaphore, #tpu.memory_space<semaphore_mem>>) src(%arg12 : memref<64x128xf32, #tpu.memory_space<vmem>>) dst(%dma_wait3A_848 : memref<10240x128xf32, #tpu.memory_space<vmem_shared>>)
      %add3A_849 = arith.constant 2 : i32
      %add3A_850 = arith.addi %mul3A_740, %add3A_849 : i32
      %add3A_851 = arith.constant 4 : i32
      %add3A_852 = arith.addi %add3A_850, %add3A_851 : i32
      %dma_start3A_853 = arith.constant 0 : i32
      %dma_start3A_854 = tpu.memref_slice %arg7[%add3A_852, %dma_start3A_853] : memref<32x64xi32, #tpu.memory_space<vmem>> -> memref<1x64xi32, #tpu.memory_space<vmem>>
      %dma_start3A_855 = tpu.memref_squeeze %dma_start3A_854 : memref<1x64xi32, #tpu.memory_space<vmem>> -> memref<64xi32, #tpu.memory_space<vmem>>
      %dma_start3A_856 = arith.constant 0 : i32
      %dma_start3A_857 = arith.constant 0 : i32
      %dma_start3A_858 = tpu.memref_slice %arg2[%dma_start3A_856, %dma_start3A_857] : memref<10000x128xf32, #tpu.memory_space<hbm>> -> memref<10000x128xf32, #tpu.memory_space<hbm>>
      tpu.enqueue_indirect_dma source(%dma_start3A_858 : memref<10000x128xf32, #tpu.memory_space<hbm>>) target(%arg12 : memref<64x128xf32, #tpu.memory_space<vmem>>) offsets(%dma_start3A_855 : memref<64xi32, #tpu.memory_space<vmem>>) semaphore(%arg17 : memref<!tpu.dma_semaphore, #tpu.memory_space<semaphore_mem>>)
      %add3A_859 = arith.constant 3 : i32
      %add3A_860 = arith.addi %mul3A_740, %add3A_859 : i32
      %dma_wait3A_861 = arith.constant 0 : i32
      %dma_wait3A_862 = tpu.memref_slice %arg9[%add3A_860, %dma_wait3A_861] : memref<32x64xi32, #tpu.memory_space<vmem>> -> memref<1x64xi32, #tpu.memory_space<vmem>>
      %dma_wait3A_863 = tpu.memref_squeeze %dma_wait3A_862 : memref<1x64xi32, #tpu.memory_space<vmem>> -> memref<64xi32, #tpu.memory_space<vmem>>
      %dma_wait3A_864 = arith.constant 0 : i32
      %dma_wait3A_865 = arith.constant 0 : i32
      %dma_wait3A_866 = tpu.memref_slice %arg14[%dma_wait3A_864, %dma_wait3A_865] : memref<10240x128xf32, #tpu.memory_space<vmem_shared>> -> memref<10240x128xf32, #tpu.memory_space<vmem_shared>>
      tpu.wait_indirect_dma semaphore(%arg22 : memref<!tpu.dma_semaphore, #tpu.memory_space<semaphore_mem>>) src(%arg13 : memref<64x128xf32, #tpu.memory_space<vmem>>) dst(%dma_wait3A_866 : memref<10240x128xf32, #tpu.memory_space<vmem_shared>>)
      %add3A_867 = arith.constant 3 : i32
      %add3A_868 = arith.addi %mul3A_740, %add3A_867 : i32
      %add3A_869 = arith.constant 4 : i32
      %add3A_870 = arith.addi %add3A_868, %add3A_869 : i32
      %dma_start3A_871 = arith.constant 0 : i32
      %dma_start3A_872 = tpu.memref_slice %arg7[%add3A_870, %dma_start3A_871] : memref<32x64xi32, #tpu.memory_space<vmem>> -> memref<1x64xi32, #tpu.memory_space<vmem>>
      %dma_start3A_873 = tpu.memref_squeeze %dma_start3A_872 : memref<1x64xi32, #tpu.memory_space<vmem>> -> memref<64xi32, #tpu.memory_space<vmem>>
      %dma_start3A_874 = arith.constant 0 : i32
      %dma_start3A_875 = arith.constant 0 : i32
      %dma_start3A_876 = tpu.memref_slice %arg2[%dma_start3A_874, %dma_start3A_875] : memref<10000x128xf32, #tpu.memory_space<hbm>> -> memref<10000x128xf32, #tpu.memory_space<hbm>>
      tpu.enqueue_indirect_dma source(%dma_start3A_876 : memref<10000x128xf32, #tpu.memory_space<hbm>>) target(%arg13 : memref<64x128xf32, #tpu.memory_space<vmem>>) offsets(%dma_start3A_873 : memref<64xi32, #tpu.memory_space<vmem>>) semaphore(%arg18 : memref<!tpu.dma_semaphore, #tpu.memory_space<semaphore_mem>>)
    }
    %scan3A_518 = arith.constant 7 : i32
    %add3A_519 = arith.constant 128 : i32
    %add3A_520 = arith.addi %mul3A_2, %add3A_519 : i32
    %dma_wait3A_521 = arith.constant 0 : i32
    %dma_wait3A_522 = tpu.memref_slice %arg3[%add3A_520, %dma_wait3A_521] : memref<5120x64xi32, #tpu.memory_space<hbm>> -> memref<32x64xi32, #tpu.memory_space<hbm>>
    %dma_wait3A_523 = arith.constant 0 : i32
    %dma_wait3A_524 = tpu.memref_slice %arg3[%add3A_520, %dma_wait3A_523] : memref<5120x64xi32, #tpu.memory_space<hbm>> -> memref<32x64xi32, #tpu.memory_space<hbm>>
    tpu.wait_dma2 semaphore(%arg23 : memref<!tpu.dma_semaphore, #tpu.memory_space<semaphore_mem>>) src(%dma_wait3A_524 : memref<32x64xi32, #tpu.memory_space<hbm>>) dst(%arg6 : memref<32x64xi32, #tpu.memory_space<vmem>>)
    %add3A_525 = arith.constant 128 : i32
    %add3A_526 = arith.addi %mul3A_2, %add3A_525 : i32
    %dma_wait3A_527 = arith.constant 0 : i32
    %dma_wait3A_528 = tpu.memref_slice %arg4[%add3A_526, %dma_wait3A_527] : memref<5120x64xi32, #tpu.memory_space<hbm>> -> memref<32x64xi32, #tpu.memory_space<hbm>>
    %dma_wait3A_529 = arith.constant 0 : i32
    %dma_wait3A_530 = tpu.memref_slice %arg4[%add3A_526, %dma_wait3A_529] : memref<5120x64xi32, #tpu.memory_space<hbm>> -> memref<32x64xi32, #tpu.memory_space<hbm>>
    tpu.wait_dma2 semaphore(%arg23 : memref<!tpu.dma_semaphore, #tpu.memory_space<semaphore_mem>>) src(%dma_wait3A_530 : memref<32x64xi32, #tpu.memory_space<hbm>>) dst(%arg8 : memref<32x64xi32, #tpu.memory_space<vmem>>)
    %dma_wait3A_531 = arith.constant 28 : i32
    %dma_wait3A_532 = arith.constant 0 : i32
    %dma_wait3A_533 = tpu.memref_slice %arg7[%dma_wait3A_531, %dma_wait3A_532] : memref<32x64xi32, #tpu.memory_space<vmem>> -> memref<1x64xi32, #tpu.memory_space<vmem>>
    %dma_wait3A_534 = tpu.memref_squeeze %dma_wait3A_533 : memref<1x64xi32, #tpu.memory_space<vmem>> -> memref<64xi32, #tpu.memory_space<vmem>>
    %dma_wait3A_535 = arith.constant 0 : i32
    %dma_wait3A_536 = arith.constant 0 : i32
    %dma_wait3A_537 = tpu.memref_slice %arg2[%dma_wait3A_535, %dma_wait3A_536] : memref<10000x128xf32, #tpu.memory_space<hbm>> -> memref<10000x128xf32, #tpu.memory_space<hbm>>
    tpu.wait_indirect_dma semaphore(%arg15 : memref<!tpu.dma_semaphore, #tpu.memory_space<semaphore_mem>>) src(%dma_wait3A_537 : memref<10000x128xf32, #tpu.memory_space<hbm>>) dst(%arg10 : memref<64x128xf32, #tpu.memory_space<vmem>>)
    %dma_start3A_538 = arith.constant 28 : i32
    %dma_start3A_539 = arith.constant 0 : i32
    %dma_start3A_540 = tpu.memref_slice %arg9[%dma_start3A_538, %dma_start3A_539] : memref<32x64xi32, #tpu.memory_space<vmem>> -> memref<1x64xi32, #tpu.memory_space<vmem>>
    %dma_start3A_541 = tpu.memref_squeeze %dma_start3A_540 : memref<1x64xi32, #tpu.memory_space<vmem>> -> memref<64xi32, #tpu.memory_space<vmem>>
    %dma_start3A_542 = arith.constant 0 : i32
    %dma_start3A_543 = arith.constant 0 : i32
    %dma_start3A_544 = tpu.memref_slice %arg14[%dma_start3A_542, %dma_start3A_543] : memref<10240x128xf32, #tpu.memory_space<vmem_shared>> -> memref<10240x128xf32, #tpu.memory_space<vmem_shared>>
    tpu.enqueue_indirect_dma source(%arg10 : memref<64x128xf32, #tpu.memory_space<vmem>>) target(%dma_start3A_544 : memref<10240x128xf32, #tpu.memory_space<vmem_shared>>) offsets(%dma_start3A_541 : memref<64xi32, #tpu.memory_space<vmem>>) semaphore(%arg19 : memref<!tpu.dma_semaphore, #tpu.memory_space<semaphore_mem>>) {add = true}
    %dma_wait3A_545 = arith.constant 29 : i32
    %dma_wait3A_546 = arith.constant 0 : i32
    %dma_wait3A_547 = tpu.memref_slice %arg7[%dma_wait3A_545, %dma_wait3A_546] : memref<32x64xi32, #tpu.memory_space<vmem>> -> memref<1x64xi32, #tpu.memory_space<vmem>>
    %dma_wait3A_548 = tpu.memref_squeeze %dma_wait3A_547 : memref<1x64xi32, #tpu.memory_space<vmem>> -> memref<64xi32, #tpu.memory_space<vmem>>
    %dma_wait3A_549 = arith.constant 0 : i32
    %dma_wait3A_550 = arith.constant 0 : i32
    %dma_wait3A_551 = tpu.memref_slice %arg2[%dma_wait3A_549, %dma_wait3A_550] : memref<10000x128xf32, #tpu.memory_space<hbm>> -> memref<10000x128xf32, #tpu.memory_space<hbm>>
    tpu.wait_indirect_dma semaphore(%arg16 : memref<!tpu.dma_semaphore, #tpu.memory_space<semaphore_mem>>) src(%dma_wait3A_551 : memref<10000x128xf32, #tpu.memory_space<hbm>>) dst(%arg11 : memref<64x128xf32, #tpu.memory_space<vmem>>)
    %dma_start3A_552 = arith.constant 29 : i32
    %dma_start3A_553 = arith.constant 0 : i32
    %dma_start3A_554 = tpu.memref_slice %arg9[%dma_start3A_552, %dma_start3A_553] : memref<32x64xi32, #tpu.memory_space<vmem>> -> memref<1x64xi32, #tpu.memory_space<vmem>>
    %dma_start3A_555 = tpu.memref_squeeze %dma_start3A_554 : memref<1x64xi32, #tpu.memory_space<vmem>> -> memref<64xi32, #tpu.memory_space<vmem>>
    %dma_start3A_556 = arith.constant 0 : i32
    %dma_start3A_557 = arith.constant 0 : i32
    %dma_start3A_558 = tpu.memref_slice %arg14[%dma_start3A_556, %dma_start3A_557] : memref<10240x128xf32, #tpu.memory_space<vmem_shared>> -> memref<10240x128xf32, #tpu.memory_space<vmem_shared>>
    tpu.enqueue_indirect_dma source(%arg11 : memref<64x128xf32, #tpu.memory_space<vmem>>) target(%dma_start3A_558 : memref<10240x128xf32, #tpu.memory_space<vmem_shared>>) offsets(%dma_start3A_555 : memref<64xi32, #tpu.memory_space<vmem>>) semaphore(%arg20 : memref<!tpu.dma_semaphore, #tpu.memory_space<semaphore_mem>>) {add = true}
    %dma_wait3A_559 = arith.constant 30 : i32
    %dma_wait3A_560 = arith.constant 0 : i32
    %dma_wait3A_561 = tpu.memref_slice %arg7[%dma_wait3A_559, %dma_wait3A_560] : memref<32x64xi32, #tpu.memory_space<vmem>> -> memref<1x64xi32, #tpu.memory_space<vmem>>
    %dma_wait3A_562 = tpu.memref_squeeze %dma_wait3A_561 : memref<1x64xi32, #tpu.memory_space<vmem>> -> memref<64xi32, #tpu.memory_space<vmem>>
    %dma_wait3A_563 = arith.constant 0 : i32
    %dma_wait3A_564 = arith.constant 0 : i32
    %dma_wait3A_565 = tpu.memref_slice %arg2[%dma_wait3A_563, %dma_wait3A_564] : memref<10000x128xf32, #tpu.memory_space<hbm>> -> memref<10000x128xf32, #tpu.memory_space<hbm>>
    tpu.wait_indirect_dma semaphore(%arg17 : memref<!tpu.dma_semaphore, #tpu.memory_space<semaphore_mem>>) src(%dma_wait3A_565 : memref<10000x128xf32, #tpu.memory_space<hbm>>) dst(%arg12 : memref<64x128xf32, #tpu.memory_space<vmem>>)
    %dma_start3A_566 = arith.constant 30 : i32
    %dma_start3A_567 = arith.constant 0 : i32
    %dma_start3A_568 = tpu.memref_slice %arg9[%dma_start3A_566, %dma_start3A_567] : memref<32x64xi32, #tpu.memory_space<vmem>> -> memref<1x64xi32, #tpu.memory_space<vmem>>
    %dma_start3A_569 = tpu.memref_squeeze %dma_start3A_568 : memref<1x64xi32, #tpu.memory_space<vmem>> -> memref<64xi32, #tpu.memory_space<vmem>>
    %dma_start3A_570 = arith.constant 0 : i32
    %dma_start3A_571 = arith.constant 0 : i32
    %dma_start3A_572 = tpu.memref_slice %arg14[%dma_start3A_570, %dma_start3A_571] : memref<10240x128xf32, #tpu.memory_space<vmem_shared>> -> memref<10240x128xf32, #tpu.memory_space<vmem_shared>>
    tpu.enqueue_indirect_dma source(%arg12 : memref<64x128xf32, #tpu.memory_space<vmem>>) target(%dma_start3A_572 : memref<10240x128xf32, #tpu.memory_space<vmem_shared>>) offsets(%dma_start3A_569 : memref<64xi32, #tpu.memory_space<vmem>>) semaphore(%arg21 : memref<!tpu.dma_semaphore, #tpu.memory_space<semaphore_mem>>) {add = true}
    %dma_wait3A_573 = arith.constant 31 : i32
    %dma_wait3A_574 = arith.constant 0 : i32
    %dma_wait3A_575 = tpu.memref_slice %arg7[%dma_wait3A_573, %dma_wait3A_574] : memref<32x64xi32, #tpu.memory_space<vmem>> -> memref<1x64xi32, #tpu.memory_space<vmem>>
    %dma_wait3A_576 = tpu.memref_squeeze %dma_wait3A_575 : memref<1x64xi32, #tpu.memory_space<vmem>> -> memref<64xi32, #tpu.memory_space<vmem>>
    %dma_wait3A_577 = arith.constant 0 : i32
    %dma_wait3A_578 = arith.constant 0 : i32
    %dma_wait3A_579 = tpu.memref_slice %arg2[%dma_wait3A_577, %dma_wait3A_578] : memref<10000x128xf32, #tpu.memory_space<hbm>> -> memref<10000x128xf32, #tpu.memory_space<hbm>>
    tpu.wait_indirect_dma semaphore(%arg18 : memref<!tpu.dma_semaphore, #tpu.memory_space<semaphore_mem>>) src(%dma_wait3A_579 : memref<10000x128xf32, #tpu.memory_space<hbm>>) dst(%arg13 : memref<64x128xf32, #tpu.memory_space<vmem>>)
    %dma_start3A_580 = arith.constant 31 : i32
    %dma_start3A_581 = arith.constant 0 : i32
    %dma_start3A_582 = tpu.memref_slice %arg9[%dma_start3A_580, %dma_start3A_581] : memref<32x64xi32, #tpu.memory_space<vmem>> -> memref<1x64xi32, #tpu.memory_space<vmem>>
    %dma_start3A_583 = tpu.memref_squeeze %dma_start3A_582 : memref<1x64xi32, #tpu.memory_space<vmem>> -> memref<64xi32, #tpu.memory_space<vmem>>
    %dma_start3A_584 = arith.constant 0 : i32
    %dma_start3A_585 = arith.constant 0 : i32
    %dma_start3A_586 = tpu.memref_slice %arg14[%dma_start3A_584, %dma_start3A_585] : memref<10240x128xf32, #tpu.memory_space<vmem_shared>> -> memref<10240x128xf32, #tpu.memory_space<vmem_shared>>
    tpu.enqueue_indirect_dma source(%arg13 : memref<64x128xf32, #tpu.memory_space<vmem>>) target(%dma_start3A_586 : memref<10240x128xf32, #tpu.memory_space<vmem_shared>>) offsets(%dma_start3A_583 : memref<64xi32, #tpu.memory_space<vmem>>) semaphore(%arg22 : memref<!tpu.dma_semaphore, #tpu.memory_space<semaphore_mem>>) {add = true}
    %dma_wait3A_587 = arith.constant 28 : i32
    %dma_wait3A_588 = arith.constant 0 : i32
    %dma_wait3A_589 = tpu.memref_slice %arg9[%dma_wait3A_587, %dma_wait3A_588] : memref<32x64xi32, #tpu.memory_space<vmem>> -> memref<1x64xi32, #tpu.memory_space<vmem>>
    %dma_wait3A_590 = tpu.memref_squeeze %dma_wait3A_589 : memref<1x64xi32, #tpu.memory_space<vmem>> -> memref<64xi32, #tpu.memory_space<vmem>>
    %dma_wait3A_591 = arith.constant 0 : i32
    %dma_wait3A_592 = arith.constant 0 : i32
    %dma_wait3A_593 = tpu.memref_slice %arg14[%dma_wait3A_591, %dma_wait3A_592] : memref<10240x128xf32, #tpu.memory_space<vmem_shared>> -> memref<10240x128xf32, #tpu.memory_space<vmem_shared>>
    tpu.wait_indirect_dma semaphore(%arg19 : memref<!tpu.dma_semaphore, #tpu.memory_space<semaphore_mem>>) src(%arg10 : memref<64x128xf32, #tpu.memory_space<vmem>>) dst(%dma_wait3A_593 : memref<10240x128xf32, #tpu.memory_space<vmem_shared>>)
    %dma_start3A_594 = arith.constant 0 : i32
    %dma_start3A_595 = arith.constant 0 : i32
    %dma_start3A_596 = tpu.memref_slice %arg6[%dma_start3A_594, %dma_start3A_595] : memref<32x64xi32, #tpu.memory_space<vmem>> -> memref<1x64xi32, #tpu.memory_space<vmem>>
    %dma_start3A_597 = tpu.memref_squeeze %dma_start3A_596 : memref<1x64xi32, #tpu.memory_space<vmem>> -> memref<64xi32, #tpu.memory_space<vmem>>
    %dma_start3A_598 = arith.constant 0 : i32
    %dma_start3A_599 = arith.constant 0 : i32
    %dma_start3A_600 = tpu.memref_slice %arg2[%dma_start3A_598, %dma_start3A_599] : memref<10000x128xf32, #tpu.memory_space<hbm>> -> memref<10000x128xf32, #tpu.memory_space<hbm>>
    tpu.enqueue_indirect_dma source(%dma_start3A_600 : memref<10000x128xf32, #tpu.memory_space<hbm>>) target(%arg10 : memref<64x128xf32, #tpu.memory_space<vmem>>) offsets(%dma_start3A_597 : memref<64xi32, #tpu.memory_space<vmem>>) semaphore(%arg15 : memref<!tpu.dma_semaphore, #tpu.memory_space<semaphore_mem>>)
    %dma_wait3A_601 = arith.constant 29 : i32
    %dma_wait3A_602 = arith.constant 0 : i32
    %dma_wait3A_603 = tpu.memref_slice %arg9[%dma_wait3A_601, %dma_wait3A_602] : memref<32x64xi32, #tpu.memory_space<vmem>> -> memref<1x64xi32, #tpu.memory_space<vmem>>
    %dma_wait3A_604 = tpu.memref_squeeze %dma_wait3A_603 : memref<1x64xi32, #tpu.memory_space<vmem>> -> memref<64xi32, #tpu.memory_space<vmem>>
    %dma_wait3A_605 = arith.constant 0 : i32
    %dma_wait3A_606 = arith.constant 0 : i32
    %dma_wait3A_607 = tpu.memref_slice %arg14[%dma_wait3A_605, %dma_wait3A_606] : memref<10240x128xf32, #tpu.memory_space<vmem_shared>> -> memref<10240x128xf32, #tpu.memory_space<vmem_shared>>
    tpu.wait_indirect_dma semaphore(%arg20 : memref<!tpu.dma_semaphore, #tpu.memory_space<semaphore_mem>>) src(%arg11 : memref<64x128xf32, #tpu.memory_space<vmem>>) dst(%dma_wait3A_607 : memref<10240x128xf32, #tpu.memory_space<vmem_shared>>)
    %dma_start3A_608 = arith.constant 1 : i32
    %dma_start3A_609 = arith.constant 0 : i32
    %dma_start3A_610 = tpu.memref_slice %arg6[%dma_start3A_608, %dma_start3A_609] : memref<32x64xi32, #tpu.memory_space<vmem>> -> memref<1x64xi32, #tpu.memory_space<vmem>>
    %dma_start3A_611 = tpu.memref_squeeze %dma_start3A_610 : memref<1x64xi32, #tpu.memory_space<vmem>> -> memref<64xi32, #tpu.memory_space<vmem>>
    %dma_start3A_612 = arith.constant 0 : i32
    %dma_start3A_613 = arith.constant 0 : i32
    %dma_start3A_614 = tpu.memref_slice %arg2[%dma_start3A_612, %dma_start3A_613] : memref<10000x128xf32, #tpu.memory_space<hbm>> -> memref<10000x128xf32, #tpu.memory_space<hbm>>
    tpu.enqueue_indirect_dma source(%dma_start3A_614 : memref<10000x128xf32, #tpu.memory_space<hbm>>) target(%arg11 : memref<64x128xf32, #tpu.memory_space<vmem>>) offsets(%dma_start3A_611 : memref<64xi32, #tpu.memory_space<vmem>>) semaphore(%arg16 : memref<!tpu.dma_semaphore, #tpu.memory_space<semaphore_mem>>)
    %dma_wait3A_615 = arith.constant 30 : i32
    %dma_wait3A_616 = arith.constant 0 : i32
    %dma_wait3A_617 = tpu.memref_slice %arg9[%dma_wait3A_615, %dma_wait3A_616] : memref<32x64xi32, #tpu.memory_space<vmem>> -> memref<1x64xi32, #tpu.memory_space<vmem>>
    %dma_wait3A_618 = tpu.memref_squeeze %dma_wait3A_617 : memref<1x64xi32, #tpu.memory_space<vmem>> -> memref<64xi32, #tpu.memory_space<vmem>>
    %dma_wait3A_619 = arith.constant 0 : i32
    %dma_wait3A_620 = arith.constant 0 : i32
    %dma_wait3A_621 = tpu.memref_slice %arg14[%dma_wait3A_619, %dma_wait3A_620] : memref<10240x128xf32, #tpu.memory_space<vmem_shared>> -> memref<10240x128xf32, #tpu.memory_space<vmem_shared>>
    tpu.wait_indirect_dma semaphore(%arg21 : memref<!tpu.dma_semaphore, #tpu.memory_space<semaphore_mem>>) src(%arg12 : memref<64x128xf32, #tpu.memory_space<vmem>>) dst(%dma_wait3A_621 : memref<10240x128xf32, #tpu.memory_space<vmem_shared>>)
    %dma_start3A_622 = arith.constant 2 : i32
    %dma_start3A_623 = arith.constant 0 : i32
    %dma_start3A_624 = tpu.memref_slice %arg6[%dma_start3A_622, %dma_start3A_623] : memref<32x64xi32, #tpu.memory_space<vmem>> -> memref<1x64xi32, #tpu.memory_space<vmem>>
    %dma_start3A_625 = tpu.memref_squeeze %dma_start3A_624 : memref<1x64xi32, #tpu.memory_space<vmem>> -> memref<64xi32, #tpu.memory_space<vmem>>
    %dma_start3A_626 = arith.constant 0 : i32
    %dma_start3A_627 = arith.constant 0 : i32
    %dma_start3A_628 = tpu.memref_slice %arg2[%dma_start3A_626, %dma_start3A_627] : memref<10000x128xf32, #tpu.memory_space<hbm>> -> memref<10000x128xf32, #tpu.memory_space<hbm>>
    tpu.enqueue_indirect_dma source(%dma_start3A_628 : memref<10000x128xf32, #tpu.memory_space<hbm>>) target(%arg12 : memref<64x128xf32, #tpu.memory_space<vmem>>) offsets(%dma_start3A_625 : memref<64xi32, #tpu.memory_space<vmem>>) semaphore(%arg17 : memref<!tpu.dma_semaphore, #tpu.memory_space<semaphore_mem>>)
    %dma_wait3A_629 = arith.constant 31 : i32
    %dma_wait3A_630 = arith.constant 0 : i32
    %dma_wait3A_631 = tpu.memref_slice %arg9[%dma_wait3A_629, %dma_wait3A_630] : memref<32x64xi32, #tpu.memory_space<vmem>> -> memref<1x64xi32, #tpu.memory_space<vmem>>
    %dma_wait3A_632 = tpu.memref_squeeze %dma_wait3A_631 : memref<1x64xi32, #tpu.memory_space<vmem>> -> memref<64xi32, #tpu.memory_space<vmem>>
    %dma_wait3A_633 = arith.constant 0 : i32
    %dma_wait3A_634 = arith.constant 0 : i32
    %dma_wait3A_635 = tpu.memref_slice %arg14[%dma_wait3A_633, %dma_wait3A_634] : memref<10240x128xf32, #tpu.memory_space<vmem_shared>> -> memref<10240x128xf32, #tpu.memory_space<vmem_shared>>
    tpu.wait_indirect_dma semaphore(%arg22 : memref<!tpu.dma_semaphore, #tpu.memory_space<semaphore_mem>>) src(%arg13 : memref<64x128xf32, #tpu.memory_space<vmem>>) dst(%dma_wait3A_635 : memref<10240x128xf32, #tpu.memory_space<vmem_shared>>)
    %dma_start3A_636 = arith.constant 3 : i32
    %dma_start3A_637 = arith.constant 0 : i32
    %dma_start3A_638 = tpu.memref_slice %arg6[%dma_start3A_636, %dma_start3A_637] : memref<32x64xi32, #tpu.memory_space<vmem>> -> memref<1x64xi32, #tpu.memory_space<vmem>>
    %dma_start3A_639 = tpu.memref_squeeze %dma_start3A_638 : memref<1x64xi32, #tpu.memory_space<vmem>> -> memref<64xi32, #tpu.memory_space<vmem>>
    %dma_start3A_640 = arith.constant 0 : i32
    %dma_start3A_641 = arith.constant 0 : i32
    %dma_start3A_642 = tpu.memref_slice %arg2[%dma_start3A_640, %dma_start3A_641] : memref<10000x128xf32, #tpu.memory_space<hbm>> -> memref<10000x128xf32, #tpu.memory_space<hbm>>
    tpu.enqueue_indirect_dma source(%dma_start3A_642 : memref<10000x128xf32, #tpu.memory_space<hbm>>) target(%arg13 : memref<64x128xf32, #tpu.memory_space<vmem>>) offsets(%dma_start3A_639 : memref<64xi32, #tpu.memory_space<vmem>>) semaphore(%arg18 : memref<!tpu.dma_semaphore, #tpu.memory_space<semaphore_mem>>)
    %scan3A_643 = arith.constant 0 : i32
    %scan3A_644 = arith.constant 0 : i32
    %scan3A_645 = arith.constant 7 : i32
    %scan3A_646 = arith.addi %scan3A_644, %scan3A_645 : i32
    %scan3A_647 = arith.constant 1 : i32
    scf.for %scan3A_738 = %scan3A_644 to %scan3A_646 step %scan3A_647  : i32 {
      %mul3A_739 = arith.constant 4 : i32
      %mul3A_740 = arith.muli %mul3A_739, %scan3A_738 : i32
      %add3A_741 = arith.constant 0 : i32
      %add3A_742 = arith.addi %mul3A_740, %add3A_741 : i32
      %dma_wait3A_743 = arith.constant 0 : i32
      %dma_wait3A_744 = tpu.memref_slice %arg6[%add3A_742, %dma_wait3A_743] : memref<32x64xi32, #tpu.memory_space<vmem>> -> memref<1x64xi32, #tpu.memory_space<vmem>>
      %dma_wait3A_745 = tpu.memref_squeeze %dma_wait3A_744 : memref<1x64xi32, #tpu.memory_space<vmem>> -> memref<64xi32, #tpu.memory_space<vmem>>
      %dma_wait3A_746 = arith.constant 0 : i32
      %dma_wait3A_747 = arith.constant 0 : i32
      %dma_wait3A_748 = tpu.memref_slice %arg2[%dma_wait3A_746, %dma_wait3A_747] : memref<10000x128xf32, #tpu.memory_space<hbm>> -> memref<10000x128xf32, #tpu.memory_space<hbm>>
      tpu.wait_indirect_dma semaphore(%arg15 : memref<!tpu.dma_semaphore, #tpu.memory_space<semaphore_mem>>) src(%dma_wait3A_748 : memref<10000x128xf32, #tpu.memory_space<hbm>>) dst(%arg10 : memref<64x128xf32, #tpu.memory_space<vmem>>)
      %add3A_749 = arith.constant 0 : i32
      %add3A_750 = arith.addi %mul3A_740, %add3A_749 : i32
      %dma_start3A_751 = arith.constant 0 : i32
      %dma_start3A_752 = tpu.memref_slice %arg8[%add3A_750, %dma_start3A_751] : memref<32x64xi32, #tpu.memory_space<vmem>> -> memref<1x64xi32, #tpu.memory_space<vmem>>
      %dma_start3A_753 = tpu.memref_squeeze %dma_start3A_752 : memref<1x64xi32, #tpu.memory_space<vmem>> -> memref<64xi32, #tpu.memory_space<vmem>>
      %dma_start3A_754 = arith.constant 0 : i32
      %dma_start3A_755 = arith.constant 0 : i32
      %dma_start3A_756 = tpu.memref_slice %arg14[%dma_start3A_754, %dma_start3A_755] : memref<10240x128xf32, #tpu.memory_space<vmem_shared>> -> memref<10240x128xf32, #tpu.memory_space<vmem_shared>>
      tpu.enqueue_indirect_dma source(%arg10 : memref<64x128xf32, #tpu.memory_space<vmem>>) target(%dma_start3A_756 : memref<10240x128xf32, #tpu.memory_space<vmem_shared>>) offsets(%dma_start3A_753 : memref<64xi32, #tpu.memory_space<vmem>>) semaphore(%arg19 : memref<!tpu.dma_semaphore, #tpu.memory_space<semaphore_mem>>) {add = true}
      %add3A_757 = arith.constant 1 : i32
      %add3A_758 = arith.addi %mul3A_740, %add3A_757 : i32
      %dma_wait3A_759 = arith.constant 0 : i32
      %dma_wait3A_760 = tpu.memref_slice %arg6[%add3A_758, %dma_wait3A_759] : memref<32x64xi32, #tpu.memory_space<vmem>> -> memref<1x64xi32, #tpu.memory_space<vmem>>
      %dma_wait3A_761 = tpu.memref_squeeze %dma_wait3A_760 : memref<1x64xi32, #tpu.memory_space<vmem>> -> memref<64xi32, #tpu.memory_space<vmem>>
      %dma_wait3A_762 = arith.constant 0 : i32
      %dma_wait3A_763 = arith.constant 0 : i32
      %dma_wait3A_764 = tpu.memref_slice %arg2[%dma_wait3A_762, %dma_wait3A_763] : memref<10000x128xf32, #tpu.memory_space<hbm>> -> memref<10000x128xf32, #tpu.memory_space<hbm>>
      tpu.wait_indirect_dma semaphore(%arg16 : memref<!tpu.dma_semaphore, #tpu.memory_space<semaphore_mem>>) src(%dma_wait3A_764 : memref<10000x128xf32, #tpu.memory_space<hbm>>) dst(%arg11 : memref<64x128xf32, #tpu.memory_space<vmem>>)
      %add3A_765 = arith.constant 1 : i32
      %add3A_766 = arith.addi %mul3A_740, %add3A_765 : i32
      %dma_start3A_767 = arith.constant 0 : i32
      %dma_start3A_768 = tpu.memref_slice %arg8[%add3A_766, %dma_start3A_767] : memref<32x64xi32, #tpu.memory_space<vmem>> -> memref<1x64xi32, #tpu.memory_space<vmem>>
      %dma_start3A_769 = tpu.memref_squeeze %dma_start3A_768 : memref<1x64xi32, #tpu.memory_space<vmem>> -> memref<64xi32, #tpu.memory_space<vmem>>
      %dma_start3A_770 = arith.constant 0 : i32
      %dma_start3A_771 = arith.constant 0 : i32
      %dma_start3A_772 = tpu.memref_slice %arg14[%dma_start3A_770, %dma_start3A_771] : memref<10240x128xf32, #tpu.memory_space<vmem_shared>> -> memref<10240x128xf32, #tpu.memory_space<vmem_shared>>
      tpu.enqueue_indirect_dma source(%arg11 : memref<64x128xf32, #tpu.memory_space<vmem>>) target(%dma_start3A_772 : memref<10240x128xf32, #tpu.memory_space<vmem_shared>>) offsets(%dma_start3A_769 : memref<64xi32, #tpu.memory_space<vmem>>) semaphore(%arg20 : memref<!tpu.dma_semaphore, #tpu.memory_space<semaphore_mem>>) {add = true}
      %add3A_773 = arith.constant 2 : i32
      %add3A_774 = arith.addi %mul3A_740, %add3A_773 : i32
      %dma_wait3A_775 = arith.constant 0 : i32
      %dma_wait3A_776 = tpu.memref_slice %arg6[%add3A_774, %dma_wait3A_775] : memref<32x64xi32, #tpu.memory_space<vmem>> -> memref<1x64xi32, #tpu.memory_space<vmem>>
      %dma_wait3A_777 = tpu.memref_squeeze %dma_wait3A_776 : memref<1x64xi32, #tpu.memory_space<vmem>> -> memref<64xi32, #tpu.memory_space<vmem>>
      %dma_wait3A_778 = arith.constant 0 : i32
      %dma_wait3A_779 = arith.constant 0 : i32
      %dma_wait3A_780 = tpu.memref_slice %arg2[%dma_wait3A_778, %dma_wait3A_779] : memref<10000x128xf32, #tpu.memory_space<hbm>> -> memref<10000x128xf32, #tpu.memory_space<hbm>>
      tpu.wait_indirect_dma semaphore(%arg17 : memref<!tpu.dma_semaphore, #tpu.memory_space<semaphore_mem>>) src(%dma_wait3A_780 : memref<10000x128xf32, #tpu.memory_space<hbm>>) dst(%arg12 : memref<64x128xf32, #tpu.memory_space<vmem>>)
      %add3A_781 = arith.constant 2 : i32
      %add3A_782 = arith.addi %mul3A_740, %add3A_781 : i32
      %dma_start3A_783 = arith.constant 0 : i32
      %dma_start3A_784 = tpu.memref_slice %arg8[%add3A_782, %dma_start3A_783] : memref<32x64xi32, #tpu.memory_space<vmem>> -> memref<1x64xi32, #tpu.memory_space<vmem>>
      %dma_start3A_785 = tpu.memref_squeeze %dma_start3A_784 : memref<1x64xi32, #tpu.memory_space<vmem>> -> memref<64xi32, #tpu.memory_space<vmem>>
      %dma_start3A_786 = arith.constant 0 : i32
      %dma_start3A_787 = arith.constant 0 : i32
      %dma_start3A_788 = tpu.memref_slice %arg14[%dma_start3A_786, %dma_start3A_787] : memref<10240x128xf32, #tpu.memory_space<vmem_shared>> -> memref<10240x128xf32, #tpu.memory_space<vmem_shared>>
      tpu.enqueue_indirect_dma source(%arg12 : memref<64x128xf32, #tpu.memory_space<vmem>>) target(%dma_start3A_788 : memref<10240x128xf32, #tpu.memory_space<vmem_shared>>) offsets(%dma_start3A_785 : memref<64xi32, #tpu.memory_space<vmem>>) semaphore(%arg21 : memref<!tpu.dma_semaphore, #tpu.memory_space<semaphore_mem>>) {add = true}
      %add3A_789 = arith.constant 3 : i32
      %add3A_790 = arith.addi %mul3A_740, %add3A_789 : i32
      %dma_wait3A_791 = arith.constant 0 : i32
      %dma_wait3A_792 = tpu.memref_slice %arg6[%add3A_790, %dma_wait3A_791] : memref<32x64xi32, #tpu.memory_space<vmem>> -> memref<1x64xi32, #tpu.memory_space<vmem>>
      %dma_wait3A_793 = tpu.memref_squeeze %dma_wait3A_792 : memref<1x64xi32, #tpu.memory_space<vmem>> -> memref<64xi32, #tpu.memory_space<vmem>>
      %dma_wait3A_794 = arith.constant 0 : i32
      %dma_wait3A_795 = arith.constant 0 : i32
      %dma_wait3A_796 = tpu.memref_slice %arg2[%dma_wait3A_794, %dma_wait3A_795] : memref<10000x128xf32, #tpu.memory_space<hbm>> -> memref<10000x128xf32, #tpu.memory_space<hbm>>
      tpu.wait_indirect_dma semaphore(%arg18 : memref<!tpu.dma_semaphore, #tpu.memory_space<semaphore_mem>>) src(%dma_wait3A_796 : memref<10000x128xf32, #tpu.memory_space<hbm>>) dst(%arg13 : memref<64x128xf32, #tpu.memory_space<vmem>>)
      %add3A_797 = arith.constant 3 : i32
      %add3A_798 = arith.addi %mul3A_740, %add3A_797 : i32
      %dma_start3A_799 = arith.constant 0 : i32
      %dma_start3A_800 = tpu.memref_slice %arg8[%add3A_798, %dma_start3A_799] : memref<32x64xi32, #tpu.memory_space<vmem>> -> memref<1x64xi32, #tpu.memory_space<vmem>>
      %dma_start3A_801 = tpu.memref_squeeze %dma_start3A_800 : memref<1x64xi32, #tpu.memory_space<vmem>> -> memref<64xi32, #tpu.memory_space<vmem>>
      %dma_start3A_802 = arith.constant 0 : i32
      %dma_start3A_803 = arith.constant 0 : i32
      %dma_start3A_804 = tpu.memref_slice %arg14[%dma_start3A_802, %dma_start3A_803] : memref<10240x128xf32, #tpu.memory_space<vmem_shared>> -> memref<10240x128xf32, #tpu.memory_space<vmem_shared>>
      tpu.enqueue_indirect_dma source(%arg13 : memref<64x128xf32, #tpu.memory_space<vmem>>) target(%dma_start3A_804 : memref<10240x128xf32, #tpu.memory_space<vmem_shared>>) offsets(%dma_start3A_801 : memref<64xi32, #tpu.memory_space<vmem>>) semaphore(%arg22 : memref<!tpu.dma_semaphore, #tpu.memory_space<semaphore_mem>>) {add = true}
      %add3A_805 = arith.constant 0 : i32
      %add3A_806 = arith.addi %mul3A_740, %add3A_805 : i32
      %dma_wait3A_807 = arith.constant 0 : i32
      %dma_wait3A_808 = tpu.memref_slice %arg8[%add3A_806, %dma_wait3A_807] : memref<32x64xi32, #tpu.memory_space<vmem>> -> memref<1x64xi32, #tpu.memory_space<vmem>>
      %dma_wait3A_809 = tpu.memref_squeeze %dma_wait3A_808 : memref<1x64xi32, #tpu.memory_space<vmem>> -> memref<64xi32, #tpu.memory_space<vmem>>
      %dma_wait3A_810 = arith.constant 0 : i32
      %dma_wait3A_811 = arith.constant 0 : i32
      %dma_wait3A_812 = tpu.memref_slice %arg14[%dma_wait3A_810, %dma_wait3A_811] : memref<10240x128xf32, #tpu.memory_space<vmem_shared>> -> memref<10240x128xf32, #tpu.memory_space<vmem_shared>>
      tpu.wait_indirect_dma semaphore(%arg19 : memref<!tpu.dma_semaphore, #tpu.memory_space<semaphore_mem>>) src(%arg10 : memref<64x128xf32, #tpu.memory_space<vmem>>) dst(%dma_wait3A_812 : memref<10240x128xf32, #tpu.memory_space<vmem_shared>>)
      %add3A_813 = arith.constant 0 : i32
      %add3A_814 = arith.addi %mul3A_740, %add3A_813 : i32
      %add3A_815 = arith.constant 4 : i32
      %add3A_816 = arith.addi %add3A_814, %add3A_815 : i32
      %dma_start3A_817 = arith.constant 0 : i32
      %dma_start3A_818 = tpu.memref_slice %arg6[%add3A_816, %dma_start3A_817] : memref<32x64xi32, #tpu.memory_space<vmem>> -> memref<1x64xi32, #tpu.memory_space<vmem>>
      %dma_start3A_819 = tpu.memref_squeeze %dma_start3A_818 : memref<1x64xi32, #tpu.memory_space<vmem>> -> memref<64xi32, #tpu.memory_space<vmem>>
      %dma_start3A_820 = arith.constant 0 : i32
      %dma_start3A_821 = arith.constant 0 : i32
      %dma_start3A_822 = tpu.memref_slice %arg2[%dma_start3A_820, %dma_start3A_821] : memref<10000x128xf32, #tpu.memory_space<hbm>> -> memref<10000x128xf32, #tpu.memory_space<hbm>>
      tpu.enqueue_indirect_dma source(%dma_start3A_822 : memref<10000x128xf32, #tpu.memory_space<hbm>>) target(%arg10 : memref<64x128xf32, #tpu.memory_space<vmem>>) offsets(%dma_start3A_819 : memref<64xi32, #tpu.memory_space<vmem>>) semaphore(%arg15 : memref<!tpu.dma_semaphore, #tpu.memory_space<semaphore_mem>>)
      %add3A_823 = arith.constant 1 : i32
      %add3A_824 = arith.addi %mul3A_740, %add3A_823 : i32
      %dma_wait3A_825 = arith.constant 0 : i32
      %dma_wait3A_826 = tpu.memref_slice %arg8[%add3A_824, %dma_wait3A_825] : memref<32x64xi32, #tpu.memory_space<vmem>> -> memref<1x64xi32, #tpu.memory_space<vmem>>
      %dma_wait3A_827 = tpu.memref_squeeze %dma_wait3A_826 : memref<1x64xi32, #tpu.memory_space<vmem>> -> memref<64xi32, #tpu.memory_space<vmem>>
      %dma_wait3A_828 = arith.constant 0 : i32
      %dma_wait3A_829 = arith.constant 0 : i32
      %dma_wait3A_830 = tpu.memref_slice %arg14[%dma_wait3A_828, %dma_wait3A_829] : memref<10240x128xf32, #tpu.memory_space<vmem_shared>> -> memref<10240x128xf32, #tpu.memory_space<vmem_shared>>
      tpu.wait_indirect_dma semaphore(%arg20 : memref<!tpu.dma_semaphore, #tpu.memory_space<semaphore_mem>>) src(%arg11 : memref<64x128xf32, #tpu.memory_space<vmem>>) dst(%dma_wait3A_830 : memref<10240x128xf32, #tpu.memory_space<vmem_shared>>)
      %add3A_831 = arith.constant 1 : i32
      %add3A_832 = arith.addi %mul3A_740, %add3A_831 : i32
      %add3A_833 = arith.constant 4 : i32
      %add3A_834 = arith.addi %add3A_832, %add3A_833 : i32
      %dma_start3A_835 = arith.constant 0 : i32
      %dma_start3A_836 = tpu.memref_slice %arg6[%add3A_834, %dma_start3A_835] : memref<32x64xi32, #tpu.memory_space<vmem>> -> memref<1x64xi32, #tpu.memory_space<vmem>>
      %dma_start3A_837 = tpu.memref_squeeze %dma_start3A_836 : memref<1x64xi32, #tpu.memory_space<vmem>> -> memref<64xi32, #tpu.memory_space<vmem>>
      %dma_start3A_838 = arith.constant 0 : i32
      %dma_start3A_839 = arith.constant 0 : i32
      %dma_start3A_840 = tpu.memref_slice %arg2[%dma_start3A_838, %dma_start3A_839] : memref<10000x128xf32, #tpu.memory_space<hbm>> -> memref<10000x128xf32, #tpu.memory_space<hbm>>
      tpu.enqueue_indirect_dma source(%dma_start3A_840 : memref<10000x128xf32, #tpu.memory_space<hbm>>) target(%arg11 : memref<64x128xf32, #tpu.memory_space<vmem>>) offsets(%dma_start3A_837 : memref<64xi32, #tpu.memory_space<vmem>>) semaphore(%arg16 : memref<!tpu.dma_semaphore, #tpu.memory_space<semaphore_mem>>)
      %add3A_841 = arith.constant 2 : i32
      %add3A_842 = arith.addi %mul3A_740, %add3A_841 : i32
      %dma_wait3A_843 = arith.constant 0 : i32
      %dma_wait3A_844 = tpu.memref_slice %arg8[%add3A_842, %dma_wait3A_843] : memref<32x64xi32, #tpu.memory_space<vmem>> -> memref<1x64xi32, #tpu.memory_space<vmem>>
      %dma_wait3A_845 = tpu.memref_squeeze %dma_wait3A_844 : memref<1x64xi32, #tpu.memory_space<vmem>> -> memref<64xi32, #tpu.memory_space<vmem>>
      %dma_wait3A_846 = arith.constant 0 : i32
      %dma_wait3A_847 = arith.constant 0 : i32
      %dma_wait3A_848 = tpu.memref_slice %arg14[%dma_wait3A_846, %dma_wait3A_847] : memref<10240x128xf32, #tpu.memory_space<vmem_shared>> -> memref<10240x128xf32, #tpu.memory_space<vmem_shared>>
      tpu.wait_indirect_dma semaphore(%arg21 : memref<!tpu.dma_semaphore, #tpu.memory_space<semaphore_mem>>) src(%arg12 : memref<64x128xf32, #tpu.memory_space<vmem>>) dst(%dma_wait3A_848 : memref<10240x128xf32, #tpu.memory_space<vmem_shared>>)
      %add3A_849 = arith.constant 2 : i32
      %add3A_850 = arith.addi %mul3A_740, %add3A_849 : i32
      %add3A_851 = arith.constant 4 : i32
      %add3A_852 = arith.addi %add3A_850, %add3A_851 : i32
      %dma_start3A_853 = arith.constant 0 : i32
      %dma_start3A_854 = tpu.memref_slice %arg6[%add3A_852, %dma_start3A_853] : memref<32x64xi32, #tpu.memory_space<vmem>> -> memref<1x64xi32, #tpu.memory_space<vmem>>
      %dma_start3A_855 = tpu.memref_squeeze %dma_start3A_854 : memref<1x64xi32, #tpu.memory_space<vmem>> -> memref<64xi32, #tpu.memory_space<vmem>>
      %dma_start3A_856 = arith.constant 0 : i32
      %dma_start3A_857 = arith.constant 0 : i32
      %dma_start3A_858 = tpu.memref_slice %arg2[%dma_start3A_856, %dma_start3A_857] : memref<10000x128xf32, #tpu.memory_space<hbm>> -> memref<10000x128xf32, #tpu.memory_space<hbm>>
      tpu.enqueue_indirect_dma source(%dma_start3A_858 : memref<10000x128xf32, #tpu.memory_space<hbm>>) target(%arg12 : memref<64x128xf32, #tpu.memory_space<vmem>>) offsets(%dma_start3A_855 : memref<64xi32, #tpu.memory_space<vmem>>) semaphore(%arg17 : memref<!tpu.dma_semaphore, #tpu.memory_space<semaphore_mem>>)
      %add3A_859 = arith.constant 3 : i32
      %add3A_860 = arith.addi %mul3A_740, %add3A_859 : i32
      %dma_wait3A_861 = arith.constant 0 : i32
      %dma_wait3A_862 = tpu.memref_slice %arg8[%add3A_860, %dma_wait3A_861] : memref<32x64xi32, #tpu.memory_space<vmem>> -> memref<1x64xi32, #tpu.memory_space<vmem>>
      %dma_wait3A_863 = tpu.memref_squeeze %dma_wait3A_862 : memref<1x64xi32, #tpu.memory_space<vmem>> -> memref<64xi32, #tpu.memory_space<vmem>>
      %dma_wait3A_864 = arith.constant 0 : i32
      %dma_wait3A_865 = arith.constant 0 : i32
      %dma_wait3A_866 = tpu.memref_slice %arg14[%dma_wait3A_864, %dma_wait3A_865] : memref<10240x128xf32, #tpu.memory_space<vmem_shared>> -> memref<10240x128xf32, #tpu.memory_space<vmem_shared>>
      tpu.wait_indirect_dma semaphore(%arg22 : memref<!tpu.dma_semaphore, #tpu.memory_space<semaphore_mem>>) src(%arg13 : memref<64x128xf32, #tpu.memory_space<vmem>>) dst(%dma_wait3A_866 : memref<10240x128xf32, #tpu.memory_space<vmem_shared>>)
      %add3A_867 = arith.constant 3 : i32
      %add3A_868 = arith.addi %mul3A_740, %add3A_867 : i32
      %add3A_869 = arith.constant 4 : i32
      %add3A_870 = arith.addi %add3A_868, %add3A_869 : i32
      %dma_start3A_871 = arith.constant 0 : i32
      %dma_start3A_872 = tpu.memref_slice %arg6[%add3A_870, %dma_start3A_871] : memref<32x64xi32, #tpu.memory_space<vmem>> -> memref<1x64xi32, #tpu.memory_space<vmem>>
      %dma_start3A_873 = tpu.memref_squeeze %dma_start3A_872 : memref<1x64xi32, #tpu.memory_space<vmem>> -> memref<64xi32, #tpu.memory_space<vmem>>
      %dma_start3A_874 = arith.constant 0 : i32
      %dma_start3A_875 = arith.constant 0 : i32
      %dma_start3A_876 = tpu.memref_slice %arg2[%dma_start3A_874, %dma_start3A_875] : memref<10000x128xf32, #tpu.memory_space<hbm>> -> memref<10000x128xf32, #tpu.memory_space<hbm>>
      tpu.enqueue_indirect_dma source(%dma_start3A_876 : memref<10000x128xf32, #tpu.memory_space<hbm>>) target(%arg13 : memref<64x128xf32, #tpu.memory_space<vmem>>) offsets(%dma_start3A_873 : memref<64xi32, #tpu.memory_space<vmem>>) semaphore(%arg18 : memref<!tpu.dma_semaphore, #tpu.memory_space<semaphore_mem>>)
    }
    %scan3A_648 = arith.constant 7 : i32
    %dma_wait3A_649 = arith.constant 28 : i32
    %dma_wait3A_650 = arith.constant 0 : i32
    %dma_wait3A_651 = tpu.memref_slice %arg6[%dma_wait3A_649, %dma_wait3A_650] : memref<32x64xi32, #tpu.memory_space<vmem>> -> memref<1x64xi32, #tpu.memory_space<vmem>>
    %dma_wait3A_652 = tpu.memref_squeeze %dma_wait3A_651 : memref<1x64xi32, #tpu.memory_space<vmem>> -> memref<64xi32, #tpu.memory_space<vmem>>
    %dma_wait3A_653 = arith.constant 0 : i32
    %dma_wait3A_654 = arith.constant 0 : i32
    %dma_wait3A_655 = tpu.memref_slice %arg2[%dma_wait3A_653, %dma_wait3A_654] : memref<10000x128xf32, #tpu.memory_space<hbm>> -> memref<10000x128xf32, #tpu.memory_space<hbm>>
    tpu.wait_indirect_dma semaphore(%arg15 : memref<!tpu.dma_semaphore, #tpu.memory_space<semaphore_mem>>) src(%dma_wait3A_655 : memref<10000x128xf32, #tpu.memory_space<hbm>>) dst(%arg10 : memref<64x128xf32, #tpu.memory_space<vmem>>)
    %dma_start3A_656 = arith.constant 28 : i32
    %dma_start3A_657 = arith.constant 0 : i32
    %dma_start3A_658 = tpu.memref_slice %arg8[%dma_start3A_656, %dma_start3A_657] : memref<32x64xi32, #tpu.memory_space<vmem>> -> memref<1x64xi32, #tpu.memory_space<vmem>>
    %dma_start3A_659 = tpu.memref_squeeze %dma_start3A_658 : memref<1x64xi32, #tpu.memory_space<vmem>> -> memref<64xi32, #tpu.memory_space<vmem>>
    %dma_start3A_660 = arith.constant 0 : i32
    %dma_start3A_661 = arith.constant 0 : i32
    %dma_start3A_662 = tpu.memref_slice %arg14[%dma_start3A_660, %dma_start3A_661] : memref<10240x128xf32, #tpu.memory_space<vmem_shared>> -> memref<10240x128xf32, #tpu.memory_space<vmem_shared>>
    tpu.enqueue_indirect_dma source(%arg10 : memref<64x128xf32, #tpu.memory_space<vmem>>) target(%dma_start3A_662 : memref<10240x128xf32, #tpu.memory_space<vmem_shared>>) offsets(%dma_start3A_659 : memref<64xi32, #tpu.memory_space<vmem>>) semaphore(%arg19 : memref<!tpu.dma_semaphore, #tpu.memory_space<semaphore_mem>>) {add = true}
    %dma_wait3A_663 = arith.constant 29 : i32
    %dma_wait3A_664 = arith.constant 0 : i32
    %dma_wait3A_665 = tpu.memref_slice %arg6[%dma_wait3A_663, %dma_wait3A_664] : memref<32x64xi32, #tpu.memory_space<vmem>> -> memref<1x64xi32, #tpu.memory_space<vmem>>
    %dma_wait3A_666 = tpu.memref_squeeze %dma_wait3A_665 : memref<1x64xi32, #tpu.memory_space<vmem>> -> memref<64xi32, #tpu.memory_space<vmem>>
    %dma_wait3A_667 = arith.constant 0 : i32
    %dma_wait3A_668 = arith.constant 0 : i32
    %dma_wait3A_669 = tpu.memref_slice %arg2[%dma_wait3A_667, %dma_wait3A_668] : memref<10000x128xf32, #tpu.memory_space<hbm>> -> memref<10000x128xf32, #tpu.memory_space<hbm>>
    tpu.wait_indirect_dma semaphore(%arg16 : memref<!tpu.dma_semaphore, #tpu.memory_space<semaphore_mem>>) src(%dma_wait3A_669 : memref<10000x128xf32, #tpu.memory_space<hbm>>) dst(%arg11 : memref<64x128xf32, #tpu.memory_space<vmem>>)
    %dma_start3A_670 = arith.constant 29 : i32
    %dma_start3A_671 = arith.constant 0 : i32
    %dma_start3A_672 = tpu.memref_slice %arg8[%dma_start3A_670, %dma_start3A_671] : memref<32x64xi32, #tpu.memory_space<vmem>> -> memref<1x64xi32, #tpu.memory_space<vmem>>
    %dma_start3A_673 = tpu.memref_squeeze %dma_start3A_672 : memref<1x64xi32, #tpu.memory_space<vmem>> -> memref<64xi32, #tpu.memory_space<vmem>>
    %dma_start3A_674 = arith.constant 0 : i32
    %dma_start3A_675 = arith.constant 0 : i32
    %dma_start3A_676 = tpu.memref_slice %arg14[%dma_start3A_674, %dma_start3A_675] : memref<10240x128xf32, #tpu.memory_space<vmem_shared>> -> memref<10240x128xf32, #tpu.memory_space<vmem_shared>>
    tpu.enqueue_indirect_dma source(%arg11 : memref<64x128xf32, #tpu.memory_space<vmem>>) target(%dma_start3A_676 : memref<10240x128xf32, #tpu.memory_space<vmem_shared>>) offsets(%dma_start3A_673 : memref<64xi32, #tpu.memory_space<vmem>>) semaphore(%arg20 : memref<!tpu.dma_semaphore, #tpu.memory_space<semaphore_mem>>) {add = true}
    %dma_wait3A_677 = arith.constant 30 : i32
    %dma_wait3A_678 = arith.constant 0 : i32
    %dma_wait3A_679 = tpu.memref_slice %arg6[%dma_wait3A_677, %dma_wait3A_678] : memref<32x64xi32, #tpu.memory_space<vmem>> -> memref<1x64xi32, #tpu.memory_space<vmem>>
    %dma_wait3A_680 = tpu.memref_squeeze %dma_wait3A_679 : memref<1x64xi32, #tpu.memory_space<vmem>> -> memref<64xi32, #tpu.memory_space<vmem>>
    %dma_wait3A_681 = arith.constant 0 : i32
    %dma_wait3A_682 = arith.constant 0 : i32
    %dma_wait3A_683 = tpu.memref_slice %arg2[%dma_wait3A_681, %dma_wait3A_682] : memref<10000x128xf32, #tpu.memory_space<hbm>> -> memref<10000x128xf32, #tpu.memory_space<hbm>>
    tpu.wait_indirect_dma semaphore(%arg17 : memref<!tpu.dma_semaphore, #tpu.memory_space<semaphore_mem>>) src(%dma_wait3A_683 : memref<10000x128xf32, #tpu.memory_space<hbm>>) dst(%arg12 : memref<64x128xf32, #tpu.memory_space<vmem>>)
    %dma_start3A_684 = arith.constant 30 : i32
    %dma_start3A_685 = arith.constant 0 : i32
    %dma_start3A_686 = tpu.memref_slice %arg8[%dma_start3A_684, %dma_start3A_685] : memref<32x64xi32, #tpu.memory_space<vmem>> -> memref<1x64xi32, #tpu.memory_space<vmem>>
    %dma_start3A_687 = tpu.memref_squeeze %dma_start3A_686 : memref<1x64xi32, #tpu.memory_space<vmem>> -> memref<64xi32, #tpu.memory_space<vmem>>
    %dma_start3A_688 = arith.constant 0 : i32
    %dma_start3A_689 = arith.constant 0 : i32
    %dma_start3A_690 = tpu.memref_slice %arg14[%dma_start3A_688, %dma_start3A_689] : memref<10240x128xf32, #tpu.memory_space<vmem_shared>> -> memref<10240x128xf32, #tpu.memory_space<vmem_shared>>
    tpu.enqueue_indirect_dma source(%arg12 : memref<64x128xf32, #tpu.memory_space<vmem>>) target(%dma_start3A_690 : memref<10240x128xf32, #tpu.memory_space<vmem_shared>>) offsets(%dma_start3A_687 : memref<64xi32, #tpu.memory_space<vmem>>) semaphore(%arg21 : memref<!tpu.dma_semaphore, #tpu.memory_space<semaphore_mem>>) {add = true}
    %dma_wait3A_691 = arith.constant 31 : i32
    %dma_wait3A_692 = arith.constant 0 : i32
    %dma_wait3A_693 = tpu.memref_slice %arg6[%dma_wait3A_691, %dma_wait3A_692] : memref<32x64xi32, #tpu.memory_space<vmem>> -> memref<1x64xi32, #tpu.memory_space<vmem>>
    %dma_wait3A_694 = tpu.memref_squeeze %dma_wait3A_693 : memref<1x64xi32, #tpu.memory_space<vmem>> -> memref<64xi32, #tpu.memory_space<vmem>>
    %dma_wait3A_695 = arith.constant 0 : i32
    %dma_wait3A_696 = arith.constant 0 : i32
    %dma_wait3A_697 = tpu.memref_slice %arg2[%dma_wait3A_695, %dma_wait3A_696] : memref<10000x128xf32, #tpu.memory_space<hbm>> -> memref<10000x128xf32, #tpu.memory_space<hbm>>
    tpu.wait_indirect_dma semaphore(%arg18 : memref<!tpu.dma_semaphore, #tpu.memory_space<semaphore_mem>>) src(%dma_wait3A_697 : memref<10000x128xf32, #tpu.memory_space<hbm>>) dst(%arg13 : memref<64x128xf32, #tpu.memory_space<vmem>>)
    %dma_start3A_698 = arith.constant 31 : i32
    %dma_start3A_699 = arith.constant 0 : i32
    %dma_start3A_700 = tpu.memref_slice %arg8[%dma_start3A_698, %dma_start3A_699] : memref<32x64xi32, #tpu.memory_space<vmem>> -> memref<1x64xi32, #tpu.memory_space<vmem>>
    %dma_start3A_701 = tpu.memref_squeeze %dma_start3A_700 : memref<1x64xi32, #tpu.memory_space<vmem>> -> memref<64xi32, #tpu.memory_space<vmem>>
    %dma_start3A_702 = arith.constant 0 : i32
    %dma_start3A_703 = arith.constant 0 : i32
    %dma_start3A_704 = tpu.memref_slice %arg14[%dma_start3A_702, %dma_start3A_703] : memref<10240x128xf32, #tpu.memory_space<vmem_shared>> -> memref<10240x128xf32, #tpu.memory_space<vmem_shared>>
    tpu.enqueue_indirect_dma source(%arg13 : memref<64x128xf32, #tpu.memory_space<vmem>>) target(%dma_start3A_704 : memref<10240x128xf32, #tpu.memory_space<vmem_shared>>) offsets(%dma_start3A_701 : memref<64xi32, #tpu.memory_space<vmem>>) semaphore(%arg22 : memref<!tpu.dma_semaphore, #tpu.memory_space<semaphore_mem>>) {add = true}
    %dma_wait3A_705 = arith.constant 28 : i32
    %dma_wait3A_706 = arith.constant 0 : i32
    %dma_wait3A_707 = tpu.memref_slice %arg8[%dma_wait3A_705, %dma_wait3A_706] : memref<32x64xi32, #tpu.memory_space<vmem>> -> memref<1x64xi32, #tpu.memory_space<vmem>>
    %dma_wait3A_708 = tpu.memref_squeeze %dma_wait3A_707 : memref<1x64xi32, #tpu.memory_space<vmem>> -> memref<64xi32, #tpu.memory_space<vmem>>
    %dma_wait3A_709 = arith.constant 0 : i32
    %dma_wait3A_710 = arith.constant 0 : i32
    %dma_wait3A_711 = tpu.memref_slice %arg14[%dma_wait3A_709, %dma_wait3A_710] : memref<10240x128xf32, #tpu.memory_space<vmem_shared>> -> memref<10240x128xf32, #tpu.memory_space<vmem_shared>>
    tpu.wait_indirect_dma semaphore(%arg19 : memref<!tpu.dma_semaphore, #tpu.memory_space<semaphore_mem>>) src(%arg10 : memref<64x128xf32, #tpu.memory_space<vmem>>) dst(%dma_wait3A_711 : memref<10240x128xf32, #tpu.memory_space<vmem_shared>>)
    %dma_wait3A_712 = arith.constant 29 : i32
    %dma_wait3A_713 = arith.constant 0 : i32
    %dma_wait3A_714 = tpu.memref_slice %arg8[%dma_wait3A_712, %dma_wait3A_713] : memref<32x64xi32, #tpu.memory_space<vmem>> -> memref<1x64xi32, #tpu.memory_space<vmem>>
    %dma_wait3A_715 = tpu.memref_squeeze %dma_wait3A_714 : memref<1x64xi32, #tpu.memory_space<vmem>> -> memref<64xi32, #tpu.memory_space<vmem>>
    %dma_wait3A_716 = arith.constant 0 : i32
    %dma_wait3A_717 = arith.constant 0 : i32
    %dma_wait3A_718 = tpu.memref_slice %arg14[%dma_wait3A_716, %dma_wait3A_717] : memref<10240x128xf32, #tpu.memory_space<vmem_shared>> -> memref<10240x128xf32, #tpu.memory_space<vmem_shared>>
    tpu.wait_indirect_dma semaphore(%arg20 : memref<!tpu.dma_semaphore, #tpu.memory_space<semaphore_mem>>) src(%arg11 : memref<64x128xf32, #tpu.memory_space<vmem>>) dst(%dma_wait3A_718 : memref<10240x128xf32, #tpu.memory_space<vmem_shared>>)
    %dma_wait3A_719 = arith.constant 30 : i32
    %dma_wait3A_720 = arith.constant 0 : i32
    %dma_wait3A_721 = tpu.memref_slice %arg8[%dma_wait3A_719, %dma_wait3A_720] : memref<32x64xi32, #tpu.memory_space<vmem>> -> memref<1x64xi32, #tpu.memory_space<vmem>>
    %dma_wait3A_722 = tpu.memref_squeeze %dma_wait3A_721 : memref<1x64xi32, #tpu.memory_space<vmem>> -> memref<64xi32, #tpu.memory_space<vmem>>
    %dma_wait3A_723 = arith.constant 0 : i32
    %dma_wait3A_724 = arith.constant 0 : i32
    %dma_wait3A_725 = tpu.memref_slice %arg14[%dma_wait3A_723, %dma_wait3A_724] : memref<10240x128xf32, #tpu.memory_space<vmem_shared>> -> memref<10240x128xf32, #tpu.memory_space<vmem_shared>>
    tpu.wait_indirect_dma semaphore(%arg21 : memref<!tpu.dma_semaphore, #tpu.memory_space<semaphore_mem>>) src(%arg12 : memref<64x128xf32, #tpu.memory_space<vmem>>) dst(%dma_wait3A_725 : memref<10240x128xf32, #tpu.memory_space<vmem_shared>>)
    %dma_wait3A_726 = arith.constant 31 : i32
    %dma_wait3A_727 = arith.constant 0 : i32
    %dma_wait3A_728 = tpu.memref_slice %arg8[%dma_wait3A_726, %dma_wait3A_727] : memref<32x64xi32, #tpu.memory_space<vmem>> -> memref<1x64xi32, #tpu.memory_space<vmem>>
    %dma_wait3A_729 = tpu.memref_squeeze %dma_wait3A_728 : memref<1x64xi32, #tpu.memory_space<vmem>> -> memref<64xi32, #tpu.memory_space<vmem>>
    %dma_wait3A_730 = arith.constant 0 : i32
    %dma_wait3A_731 = arith.constant 0 : i32
    %dma_wait3A_732 = tpu.memref_slice %arg14[%dma_wait3A_730, %dma_wait3A_731] : memref<10240x128xf32, #tpu.memory_space<vmem_shared>> -> memref<10240x128xf32, #tpu.memory_space<vmem_shared>>
    tpu.wait_indirect_dma semaphore(%arg22 : memref<!tpu.dma_semaphore, #tpu.memory_space<semaphore_mem>>) src(%arg13 : memref<64x128xf32, #tpu.memory_space<vmem>>) dst(%dma_wait3A_732 : memref<10240x128xf32, #tpu.memory_space<vmem_shared>>)
    %barrier3A_733 = arith.constant 0 : index
    tpu.barrier barrier_id(%barrier3A_733)
    %mul3A_734 = arith.constant 640 : i32
    %mul3A_735 = arith.muli %arg1, %mul3A_734 : i32
    %mul3A_736 = arith.constant 640 : i32
    %mul3A_737 = arith.muli %arg1, %mul3A_736 : i32
    "tpu.region"() ({
      %run_scoped3A = tpu.sem_alloc : memref<!tpu.dma_semaphore, #tpu.memory_space<semaphore_mem>>
      %dma_start3A_738 = arith.constant 0 : i32
      %dma_start3A_739 = tpu.memref_slice %arg5[%arg0, %mul3A_737, %dma_start3A_738] : memref<2x10240x128xf32, #tpu.memory_space<hbm>> -> memref<1x640x128xf32, #tpu.memory_space<hbm>>
      %dma_start3A_740 = tpu.memref_squeeze %dma_start3A_739 : memref<1x640x128xf32, #tpu.memory_space<hbm>> -> memref<640x128xf32, #tpu.memory_space<hbm>>
      %dma_start3A_741 = arith.constant 0 : i32
      %dma_start3A_742 = tpu.memref_slice %arg14[%mul3A_735, %dma_start3A_741] : memref<10240x128xf32, #tpu.memory_space<vmem_shared>> -> memref<640x128xf32, #tpu.memory_space<vmem_shared>>
      tpu.enqueue_dma source(%dma_start3A_742 : memref<640x128xf32, #tpu.memory_space<vmem_shared>>) target(%dma_start3A_740 : memref<640x128xf32, #tpu.memory_space<hbm>>) target_semaphore(%run_scoped3A : memref<!tpu.dma_semaphore, #tpu.memory_space<semaphore_mem>>)
      %dma_wait3A_743 = arith.constant 0 : i32
      %dma_wait3A_744 = tpu.memref_slice %arg5[%arg0, %mul3A_737, %dma_wait3A_743] : memref<2x10240x128xf32, #tpu.memory_space<hbm>> -> memref<1x640x128xf32, #tpu.memory_space<hbm>>
      %dma_wait3A_745 = tpu.memref_squeeze %dma_wait3A_744 : memref<1x640x128xf32, #tpu.memory_space<hbm>> -> memref<640x128xf32, #tpu.memory_space<hbm>>
      %dma_wait3A_746 = arith.constant 0 : i32
      %dma_wait3A_747 = tpu.memref_slice %arg14[%mul3A_735, %dma_wait3A_746] : memref<10240x128xf32, #tpu.memory_space<vmem_shared>> -> memref<640x128xf32, #tpu.memory_space<vmem_shared>>
      tpu.wait_dma2 semaphore(%run_scoped3A : memref<!tpu.dma_semaphore, #tpu.memory_space<semaphore_mem>>) src(%dma_wait3A_747 : memref<640x128xf32, #tpu.memory_space<vmem_shared>>) dst(%dma_wait3A_745 : memref<640x128xf32, #tpu.memory_space<hbm>>)
      tpu.yield
    }) : () -> ()
    return
  }
}

#map = affine_map<(d0, d1) -> (0, 0)>
#map1 = affine_map<(d0, d1) -> (0, 0, 0, 0)>
module attributes {stable_mosaic.version = 14 : i64} {
  func.func @_deg_body(%arg0: i32, %arg1: i32, %arg2: memref<5120x64xi32, #tpu.memory_space<hbm>>, %arg3: memref<2x16x5x128xf32, #tpu.memory_space<hbm>>, %arg4: memref<160x64xi32, #tpu.memory_space<vmem>>, %arg5: memref<64xf32, #tpu.memory_space<vmem>>, %arg6: memref<640xf32, #tpu.memory_space<vmem>>, %arg7: memref<5x128xf32, #tpu.memory_space<vmem>>, %arg8: memref<10240xf32, #tpu.memory_space<vmem_shared>>, %arg9: memref<!tpu.dma_semaphore, #tpu.memory_space<semaphore_mem>>) attributes {dimension_semantics = [#tpu.dimension_semantics<core_parallel>, #tpu.dimension_semantics<subcore_parallel>], iteration_bounds = array<i64: 2, 16>, scalar_prefetch = 0 : i64, scratch_operands = 6 : i64, tpu.core_type = #tpu.core_type<sc_vector_subcore>, window_params = [{transform_indices = #map}, {transform_indices = #map1}]} {
    %mul3A = arith.constant 16 : i32
    %mul3A_0 = arith.muli %arg0, %mul3A : i32
    %add3A = arith.addi %mul3A_0, %arg1 : i32
    %broadcast_in_dim3A = arith.constant 0.000000e+00 : f32
    %broadcast_in_dim3A_1 = vector.broadcast %broadcast_in_dim3A : f32 to vector<16xf32>
    %broadcast_in_dim3A_2 = arith.constant 1.000000e+00 : f32
    %broadcast_in_dim3A_3 = vector.broadcast %broadcast_in_dim3A_2 : f32 to vector<16xf32>
    %swap3A = arith.constant 0 : index
    %swap3A_4 = tpu.vector_load %arg6[%swap3A] {strides = array<i32>} : memref<640xf32, #tpu.memory_space<vmem>>, vector<16xf32>,
    %swap3A_5 = vector.shape_cast %swap3A_4 : vector<16xf32> to vector<16xf32>
    %swap3A_6 = vector.shape_cast %broadcast_in_dim3A_1 : vector<16xf32> to vector<16xf32>
    tpu.vector_store %arg6[%swap3A], %swap3A_6 {strides = array<i32>} : memref<640xf32, #tpu.memory_space<vmem>>, vector<16xf32>,
    %swap3A_7 = arith.constant 16 : index
    %swap3A_8 = tpu.vector_load %arg6[%swap3A_7] {strides = array<i32>} : memref<640xf32, #tpu.memory_space<vmem>>, vector<16xf32>,
    %swap3A_9 = vector.shape_cast %swap3A_8 : vector<16xf32> to vector<16xf32>
    %swap3A_10 = vector.shape_cast %broadcast_in_dim3A_1 : vector<16xf32> to vector<16xf32>
    tpu.vector_store %arg6[%swap3A_7], %swap3A_10 {strides = array<i32>} : memref<640xf32, #tpu.memory_space<vmem>>, vector<16xf32>,
    %swap3A_11 = arith.constant 32 : index
    %swap3A_12 = tpu.vector_load %arg6[%swap3A_11] {strides = array<i32>} : memref<640xf32, #tpu.memory_space<vmem>>, vector<16xf32>,
    %swap3A_13 = vector.shape_cast %swap3A_12 : vector<16xf32> to vector<16xf32>
    %swap3A_14 = vector.shape_cast %broadcast_in_dim3A_1 : vector<16xf32> to vector<16xf32>
    tpu.vector_store %arg6[%swap3A_11], %swap3A_14 {strides = array<i32>} : memref<640xf32, #tpu.memory_space<vmem>>, vector<16xf32>,
    %swap3A_15 = arith.constant 48 : index
    %swap3A_16 = tpu.vector_load %arg6[%swap3A_15] {strides = array<i32>} : memref<640xf32, #tpu.memory_space<vmem>>, vector<16xf32>,
    %swap3A_17 = vector.shape_cast %swap3A_16 : vector<16xf32> to vector<16xf32>
    %swap3A_18 = vector.shape_cast %broadcast_in_dim3A_1 : vector<16xf32> to vector<16xf32>
    tpu.vector_store %arg6[%swap3A_15], %swap3A_18 {strides = array<i32>} : memref<640xf32, #tpu.memory_space<vmem>>, vector<16xf32>,
    %swap3A_19 = arith.constant 64 : index
    %swap3A_20 = tpu.vector_load %arg6[%swap3A_19] {strides = array<i32>} : memref<640xf32, #tpu.memory_space<vmem>>, vector<16xf32>,
    %swap3A_21 = vector.shape_cast %swap3A_20 : vector<16xf32> to vector<16xf32>
    %swap3A_22 = vector.shape_cast %broadcast_in_dim3A_1 : vector<16xf32> to vector<16xf32>
    tpu.vector_store %arg6[%swap3A_19], %swap3A_22 {strides = array<i32>} : memref<640xf32, #tpu.memory_space<vmem>>, vector<16xf32>,
    %swap3A_23 = arith.constant 80 : index
    %swap3A_24 = tpu.vector_load %arg6[%swap3A_23] {strides = array<i32>} : memref<640xf32, #tpu.memory_space<vmem>>, vector<16xf32>,
    %swap3A_25 = vector.shape_cast %swap3A_24 : vector<16xf32> to vector<16xf32>
    %swap3A_26 = vector.shape_cast %broadcast_in_dim3A_1 : vector<16xf32> to vector<16xf32>
    tpu.vector_store %arg6[%swap3A_23], %swap3A_26 {strides = array<i32>} : memref<640xf32, #tpu.memory_space<vmem>>, vector<16xf32>,
    %swap3A_27 = arith.constant 96 : index
    %swap3A_28 = tpu.vector_load %arg6[%swap3A_27] {strides = array<i32>} : memref<640xf32, #tpu.memory_space<vmem>>, vector<16xf32>,
    %swap3A_29 = vector.shape_cast %swap3A_28 : vector<16xf32> to vector<16xf32>
    %swap3A_30 = vector.shape_cast %broadcast_in_dim3A_1 : vector<16xf32> to vector<16xf32>
    tpu.vector_store %arg6[%swap3A_27], %swap3A_30 {strides = array<i32>} : memref<640xf32, #tpu.memory_space<vmem>>, vector<16xf32>,
    %swap3A_31 = arith.constant 112 : index
    %swap3A_32 = tpu.vector_load %arg6[%swap3A_31] {strides = array<i32>} : memref<640xf32, #tpu.memory_space<vmem>>, vector<16xf32>,
    %swap3A_33 = vector.shape_cast %swap3A_32 : vector<16xf32> to vector<16xf32>
    %swap3A_34 = vector.shape_cast %broadcast_in_dim3A_1 : vector<16xf32> to vector<16xf32>
    tpu.vector_store %arg6[%swap3A_31], %swap3A_34 {strides = array<i32>} : memref<640xf32, #tpu.memory_space<vmem>>, vector<16xf32>,
    %swap3A_35 = arith.constant 128 : index
    %swap3A_36 = tpu.vector_load %arg6[%swap3A_35] {strides = array<i32>} : memref<640xf32, #tpu.memory_space<vmem>>, vector<16xf32>,
    %swap3A_37 = vector.shape_cast %swap3A_36 : vector<16xf32> to vector<16xf32>
    %swap3A_38 = vector.shape_cast %broadcast_in_dim3A_1 : vector<16xf32> to vector<16xf32>
    tpu.vector_store %arg6[%swap3A_35], %swap3A_38 {strides = array<i32>} : memref<640xf32, #tpu.memory_space<vmem>>, vector<16xf32>,
    %swap3A_39 = arith.constant 144 : index
    %swap3A_40 = tpu.vector_load %arg6[%swap3A_39] {strides = array<i32>} : memref<640xf32, #tpu.memory_space<vmem>>, vector<16xf32>,
    %swap3A_41 = vector.shape_cast %swap3A_40 : vector<16xf32> to vector<16xf32>
    %swap3A_42 = vector.shape_cast %broadcast_in_dim3A_1 : vector<16xf32> to vector<16xf32>
    tpu.vector_store %arg6[%swap3A_39], %swap3A_42 {strides = array<i32>} : memref<640xf32, #tpu.memory_space<vmem>>, vector<16xf32>,
    %swap3A_43 = arith.constant 160 : index
    %swap3A_44 = tpu.vector_load %arg6[%swap3A_43] {strides = array<i32>} : memref<640xf32, #tpu.memory_space<vmem>>, vector<16xf32>,
    %swap3A_45 = vector.shape_cast %swap3A_44 : vector<16xf32> to vector<16xf32>
    %swap3A_46 = vector.shape_cast %broadcast_in_dim3A_1 : vector<16xf32> to vector<16xf32>
    tpu.vector_store %arg6[%swap3A_43], %swap3A_46 {strides = array<i32>} : memref<640xf32, #tpu.memory_space<vmem>>, vector<16xf32>,
    %swap3A_47 = arith.constant 176 : index
    %swap3A_48 = tpu.vector_load %arg6[%swap3A_47] {strides = array<i32>} : memref<640xf32, #tpu.memory_space<vmem>>, vector<16xf32>,
    %swap3A_49 = vector.shape_cast %swap3A_48 : vector<16xf32> to vector<16xf32>
    %swap3A_50 = vector.shape_cast %broadcast_in_dim3A_1 : vector<16xf32> to vector<16xf32>
    tpu.vector_store %arg6[%swap3A_47], %swap3A_50 {strides = array<i32>} : memref<640xf32, #tpu.memory_space<vmem>>, vector<16xf32>,
    %swap3A_51 = arith.constant 192 : index
    %swap3A_52 = tpu.vector_load %arg6[%swap3A_51] {strides = array<i32>} : memref<640xf32, #tpu.memory_space<vmem>>, vector<16xf32>,
    %swap3A_53 = vector.shape_cast %swap3A_52 : vector<16xf32> to vector<16xf32>
    %swap3A_54 = vector.shape_cast %broadcast_in_dim3A_1 : vector<16xf32> to vector<16xf32>
    tpu.vector_store %arg6[%swap3A_51], %swap3A_54 {strides = array<i32>} : memref<640xf32, #tpu.memory_space<vmem>>, vector<16xf32>,
    %swap3A_55 = arith.constant 208 : index
    %swap3A_56 = tpu.vector_load %arg6[%swap3A_55] {strides = array<i32>} : memref<640xf32, #tpu.memory_space<vmem>>, vector<16xf32>,
    %swap3A_57 = vector.shape_cast %swap3A_56 : vector<16xf32> to vector<16xf32>
    %swap3A_58 = vector.shape_cast %broadcast_in_dim3A_1 : vector<16xf32> to vector<16xf32>
    tpu.vector_store %arg6[%swap3A_55], %swap3A_58 {strides = array<i32>} : memref<640xf32, #tpu.memory_space<vmem>>, vector<16xf32>,
    %swap3A_59 = arith.constant 224 : index
    %swap3A_60 = tpu.vector_load %arg6[%swap3A_59] {strides = array<i32>} : memref<640xf32, #tpu.memory_space<vmem>>, vector<16xf32>,
    %swap3A_61 = vector.shape_cast %swap3A_60 : vector<16xf32> to vector<16xf32>
    %swap3A_62 = vector.shape_cast %broadcast_in_dim3A_1 : vector<16xf32> to vector<16xf32>
    tpu.vector_store %arg6[%swap3A_59], %swap3A_62 {strides = array<i32>} : memref<640xf32, #tpu.memory_space<vmem>>, vector<16xf32>,
    %swap3A_63 = arith.constant 240 : index
    %swap3A_64 = tpu.vector_load %arg6[%swap3A_63] {strides = array<i32>} : memref<640xf32, #tpu.memory_space<vmem>>, vector<16xf32>,
    %swap3A_65 = vector.shape_cast %swap3A_64 : vector<16xf32> to vector<16xf32>
    %swap3A_66 = vector.shape_cast %broadcast_in_dim3A_1 : vector<16xf32> to vector<16xf32>
    tpu.vector_store %arg6[%swap3A_63], %swap3A_66 {strides = array<i32>} : memref<640xf32, #tpu.memory_space<vmem>>, vector<16xf32>,
    %swap3A_67 = arith.constant 256 : index
    %swap3A_68 = tpu.vector_load %arg6[%swap3A_67] {strides = array<i32>} : memref<640xf32, #tpu.memory_space<vmem>>, vector<16xf32>,
    %swap3A_69 = vector.shape_cast %swap3A_68 : vector<16xf32> to vector<16xf32>
    %swap3A_70 = vector.shape_cast %broadcast_in_dim3A_1 : vector<16xf32> to vector<16xf32>
    tpu.vector_store %arg6[%swap3A_67], %swap3A_70 {strides = array<i32>} : memref<640xf32, #tpu.memory_space<vmem>>, vector<16xf32>,
    %swap3A_71 = arith.constant 272 : index
    %swap3A_72 = tpu.vector_load %arg6[%swap3A_71] {strides = array<i32>} : memref<640xf32, #tpu.memory_space<vmem>>, vector<16xf32>,
    %swap3A_73 = vector.shape_cast %swap3A_72 : vector<16xf32> to vector<16xf32>
    %swap3A_74 = vector.shape_cast %broadcast_in_dim3A_1 : vector<16xf32> to vector<16xf32>
    tpu.vector_store %arg6[%swap3A_71], %swap3A_74 {strides = array<i32>} : memref<640xf32, #tpu.memory_space<vmem>>, vector<16xf32>,
    %swap3A_75 = arith.constant 288 : index
    %swap3A_76 = tpu.vector_load %arg6[%swap3A_75] {strides = array<i32>} : memref<640xf32, #tpu.memory_space<vmem>>, vector<16xf32>,
    %swap3A_77 = vector.shape_cast %swap3A_76 : vector<16xf32> to vector<16xf32>
    %swap3A_78 = vector.shape_cast %broadcast_in_dim3A_1 : vector<16xf32> to vector<16xf32>
    tpu.vector_store %arg6[%swap3A_75], %swap3A_78 {strides = array<i32>} : memref<640xf32, #tpu.memory_space<vmem>>, vector<16xf32>,
    %swap3A_79 = arith.constant 304 : index
    %swap3A_80 = tpu.vector_load %arg6[%swap3A_79] {strides = array<i32>} : memref<640xf32, #tpu.memory_space<vmem>>, vector<16xf32>,
    %swap3A_81 = vector.shape_cast %swap3A_80 : vector<16xf32> to vector<16xf32>
    %swap3A_82 = vector.shape_cast %broadcast_in_dim3A_1 : vector<16xf32> to vector<16xf32>
    tpu.vector_store %arg6[%swap3A_79], %swap3A_82 {strides = array<i32>} : memref<640xf32, #tpu.memory_space<vmem>>, vector<16xf32>,
    %swap3A_83 = arith.constant 320 : index
    %swap3A_84 = tpu.vector_load %arg6[%swap3A_83] {strides = array<i32>} : memref<640xf32, #tpu.memory_space<vmem>>, vector<16xf32>,
    %swap3A_85 = vector.shape_cast %swap3A_84 : vector<16xf32> to vector<16xf32>
    %swap3A_86 = vector.shape_cast %broadcast_in_dim3A_1 : vector<16xf32> to vector<16xf32>
    tpu.vector_store %arg6[%swap3A_83], %swap3A_86 {strides = array<i32>} : memref<640xf32, #tpu.memory_space<vmem>>, vector<16xf32>,
    %swap3A_87 = arith.constant 336 : index
    %swap3A_88 = tpu.vector_load %arg6[%swap3A_87] {strides = array<i32>} : memref<640xf32, #tpu.memory_space<vmem>>, vector<16xf32>,
    %swap3A_89 = vector.shape_cast %swap3A_88 : vector<16xf32> to vector<16xf32>
    %swap3A_90 = vector.shape_cast %broadcast_in_dim3A_1 : vector<16xf32> to vector<16xf32>
    tpu.vector_store %arg6[%swap3A_87], %swap3A_90 {strides = array<i32>} : memref<640xf32, #tpu.memory_space<vmem>>, vector<16xf32>,
    %swap3A_91 = arith.constant 352 : index
    %swap3A_92 = tpu.vector_load %arg6[%swap3A_91] {strides = array<i32>} : memref<640xf32, #tpu.memory_space<vmem>>, vector<16xf32>,
    %swap3A_93 = vector.shape_cast %swap3A_92 : vector<16xf32> to vector<16xf32>
    %swap3A_94 = vector.shape_cast %broadcast_in_dim3A_1 : vector<16xf32> to vector<16xf32>
    tpu.vector_store %arg6[%swap3A_91], %swap3A_94 {strides = array<i32>} : memref<640xf32, #tpu.memory_space<vmem>>, vector<16xf32>,
    %swap3A_95 = arith.constant 368 : index
    %swap3A_96 = tpu.vector_load %arg6[%swap3A_95] {strides = array<i32>} : memref<640xf32, #tpu.memory_space<vmem>>, vector<16xf32>,
    %swap3A_97 = vector.shape_cast %swap3A_96 : vector<16xf32> to vector<16xf32>
    %swap3A_98 = vector.shape_cast %broadcast_in_dim3A_1 : vector<16xf32> to vector<16xf32>
    tpu.vector_store %arg6[%swap3A_95], %swap3A_98 {strides = array<i32>} : memref<640xf32, #tpu.memory_space<vmem>>, vector<16xf32>,
    %swap3A_99 = arith.constant 384 : index
    %swap3A_100 = tpu.vector_load %arg6[%swap3A_99] {strides = array<i32>} : memref<640xf32, #tpu.memory_space<vmem>>, vector<16xf32>,
    %swap3A_101 = vector.shape_cast %swap3A_100 : vector<16xf32> to vector<16xf32>
    %swap3A_102 = vector.shape_cast %broadcast_in_dim3A_1 : vector<16xf32> to vector<16xf32>
    tpu.vector_store %arg6[%swap3A_99], %swap3A_102 {strides = array<i32>} : memref<640xf32, #tpu.memory_space<vmem>>, vector<16xf32>,
    %swap3A_103 = arith.constant 400 : index
    %swap3A_104 = tpu.vector_load %arg6[%swap3A_103] {strides = array<i32>} : memref<640xf32, #tpu.memory_space<vmem>>, vector<16xf32>,
    %swap3A_105 = vector.shape_cast %swap3A_104 : vector<16xf32> to vector<16xf32>
    %swap3A_106 = vector.shape_cast %broadcast_in_dim3A_1 : vector<16xf32> to vector<16xf32>
    tpu.vector_store %arg6[%swap3A_103], %swap3A_106 {strides = array<i32>} : memref<640xf32, #tpu.memory_space<vmem>>, vector<16xf32>,
    %swap3A_107 = arith.constant 416 : index
    %swap3A_108 = tpu.vector_load %arg6[%swap3A_107] {strides = array<i32>} : memref<640xf32, #tpu.memory_space<vmem>>, vector<16xf32>,
    %swap3A_109 = vector.shape_cast %swap3A_108 : vector<16xf32> to vector<16xf32>
    %swap3A_110 = vector.shape_cast %broadcast_in_dim3A_1 : vector<16xf32> to vector<16xf32>
    tpu.vector_store %arg6[%swap3A_107], %swap3A_110 {strides = array<i32>} : memref<640xf32, #tpu.memory_space<vmem>>, vector<16xf32>,
    %swap3A_111 = arith.constant 432 : index
    %swap3A_112 = tpu.vector_load %arg6[%swap3A_111] {strides = array<i32>} : memref<640xf32, #tpu.memory_space<vmem>>, vector<16xf32>,
    %swap3A_113 = vector.shape_cast %swap3A_112 : vector<16xf32> to vector<16xf32>
    %swap3A_114 = vector.shape_cast %broadcast_in_dim3A_1 : vector<16xf32> to vector<16xf32>
    tpu.vector_store %arg6[%swap3A_111], %swap3A_114 {strides = array<i32>} : memref<640xf32, #tpu.memory_space<vmem>>, vector<16xf32>,
    %swap3A_115 = arith.constant 448 : index
    %swap3A_116 = tpu.vector_load %arg6[%swap3A_115] {strides = array<i32>} : memref<640xf32, #tpu.memory_space<vmem>>, vector<16xf32>,
    %swap3A_117 = vector.shape_cast %swap3A_116 : vector<16xf32> to vector<16xf32>
    %swap3A_118 = vector.shape_cast %broadcast_in_dim3A_1 : vector<16xf32> to vector<16xf32>
    tpu.vector_store %arg6[%swap3A_115], %swap3A_118 {strides = array<i32>} : memref<640xf32, #tpu.memory_space<vmem>>, vector<16xf32>,
    %swap3A_119 = arith.constant 464 : index
    %swap3A_120 = tpu.vector_load %arg6[%swap3A_119] {strides = array<i32>} : memref<640xf32, #tpu.memory_space<vmem>>, vector<16xf32>,
    %swap3A_121 = vector.shape_cast %swap3A_120 : vector<16xf32> to vector<16xf32>
    %swap3A_122 = vector.shape_cast %broadcast_in_dim3A_1 : vector<16xf32> to vector<16xf32>
    tpu.vector_store %arg6[%swap3A_119], %swap3A_122 {strides = array<i32>} : memref<640xf32, #tpu.memory_space<vmem>>, vector<16xf32>,
    %swap3A_123 = arith.constant 480 : index
    %swap3A_124 = tpu.vector_load %arg6[%swap3A_123] {strides = array<i32>} : memref<640xf32, #tpu.memory_space<vmem>>, vector<16xf32>,
    %swap3A_125 = vector.shape_cast %swap3A_124 : vector<16xf32> to vector<16xf32>
    %swap3A_126 = vector.shape_cast %broadcast_in_dim3A_1 : vector<16xf32> to vector<16xf32>
    tpu.vector_store %arg6[%swap3A_123], %swap3A_126 {strides = array<i32>} : memref<640xf32, #tpu.memory_space<vmem>>, vector<16xf32>,
    %swap3A_127 = arith.constant 496 : index
    %swap3A_128 = tpu.vector_load %arg6[%swap3A_127] {strides = array<i32>} : memref<640xf32, #tpu.memory_space<vmem>>, vector<16xf32>,
    %swap3A_129 = vector.shape_cast %swap3A_128 : vector<16xf32> to vector<16xf32>
    %swap3A_130 = vector.shape_cast %broadcast_in_dim3A_1 : vector<16xf32> to vector<16xf32>
    tpu.vector_store %arg6[%swap3A_127], %swap3A_130 {strides = array<i32>} : memref<640xf32, #tpu.memory_space<vmem>>, vector<16xf32>,
    %swap3A_131 = arith.constant 512 : index
    %swap3A_132 = tpu.vector_load %arg6[%swap3A_131] {strides = array<i32>} : memref<640xf32, #tpu.memory_space<vmem>>, vector<16xf32>,
    %swap3A_133 = vector.shape_cast %swap3A_132 : vector<16xf32> to vector<16xf32>
    %swap3A_134 = vector.shape_cast %broadcast_in_dim3A_1 : vector<16xf32> to vector<16xf32>
    tpu.vector_store %arg6[%swap3A_131], %swap3A_134 {strides = array<i32>} : memref<640xf32, #tpu.memory_space<vmem>>, vector<16xf32>,
    %swap3A_135 = arith.constant 528 : index
    %swap3A_136 = tpu.vector_load %arg6[%swap3A_135] {strides = array<i32>} : memref<640xf32, #tpu.memory_space<vmem>>, vector<16xf32>,
    %swap3A_137 = vector.shape_cast %swap3A_136 : vector<16xf32> to vector<16xf32>
    %swap3A_138 = vector.shape_cast %broadcast_in_dim3A_1 : vector<16xf32> to vector<16xf32>
    tpu.vector_store %arg6[%swap3A_135], %swap3A_138 {strides = array<i32>} : memref<640xf32, #tpu.memory_space<vmem>>, vector<16xf32>,
    %swap3A_139 = arith.constant 544 : index
    %swap3A_140 = tpu.vector_load %arg6[%swap3A_139] {strides = array<i32>} : memref<640xf32, #tpu.memory_space<vmem>>, vector<16xf32>,
    %swap3A_141 = vector.shape_cast %swap3A_140 : vector<16xf32> to vector<16xf32>
    %swap3A_142 = vector.shape_cast %broadcast_in_dim3A_1 : vector<16xf32> to vector<16xf32>
    tpu.vector_store %arg6[%swap3A_139], %swap3A_142 {strides = array<i32>} : memref<640xf32, #tpu.memory_space<vmem>>, vector<16xf32>,
    %swap3A_143 = arith.constant 560 : index
    %swap3A_144 = tpu.vector_load %arg6[%swap3A_143] {strides = array<i32>} : memref<640xf32, #tpu.memory_space<vmem>>, vector<16xf32>,
    %swap3A_145 = vector.shape_cast %swap3A_144 : vector<16xf32> to vector<16xf32>
    %swap3A_146 = vector.shape_cast %broadcast_in_dim3A_1 : vector<16xf32> to vector<16xf32>
    tpu.vector_store %arg6[%swap3A_143], %swap3A_146 {strides = array<i32>} : memref<640xf32, #tpu.memory_space<vmem>>, vector<16xf32>,
    %swap3A_147 = arith.constant 576 : index
    %swap3A_148 = tpu.vector_load %arg6[%swap3A_147] {strides = array<i32>} : memref<640xf32, #tpu.memory_space<vmem>>, vector<16xf32>,
    %swap3A_149 = vector.shape_cast %swap3A_148 : vector<16xf32> to vector<16xf32>
    %swap3A_150 = vector.shape_cast %broadcast_in_dim3A_1 : vector<16xf32> to vector<16xf32>
    tpu.vector_store %arg6[%swap3A_147], %swap3A_150 {strides = array<i32>} : memref<640xf32, #tpu.memory_space<vmem>>, vector<16xf32>,
    %swap3A_151 = arith.constant 592 : index
    %swap3A_152 = tpu.vector_load %arg6[%swap3A_151] {strides = array<i32>} : memref<640xf32, #tpu.memory_space<vmem>>, vector<16xf32>,
    %swap3A_153 = vector.shape_cast %swap3A_152 : vector<16xf32> to vector<16xf32>
    %swap3A_154 = vector.shape_cast %broadcast_in_dim3A_1 : vector<16xf32> to vector<16xf32>
    tpu.vector_store %arg6[%swap3A_151], %swap3A_154 {strides = array<i32>} : memref<640xf32, #tpu.memory_space<vmem>>, vector<16xf32>,
    %swap3A_155 = arith.constant 608 : index
    %swap3A_156 = tpu.vector_load %arg6[%swap3A_155] {strides = array<i32>} : memref<640xf32, #tpu.memory_space<vmem>>, vector<16xf32>,
    %swap3A_157 = vector.shape_cast %swap3A_156 : vector<16xf32> to vector<16xf32>
    %swap3A_158 = vector.shape_cast %broadcast_in_dim3A_1 : vector<16xf32> to vector<16xf32>
    tpu.vector_store %arg6[%swap3A_155], %swap3A_158 {strides = array<i32>} : memref<640xf32, #tpu.memory_space<vmem>>, vector<16xf32>,
    %swap3A_159 = arith.constant 624 : index
    %swap3A_160 = tpu.vector_load %arg6[%swap3A_159] {strides = array<i32>} : memref<640xf32, #tpu.memory_space<vmem>>, vector<16xf32>,
    %swap3A_161 = vector.shape_cast %swap3A_160 : vector<16xf32> to vector<16xf32>
    %swap3A_162 = vector.shape_cast %broadcast_in_dim3A_1 : vector<16xf32> to vector<16xf32>
    tpu.vector_store %arg6[%swap3A_159], %swap3A_162 {strides = array<i32>} : memref<640xf32, #tpu.memory_space<vmem>>, vector<16xf32>,
    %swap3A_163 = arith.constant 0 : index
    %swap3A_164 = tpu.vector_load %arg5[%swap3A_163] {strides = array<i32>} : memref<64xf32, #tpu.memory_space<vmem>>, vector<16xf32>,
    %swap3A_165 = vector.shape_cast %swap3A_164 : vector<16xf32> to vector<16xf32>
    %swap3A_166 = vector.shape_cast %broadcast_in_dim3A_3 : vector<16xf32> to vector<16xf32>
    tpu.vector_store %arg5[%swap3A_163], %swap3A_166 {strides = array<i32>} : memref<64xf32, #tpu.memory_space<vmem>>, vector<16xf32>,
    %swap3A_167 = arith.constant 16 : index
    %swap3A_168 = tpu.vector_load %arg5[%swap3A_167] {strides = array<i32>} : memref<64xf32, #tpu.memory_space<vmem>>, vector<16xf32>,
    %swap3A_169 = vector.shape_cast %swap3A_168 : vector<16xf32> to vector<16xf32>
    %swap3A_170 = vector.shape_cast %broadcast_in_dim3A_3 : vector<16xf32> to vector<16xf32>
    tpu.vector_store %arg5[%swap3A_167], %swap3A_170 {strides = array<i32>} : memref<64xf32, #tpu.memory_space<vmem>>, vector<16xf32>,
    %swap3A_171 = arith.constant 32 : index
    %swap3A_172 = tpu.vector_load %arg5[%swap3A_171] {strides = array<i32>} : memref<64xf32, #tpu.memory_space<vmem>>, vector<16xf32>,
    %swap3A_173 = vector.shape_cast %swap3A_172 : vector<16xf32> to vector<16xf32>
    %swap3A_174 = vector.shape_cast %broadcast_in_dim3A_3 : vector<16xf32> to vector<16xf32>
    tpu.vector_store %arg5[%swap3A_171], %swap3A_174 {strides = array<i32>} : memref<64xf32, #tpu.memory_space<vmem>>, vector<16xf32>,
    %swap3A_175 = arith.constant 48 : index
    %swap3A_176 = tpu.vector_load %arg5[%swap3A_175] {strides = array<i32>} : memref<64xf32, #tpu.memory_space<vmem>>, vector<16xf32>,
    %swap3A_177 = vector.shape_cast %swap3A_176 : vector<16xf32> to vector<16xf32>
    %swap3A_178 = vector.shape_cast %broadcast_in_dim3A_3 : vector<16xf32> to vector<16xf32>
    tpu.vector_store %arg5[%swap3A_175], %swap3A_178 {strides = array<i32>} : memref<64xf32, #tpu.memory_space<vmem>>, vector<16xf32>,
    %mul3A_179 = arith.constant 640 : i32
    %mul3A_180 = arith.muli %arg1, %mul3A_179 : i32
    "tpu.region"() ({
      %run_scoped3A = tpu.sem_alloc : memref<!tpu.dma_semaphore, #tpu.memory_space<semaphore_mem>>
      %dma_start3A = tpu.memref_slice %arg8[%mul3A_180] : memref<10240xf32, #tpu.memory_space<vmem_shared>> -> memref<640xf32, #tpu.memory_space<vmem_shared>>
      %dma_start3A_556 = tpu.memref_slice %arg8[%mul3A_180] : memref<10240xf32, #tpu.memory_space<vmem_shared>> -> memref<640xf32, #tpu.memory_space<vmem_shared>>
      tpu.enqueue_dma source(%arg6 : memref<640xf32, #tpu.memory_space<vmem>>) target(%dma_start3A_556 : memref<640xf32, #tpu.memory_space<vmem_shared>>) target_semaphore(%run_scoped3A : memref<!tpu.dma_semaphore, #tpu.memory_space<semaphore_mem>>)
      %dma_wait3A = tpu.memref_slice %arg8[%mul3A_180] : memref<10240xf32, #tpu.memory_space<vmem_shared>> -> memref<640xf32, #tpu.memory_space<vmem_shared>>
      %dma_wait3A_557 = tpu.memref_slice %arg8[%mul3A_180] : memref<10240xf32, #tpu.memory_space<vmem_shared>> -> memref<640xf32, #tpu.memory_space<vmem_shared>>
      tpu.wait_dma2 semaphore(%run_scoped3A : memref<!tpu.dma_semaphore, #tpu.memory_space<semaphore_mem>>) src(%arg6 : memref<640xf32, #tpu.memory_space<vmem>>) dst(%dma_wait3A_557 : memref<640xf32, #tpu.memory_space<vmem_shared>>)
      tpu.yield
    }) : () -> ()
    %mul3A_181 = arith.constant 160 : i32
    %mul3A_182 = arith.muli %add3A, %mul3A_181 : i32
    "tpu.region"() ({
      %run_scoped3A = tpu.sem_alloc : memref<!tpu.dma_semaphore, #tpu.memory_space<semaphore_mem>>
      %dma_start3A = arith.constant 0 : i32
      %dma_start3A_556 = tpu.memref_slice %arg2[%mul3A_182, %dma_start3A] : memref<5120x64xi32, #tpu.memory_space<hbm>> -> memref<160x64xi32, #tpu.memory_space<hbm>>
      %dma_start3A_557 = arith.constant 0 : i32
      %dma_start3A_558 = tpu.memref_slice %arg2[%mul3A_182, %dma_start3A_557] : memref<5120x64xi32, #tpu.memory_space<hbm>> -> memref<160x64xi32, #tpu.memory_space<hbm>>
      tpu.enqueue_dma source(%dma_start3A_558 : memref<160x64xi32, #tpu.memory_space<hbm>>) target(%arg4 : memref<160x64xi32, #tpu.memory_space<vmem>>) target_semaphore(%run_scoped3A : memref<!tpu.dma_semaphore, #tpu.memory_space<semaphore_mem>>)
      %dma_wait3A = arith.constant 0 : i32
      %dma_wait3A_559 = tpu.memref_slice %arg2[%mul3A_182, %dma_wait3A] : memref<5120x64xi32, #tpu.memory_space<hbm>> -> memref<160x64xi32, #tpu.memory_space<hbm>>
      %dma_wait3A_560 = arith.constant 0 : i32
      %dma_wait3A_561 = tpu.memref_slice %arg2[%mul3A_182, %dma_wait3A_560] : memref<5120x64xi32, #tpu.memory_space<hbm>> -> memref<160x64xi32, #tpu.memory_space<hbm>>
      tpu.wait_dma2 semaphore(%run_scoped3A : memref<!tpu.dma_semaphore, #tpu.memory_space<semaphore_mem>>) src(%dma_wait3A_561 : memref<160x64xi32, #tpu.memory_space<hbm>>) dst(%arg4 : memref<160x64xi32, #tpu.memory_space<vmem>>)
      tpu.yield
    }) : () -> ()
    %barrier3A = arith.constant 0 : index
    tpu.barrier barrier_id(%barrier3A)
    %scan3A = arith.constant 0 : i32
    %scan3A_183 = arith.constant 0 : i32
    %scan3A_184 = arith.constant 160 : i32
    %scan3A_185 = arith.addi %scan3A_183, %scan3A_184 : i32
    %scan3A_186 = arith.constant 1 : i32
    scf.for %scan3A_556 = %scan3A_183 to %scan3A_185 step %scan3A_186  : i32 {
      %dma_start3A = arith.constant 0 : i32
      %dma_start3A_557 = tpu.memref_slice %arg4[%scan3A_556, %dma_start3A] : memref<160x64xi32, #tpu.memory_space<vmem>> -> memref<1x64xi32, #tpu.memory_space<vmem>>
      %dma_start3A_558 = tpu.memref_squeeze %dma_start3A_557 : memref<1x64xi32, #tpu.memory_space<vmem>> -> memref<64xi32, #tpu.memory_space<vmem>>
      %dma_start3A_559 = arith.constant 0 : i32
      %dma_start3A_560 = tpu.memref_slice %arg8[%dma_start3A_559] : memref<10240xf32, #tpu.memory_space<vmem_shared>> -> memref<10240xf32, #tpu.memory_space<vmem_shared>>
      tpu.enqueue_indirect_dma source(%arg5 : memref<64xf32, #tpu.memory_space<vmem>>) target(%dma_start3A_560 : memref<10240xf32, #tpu.memory_space<vmem_shared>>) offsets(%dma_start3A_558 : memref<64xi32, #tpu.memory_space<vmem>>) semaphore(%arg9 : memref<!tpu.dma_semaphore, #tpu.memory_space<semaphore_mem>>) {add = true}
    }
    %scan3A_187 = arith.constant 160 : i32
    %scan3A_188 = arith.constant 0 : i32
    %scan3A_189 = arith.constant 0 : i32
    %scan3A_190 = arith.constant 160 : i32
    %scan3A_191 = arith.addi %scan3A_189, %scan3A_190 : i32
    %scan3A_192 = arith.constant 1 : i32
    scf.for %scan3A_556 = %scan3A_189 to %scan3A_191 step %scan3A_192  : i32 {
      %dma_wait3A = arith.constant 0 : i32
      %dma_wait3A_557 = tpu.memref_slice %arg4[%scan3A_556, %dma_wait3A] : memref<160x64xi32, #tpu.memory_space<vmem>> -> memref<1x64xi32, #tpu.memory_space<vmem>>
      %dma_wait3A_558 = tpu.memref_squeeze %dma_wait3A_557 : memref<1x64xi32, #tpu.memory_space<vmem>> -> memref<64xi32, #tpu.memory_space<vmem>>
      %dma_wait3A_559 = arith.constant 0 : i32
      %dma_wait3A_560 = tpu.memref_slice %arg8[%dma_wait3A_559] : memref<10240xf32, #tpu.memory_space<vmem_shared>> -> memref<10240xf32, #tpu.memory_space<vmem_shared>>
      tpu.wait_indirect_dma semaphore(%arg9 : memref<!tpu.dma_semaphore, #tpu.memory_space<semaphore_mem>>) src(%arg5 : memref<64xf32, #tpu.memory_space<vmem>>) dst(%dma_wait3A_560 : memref<10240xf32, #tpu.memory_space<vmem_shared>>)
    }
    %scan3A_193 = arith.constant 160 : i32
    %barrier3A_194 = arith.constant 0 : index
    tpu.barrier barrier_id(%barrier3A_194)
    %mul3A_195 = arith.constant 640 : i32
    %mul3A_196 = arith.muli %arg1, %mul3A_195 : i32
    "tpu.region"() ({
      %run_scoped3A = tpu.sem_alloc : memref<!tpu.dma_semaphore, #tpu.memory_space<semaphore_mem>>
      %dma_start3A = tpu.memref_slice %arg8[%mul3A_196] : memref<10240xf32, #tpu.memory_space<vmem_shared>> -> memref<640xf32, #tpu.memory_space<vmem_shared>>
      %dma_start3A_556 = tpu.memref_slice %arg8[%mul3A_196] : memref<10240xf32, #tpu.memory_space<vmem_shared>> -> memref<640xf32, #tpu.memory_space<vmem_shared>>
      tpu.enqueue_dma source(%dma_start3A_556 : memref<640xf32, #tpu.memory_space<vmem_shared>>) target(%arg6 : memref<640xf32, #tpu.memory_space<vmem>>) target_semaphore(%run_scoped3A : memref<!tpu.dma_semaphore, #tpu.memory_space<semaphore_mem>>)
      %dma_wait3A = tpu.memref_slice %arg8[%mul3A_196] : memref<10240xf32, #tpu.memory_space<vmem_shared>> -> memref<640xf32, #tpu.memory_space<vmem_shared>>
      %dma_wait3A_557 = tpu.memref_slice %arg8[%mul3A_196] : memref<10240xf32, #tpu.memory_space<vmem_shared>> -> memref<640xf32, #tpu.memory_space<vmem_shared>>
      tpu.wait_dma2 semaphore(%run_scoped3A : memref<!tpu.dma_semaphore, #tpu.memory_space<semaphore_mem>>) src(%dma_wait3A_557 : memref<640xf32, #tpu.memory_space<vmem_shared>>) dst(%arg6 : memref<640xf32, #tpu.memory_space<vmem>>)
      tpu.yield
    }) : () -> ()
    %get3A = arith.constant 0 : index
    %get3A_197 = tpu.vector_load %arg6[%get3A] {strides = array<i32>} : memref<640xf32, #tpu.memory_space<vmem>>, vector<16xf32>,
    %get3A_198 = vector.shape_cast %get3A_197 : vector<16xf32> to vector<16xf32>
    %swap3A_199 = arith.constant 0 : i32
    %swap3A_200 = arith.index_cast %swap3A_199 : i32 to index
    %swap3A_201 = arith.constant 0 : index
    %swap3A_202 = tpu.vector_load %arg7[%swap3A_200, %swap3A_201] {strides = array<i32>} : memref<5x128xf32, #tpu.memory_space<vmem>>, vector<1x16xf32>,
    %swap3A_203 = vector.shape_cast %swap3A_202 : vector<1x16xf32> to vector<16xf32>
    %swap3A_204 = vector.shape_cast %get3A_198 : vector<16xf32> to vector<1x16xf32>
    tpu.vector_store %arg7[%swap3A_200, %swap3A_201], %swap3A_204 {strides = array<i32>} : memref<5x128xf32, #tpu.memory_space<vmem>>, vector<1x16xf32>,
    %get3A_205 = arith.constant 16 : index
    %get3A_206 = tpu.vector_load %arg6[%get3A_205] {strides = array<i32>} : memref<640xf32, #tpu.memory_space<vmem>>, vector<16xf32>,
    %get3A_207 = vector.shape_cast %get3A_206 : vector<16xf32> to vector<16xf32>
    %swap3A_208 = arith.constant 0 : i32
    %swap3A_209 = arith.index_cast %swap3A_208 : i32 to index
    %swap3A_210 = arith.constant 16 : index
    %swap3A_211 = tpu.vector_load %arg7[%swap3A_209, %swap3A_210] {strides = array<i32>} : memref<5x128xf32, #tpu.memory_space<vmem>>, vector<1x16xf32>,
    %swap3A_212 = vector.shape_cast %swap3A_211 : vector<1x16xf32> to vector<16xf32>
    %swap3A_213 = vector.shape_cast %get3A_207 : vector<16xf32> to vector<1x16xf32>
    tpu.vector_store %arg7[%swap3A_209, %swap3A_210], %swap3A_213 {strides = array<i32>} : memref<5x128xf32, #tpu.memory_space<vmem>>, vector<1x16xf32>,
    %get3A_214 = arith.constant 32 : index
    %get3A_215 = tpu.vector_load %arg6[%get3A_214] {strides = array<i32>} : memref<640xf32, #tpu.memory_space<vmem>>, vector<16xf32>,
    %get3A_216 = vector.shape_cast %get3A_215 : vector<16xf32> to vector<16xf32>
    %swap3A_217 = arith.constant 0 : i32
    %swap3A_218 = arith.index_cast %swap3A_217 : i32 to index
    %swap3A_219 = arith.constant 32 : index
    %swap3A_220 = tpu.vector_load %arg7[%swap3A_218, %swap3A_219] {strides = array<i32>} : memref<5x128xf32, #tpu.memory_space<vmem>>, vector<1x16xf32>,
    %swap3A_221 = vector.shape_cast %swap3A_220 : vector<1x16xf32> to vector<16xf32>
    %swap3A_222 = vector.shape_cast %get3A_216 : vector<16xf32> to vector<1x16xf32>
    tpu.vector_store %arg7[%swap3A_218, %swap3A_219], %swap3A_222 {strides = array<i32>} : memref<5x128xf32, #tpu.memory_space<vmem>>, vector<1x16xf32>,
    %get3A_223 = arith.constant 48 : index
    %get3A_224 = tpu.vector_load %arg6[%get3A_223] {strides = array<i32>} : memref<640xf32, #tpu.memory_space<vmem>>, vector<16xf32>,
    %get3A_225 = vector.shape_cast %get3A_224 : vector<16xf32> to vector<16xf32>
    %swap3A_226 = arith.constant 0 : i32
    %swap3A_227 = arith.index_cast %swap3A_226 : i32 to index
    %swap3A_228 = arith.constant 48 : index
    %swap3A_229 = tpu.vector_load %arg7[%swap3A_227, %swap3A_228] {strides = array<i32>} : memref<5x128xf32, #tpu.memory_space<vmem>>, vector<1x16xf32>,
    %swap3A_230 = vector.shape_cast %swap3A_229 : vector<1x16xf32> to vector<16xf32>
    %swap3A_231 = vector.shape_cast %get3A_225 : vector<16xf32> to vector<1x16xf32>
    tpu.vector_store %arg7[%swap3A_227, %swap3A_228], %swap3A_231 {strides = array<i32>} : memref<5x128xf32, #tpu.memory_space<vmem>>, vector<1x16xf32>,
    %get3A_232 = arith.constant 64 : index
    %get3A_233 = tpu.vector_load %arg6[%get3A_232] {strides = array<i32>} : memref<640xf32, #tpu.memory_space<vmem>>, vector<16xf32>,
    %get3A_234 = vector.shape_cast %get3A_233 : vector<16xf32> to vector<16xf32>
    %swap3A_235 = arith.constant 0 : i32
    %swap3A_236 = arith.index_cast %swap3A_235 : i32 to index
    %swap3A_237 = arith.constant 64 : index
    %swap3A_238 = tpu.vector_load %arg7[%swap3A_236, %swap3A_237] {strides = array<i32>} : memref<5x128xf32, #tpu.memory_space<vmem>>, vector<1x16xf32>,
    %swap3A_239 = vector.shape_cast %swap3A_238 : vector<1x16xf32> to vector<16xf32>
    %swap3A_240 = vector.shape_cast %get3A_234 : vector<16xf32> to vector<1x16xf32>
    tpu.vector_store %arg7[%swap3A_236, %swap3A_237], %swap3A_240 {strides = array<i32>} : memref<5x128xf32, #tpu.memory_space<vmem>>, vector<1x16xf32>,
    %get3A_241 = arith.constant 80 : index
    %get3A_242 = tpu.vector_load %arg6[%get3A_241] {strides = array<i32>} : memref<640xf32, #tpu.memory_space<vmem>>, vector<16xf32>,
    %get3A_243 = vector.shape_cast %get3A_242 : vector<16xf32> to vector<16xf32>
    %swap3A_244 = arith.constant 0 : i32
    %swap3A_245 = arith.index_cast %swap3A_244 : i32 to index
    %swap3A_246 = arith.constant 80 : index
    %swap3A_247 = tpu.vector_load %arg7[%swap3A_245, %swap3A_246] {strides = array<i32>} : memref<5x128xf32, #tpu.memory_space<vmem>>, vector<1x16xf32>,
    %swap3A_248 = vector.shape_cast %swap3A_247 : vector<1x16xf32> to vector<16xf32>
    %swap3A_249 = vector.shape_cast %get3A_243 : vector<16xf32> to vector<1x16xf32>
    tpu.vector_store %arg7[%swap3A_245, %swap3A_246], %swap3A_249 {strides = array<i32>} : memref<5x128xf32, #tpu.memory_space<vmem>>, vector<1x16xf32>,
    %get3A_250 = arith.constant 96 : index
    %get3A_251 = tpu.vector_load %arg6[%get3A_250] {strides = array<i32>} : memref<640xf32, #tpu.memory_space<vmem>>, vector<16xf32>,
    %get3A_252 = vector.shape_cast %get3A_251 : vector<16xf32> to vector<16xf32>
    %swap3A_253 = arith.constant 0 : i32
    %swap3A_254 = arith.index_cast %swap3A_253 : i32 to index
    %swap3A_255 = arith.constant 96 : index
    %swap3A_256 = tpu.vector_load %arg7[%swap3A_254, %swap3A_255] {strides = array<i32>} : memref<5x128xf32, #tpu.memory_space<vmem>>, vector<1x16xf32>,
    %swap3A_257 = vector.shape_cast %swap3A_256 : vector<1x16xf32> to vector<16xf32>
    %swap3A_258 = vector.shape_cast %get3A_252 : vector<16xf32> to vector<1x16xf32>
    tpu.vector_store %arg7[%swap3A_254, %swap3A_255], %swap3A_258 {strides = array<i32>} : memref<5x128xf32, #tpu.memory_space<vmem>>, vector<1x16xf32>,
    %get3A_259 = arith.constant 112 : index
    %get3A_260 = tpu.vector_load %arg6[%get3A_259] {strides = array<i32>} : memref<640xf32, #tpu.memory_space<vmem>>, vector<16xf32>,
    %get3A_261 = vector.shape_cast %get3A_260 : vector<16xf32> to vector<16xf32>
    %swap3A_262 = arith.constant 0 : i32
    %swap3A_263 = arith.index_cast %swap3A_262 : i32 to index
    %swap3A_264 = arith.constant 112 : index
    %swap3A_265 = tpu.vector_load %arg7[%swap3A_263, %swap3A_264] {strides = array<i32>} : memref<5x128xf32, #tpu.memory_space<vmem>>, vector<1x16xf32>,
    %swap3A_266 = vector.shape_cast %swap3A_265 : vector<1x16xf32> to vector<16xf32>
    %swap3A_267 = vector.shape_cast %get3A_261 : vector<16xf32> to vector<1x16xf32>
    tpu.vector_store %arg7[%swap3A_263, %swap3A_264], %swap3A_267 {strides = array<i32>} : memref<5x128xf32, #tpu.memory_space<vmem>>, vector<1x16xf32>,
    %get3A_268 = arith.constant 128 : index
    %get3A_269 = tpu.vector_load %arg6[%get3A_268] {strides = array<i32>} : memref<640xf32, #tpu.memory_space<vmem>>, vector<16xf32>,
    %get3A_270 = vector.shape_cast %get3A_269 : vector<16xf32> to vector<16xf32>
    %swap3A_271 = arith.constant 1 : i32
    %swap3A_272 = arith.index_cast %swap3A_271 : i32 to index
    %swap3A_273 = arith.constant 0 : index
    %swap3A_274 = tpu.vector_load %arg7[%swap3A_272, %swap3A_273] {strides = array<i32>} : memref<5x128xf32, #tpu.memory_space<vmem>>, vector<1x16xf32>,
    %swap3A_275 = vector.shape_cast %swap3A_274 : vector<1x16xf32> to vector<16xf32>
    %swap3A_276 = vector.shape_cast %get3A_270 : vector<16xf32> to vector<1x16xf32>
    tpu.vector_store %arg7[%swap3A_272, %swap3A_273], %swap3A_276 {strides = array<i32>} : memref<5x128xf32, #tpu.memory_space<vmem>>, vector<1x16xf32>,
    %get3A_277 = arith.constant 144 : index
    %get3A_278 = tpu.vector_load %arg6[%get3A_277] {strides = array<i32>} : memref<640xf32, #tpu.memory_space<vmem>>, vector<16xf32>,
    %get3A_279 = vector.shape_cast %get3A_278 : vector<16xf32> to vector<16xf32>
    %swap3A_280 = arith.constant 1 : i32
    %swap3A_281 = arith.index_cast %swap3A_280 : i32 to index
    %swap3A_282 = arith.constant 16 : index
    %swap3A_283 = tpu.vector_load %arg7[%swap3A_281, %swap3A_282] {strides = array<i32>} : memref<5x128xf32, #tpu.memory_space<vmem>>, vector<1x16xf32>,
    %swap3A_284 = vector.shape_cast %swap3A_283 : vector<1x16xf32> to vector<16xf32>
    %swap3A_285 = vector.shape_cast %get3A_279 : vector<16xf32> to vector<1x16xf32>
    tpu.vector_store %arg7[%swap3A_281, %swap3A_282], %swap3A_285 {strides = array<i32>} : memref<5x128xf32, #tpu.memory_space<vmem>>, vector<1x16xf32>,
    %get3A_286 = arith.constant 160 : index
    %get3A_287 = tpu.vector_load %arg6[%get3A_286] {strides = array<i32>} : memref<640xf32, #tpu.memory_space<vmem>>, vector<16xf32>,
    %get3A_288 = vector.shape_cast %get3A_287 : vector<16xf32> to vector<16xf32>
    %swap3A_289 = arith.constant 1 : i32
    %swap3A_290 = arith.index_cast %swap3A_289 : i32 to index
    %swap3A_291 = arith.constant 32 : index
    %swap3A_292 = tpu.vector_load %arg7[%swap3A_290, %swap3A_291] {strides = array<i32>} : memref<5x128xf32, #tpu.memory_space<vmem>>, vector<1x16xf32>,
    %swap3A_293 = vector.shape_cast %swap3A_292 : vector<1x16xf32> to vector<16xf32>
    %swap3A_294 = vector.shape_cast %get3A_288 : vector<16xf32> to vector<1x16xf32>
    tpu.vector_store %arg7[%swap3A_290, %swap3A_291], %swap3A_294 {strides = array<i32>} : memref<5x128xf32, #tpu.memory_space<vmem>>, vector<1x16xf32>,
    %get3A_295 = arith.constant 176 : index
    %get3A_296 = tpu.vector_load %arg6[%get3A_295] {strides = array<i32>} : memref<640xf32, #tpu.memory_space<vmem>>, vector<16xf32>,
    %get3A_297 = vector.shape_cast %get3A_296 : vector<16xf32> to vector<16xf32>
    %swap3A_298 = arith.constant 1 : i32
    %swap3A_299 = arith.index_cast %swap3A_298 : i32 to index
    %swap3A_300 = arith.constant 48 : index
    %swap3A_301 = tpu.vector_load %arg7[%swap3A_299, %swap3A_300] {strides = array<i32>} : memref<5x128xf32, #tpu.memory_space<vmem>>, vector<1x16xf32>,
    %swap3A_302 = vector.shape_cast %swap3A_301 : vector<1x16xf32> to vector<16xf32>
    %swap3A_303 = vector.shape_cast %get3A_297 : vector<16xf32> to vector<1x16xf32>
    tpu.vector_store %arg7[%swap3A_299, %swap3A_300], %swap3A_303 {strides = array<i32>} : memref<5x128xf32, #tpu.memory_space<vmem>>, vector<1x16xf32>,
    %get3A_304 = arith.constant 192 : index
    %get3A_305 = tpu.vector_load %arg6[%get3A_304] {strides = array<i32>} : memref<640xf32, #tpu.memory_space<vmem>>, vector<16xf32>,
    %get3A_306 = vector.shape_cast %get3A_305 : vector<16xf32> to vector<16xf32>
    %swap3A_307 = arith.constant 1 : i32
    %swap3A_308 = arith.index_cast %swap3A_307 : i32 to index
    %swap3A_309 = arith.constant 64 : index
    %swap3A_310 = tpu.vector_load %arg7[%swap3A_308, %swap3A_309] {strides = array<i32>} : memref<5x128xf32, #tpu.memory_space<vmem>>, vector<1x16xf32>,
    %swap3A_311 = vector.shape_cast %swap3A_310 : vector<1x16xf32> to vector<16xf32>
    %swap3A_312 = vector.shape_cast %get3A_306 : vector<16xf32> to vector<1x16xf32>
    tpu.vector_store %arg7[%swap3A_308, %swap3A_309], %swap3A_312 {strides = array<i32>} : memref<5x128xf32, #tpu.memory_space<vmem>>, vector<1x16xf32>,
    %get3A_313 = arith.constant 208 : index
    %get3A_314 = tpu.vector_load %arg6[%get3A_313] {strides = array<i32>} : memref<640xf32, #tpu.memory_space<vmem>>, vector<16xf32>,
    %get3A_315 = vector.shape_cast %get3A_314 : vector<16xf32> to vector<16xf32>
    %swap3A_316 = arith.constant 1 : i32
    %swap3A_317 = arith.index_cast %swap3A_316 : i32 to index
    %swap3A_318 = arith.constant 80 : index
    %swap3A_319 = tpu.vector_load %arg7[%swap3A_317, %swap3A_318] {strides = array<i32>} : memref<5x128xf32, #tpu.memory_space<vmem>>, vector<1x16xf32>,
    %swap3A_320 = vector.shape_cast %swap3A_319 : vector<1x16xf32> to vector<16xf32>
    %swap3A_321 = vector.shape_cast %get3A_315 : vector<16xf32> to vector<1x16xf32>
    tpu.vector_store %arg7[%swap3A_317, %swap3A_318], %swap3A_321 {strides = array<i32>} : memref<5x128xf32, #tpu.memory_space<vmem>>, vector<1x16xf32>,
    %get3A_322 = arith.constant 224 : index
    %get3A_323 = tpu.vector_load %arg6[%get3A_322] {strides = array<i32>} : memref<640xf32, #tpu.memory_space<vmem>>, vector<16xf32>,
    %get3A_324 = vector.shape_cast %get3A_323 : vector<16xf32> to vector<16xf32>
    %swap3A_325 = arith.constant 1 : i32
    %swap3A_326 = arith.index_cast %swap3A_325 : i32 to index
    %swap3A_327 = arith.constant 96 : index
    %swap3A_328 = tpu.vector_load %arg7[%swap3A_326, %swap3A_327] {strides = array<i32>} : memref<5x128xf32, #tpu.memory_space<vmem>>, vector<1x16xf32>,
    %swap3A_329 = vector.shape_cast %swap3A_328 : vector<1x16xf32> to vector<16xf32>
    %swap3A_330 = vector.shape_cast %get3A_324 : vector<16xf32> to vector<1x16xf32>
    tpu.vector_store %arg7[%swap3A_326, %swap3A_327], %swap3A_330 {strides = array<i32>} : memref<5x128xf32, #tpu.memory_space<vmem>>, vector<1x16xf32>,
    %get3A_331 = arith.constant 240 : index
    %get3A_332 = tpu.vector_load %arg6[%get3A_331] {strides = array<i32>} : memref<640xf32, #tpu.memory_space<vmem>>, vector<16xf32>,
    %get3A_333 = vector.shape_cast %get3A_332 : vector<16xf32> to vector<16xf32>
    %swap3A_334 = arith.constant 1 : i32
    %swap3A_335 = arith.index_cast %swap3A_334 : i32 to index
    %swap3A_336 = arith.constant 112 : index
    %swap3A_337 = tpu.vector_load %arg7[%swap3A_335, %swap3A_336] {strides = array<i32>} : memref<5x128xf32, #tpu.memory_space<vmem>>, vector<1x16xf32>,
    %swap3A_338 = vector.shape_cast %swap3A_337 : vector<1x16xf32> to vector<16xf32>
    %swap3A_339 = vector.shape_cast %get3A_333 : vector<16xf32> to vector<1x16xf32>
    tpu.vector_store %arg7[%swap3A_335, %swap3A_336], %swap3A_339 {strides = array<i32>} : memref<5x128xf32, #tpu.memory_space<vmem>>, vector<1x16xf32>,
    %get3A_340 = arith.constant 256 : index
    %get3A_341 = tpu.vector_load %arg6[%get3A_340] {strides = array<i32>} : memref<640xf32, #tpu.memory_space<vmem>>, vector<16xf32>,
    %get3A_342 = vector.shape_cast %get3A_341 : vector<16xf32> to vector<16xf32>
    %swap3A_343 = arith.constant 2 : i32
    %swap3A_344 = arith.index_cast %swap3A_343 : i32 to index
    %swap3A_345 = arith.constant 0 : index
    %swap3A_346 = tpu.vector_load %arg7[%swap3A_344, %swap3A_345] {strides = array<i32>} : memref<5x128xf32, #tpu.memory_space<vmem>>, vector<1x16xf32>,
    %swap3A_347 = vector.shape_cast %swap3A_346 : vector<1x16xf32> to vector<16xf32>
    %swap3A_348 = vector.shape_cast %get3A_342 : vector<16xf32> to vector<1x16xf32>
    tpu.vector_store %arg7[%swap3A_344, %swap3A_345], %swap3A_348 {strides = array<i32>} : memref<5x128xf32, #tpu.memory_space<vmem>>, vector<1x16xf32>,
    %get3A_349 = arith.constant 272 : index
    %get3A_350 = tpu.vector_load %arg6[%get3A_349] {strides = array<i32>} : memref<640xf32, #tpu.memory_space<vmem>>, vector<16xf32>,
    %get3A_351 = vector.shape_cast %get3A_350 : vector<16xf32> to vector<16xf32>
    %swap3A_352 = arith.constant 2 : i32
    %swap3A_353 = arith.index_cast %swap3A_352 : i32 to index
    %swap3A_354 = arith.constant 16 : index
    %swap3A_355 = tpu.vector_load %arg7[%swap3A_353, %swap3A_354] {strides = array<i32>} : memref<5x128xf32, #tpu.memory_space<vmem>>, vector<1x16xf32>,
    %swap3A_356 = vector.shape_cast %swap3A_355 : vector<1x16xf32> to vector<16xf32>
    %swap3A_357 = vector.shape_cast %get3A_351 : vector<16xf32> to vector<1x16xf32>
    tpu.vector_store %arg7[%swap3A_353, %swap3A_354], %swap3A_357 {strides = array<i32>} : memref<5x128xf32, #tpu.memory_space<vmem>>, vector<1x16xf32>,
    %get3A_358 = arith.constant 288 : index
    %get3A_359 = tpu.vector_load %arg6[%get3A_358] {strides = array<i32>} : memref<640xf32, #tpu.memory_space<vmem>>, vector<16xf32>,
    %get3A_360 = vector.shape_cast %get3A_359 : vector<16xf32> to vector<16xf32>
    %swap3A_361 = arith.constant 2 : i32
    %swap3A_362 = arith.index_cast %swap3A_361 : i32 to index
    %swap3A_363 = arith.constant 32 : index
    %swap3A_364 = tpu.vector_load %arg7[%swap3A_362, %swap3A_363] {strides = array<i32>} : memref<5x128xf32, #tpu.memory_space<vmem>>, vector<1x16xf32>,
    %swap3A_365 = vector.shape_cast %swap3A_364 : vector<1x16xf32> to vector<16xf32>
    %swap3A_366 = vector.shape_cast %get3A_360 : vector<16xf32> to vector<1x16xf32>
    tpu.vector_store %arg7[%swap3A_362, %swap3A_363], %swap3A_366 {strides = array<i32>} : memref<5x128xf32, #tpu.memory_space<vmem>>, vector<1x16xf32>,
    %get3A_367 = arith.constant 304 : index
    %get3A_368 = tpu.vector_load %arg6[%get3A_367] {strides = array<i32>} : memref<640xf32, #tpu.memory_space<vmem>>, vector<16xf32>,
    %get3A_369 = vector.shape_cast %get3A_368 : vector<16xf32> to vector<16xf32>
    %swap3A_370 = arith.constant 2 : i32
    %swap3A_371 = arith.index_cast %swap3A_370 : i32 to index
    %swap3A_372 = arith.constant 48 : index
    %swap3A_373 = tpu.vector_load %arg7[%swap3A_371, %swap3A_372] {strides = array<i32>} : memref<5x128xf32, #tpu.memory_space<vmem>>, vector<1x16xf32>,
    %swap3A_374 = vector.shape_cast %swap3A_373 : vector<1x16xf32> to vector<16xf32>
    %swap3A_375 = vector.shape_cast %get3A_369 : vector<16xf32> to vector<1x16xf32>
    tpu.vector_store %arg7[%swap3A_371, %swap3A_372], %swap3A_375 {strides = array<i32>} : memref<5x128xf32, #tpu.memory_space<vmem>>, vector<1x16xf32>,
    %get3A_376 = arith.constant 320 : index
    %get3A_377 = tpu.vector_load %arg6[%get3A_376] {strides = array<i32>} : memref<640xf32, #tpu.memory_space<vmem>>, vector<16xf32>,
    %get3A_378 = vector.shape_cast %get3A_377 : vector<16xf32> to vector<16xf32>
    %swap3A_379 = arith.constant 2 : i32
    %swap3A_380 = arith.index_cast %swap3A_379 : i32 to index
    %swap3A_381 = arith.constant 64 : index
    %swap3A_382 = tpu.vector_load %arg7[%swap3A_380, %swap3A_381] {strides = array<i32>} : memref<5x128xf32, #tpu.memory_space<vmem>>, vector<1x16xf32>,
    %swap3A_383 = vector.shape_cast %swap3A_382 : vector<1x16xf32> to vector<16xf32>
    %swap3A_384 = vector.shape_cast %get3A_378 : vector<16xf32> to vector<1x16xf32>
    tpu.vector_store %arg7[%swap3A_380, %swap3A_381], %swap3A_384 {strides = array<i32>} : memref<5x128xf32, #tpu.memory_space<vmem>>, vector<1x16xf32>,
    %get3A_385 = arith.constant 336 : index
    %get3A_386 = tpu.vector_load %arg6[%get3A_385] {strides = array<i32>} : memref<640xf32, #tpu.memory_space<vmem>>, vector<16xf32>,
    %get3A_387 = vector.shape_cast %get3A_386 : vector<16xf32> to vector<16xf32>
    %swap3A_388 = arith.constant 2 : i32
    %swap3A_389 = arith.index_cast %swap3A_388 : i32 to index
    %swap3A_390 = arith.constant 80 : index
    %swap3A_391 = tpu.vector_load %arg7[%swap3A_389, %swap3A_390] {strides = array<i32>} : memref<5x128xf32, #tpu.memory_space<vmem>>, vector<1x16xf32>,
    %swap3A_392 = vector.shape_cast %swap3A_391 : vector<1x16xf32> to vector<16xf32>
    %swap3A_393 = vector.shape_cast %get3A_387 : vector<16xf32> to vector<1x16xf32>
    tpu.vector_store %arg7[%swap3A_389, %swap3A_390], %swap3A_393 {strides = array<i32>} : memref<5x128xf32, #tpu.memory_space<vmem>>, vector<1x16xf32>,
    %get3A_394 = arith.constant 352 : index
    %get3A_395 = tpu.vector_load %arg6[%get3A_394] {strides = array<i32>} : memref<640xf32, #tpu.memory_space<vmem>>, vector<16xf32>,
    %get3A_396 = vector.shape_cast %get3A_395 : vector<16xf32> to vector<16xf32>
    %swap3A_397 = arith.constant 2 : i32
    %swap3A_398 = arith.index_cast %swap3A_397 : i32 to index
    %swap3A_399 = arith.constant 96 : index
    %swap3A_400 = tpu.vector_load %arg7[%swap3A_398, %swap3A_399] {strides = array<i32>} : memref<5x128xf32, #tpu.memory_space<vmem>>, vector<1x16xf32>,
    %swap3A_401 = vector.shape_cast %swap3A_400 : vector<1x16xf32> to vector<16xf32>
    %swap3A_402 = vector.shape_cast %get3A_396 : vector<16xf32> to vector<1x16xf32>
    tpu.vector_store %arg7[%swap3A_398, %swap3A_399], %swap3A_402 {strides = array<i32>} : memref<5x128xf32, #tpu.memory_space<vmem>>, vector<1x16xf32>,
    %get3A_403 = arith.constant 368 : index
    %get3A_404 = tpu.vector_load %arg6[%get3A_403] {strides = array<i32>} : memref<640xf32, #tpu.memory_space<vmem>>, vector<16xf32>,
    %get3A_405 = vector.shape_cast %get3A_404 : vector<16xf32> to vector<16xf32>
    %swap3A_406 = arith.constant 2 : i32
    %swap3A_407 = arith.index_cast %swap3A_406 : i32 to index
    %swap3A_408 = arith.constant 112 : index
    %swap3A_409 = tpu.vector_load %arg7[%swap3A_407, %swap3A_408] {strides = array<i32>} : memref<5x128xf32, #tpu.memory_space<vmem>>, vector<1x16xf32>,
    %swap3A_410 = vector.shape_cast %swap3A_409 : vector<1x16xf32> to vector<16xf32>
    %swap3A_411 = vector.shape_cast %get3A_405 : vector<16xf32> to vector<1x16xf32>
    tpu.vector_store %arg7[%swap3A_407, %swap3A_408], %swap3A_411 {strides = array<i32>} : memref<5x128xf32, #tpu.memory_space<vmem>>, vector<1x16xf32>,
    %get3A_412 = arith.constant 384 : index
    %get3A_413 = tpu.vector_load %arg6[%get3A_412] {strides = array<i32>} : memref<640xf32, #tpu.memory_space<vmem>>, vector<16xf32>,
    %get3A_414 = vector.shape_cast %get3A_413 : vector<16xf32> to vector<16xf32>
    %swap3A_415 = arith.constant 3 : i32
    %swap3A_416 = arith.index_cast %swap3A_415 : i32 to index
    %swap3A_417 = arith.constant 0 : index
    %swap3A_418 = tpu.vector_load %arg7[%swap3A_416, %swap3A_417] {strides = array<i32>} : memref<5x128xf32, #tpu.memory_space<vmem>>, vector<1x16xf32>,
    %swap3A_419 = vector.shape_cast %swap3A_418 : vector<1x16xf32> to vector<16xf32>
    %swap3A_420 = vector.shape_cast %get3A_414 : vector<16xf32> to vector<1x16xf32>
    tpu.vector_store %arg7[%swap3A_416, %swap3A_417], %swap3A_420 {strides = array<i32>} : memref<5x128xf32, #tpu.memory_space<vmem>>, vector<1x16xf32>,
    %get3A_421 = arith.constant 400 : index
    %get3A_422 = tpu.vector_load %arg6[%get3A_421] {strides = array<i32>} : memref<640xf32, #tpu.memory_space<vmem>>, vector<16xf32>,
    %get3A_423 = vector.shape_cast %get3A_422 : vector<16xf32> to vector<16xf32>
    %swap3A_424 = arith.constant 3 : i32
    %swap3A_425 = arith.index_cast %swap3A_424 : i32 to index
    %swap3A_426 = arith.constant 16 : index
    %swap3A_427 = tpu.vector_load %arg7[%swap3A_425, %swap3A_426] {strides = array<i32>} : memref<5x128xf32, #tpu.memory_space<vmem>>, vector<1x16xf32>,
    %swap3A_428 = vector.shape_cast %swap3A_427 : vector<1x16xf32> to vector<16xf32>
    %swap3A_429 = vector.shape_cast %get3A_423 : vector<16xf32> to vector<1x16xf32>
    tpu.vector_store %arg7[%swap3A_425, %swap3A_426], %swap3A_429 {strides = array<i32>} : memref<5x128xf32, #tpu.memory_space<vmem>>, vector<1x16xf32>,
    %get3A_430 = arith.constant 416 : index
    %get3A_431 = tpu.vector_load %arg6[%get3A_430] {strides = array<i32>} : memref<640xf32, #tpu.memory_space<vmem>>, vector<16xf32>,
    %get3A_432 = vector.shape_cast %get3A_431 : vector<16xf32> to vector<16xf32>
    %swap3A_433 = arith.constant 3 : i32
    %swap3A_434 = arith.index_cast %swap3A_433 : i32 to index
    %swap3A_435 = arith.constant 32 : index
    %swap3A_436 = tpu.vector_load %arg7[%swap3A_434, %swap3A_435] {strides = array<i32>} : memref<5x128xf32, #tpu.memory_space<vmem>>, vector<1x16xf32>,
    %swap3A_437 = vector.shape_cast %swap3A_436 : vector<1x16xf32> to vector<16xf32>
    %swap3A_438 = vector.shape_cast %get3A_432 : vector<16xf32> to vector<1x16xf32>
    tpu.vector_store %arg7[%swap3A_434, %swap3A_435], %swap3A_438 {strides = array<i32>} : memref<5x128xf32, #tpu.memory_space<vmem>>, vector<1x16xf32>,
    %get3A_439 = arith.constant 432 : index
    %get3A_440 = tpu.vector_load %arg6[%get3A_439] {strides = array<i32>} : memref<640xf32, #tpu.memory_space<vmem>>, vector<16xf32>,
    %get3A_441 = vector.shape_cast %get3A_440 : vector<16xf32> to vector<16xf32>
    %swap3A_442 = arith.constant 3 : i32
    %swap3A_443 = arith.index_cast %swap3A_442 : i32 to index
    %swap3A_444 = arith.constant 48 : index
    %swap3A_445 = tpu.vector_load %arg7[%swap3A_443, %swap3A_444] {strides = array<i32>} : memref<5x128xf32, #tpu.memory_space<vmem>>, vector<1x16xf32>,
    %swap3A_446 = vector.shape_cast %swap3A_445 : vector<1x16xf32> to vector<16xf32>
    %swap3A_447 = vector.shape_cast %get3A_441 : vector<16xf32> to vector<1x16xf32>
    tpu.vector_store %arg7[%swap3A_443, %swap3A_444], %swap3A_447 {strides = array<i32>} : memref<5x128xf32, #tpu.memory_space<vmem>>, vector<1x16xf32>,
    %get3A_448 = arith.constant 448 : index
    %get3A_449 = tpu.vector_load %arg6[%get3A_448] {strides = array<i32>} : memref<640xf32, #tpu.memory_space<vmem>>, vector<16xf32>,
    %get3A_450 = vector.shape_cast %get3A_449 : vector<16xf32> to vector<16xf32>
    %swap3A_451 = arith.constant 3 : i32
    %swap3A_452 = arith.index_cast %swap3A_451 : i32 to index
    %swap3A_453 = arith.constant 64 : index
    %swap3A_454 = tpu.vector_load %arg7[%swap3A_452, %swap3A_453] {strides = array<i32>} : memref<5x128xf32, #tpu.memory_space<vmem>>, vector<1x16xf32>,
    %swap3A_455 = vector.shape_cast %swap3A_454 : vector<1x16xf32> to vector<16xf32>
    %swap3A_456 = vector.shape_cast %get3A_450 : vector<16xf32> to vector<1x16xf32>
    tpu.vector_store %arg7[%swap3A_452, %swap3A_453], %swap3A_456 {strides = array<i32>} : memref<5x128xf32, #tpu.memory_space<vmem>>, vector<1x16xf32>,
    %get3A_457 = arith.constant 464 : index
    %get3A_458 = tpu.vector_load %arg6[%get3A_457] {strides = array<i32>} : memref<640xf32, #tpu.memory_space<vmem>>, vector<16xf32>,
    %get3A_459 = vector.shape_cast %get3A_458 : vector<16xf32> to vector<16xf32>
    %swap3A_460 = arith.constant 3 : i32
    %swap3A_461 = arith.index_cast %swap3A_460 : i32 to index
    %swap3A_462 = arith.constant 80 : index
    %swap3A_463 = tpu.vector_load %arg7[%swap3A_461, %swap3A_462] {strides = array<i32>} : memref<5x128xf32, #tpu.memory_space<vmem>>, vector<1x16xf32>,
    %swap3A_464 = vector.shape_cast %swap3A_463 : vector<1x16xf32> to vector<16xf32>
    %swap3A_465 = vector.shape_cast %get3A_459 : vector<16xf32> to vector<1x16xf32>
    tpu.vector_store %arg7[%swap3A_461, %swap3A_462], %swap3A_465 {strides = array<i32>} : memref<5x128xf32, #tpu.memory_space<vmem>>, vector<1x16xf32>,
    %get3A_466 = arith.constant 480 : index
    %get3A_467 = tpu.vector_load %arg6[%get3A_466] {strides = array<i32>} : memref<640xf32, #tpu.memory_space<vmem>>, vector<16xf32>,
    %get3A_468 = vector.shape_cast %get3A_467 : vector<16xf32> to vector<16xf32>
    %swap3A_469 = arith.constant 3 : i32
    %swap3A_470 = arith.index_cast %swap3A_469 : i32 to index
    %swap3A_471 = arith.constant 96 : index
    %swap3A_472 = tpu.vector_load %arg7[%swap3A_470, %swap3A_471] {strides = array<i32>} : memref<5x128xf32, #tpu.memory_space<vmem>>, vector<1x16xf32>,
    %swap3A_473 = vector.shape_cast %swap3A_472 : vector<1x16xf32> to vector<16xf32>
    %swap3A_474 = vector.shape_cast %get3A_468 : vector<16xf32> to vector<1x16xf32>
    tpu.vector_store %arg7[%swap3A_470, %swap3A_471], %swap3A_474 {strides = array<i32>} : memref<5x128xf32, #tpu.memory_space<vmem>>, vector<1x16xf32>,
    %get3A_475 = arith.constant 496 : index
    %get3A_476 = tpu.vector_load %arg6[%get3A_475] {strides = array<i32>} : memref<640xf32, #tpu.memory_space<vmem>>, vector<16xf32>,
    %get3A_477 = vector.shape_cast %get3A_476 : vector<16xf32> to vector<16xf32>
    %swap3A_478 = arith.constant 3 : i32
    %swap3A_479 = arith.index_cast %swap3A_478 : i32 to index
    %swap3A_480 = arith.constant 112 : index
    %swap3A_481 = tpu.vector_load %arg7[%swap3A_479, %swap3A_480] {strides = array<i32>} : memref<5x128xf32, #tpu.memory_space<vmem>>, vector<1x16xf32>,
    %swap3A_482 = vector.shape_cast %swap3A_481 : vector<1x16xf32> to vector<16xf32>
    %swap3A_483 = vector.shape_cast %get3A_477 : vector<16xf32> to vector<1x16xf32>
    tpu.vector_store %arg7[%swap3A_479, %swap3A_480], %swap3A_483 {strides = array<i32>} : memref<5x128xf32, #tpu.memory_space<vmem>>, vector<1x16xf32>,
    %get3A_484 = arith.constant 512 : index
    %get3A_485 = tpu.vector_load %arg6[%get3A_484] {strides = array<i32>} : memref<640xf32, #tpu.memory_space<vmem>>, vector<16xf32>,
    %get3A_486 = vector.shape_cast %get3A_485 : vector<16xf32> to vector<16xf32>
    %swap3A_487 = arith.constant 4 : i32
    %swap3A_488 = arith.index_cast %swap3A_487 : i32 to index
    %swap3A_489 = arith.constant 0 : index
    %swap3A_490 = tpu.vector_load %arg7[%swap3A_488, %swap3A_489] {strides = array<i32>} : memref<5x128xf32, #tpu.memory_space<vmem>>, vector<1x16xf32>,
    %swap3A_491 = vector.shape_cast %swap3A_490 : vector<1x16xf32> to vector<16xf32>
    %swap3A_492 = vector.shape_cast %get3A_486 : vector<16xf32> to vector<1x16xf32>
    tpu.vector_store %arg7[%swap3A_488, %swap3A_489], %swap3A_492 {strides = array<i32>} : memref<5x128xf32, #tpu.memory_space<vmem>>, vector<1x16xf32>,
    %get3A_493 = arith.constant 528 : index
    %get3A_494 = tpu.vector_load %arg6[%get3A_493] {strides = array<i32>} : memref<640xf32, #tpu.memory_space<vmem>>, vector<16xf32>,
    %get3A_495 = vector.shape_cast %get3A_494 : vector<16xf32> to vector<16xf32>
    %swap3A_496 = arith.constant 4 : i32
    %swap3A_497 = arith.index_cast %swap3A_496 : i32 to index
    %swap3A_498 = arith.constant 16 : index
    %swap3A_499 = tpu.vector_load %arg7[%swap3A_497, %swap3A_498] {strides = array<i32>} : memref<5x128xf32, #tpu.memory_space<vmem>>, vector<1x16xf32>,
    %swap3A_500 = vector.shape_cast %swap3A_499 : vector<1x16xf32> to vector<16xf32>
    %swap3A_501 = vector.shape_cast %get3A_495 : vector<16xf32> to vector<1x16xf32>
    tpu.vector_store %arg7[%swap3A_497, %swap3A_498], %swap3A_501 {strides = array<i32>} : memref<5x128xf32, #tpu.memory_space<vmem>>, vector<1x16xf32>,
    %get3A_502 = arith.constant 544 : index
    %get3A_503 = tpu.vector_load %arg6[%get3A_502] {strides = array<i32>} : memref<640xf32, #tpu.memory_space<vmem>>, vector<16xf32>,
    %get3A_504 = vector.shape_cast %get3A_503 : vector<16xf32> to vector<16xf32>
    %swap3A_505 = arith.constant 4 : i32
    %swap3A_506 = arith.index_cast %swap3A_505 : i32 to index
    %swap3A_507 = arith.constant 32 : index
    %swap3A_508 = tpu.vector_load %arg7[%swap3A_506, %swap3A_507] {strides = array<i32>} : memref<5x128xf32, #tpu.memory_space<vmem>>, vector<1x16xf32>,
    %swap3A_509 = vector.shape_cast %swap3A_508 : vector<1x16xf32> to vector<16xf32>
    %swap3A_510 = vector.shape_cast %get3A_504 : vector<16xf32> to vector<1x16xf32>
    tpu.vector_store %arg7[%swap3A_506, %swap3A_507], %swap3A_510 {strides = array<i32>} : memref<5x128xf32, #tpu.memory_space<vmem>>, vector<1x16xf32>,
    %get3A_511 = arith.constant 560 : index
    %get3A_512 = tpu.vector_load %arg6[%get3A_511] {strides = array<i32>} : memref<640xf32, #tpu.memory_space<vmem>>, vector<16xf32>,
    %get3A_513 = vector.shape_cast %get3A_512 : vector<16xf32> to vector<16xf32>
    %swap3A_514 = arith.constant 4 : i32
    %swap3A_515 = arith.index_cast %swap3A_514 : i32 to index
    %swap3A_516 = arith.constant 48 : index
    %swap3A_517 = tpu.vector_load %arg7[%swap3A_515, %swap3A_516] {strides = array<i32>} : memref<5x128xf32, #tpu.memory_space<vmem>>, vector<1x16xf32>,
    %swap3A_518 = vector.shape_cast %swap3A_517 : vector<1x16xf32> to vector<16xf32>
    %swap3A_519 = vector.shape_cast %get3A_513 : vector<16xf32> to vector<1x16xf32>
    tpu.vector_store %arg7[%swap3A_515, %swap3A_516], %swap3A_519 {strides = array<i32>} : memref<5x128xf32, #tpu.memory_space<vmem>>, vector<1x16xf32>,
    %get3A_520 = arith.constant 576 : index
    %get3A_521 = tpu.vector_load %arg6[%get3A_520] {strides = array<i32>} : memref<640xf32, #tpu.memory_space<vmem>>, vector<16xf32>,
    %get3A_522 = vector.shape_cast %get3A_521 : vector<16xf32> to vector<16xf32>
    %swap3A_523 = arith.constant 4 : i32
    %swap3A_524 = arith.index_cast %swap3A_523 : i32 to index
    %swap3A_525 = arith.constant 64 : index
    %swap3A_526 = tpu.vector_load %arg7[%swap3A_524, %swap3A_525] {strides = array<i32>} : memref<5x128xf32, #tpu.memory_space<vmem>>, vector<1x16xf32>,
    %swap3A_527 = vector.shape_cast %swap3A_526 : vector<1x16xf32> to vector<16xf32>
    %swap3A_528 = vector.shape_cast %get3A_522 : vector<16xf32> to vector<1x16xf32>
    tpu.vector_store %arg7[%swap3A_524, %swap3A_525], %swap3A_528 {strides = array<i32>} : memref<5x128xf32, #tpu.memory_space<vmem>>, vector<1x16xf32>,
    %get3A_529 = arith.constant 592 : index
    %get3A_530 = tpu.vector_load %arg6[%get3A_529] {strides = array<i32>} : memref<640xf32, #tpu.memory_space<vmem>>, vector<16xf32>,
    %get3A_531 = vector.shape_cast %get3A_530 : vector<16xf32> to vector<16xf32>
    %swap3A_532 = arith.constant 4 : i32
    %swap3A_533 = arith.index_cast %swap3A_532 : i32 to index
    %swap3A_534 = arith.constant 80 : index
    %swap3A_535 = tpu.vector_load %arg7[%swap3A_533, %swap3A_534] {strides = array<i32>} : memref<5x128xf32, #tpu.memory_space<vmem>>, vector<1x16xf32>,
    %swap3A_536 = vector.shape_cast %swap3A_535 : vector<1x16xf32> to vector<16xf32>
    %swap3A_537 = vector.shape_cast %get3A_531 : vector<16xf32> to vector<1x16xf32>
    tpu.vector_store %arg7[%swap3A_533, %swap3A_534], %swap3A_537 {strides = array<i32>} : memref<5x128xf32, #tpu.memory_space<vmem>>, vector<1x16xf32>,
    %get3A_538 = arith.constant 608 : index
    %get3A_539 = tpu.vector_load %arg6[%get3A_538] {strides = array<i32>} : memref<640xf32, #tpu.memory_space<vmem>>, vector<16xf32>,
    %get3A_540 = vector.shape_cast %get3A_539 : vector<16xf32> to vector<16xf32>
    %swap3A_541 = arith.constant 4 : i32
    %swap3A_542 = arith.index_cast %swap3A_541 : i32 to index
    %swap3A_543 = arith.constant 96 : index
    %swap3A_544 = tpu.vector_load %arg7[%swap3A_542, %swap3A_543] {strides = array<i32>} : memref<5x128xf32, #tpu.memory_space<vmem>>, vector<1x16xf32>,
    %swap3A_545 = vector.shape_cast %swap3A_544 : vector<1x16xf32> to vector<16xf32>
    %swap3A_546 = vector.shape_cast %get3A_540 : vector<16xf32> to vector<1x16xf32>
    tpu.vector_store %arg7[%swap3A_542, %swap3A_543], %swap3A_546 {strides = array<i32>} : memref<5x128xf32, #tpu.memory_space<vmem>>, vector<1x16xf32>,
    %get3A_547 = arith.constant 624 : index
    %get3A_548 = tpu.vector_load %arg6[%get3A_547] {strides = array<i32>} : memref<640xf32, #tpu.memory_space<vmem>>, vector<16xf32>,
    %get3A_549 = vector.shape_cast %get3A_548 : vector<16xf32> to vector<16xf32>
    %swap3A_550 = arith.constant 4 : i32
    %swap3A_551 = arith.index_cast %swap3A_550 : i32 to index
    %swap3A_552 = arith.constant 112 : index
    %swap3A_553 = tpu.vector_load %arg7[%swap3A_551, %swap3A_552] {strides = array<i32>} : memref<5x128xf32, #tpu.memory_space<vmem>>, vector<1x16xf32>,
    %swap3A_554 = vector.shape_cast %swap3A_553 : vector<1x16xf32> to vector<16xf32>
    %swap3A_555 = vector.shape_cast %get3A_549 : vector<16xf32> to vector<1x16xf32>
    tpu.vector_store %arg7[%swap3A_551, %swap3A_552], %swap3A_555 {strides = array<i32>} : memref<5x128xf32, #tpu.memory_space<vmem>>, vector<1x16xf32>,
    "tpu.region"() ({
      %run_scoped3A = tpu.sem_alloc : memref<!tpu.dma_semaphore, #tpu.memory_space<semaphore_mem>>
      %dma_start3A = arith.constant 0 : i32
      %dma_start3A_556 = arith.constant 0 : i32
      %dma_start3A_557 = tpu.memref_slice %arg3[%arg0, %arg1, %dma_start3A, %dma_start3A_556] : memref<2x16x5x128xf32, #tpu.memory_space<hbm>> -> memref<1x1x5x128xf32, #tpu.memory_space<hbm>>
      %dma_start3A_558 = tpu.memref_squeeze %dma_start3A_557 : memref<1x1x5x128xf32, #tpu.memory_space<hbm>> -> memref<5x128xf32, #tpu.memory_space<hbm>>
      %dma_start3A_559 = arith.constant 0 : i32
      %dma_start3A_560 = arith.constant 0 : i32
      %dma_start3A_561 = tpu.memref_slice %arg3[%arg0, %arg1, %dma_start3A_559, %dma_start3A_560] : memref<2x16x5x128xf32, #tpu.memory_space<hbm>> -> memref<1x1x5x128xf32, #tpu.memory_space<hbm>>
      %dma_start3A_562 = tpu.memref_squeeze %dma_start3A_561 : memref<1x1x5x128xf32, #tpu.memory_space<hbm>> -> memref<5x128xf32, #tpu.memory_space<hbm>>
      tpu.enqueue_dma source(%arg7 : memref<5x128xf32, #tpu.memory_space<vmem>>) target(%dma_start3A_562 : memref<5x128xf32, #tpu.memory_space<hbm>>) target_semaphore(%run_scoped3A : memref<!tpu.dma_semaphore, #tpu.memory_space<semaphore_mem>>)
      %dma_wait3A = arith.constant 0 : i32
      %dma_wait3A_563 = arith.constant 0 : i32
      %dma_wait3A_564 = tpu.memref_slice %arg3[%arg0, %arg1, %dma_wait3A, %dma_wait3A_563] : memref<2x16x5x128xf32, #tpu.memory_space<hbm>> -> memref<1x1x5x128xf32, #tpu.memory_space<hbm>>
      %dma_wait3A_565 = tpu.memref_squeeze %dma_wait3A_564 : memref<1x1x5x128xf32, #tpu.memory_space<hbm>> -> memref<5x128xf32, #tpu.memory_space<hbm>>
      %dma_wait3A_566 = arith.constant 0 : i32
      %dma_wait3A_567 = arith.constant 0 : i32
      %dma_wait3A_568 = tpu.memref_slice %arg3[%arg0, %arg1, %dma_wait3A_566, %dma_wait3A_567] : memref<2x16x5x128xf32, #tpu.memory_space<hbm>> -> memref<1x1x5x128xf32, #tpu.memory_space<hbm>>
      %dma_wait3A_569 = tpu.memref_squeeze %dma_wait3A_568 : memref<1x1x5x128xf32, #tpu.memory_space<hbm>> -> memref<5x128xf32, #tpu.memory_space<hbm>>
      tpu.wait_dma2 semaphore(%run_scoped3A : memref<!tpu.dma_semaphore, #tpu.memory_space<semaphore_mem>>) src(%arg7 : memref<5x128xf32, #tpu.memory_space<vmem>>) dst(%dma_wait3A_569 : memref<5x128xf32, #tpu.memory_space<hbm>>)
      tpu.yield
    }) : () -> ()
    return
  }
}

module attributes {stable_mosaic.version = 14 : i64} {
  func.func @_mm_body(%arg0: i32, %arg1: memref<1000x128xf32, #tpu.memory_space<vmem>>, %arg2: memref<128x128xf32, #tpu.memory_space<vmem>>, %arg3: memref<1000x1xf32, #tpu.memory_space<vmem>>, %arg4: memref<1000x128xf32, #tpu.memory_space<vmem>>, %arg5: memref<1000x1xf32, #tpu.memory_space<vmem>>) attributes {dimension_semantics = [#tpu.dimension_semantics<arbitrary>], iteration_bounds = array<i64: 10>, scalar_prefetch = 0 : i64, scratch_operands = 0 : i64, tpu.core_type = #tpu.core_type<tc>, window_params = [{transform_indices = @transform_0, window_bounds = array<i64: 1000, 128>}, {pipeline_mode = #tpu.pipeline_mode<synchronous>, transform_indices = @transform_1, window_bounds = array<i64: 128, 128>}, {transform_indices = @transform_2, window_bounds = array<i64: 1000, 1>}, {transform_indices = @transform_3, window_bounds = array<i64: 1000, 128>}, {transform_indices = @transform_4, window_bounds = array<i64: 1000, 1>}]} {
    %get3A = arith.constant 0 : index
    %get3A_0 = arith.constant 0 : index
    %get3A_1 = vector.load %arg1[%get3A, %get3A_0] : memref<1000x128xf32, #tpu.memory_space<vmem>>, vector<1000x128xf32>
    %get3A_2 = arith.constant 0 : index
    %get3A_3 = arith.constant 0 : index
    %get3A_4 = vector.load %arg2[%get3A_2, %get3A_3] : memref<128x128xf32, #tpu.memory_space<vmem>>, vector<128x128xf32>
    %dot_general3A = arith.constant dense<0.000000e+00> : vector<1000x128xf32>
    %dot_general3A_5 = tpu.matmul %get3A_1, %get3A_4, %dot_general3A {dimension_numbers = #tpu.dot_dimension_numbers<[1], [0], [0], [1], [0, 0, 1, 1], [], []>, transpose_lhs_hint = false} : vector<1000x128xf32>, vector<128x128xf32>, vector<1000x128xf32> -> vector<1000x128xf32>
    %get3A_6 = arith.constant 0 : index
    %get3A_7 = arith.constant 0 : index
    %get3A_8 = vector.load %arg3[%get3A_6, %get3A_7] : memref<1000x1xf32, #tpu.memory_space<vmem>>, vector<1000x1xf32>
    %rsqrt3A = math.rsqrt %get3A_8 : vector<1000x1xf32>
    %mul3A = vector.broadcast %rsqrt3A : vector<1000x1xf32> to vector<1000x128xf32>
    %mul3A_9 = arith.mulf %dot_general3A_5, %mul3A : vector<1000x128xf32>
    %swap3A = arith.constant 0 : index
    %swap3A_10 = arith.constant 0 : index
    %swap3A_11 = vector.load %arg4[%swap3A, %swap3A_10] : memref<1000x128xf32, #tpu.memory_space<vmem>>, vector<1000x128xf32>
    tpu.vector_store %arg4[%swap3A, %swap3A_10], %mul3A_9 {strides = array<i32>} : memref<1000x128xf32, #tpu.memory_space<vmem>>, vector<1000x128xf32>,
    %swap3A_12 = arith.constant 0 : index
    %swap3A_13 = arith.constant 0 : index
    %swap3A_14 = vector.load %arg5[%swap3A_12, %swap3A_13] : memref<1000x1xf32, #tpu.memory_space<vmem>>, vector<1000x1xf32>
    tpu.vector_store %arg5[%swap3A_12, %swap3A_13], %rsqrt3A {strides = array<i32>} : memref<1000x1xf32, #tpu.memory_space<vmem>>, vector<1000x1xf32>,
    return
  }
  func.func @transform_0(%arg0: i32) -> (i32, i32) {
    %c0_i32 = arith.constant 0 : i32
    %c0_i32_0 = arith.constant 0 : i32
    return %arg0, %c0_i32 : i32, i32
  }
  func.func @transform_1(%arg0: i32) -> (i32, i32) {
    %c0_i32 = arith.constant 0 : i32
    %c0_i32_0 = arith.constant 0 : i32
    %c0_i32_1 = arith.constant 0 : i32
    return %c0_i32, %c0_i32_0 : i32, i32
  }
  func.func @transform_2(%arg0: i32) -> (i32, i32) {
    %c0_i32 = arith.constant 0 : i32
    %c0_i32_0 = arith.constant 0 : i32
    return %arg0, %c0_i32 : i32, i32
  }
  func.func @transform_3(%arg0: i32) -> (i32, i32) {
    %c0_i32 = arith.constant 0 : i32
    %c0_i32_0 = arith.constant 0 : i32
    return %arg0, %c0_i32 : i32, i32
  }
  func.func @transform_4(%arg0: i32) -> (i32, i32) {
    %c0_i32 = arith.constant 0 : i32
    %c0_i32_0 = arith.constant 0 : i32
    return %arg0, %c0_i32 : i32, i32
  }
}

module attributes {stable_mosaic.version = 14 : i64} {
  func.func @_out_body(%arg0: i32, %arg1: memref<2x1000x128xf32, #tpu.memory_space<vmem>>, %arg2: memref<1000x128xf32, #tpu.memory_space<vmem>>, %arg3: memref<1000x1xf32, #tpu.memory_space<vmem>>, %arg4: memref<1x128xf32, #tpu.memory_space<vmem>>, %arg5: memref<1000x128xf32, #tpu.memory_space<vmem>>) attributes {dimension_semantics = [#tpu.dimension_semantics<arbitrary>], iteration_bounds = array<i64: 10>, scalar_prefetch = 0 : i64, scratch_operands = 0 : i64, tpu.core_type = #tpu.core_type<tc>, window_params = [{transform_indices = @transform_0, window_bounds = array<i64: 2, 1000, 128>}, {transform_indices = @transform_1, window_bounds = array<i64: 1000, 128>}, {transform_indices = @transform_2, window_bounds = array<i64: 1000, 1>}, {pipeline_mode = #tpu.pipeline_mode<synchronous>, transform_indices = @transform_3, window_bounds = array<i64: 1, 128>}, {transform_indices = @transform_4, window_bounds = array<i64: 1000, 128>}]} {
    %get3A = arith.constant 0 : index
    %get3A_0 = arith.constant 0 : index
    %get3A_1 = vector.load %arg3[%get3A, %get3A_0] : memref<1000x1xf32, #tpu.memory_space<vmem>>, vector<1000x1xf32>
    %get3A_2 = arith.constant 0 : index
    %get3A_3 = arith.constant 0 : index
    %get3A_4 = arith.constant 0 : index
    %get3A_5 = vector.load %arg1[%get3A_2, %get3A_3, %get3A_4] : memref<2x1000x128xf32, #tpu.memory_space<vmem>>, vector<1x1000x128xf32>
    %get3A_6 = vector.shape_cast %get3A_5 : vector<1x1000x128xf32> to vector<1000x128xf32>
    %get3A_7 = arith.constant 1 : index
    %get3A_8 = arith.constant 0 : index
    %get3A_9 = arith.constant 0 : index
    %get3A_10 = vector.load %arg1[%get3A_7, %get3A_8, %get3A_9] : memref<2x1000x128xf32, #tpu.memory_space<vmem>>, vector<1x1000x128xf32>
    %get3A_11 = vector.shape_cast %get3A_10 : vector<1x1000x128xf32> to vector<1000x128xf32>
    %add3A = arith.addf %get3A_6, %get3A_11 : vector<1000x128xf32>
    %get3A_12 = arith.constant 0 : index
    %get3A_13 = arith.constant 0 : index
    %get3A_14 = vector.load %arg2[%get3A_12, %get3A_13] : memref<1000x128xf32, #tpu.memory_space<vmem>>, vector<1000x128xf32>
    %add3A_15 = arith.addf %add3A, %get3A_14 : vector<1000x128xf32>
    %mul3A = vector.broadcast %get3A_1 : vector<1000x1xf32> to vector<1000x128xf32>
    %mul3A_16 = arith.mulf %mul3A, %add3A_15 : vector<1000x128xf32>
    %get3A_17 = arith.constant 0 : index
    %get3A_18 = arith.constant 0 : index
    %get3A_19 = vector.load %arg4[%get3A_17, %get3A_18] : memref<1x128xf32, #tpu.memory_space<vmem>>, vector<1x128xf32>
    %add3A_20 = vector.broadcast %get3A_19 : vector<1x128xf32> to vector<1000x128xf32>
    %add3A_21 = arith.addf %mul3A_16, %add3A_20 : vector<1000x128xf32>
    %max3A = arith.constant 0.000000e+00 : f32
    %max3A_22 = vector.broadcast %max3A : f32 to vector<1000x128xf32>
    %max3A_23 = arith.maximumf %add3A_21, %max3A_22 : vector<1000x128xf32>
    %reduce_max3A = arith.constant dense<0xFF800000> : vector<1000xf32>
    %reduce_max3A_24 = vector.multi_reduction <maximumf>, %max3A_23, %reduce_max3A [1] : vector<1000x128xf32> to vector<1000xf32>
    %broadcast_in_dim3A = vector.shape_cast %reduce_max3A_24 : vector<1000xf32> to vector<1000x1xf32>
    %sub3A = vector.broadcast %broadcast_in_dim3A : vector<1000x1xf32> to vector<1000x128xf32>
    %sub3A_25 = arith.subf %max3A_23, %sub3A : vector<1000x128xf32>
    %exp3A = math.exp %sub3A_25 : vector<1000x128xf32>
    %reduce_sum3A = arith.constant dense<0.000000e+00> : vector<1000xf32>
    %reduce_sum3A_26 = vector.multi_reduction <add>, %exp3A, %reduce_sum3A [1] : vector<1000x128xf32> to vector<1000xf32>
    %broadcast_in_dim3A_27 = vector.shape_cast %reduce_sum3A_26 : vector<1000xf32> to vector<1000x1xf32>
    %div3A = vector.broadcast %broadcast_in_dim3A_27 : vector<1000x1xf32> to vector<1000x128xf32>
    %div3A_28 = arith.divf %exp3A, %div3A : vector<1000x128xf32>
    %swap3A = arith.constant 0 : index
    %swap3A_29 = arith.constant 0 : index
    %swap3A_30 = vector.load %arg5[%swap3A, %swap3A_29] : memref<1000x128xf32, #tpu.memory_space<vmem>>, vector<1000x128xf32>
    tpu.vector_store %arg5[%swap3A, %swap3A_29], %div3A_28 {strides = array<i32>} : memref<1000x128xf32, #tpu.memory_space<vmem>>, vector<1000x128xf32>,
    return
  }
  func.func @transform_0(%arg0: i32) -> (i32, i32, i32) {
    %c0_i32 = arith.constant 0 : i32
    %c0_i32_0 = arith.constant 0 : i32
    %c0_i32_1 = arith.constant 0 : i32
    return %c0_i32, %arg0, %c0_i32_0 : i32, i32, i32
  }
  func.func @transform_1(%arg0: i32) -> (i32, i32) {
    %c0_i32 = arith.constant 0 : i32
    %c0_i32_0 = arith.constant 0 : i32
    return %arg0, %c0_i32 : i32, i32
  }
  func.func @transform_2(%arg0: i32) -> (i32, i32) {
    %c0_i32 = arith.constant 0 : i32
    %c0_i32_0 = arith.constant 0 : i32
    return %arg0, %c0_i32 : i32, i32
  }
  func.func @transform_3(%arg0: i32) -> (i32, i32) {
    %c0_i32 = arith.constant 0 : i32
    %c0_i32_0 = arith.constant 0 : i32
    %c0_i32_1 = arith.constant 0 : i32
    return %c0_i32, %c0_i32_0 : i32, i32
  }
  func.func @transform_4(%arg0: i32) -> (i32, i32) {
    %c0_i32 = arith.constant 0 : i32
    %c0_i32_0 = arith.constant 0 : i32
    return %arg0, %c0_i32 : i32, i32
  }
}

</mosaic_0001>

<sc_bundles>
// kernel: kernel.6.cloned.1.call-start
scs
__scs_entry_jumppad:
0x0: {  	(pc) =	sbr.rel $0x88, $3  }
0x1: {  	(tag) =	ssettag $0x0;
	lr =	simm.s32 $0x1  }
0x2: {  	[smem:$0x3F9D] =	sst lr;
	_ =	strace $0xD0000000  }
0x3: {  	_ = 	snop  }
0x4: {  	_ = 	snop  }
0x5: {  	_ = 	snop  }
0x6: {  	_ = 	snop  }
0x7: {  	_ = 	snop  }
__scs_overlays_trampoline_lowered:
0x8: {  	[smem:$0x3FAC] =	sst s0  }
0x9: {  	[smem:$0x3FAD] =	sst s1  }
0xa: {  	[smem:$0x3FAE] =	sst s2  }
0xb: {  	[smem:$0x3FAF] =	sst s3  }
0xc: {  	[smem:$0x3FB0] =	sst s4  }
0xd: {  	[smem:$0x3FB1] =	sst s5  }
0xe: {  	[smem:$0x3FB2] =	sst s6  }
0xf: {  	[smem:$0x3FB3] =	sst s7  }
0x10: {  	[smem:$0x3FB4] =	sst s8  }
0x11: {  	[smem:$0x3FB5] =	sst s9;
	s0 =	simm.s32 @!p0 $0x0  }
0x12: {  	s1 =	sld [smem:$0x3F9B];
	s0 =	simm.s32 @p0 $0x1  }
0x13: {  	[smem:$0x3FB6] =	sst s0;
	s0 =	simm.s32 @!p1 $0x0  }
0x14: {  	s2 =	sld [smem:$0x3F9A];
	s0 =	simm.s32 @p1 $0x1  }
0x15: {  	[smem:$0x3FB7] =	sst s0;
	s0 =	simm.s32 @!p2 $0x0  }
0x16: {  	s3 =	sld [smem:$0x3FDB];
	s0 =	simm.s32 @p2 $0x1  }
0x17: {  	s4 =	simm.s32 $0x1BF5;
	[smem:$0x3FB9] =	sst s0  }
0x18: {  	s0 =	sld [smem:$0x3F9C];
	_ =	swait.ge [sflag:s4], $0x0  }
0x19: {  	s7 =	sld [smem:$0x3F9D]  }
0x1a: {  	s8 =	sadd.s32 $0xFFFFE003, lr  }
0x1b: {  	s9 =	sadd.s32 $0xFFFFFEF7, lr;
	s5 =	simm.s32 $0xFFFFFFFF;
	p2 =	slt.u32 s8, $0xFFFFF086  }
0x1c: {  	p1 =	slt.u32 s9, $0xF7A;
	s5 =	simm.s32 @!p2 $0x0  }
0x1d: {  	s5 =	simm.s32 @p1 $0x1;
	p0 =	seq.s32 s7, s2  }
0x1e: {  	s7 =	smul.u32 @!p0 $0xF7A, s2;
	p2 =	seq.s32 @!p0 s5, $0x0  }
0x1f: {  	s9 =	smul.u32 $0xF7A, s1;
	s8 =	simm.s32 @!p0 $0x1BF5;
	p2 =	por !p2, p0  }
0x20: {  	[sflag:s8] =	ssyncset.s32 @!p0 $0xFFFFF086;
	s6 =	sadd.s32 @!p0 s3, s7;
	s7 =	simm.s32 @!p0 $0x108  }
0x21: {  	s3 =	sadd.s32 s3, s9;
	s6 =	sadd.s32 @!p0 $0x88, s6;
	s7 =	simm.s32 @p2 $0x1082  }
0x22: {  	[simem:s7], [sflag:s8] =	dma.local @!p0 [hbm:s6], $0xF7A  }
0x23: {  	s9 =	sor.u32 $0xD0000000, s2;
	s6 =	simm.s32 $0x108;
	_ =	swait.ge @!p0 [sflag:s8], $0x0  }
0x24: {  	s3 =	sadd.s32 $0x88, s3;
	s6 =	simm.s32 @!p1 $0x1082;
	[sflag:s4] =	ssyncset.s32 $0xFFFFF086  }
0x25: {  	[simem:s6], [sflag:s4] =	dma.local [hbm:s3], $0xF7A  }
0x26: {  	[smem:$0x3F9D] =	sst s1;
	(tag) =	ssettag s2;
	_ =	strace s9  }
0x27: {  	s1 =	sld [smem:$0x3FAD]  }
0x28: {  	s2 =	sld [smem:$0x3FAE]  }
0x29: {  	s4 =	sld [smem:$0x3FB0]  }
0x2a: {  	p0 =	seq.s32 s5, $0x0;
	s5 =	sld [smem:$0x3FB1]  }
0x2b: {  	s6 =	sld [smem:$0x3FB2]  }
0x2c: {  	s7 =	sld [smem:$0x3FB3]  }
0x2d: {  	s3 =	simm.s32 $0x108;
	s8 =	sld [smem:$0x3FB4]  }
0x2e: {  	s3 =	simm.s32 @!p0 $0x1082;
	s9 =	sld [smem:$0x3FB5]  }
0x2f: {  	lr =	sadd.s32 s0, s3;
	s0 =	sld [smem:$0x3FAC]  }
0x30: {  	s3 =	sld [smem:$0x3FAF]  }
0x31: {  	[smem:$0x3FB8] =	sst s10  }
0x32: {  	s10 =	sld [smem:$0x3FB6];
	_ =	sdelay $0x3  }
0x33: {  	p0 =	seq.s32 s10, $0x1;
	s10 =	sld [smem:$0x3FB8];
	_ =	sdelay $0x3  }
0x34: {  	[smem:$0x3FB8] =	sst s10  }
0x35: {  	s10 =	sld [smem:$0x3FB7];
	_ =	sdelay $0x3  }
0x36: {  	p1 =	seq.s32 s10, $0x1;
	s10 =	sld [smem:$0x3FB8];
	_ =	sdelay $0x3  }
0x37: {  	[smem:$0x3FB8] =	sst s10  }
0x38: {  	s10 =	sld [smem:$0x3FB9]  }
0x39: {  	_ = 	snop;
	(pc) =	sbr.ind lr, $3  }
0x3a: {  	_ = 	snop  }
0x3b: {  	_ = 	snop  }
0x3c: {  	p2 =	seq.s32 s10, $0x1;
	s10 =	sld [smem:$0x3FB8]  }
0x3d: {  	_ =	shalt  }
0x3e: {  	_ =	shalt  }
0x3f: {  	_ =	shalt  }
0x40: {  	_ =	shalt  }
0x41: {  	_ =	shalt  }
0x42: {  	_ =	shalt  }
0x43: {  	_ =	shalt  }
0x44: {  	_ =	shalt  }
0x45: {  	_ =	shalt  }
0x46: {  	_ =	shalt  }
0x47: {  	_ =	shalt  }
0x48: {  	_ =	shalt  }
0x49: {  	_ =	shalt  }
0x4a: {  	_ =	shalt  }
0x4b: {  	_ =	shalt  }
0x4c: {  	_ =	shalt  }
0x4d: {  	_ =	shalt  }
0x4e: {  	_ =	shalt  }
0x4f: {  	_ =	shalt  }
0x50: {  	_ =	shalt  }
0x51: {  	_ =	shalt  }
0x52: {  	_ =	shalt  }
0x53: {  	_ =	shalt  }
0x54: {  	_ =	shalt  }
0x55: {  	_ =	shalt  }
0x56: {  	_ =	shalt  }
0x57: {  	_ =	shalt  }
0x58: {  	_ =	shalt  }
0x59: {  	_ =	shalt  }
0x5a: {  	_ =	shalt  }
0x5b: {  	_ =	shalt  }
0x5c: {  	_ =	shalt  }
0x5d: {  	_ =	shalt  }
0x5e: {  	_ =	shalt  }
0x5f: {  	_ =	shalt  }
0x60: {  	_ =	shalt  }
0x61: {  	_ =	shalt  }
0x62: {  	_ =	shalt  }
0x63: {  	_ =	shalt  }
0x64: {  	_ =	shalt  }
0x65: {  	_ =	shalt  }
0x66: {  	_ =	shalt  }
0x67: {  	_ =	shalt  }
0x68: {  	_ =	shalt  }
0x69: {  	_ =	shalt  }
0x6a: {  	_ =	shalt  }
0x6b: {  	_ =	shalt  }
0x6c: {  	_ =	shalt  }
0x6d: {  	_ =	shalt  }
0x6e: {  	_ =	shalt  }
0x6f: {  	_ =	shalt  }
0x70: {  	_ =	shalt  }
0x71: {  	_ =	shalt  }
0x72: {  	_ =	shalt  }
0x73: {  	_ =	shalt  }
0x74: {  	_ =	shalt  }
0x75: {  	_ =	shalt  }
0x76: {  	_ =	shalt  }
0x77: {  	_ =	shalt  }
0x78: {  	_ =	shalt  }
0x79: {  	_ =	shalt  }
0x7a: {  	_ =	shalt  }
0x7b: {  	_ =	shalt  }
0x7c: {  	_ =	shalt  }
0x7d: {  	_ =	shalt  }
0x7e: {  	_ =	shalt  }
0x7f: {  	_ =	shalt  }
0x80: {  	_ =	shalt  }
0x81: {  	_ =	shalt  }
0x82: {  	_ =	shalt  }
0x83: {  	_ =	shalt  }
0x84: {  	_ =	shalt  }
0x85: {  	_ =	shalt  }
0x86: {  	_ =	shalt  }
0x87: {  	_ =	shalt  }
.Lfunc_end0:
.L_simem_size_0:
called_computation_lowered:
.L_overlay_start_0:
0x88: {  	s2 =	sld [smem:$0x3FD9]  }
0x89: {  	s3 =	sld [smem:$0x3FFE];
	_ =	sdelay $0x1  }
0x8a: {  	s1 =	srdreg.scid  }
0x8b: {  	s0 =	sand.u32 $0x1, s1  }
0x8c: {  	s17 =	sshll.u32 s0, $0xA;
	s2 =	sadd.s32 s3, s2  }
0x8d: {  	s2 =	sadd.s32 s2, s17  }
0x8e: {  	[smem:$0x3FC4] =	sst s2  }
0x8f: {  	_ = 	snop  }
0x90: {  	s2 =	sld [smem:$0x3FD0];
	(tm) =	ssettm $0x1  }
0x91: {  	s18 =	sld [smem:$0x3FFB];
	_ =	sdelay $0x3  }
0x92: {  	_ =	strace s18  }
0x93: {  	s3 =	sld [smem:$0x3FFC];
	_ =	sdelay $0x3  }
0x94: {  	_ =	strace s3  }
0x95: {  	s3 =	sld [smem:$0x3FFD];
	_ =	sdelay $0x3  }
0x96: {  	_ =	strace s3  }
0x97: {  	_ =	strace $0x8FFFFFFF  }
0x98: {  	s19 =	sld [smem:$0x3FDB];
	_ =	sdelay $0x1  }
0x99: {  	s4 =	simm.s32 $_scs_section_size  }
0x9a: {  	s5 =	simm.s32 $_size__tile_overlayer_lowered;
	s6 =	simm.s32 $_tile_overlayer_lowered  }
0x9b: {  	s22 =	simm.s32 $0x1BFF;
	s21 =	sshll.u32 s6, $0x1;
	s3 =	sadd.s32 s4, s19  }
0x9c: {  	s7 =	simm.s32 $0x0;
	s20 =	sshll.u32 s5, $0x1;
	s5 =	sadd.s32 s21, s3  }
0x9d: {  	[timem:s7], [sflag:s22] =	dma.local [hbm:s5], s20  }
0x9e: {  	_ =	swait.ge [sflag:s22], s20  }
0x9f: {  	s4 =	ssub.s32 $0x0, s20;
	[sflag:s22] =	ssyncset.done $0x0  }
0xa0: {  	[sflag:s22] =	ssyncadd.s32 s4;
	_ =	sdelay $0x1  }
0xa1: {  	s23 =	simm.s32 $0x1B8B  }
0xa2: {  	_ =	swait.ge [sflag:s23], $0x1  }
0xa3: {  	[sflag:s23] =	ssyncset.done $0x0  }
0xa4: {  	s25 =	simm.s32 $0x1B8E;
	s24 =	sld [smem:$0x3FFE];
	[sflag:s23] =	ssyncadd.s32 $0xFFFFFFFF  }
0xa5: {  	s26 =	simm.s32 $execute0_lowered;
	[smem:$0x3FD2] =	sst s25  }
0xa6: {  	s5 =	sshll.u32 s26, $0x1;
	_ =	strace $0x80000046;
	[dreg:$0x1] =	wrdreg $0xFFFFFFFF  }
0xa7: {  	s28 =	simm.s32 $_size_execute0_lowered;
	s3 =	sadd.s32 s3, s5;
	[dreg:$0x0] =	wrdreg $0x0  }
0xa8: {  	s5 =	sshll.u32 s28, $0x1;
	[dreg:$0x2] =	wrdreg s3  }
0xa9: {  	[dreg:$0x3] =	wrdreg s5  }
0xaa: {  	[dreg:$0x4] =	wrdreg $0xC0  }
0xab: {  	_ =	task [dreg:s7], $0x5FFFF  }
0xac: {  	[dreg:$0x1] =	wrdreg $0xFFFFFFFF  }
0xad: {  	[dreg:$0x0] =	wrdreg $0x60  }
0xae: {  	[dreg:$0x2] =	wrdreg s24  }
0xaf: {  	[dreg:$0x3] =	wrdreg s2  }
0xb0: {  	[dreg:$0x4] =	wrdreg $0x57000  }
0xb1: {  	[dreg:$0x5] =	wrdreg $0x9  }
0xb2: {  	_ =	task.clear_ibuf [dreg:s7], $0x6FFFF;
	_ =	strace $0x90000046  }
0xb3: {  	s29 =	simm.s32 $0x9;
	_ =	strace $0x80000048  }
0xb4: {  	_ =	swait.ge [sflag:s29], $0x1  }
0xb5: {  	[sflag:s29] =	ssyncadd.s32 $0xFFFFFFFF  }
0xb6: {  	_ =	strace $0x90000048  }
0xb7: {  	_ =	sfence  }
0xb8: {  	s30 =	sld [smem:$0x0];
	_ =	sdelay $0x2  }
0xb9: {  	s31 =	sshll.u32 s1, $0xD;
	s1 =	sshrl.u32 s1, $0x2  }
0xba: {  	s3 =	sand.u32 $0x4000, s31;
	s1 =	sadd.s32 s1, s30  }
0xbb: {  	s0 =	sor.u32 s3, s0;
	s1 =	sshll.u32 s1, $0x11  }
0xbc: {  	s0 =	sor.u32 s1, s0  }
0xbd: {  	s0 =	sadd.s32 $0x8F2B, s0  }
0xbe: {  	[sflag:s0] =	ssyncadd.remote.s32 $0x1  }
0xbf: {  	_ =	sfence.sel $0xFFFF  }
0xc0: {  	[dreg:$0x0] =	wrdreg $0xFFFFFFFF;
	(pc) =	sbr.abs _section_cstart, $3  }
0xc1: {  	[dreg:$0x1] =	wrdreg $0xFFFFFFFF  }
0xc2: {  	_ =	task.clear_ibuf [dreg:s7], $0x2FFFF;
	_ =	strace $0x9FFFFFFF  }
0xc3: {  	(tm) =	ssettm $0x7FFFFFFF  }
tec
execute0_lowered:
.L_overlay_start_1:
0x0: {  	(tag) =	ssettag $0x1  }
0x1: {  	s4 =	rddreg [dreg:$0x0]  }
0x2: {  	s0 =	srdreg.scid;
	s7 =	rddreg [dreg:$0x1]  }
0x3: {  	s2 =	rddreg [dreg:$0x2];
	s3 =	simm.s32 $0x0;
	s10 =	simm.s32 $0x40  }
0x4: {  	s11 =	simm.s32 $0x5000;
	s12 =	simm.s32 $0x1;
	s13 =	simm.s32 $0x5300  }
0x5: {  	s14 =	simm.s32 $0x0;
	s6 =	sand.u32 $0x1, s0;
	s0 =	stileid.u32  }
0x6: {  	[smem:$0x7FF] =	sst s3;
	s1 =	sshll.u32 s6, $0x4;
	s8 =	smul.u32 $0xA00, s0  }
0x7: {  	s9 =	ssub.s32 $0x2, s6;
	s31 =	sshll.u32 s0, $0x7;
	s6 =	sshll.u32 s6, $0xB  }
0x8: {  	s5 =	sor.u32 s0, s1;
	s1 =	rddreg [dreg:$0x3];
	_ =	strace $0x80000047  }
0x9: {  	s30 =	sshrl.u32 s9, $0x1;
	s7 =	sadd.s32 s7, s31;
	s5 =	smul.u32 $0xA00, s5  }
0xa: {  	s8 =	sshrl.u32 s8, $0x2;
	s9 =	ssub.s32 s9, s30;
	s6 =	sadd.s32 s6, s7  }
0xb: {  	s7 =	smax.u32 s9, $0x1;
	s9 =	simm.s32 $0x2;
	s5 =	sadd.s32 s5, s4  }
0xc: {  	v0 =	vimm.f32 $0.0e+00;
	v1 =	vimm.f32 $1.000000000e+00;
	s4 =	sadd.s32 s8, s2;
	s8 =	simm.s32 $0x5080;
	s5 =	sadd.s32 $0x1C00, s5  }
.LBB2_1:
0xd: {  	[tilespmem:$0x5080] =	vst v0  }
0xe: {  	[tilespmem:$0x5090] =	vst v0  }
0xf: {  	[tilespmem:$0x50A0] =	vst v0  }
0x10: {  	[tilespmem:$0x50B0] =	vst v0  }
0x11: {  	[tilespmem:$0x50C0] =	vst v0  }
0x12: {  	[tilespmem:$0x50D0] =	vst v0  }
0x13: {  	[tilespmem:$0x50E0] =	vst v0  }
0x14: {  	[tilespmem:$0x50F0] =	vst v0  }
0x15: {  	[tilespmem:$0x5100] =	vst v0  }
0x16: {  	[tilespmem:$0x5110] =	vst v0  }
0x17: {  	[tilespmem:$0x5120] =	vst v0  }
0x18: {  	[tilespmem:$0x5130] =	vst v0  }
0x19: {  	[tilespmem:$0x5140] =	vst v0  }
0x1a: {  	[tilespmem:$0x5150] =	vst v0  }
0x1b: {  	[tilespmem:$0x5160] =	vst v0  }
0x1c: {  	[tilespmem:$0x5170] =	vst v0  }
0x1d: {  	[tilespmem:$0x5180] =	vst v0  }
0x1e: {  	[tilespmem:$0x5190] =	vst v0  }
0x1f: {  	[tilespmem:$0x51A0] =	vst v0  }
0x20: {  	[tilespmem:$0x51B0] =	vst v0  }
0x21: {  	[tilespmem:$0x51C0] =	vst v0  }
0x22: {  	[tilespmem:$0x51D0] =	vst v0  }
0x23: {  	[tilespmem:$0x51E0] =	vst v0  }
0x24: {  	[tilespmem:$0x51F0] =	vst v0  }
0x25: {  	[tilespmem:$0x5200] =	vst v0  }
0x26: {  	[tilespmem:$0x5210] =	vst v0  }
0x27: {  	[tilespmem:$0x5220] =	vst v0  }
0x28: {  	[tilespmem:$0x5230] =	vst v0  }
0x29: {  	[tilespmem:$0x5240] =	vst v0  }
0x2a: {  	[tilespmem:$0x5250] =	vst v0  }
0x2b: {  	[tilespmem:$0x5260] =	vst v0  }
0x2c: {  	[tilespmem:$0x5270] =	vst v0  }
0x2d: {  	[tilespmem:$0x5280] =	vst v0  }
0x2e: {  	[tilespmem:$0x5290] =	vst v0  }
0x2f: {  	[tilespmem:$0x52A0] =	vst v0  }
0x30: {  	[tilespmem:$0x52B0] =	vst v0  }
0x31: {  	[tilespmem:$0x52C0] =	vst v0  }
0x32: {  	[tilespmem:$0x52D0] =	vst v0  }
0x33: {  	[tilespmem:$0x52E0] =	vst v0  }
0x34: {  	[tilespmem:$0x52F0] =	vst v0  }
0x35: {  	[tilespmem:$0x5000] =	vst v1  }
0x36: {  	[tilespmem:$0x5010] =	vst v1  }
0x37: {  	[tilespmem:$0x5020] =	vst v1  }
0x38: {  	[tilespmem:$0x5030] =	vst v1  }
0x39: {  	[spmem:s4] =	stream.linear.scatter [tilespmem:s8], [sflag:$0x2], $0x280, $0x38;
	[tilespmem:$0x5980] =	vst v63  }
0x3a: {  	_ =	swait.ge [sflag:s9], $0x280  }
0x3b: {  	[sflag:s9] =	ssyncset.done $0x0  }
0x3c: {  	[sflag:s9] =	ssyncadd.s32 $0xFFFFFD80  }
0x3d: {  	[tilespmem:s3], [sflag:$0x2] =	stream.linear.gather [hbm4b:s5+s3], $0x5000, $0x38;
	[tilespmem:$0x5980] =	vst v63  }
0x3e: {  	_ =	swait.ge [sflag:s9], $0x5000  }
0x3f: {  	[sflag:s9] =	ssyncset.done $0x0  }
0x40: {  	[sflag:s9] =	ssyncadd.s32 $0xFFFFB000  }
0x41: {  	s15 =	simm.s32 $0x0;
	[bflag:$0x0] =	sbarrier.arrive $0xFFFF  }
.LBB2_2:
0x42: {  	p0 =	sne.s32 s15, $0x13E00  }
.Ltmp0:
0x43: {  	_ = 	snop;
	(pc) =	sbr.rel @p0 .LBB2_2-.Ltmp0, $3  }
0x44: {  	_ =	sdelay $0x1  }
0x45: {  	s16 =	sshra.s32 s15, $0x2;
	s15 =	sadd.s32 $0x200, s15  }
0x46: {  	[spmem:s2] =	stream.indirect.scatter.add.f32 [tilespmem:s11], [sflag:$0x1], $0x1, s16, s10, $0xb8;
	[tilespmem:$0x5980] =	vst v63  }
0x47: {  	_ =	swait.ge [sflag:s12], $0x40  }
0x48: {  	s15 =	simm.s32 $0x9F;
	[sflag:s12] =	ssyncset.done $0x0  }
.LBB2_4:
0x49: {  	p0 =	sne.s32 s15, $0x1;
	s15 =	sadd.s32 $0xFFFFFFFF, s15;
	[sflag:s12] =	ssyncadd.s32 $0xFFFFFFC0  }
.Ltmp1:
0x4a: {  	(pc) =	sbr.rel @p0 .LBB2_4-.Ltmp1, $3  }
0x4b: {  	_ =	sdelay $0x1  }
0x4c: {  	_ =	swait.ge [sflag:s12], $0x40  }
0x4d: {  	[sflag:s12] =	ssyncset.done $0x0  }
0x4e: {  	[sflag:s12] =	ssyncadd.s32 $0xFFFFFFC0  }
0x4f: {  	[bflag:$0x0] =	sbarrier.arrive $0xFFFF  }
0x50: {  	[tilespmem:s8], [sflag:$0x2] =	stream.linear.gather [spmem:s4], $0x280, $0x38;
	[tilespmem:$0x5980] =	vst v63  }
0x51: {  	_ =	swait.ge [sflag:s9], $0x280  }
0x52: {  	[sflag:s9] =	ssyncset.done $0x0  }
0x53: {  	[sflag:s9] =	ssyncadd.s32 $0xFFFFFD80  }
0x54: {  	v2 =	vld [tilespmem:$0x5080]  }
0x55: {  	v3 =	vld [tilespmem:$0x5090]  }
0x56: {  	v4 =	vld [tilespmem:$0x50A0]  }
0x57: {  	v5 =	vld [tilespmem:$0x50B0]  }
0x58: {  	v6 =	vld [tilespmem:$0x50C0]  }
0x59: {  	v43 =	vld [tilespmem:$0x50F0];
	[tilespmem:$0x5300] =	vst v2  }
0x5a: {  	v44 =	vld [tilespmem:$0x5100];
	[tilespmem:$0x5310] =	vst v3  }
0x5b: {  	v45 =	vld [tilespmem:$0x5110];
	[tilespmem:$0x5320] =	vst v4  }
0x5c: {  	v2 =	vld [tilespmem:$0x50D0];
	[tilespmem:$0x5330] =	vst v5  }
0x5d: {  	v3 =	vld [tilespmem:$0x50E0];
	[tilespmem:$0x5340] =	vst v6  }
0x5e: {  	v46 =	vld [tilespmem:$0x5140];
	[tilespmem:$0x5370] =	vst v43  }
0x5f: {  	v47 =	vld [tilespmem:$0x5150];
	[tilespmem:$0x5380] =	vst v44  }
0x60: {  	v48 =	vld [tilespmem:$0x5160];
	[tilespmem:$0x5390] =	vst v45  }
0x61: {  	[tilespmem:$0x5350] =	vst v2;
	v2 =	vld [tilespmem:$0x5120]  }
0x62: {  	[tilespmem:$0x5360] =	vst v3;
	v3 =	vld [tilespmem:$0x5130]  }
0x63: {  	v49 =	vld [tilespmem:$0x5190];
	[tilespmem:$0x53C0] =	vst v46  }
0x64: {  	v50 =	vld [tilespmem:$0x51A0];
	[tilespmem:$0x53D0] =	vst v47  }
0x65: {  	v51 =	vld [tilespmem:$0x51B0];
	[tilespmem:$0x53E0] =	vst v48  }
0x66: {  	[tilespmem:$0x53A0] =	vst v2;
	v2 =	vld [tilespmem:$0x5170]  }
0x67: {  	[tilespmem:$0x53B0] =	vst v3;
	v3 =	vld [tilespmem:$0x5180]  }
0x68: {  	v52 =	vld [tilespmem:$0x51E0];
	[tilespmem:$0x5410] =	vst v49  }
0x69: {  	v53 =	vld [tilespmem:$0x51F0];
	[tilespmem:$0x5420] =	vst v50  }
0x6a: {  	v54 =	vld [tilespmem:$0x5200];
	[tilespmem:$0x5430] =	vst v51  }
0x6b: {  	[tilespmem:$0x53F0] =	vst v2;
	v2 =	vld [tilespmem:$0x51C0]  }
0x6c: {  	[tilespmem:$0x5400] =	vst v3;
	v3 =	vld [tilespmem:$0x51D0]  }
0x6d: {  	v55 =	vld [tilespmem:$0x5230];
	[tilespmem:$0x5460] =	vst v52  }
0x6e: {  	v56 =	vld [tilespmem:$0x5240];
	[tilespmem:$0x5470] =	vst v53  }
0x6f: {  	v57 =	vld [tilespmem:$0x5250];
	[tilespmem:$0x5480] =	vst v54  }
0x70: {  	[tilespmem:$0x5440] =	vst v2;
	v2 =	vld [tilespmem:$0x5210]  }
0x71: {  	[tilespmem:$0x5450] =	vst v3;
	v3 =	vld [tilespmem:$0x5220]  }
0x72: {  	v58 =	vld [tilespmem:$0x5280];
	[tilespmem:$0x54B0] =	vst v55  }
0x73: {  	v59 =	vld [tilespmem:$0x5290];
	[tilespmem:$0x54C0] =	vst v56  }
0x74: {  	v60 =	vld [tilespmem:$0x52A0];
	[tilespmem:$0x54D0] =	vst v57  }
0x75: {  	[tilespmem:$0x5490] =	vst v2;
	v2 =	vld [tilespmem:$0x5260]  }
0x76: {  	[tilespmem:$0x54A0] =	vst v3;
	v3 =	vld [tilespmem:$0x5270]  }
0x77: {  	v61 =	vld [tilespmem:$0x52D0];
	[tilespmem:$0x5500] =	vst v58  }
0x78: {  	v62 =	vld [tilespmem:$0x52E0];
	[tilespmem:$0x5510] =	vst v59  }
0x79: {  	v63 =	vld [tilespmem:$0x52F0];
	[tilespmem:$0x5520] =	vst v60  }
0x7a: {  	[tilespmem:$0x54E0] =	vst v2;
	v2 =	vld [tilespmem:$0x52B0]  }
0x7b: {  	[tilespmem:$0x54F0] =	vst v3;
	v3 =	vld [tilespmem:$0x52C0]  }
0x7c: {  	[tilespmem:$0x5550] =	vst v61  }
0x7d: {  	[tilespmem:$0x5560] =	vst v62  }
0x7e: {  	s14 =	sadd.s32 $0x1, s14;
	[tilespmem:$0x5570] =	vst v63  }
0x7f: {  	p0 =	sne.s32 s14, s7;
	[tilespmem:$0x5530] =	vst v2  }
.Ltmp2:
0x80: {  	[tilespmem:$0x5540] =	vst v3;
	(pc) =	sbr.rel @p0 .LBB2_1-.Ltmp2, $4  }
0x81: {  	[hbm4b:s6+s3] =	stream.linear.scatter [tilespmem:s13], [sflag:$0x2], $0x280, $0x38;
	[tilespmem:$0x5980] =	vst v63  }
0x82: {  	_ =	swait.ge [sflag:s9], $0x280  }
0x83: {  	[sflag:s9] =	ssyncset.done $0x0  }
0x84: {  	[sflag:s9] =	ssyncadd.s32 $0xFFFFFD80  }
0x85: {  	_ =	sfence.sel $0x180000  }
0x86: {  	[bflag:$0x0] =	sbarrier.arrive $0xFFFF  }
0x87: {  	p0 =	sne.s32 s0, $0x0;
	_ =	strace $0x90000047  }
0x88: {  	s0 =	sadd.s32 @!p0 $0x100000, s1;
	[bflag:$0x2] =	sbarrier.arrive $0xFFFF  }
0x89: {  	[sflag:s0] =	ssyncadd.tile.s32 @!p0 $0x1;
	_ =	shalt  }
.Lfunc_end2:
_tile_overlayer_lowered:
.L_overlay_start_2:
0x8a: {  	(tag) =	ssettag $0x2  }
0x8b: {  	s0 =	rddreg [dreg:$0x0];
	s2 =	stileid.u32  }
0x8c: {  	s1 =	rddreg [dreg:$0x1];
	p0 =	sne.s32 s2, $0x0  }
0x8d: {  	s3 =	rddreg [dreg:$0x2];
	[bflag:$0x3] =	sbarrier.arrive $0xFFFF;
	s2 =	simm.s32 @!p0 $0x1C02  }
0x8e: {  	[timem:s3], [sflag:s2] =	dma.local @!p0 [hbm:s0], s1  }
0x8f: {  	s0 =	simm.s32 @!p0 $0x2  }
0x90: {  	_ =	swait.ge @!p0 [sflag:s0], s1  }
0x91: {  	s1 =	ssub.s32 @!p0 $0x0, s1;
	[sflag:s0] =	ssyncset.done @!p0 $0x0  }
0x92: {  	[sflag:s0] =	ssyncadd.s32 @!p0 s1  }
0x93: {  	[bflag:$0x3] =	sbarrier.arrive $0xFFFF  }
0x94: {  	_ =	shalt  }

// kernel: kernel.9.cloned.1.call-start
scs
__scs_entry_jumppad:
0x0: {  	(pc) =	sbr.rel $0x88, $3  }
0x1: {  	(tag) =	ssettag $0x0;
	lr =	simm.s32 $0x1  }
0x2: {  	[smem:$0x3F9D] =	sst lr;
	_ =	strace $0xD0000000  }
0x3: {  	_ = 	snop  }
0x4: {  	_ = 	snop  }
0x5: {  	_ = 	snop  }
0x6: {  	_ = 	snop  }
0x7: {  	_ = 	snop  }
__scs_overlays_trampoline_lowered:
0x8: {  	[smem:$0x3FAC] =	sst s0  }
0x9: {  	[smem:$0x3FAD] =	sst s1  }
0xa: {  	[smem:$0x3FAE] =	sst s2  }
0xb: {  	[smem:$0x3FAF] =	sst s3  }
0xc: {  	[smem:$0x3FB0] =	sst s4  }
0xd: {  	[smem:$0x3FB1] =	sst s5  }
0xe: {  	[smem:$0x3FB2] =	sst s6  }
0xf: {  	[smem:$0x3FB3] =	sst s7  }
0x10: {  	[smem:$0x3FB4] =	sst s8  }
0x11: {  	[smem:$0x3FB5] =	sst s9;
	s0 =	simm.s32 @!p0 $0x0  }
0x12: {  	s1 =	sld [smem:$0x3F9B];
	s0 =	simm.s32 @p0 $0x1  }
0x13: {  	[smem:$0x3FB6] =	sst s0;
	s0 =	simm.s32 @!p1 $0x0  }
0x14: {  	s2 =	sld [smem:$0x3F9A];
	s0 =	simm.s32 @p1 $0x1  }
0x15: {  	[smem:$0x3FB7] =	sst s0;
	s0 =	simm.s32 @!p2 $0x0  }
0x16: {  	s3 =	sld [smem:$0x3FDB];
	s0 =	simm.s32 @p2 $0x1  }
0x17: {  	s4 =	simm.s32 $0x1BF5;
	[smem:$0x3FB9] =	sst s0  }
0x18: {  	s0 =	sld [smem:$0x3F9C];
	_ =	swait.ge [sflag:s4], $0x0  }
0x19: {  	s7 =	sld [smem:$0x3F9D]  }
0x1a: {  	s8 =	sadd.s32 $0xFFFFE003, lr  }
0x1b: {  	s9 =	sadd.s32 $0xFFFFFEF7, lr;
	s5 =	simm.s32 $0xFFFFFFFF;
	p2 =	slt.u32 s8, $0xFFFFF086  }
0x1c: {  	p1 =	slt.u32 s9, $0xF7A;
	s5 =	simm.s32 @!p2 $0x0  }
0x1d: {  	s5 =	simm.s32 @p1 $0x1;
	p0 =	seq.s32 s7, s2  }
0x1e: {  	s7 =	smul.u32 @!p0 $0xF7A, s2;
	p2 =	seq.s32 @!p0 s5, $0x0  }
0x1f: {  	s9 =	smul.u32 $0xF7A, s1;
	s8 =	simm.s32 @!p0 $0x1BF5;
	p2 =	por !p2, p0  }
0x20: {  	[sflag:s8] =	ssyncset.s32 @!p0 $0xFFFFF086;
	s6 =	sadd.s32 @!p0 s3, s7;
	s7 =	simm.s32 @!p0 $0x108  }
0x21: {  	s3 =	sadd.s32 s3, s9;
	s6 =	sadd.s32 @!p0 $0x88, s6;
	s7 =	simm.s32 @p2 $0x1082  }
0x22: {  	[simem:s7], [sflag:s8] =	dma.local @!p0 [hbm:s6], $0xF7A  }
0x23: {  	s9 =	sor.u32 $0xD0000000, s2;
	s6 =	simm.s32 $0x108;
	_ =	swait.ge @!p0 [sflag:s8], $0x0  }
0x24: {  	s3 =	sadd.s32 $0x88, s3;
	s6 =	simm.s32 @!p1 $0x1082;
	[sflag:s4] =	ssyncset.s32 $0xFFFFF086  }
0x25: {  	[simem:s6], [sflag:s4] =	dma.local [hbm:s3], $0xF7A  }
0x26: {  	[smem:$0x3F9D] =	sst s1;
	(tag) =	ssettag s2;
	_ =	strace s9  }
0x27: {  	s1 =	sld [smem:$0x3FAD]  }
0x28: {  	s2 =	sld [smem:$0x3FAE]  }
0x29: {  	s4 =	sld [smem:$0x3FB0]  }
0x2a: {  	p0 =	seq.s32 s5, $0x0;
	s5 =	sld [smem:$0x3FB1]  }
0x2b: {  	s6 =	sld [smem:$0x3FB2]  }
0x2c: {  	s7 =	sld [smem:$0x3FB3]  }
0x2d: {  	s3 =	simm.s32 $0x108;
	s8 =	sld [smem:$0x3FB4]  }
0x2e: {  	s3 =	simm.s32 @!p0 $0x1082;
	s9 =	sld [smem:$0x3FB5]  }
0x2f: {  	lr =	sadd.s32 s0, s3;
	s0 =	sld [smem:$0x3FAC]  }
0x30: {  	s3 =	sld [smem:$0x3FAF]  }
0x31: {  	[smem:$0x3FB8] =	sst s10  }
0x32: {  	s10 =	sld [smem:$0x3FB6];
	_ =	sdelay $0x3  }
0x33: {  	p0 =	seq.s32 s10, $0x1;
	s10 =	sld [smem:$0x3FB8];
	_ =	sdelay $0x3  }
0x34: {  	[smem:$0x3FB8] =	sst s10  }
0x35: {  	s10 =	sld [smem:$0x3FB7];
	_ =	sdelay $0x3  }
0x36: {  	p1 =	seq.s32 s10, $0x1;
	s10 =	sld [smem:$0x3FB8];
	_ =	sdelay $0x3  }
0x37: {  	[smem:$0x3FB8] =	sst s10  }
0x38: {  	s10 =	sld [smem:$0x3FB9]  }
0x39: {  	_ = 	snop;
	(pc) =	sbr.ind lr, $3  }
0x3a: {  	_ = 	snop  }
0x3b: {  	_ = 	snop  }
0x3c: {  	p2 =	seq.s32 s10, $0x1;
	s10 =	sld [smem:$0x3FB8]  }
0x3d: {  	_ =	shalt  }
0x3e: {  	_ =	shalt  }
0x3f: {  	_ =	shalt  }
0x40: {  	_ =	shalt  }
0x41: {  	_ =	shalt  }
0x42: {  	_ =	shalt  }
0x43: {  	_ =	shalt  }
0x44: {  	_ =	shalt  }
0x45: {  	_ =	shalt  }
0x46: {  	_ =	shalt  }
0x47: {  	_ =	shalt  }
0x48: {  	_ =	shalt  }
0x49: {  	_ =	shalt  }
0x4a: {  	_ =	shalt  }
0x4b: {  	_ =	shalt  }
0x4c: {  	_ =	shalt  }
0x4d: {  	_ =	shalt  }
0x4e: {  	_ =	shalt  }
0x4f: {  	_ =	shalt  }
0x50: {  	_ =	shalt  }
0x51: {  	_ =	shalt  }
0x52: {  	_ =	shalt  }
0x53: {  	_ =	shalt  }
0x54: {  	_ =	shalt  }
0x55: {  	_ =	shalt  }
0x56: {  	_ =	shalt  }
0x57: {  	_ =	shalt  }
0x58: {  	_ =	shalt  }
0x59: {  	_ =	shalt  }
0x5a: {  	_ =	shalt  }
0x5b: {  	_ =	shalt  }
0x5c: {  	_ =	shalt  }
0x5d: {  	_ =	shalt  }
0x5e: {  	_ =	shalt  }
0x5f: {  	_ =	shalt  }
0x60: {  	_ =	shalt  }
0x61: {  	_ =	shalt  }
0x62: {  	_ =	shalt  }
0x63: {  	_ =	shalt  }
0x64: {  	_ =	shalt  }
0x65: {  	_ =	shalt  }
0x66: {  	_ =	shalt  }
0x67: {  	_ =	shalt  }
0x68: {  	_ =	shalt  }
0x69: {  	_ =	shalt  }
0x6a: {  	_ =	shalt  }
0x6b: {  	_ =	shalt  }
0x6c: {  	_ =	shalt  }
0x6d: {  	_ =	shalt  }
0x6e: {  	_ =	shalt  }
0x6f: {  	_ =	shalt  }
0x70: {  	_ =	shalt  }
0x71: {  	_ =	shalt  }
0x72: {  	_ =	shalt  }
0x73: {  	_ =	shalt  }
0x74: {  	_ =	shalt  }
0x75: {  	_ =	shalt  }
0x76: {  	_ =	shalt  }
0x77: {  	_ =	shalt  }
0x78: {  	_ =	shalt  }
0x79: {  	_ =	shalt  }
0x7a: {  	_ =	shalt  }
0x7b: {  	_ =	shalt  }
0x7c: {  	_ =	shalt  }
0x7d: {  	_ =	shalt  }
0x7e: {  	_ =	shalt  }
0x7f: {  	_ =	shalt  }
0x80: {  	_ =	shalt  }
0x81: {  	_ =	shalt  }
0x82: {  	_ =	shalt  }
0x83: {  	_ =	shalt  }
0x84: {  	_ =	shalt  }
0x85: {  	_ =	shalt  }
0x86: {  	_ =	shalt  }
0x87: {  	_ =	shalt  }
.Lfunc_end0:
.L_simem_size_0:
called_computation.1_lowered:
.L_overlay_start_0:
0x88: {  	s2 =	sld [smem:$0x3FD9]  }
0x89: {  	s3 =	sld [smem:$0x3FFE];
	_ =	sdelay $0x1  }
0x8a: {  	s1 =	srdreg.scid  }
0x8b: {  	s0 =	sand.u32 $0x1, s1  }
0x8c: {  	s17 =	sshll.u32 s0, $0xA;
	s2 =	sadd.s32 s3, s2  }
0x8d: {  	s2 =	sadd.s32 s2, s17  }
0x8e: {  	[smem:$0x3FC4] =	sst s2  }
0x8f: {  	_ = 	snop  }
0x90: {  	s2 =	sld [smem:$0x3FD0];
	(tm) =	ssettm $0x1  }
0x91: {  	s18 =	sld [smem:$0x3FFB];
	_ =	sdelay $0x3  }
0x92: {  	_ =	strace s18  }
0x93: {  	s3 =	sld [smem:$0x3FFC];
	_ =	sdelay $0x3  }
0x94: {  	_ =	strace s3  }
0x95: {  	s3 =	sld [smem:$0x3FFD];
	_ =	sdelay $0x3  }
0x96: {  	_ =	strace s3  }
0x97: {  	_ =	strace $0x8FFFFFFF  }
0x98: {  	s19 =	sld [smem:$0x3FDB];
	_ =	sdelay $0x1  }
0x99: {  	s4 =	simm.s32 $_scs_section_size  }
0x9a: {  	s5 =	simm.s32 $_size__tile_overlayer_lowered;
	s6 =	simm.s32 $_tile_overlayer_lowered  }
0x9b: {  	s22 =	simm.s32 $0x1BFF;
	s21 =	sshll.u32 s6, $0x1;
	s3 =	sadd.s32 s4, s19  }
0x9c: {  	s7 =	simm.s32 $0x0;
	s20 =	sshll.u32 s5, $0x1;
	s5 =	sadd.s32 s21, s3  }
0x9d: {  	[timem:s7], [sflag:s22] =	dma.local [hbm:s5], s20  }
0x9e: {  	_ =	swait.ge [sflag:s22], s20  }
0x9f: {  	s4 =	ssub.s32 $0x0, s20;
	[sflag:s22] =	ssyncset.done $0x0  }
0xa0: {  	[sflag:s22] =	ssyncadd.s32 s4;
	_ =	sdelay $0x1  }
0xa1: {  	s23 =	simm.s32 $0x1B8B  }
0xa2: {  	_ =	swait.ge [sflag:s23], $0x1  }
0xa3: {  	[sflag:s23] =	ssyncset.done $0x0  }
0xa4: {  	s25 =	simm.s32 $0x1B8E;
	s24 =	sld [smem:$0x3FFE];
	[sflag:s23] =	ssyncadd.s32 $0xFFFFFFFF  }
0xa5: {  	s26 =	simm.s32 $execute0_lowered;
	[smem:$0x3FD2] =	sst s25  }
0xa6: {  	s5 =	sshll.u32 s26, $0x1;
	_ =	strace $0x80000049;
	[dreg:$0x1] =	wrdreg $0xFFFFFFFF  }
0xa7: {  	s28 =	simm.s32 $_size_execute0_lowered;
	s3 =	sadd.s32 s3, s5;
	[dreg:$0x0] =	wrdreg $0x0  }
0xa8: {  	s5 =	sshll.u32 s28, $0x1;
	[dreg:$0x2] =	wrdreg s3  }
0xa9: {  	[dreg:$0x3] =	wrdreg s5  }
0xaa: {  	[dreg:$0x4] =	wrdreg $0xC0  }
0xab: {  	_ =	task [dreg:s7], $0x5FFFF  }
0xac: {  	[dreg:$0x1] =	wrdreg $0xFFFFFFFF  }
0xad: {  	[dreg:$0x0] =	wrdreg $0x60  }
0xae: {  	[dreg:$0x2] =	wrdreg s2  }
0xaf: {  	[dreg:$0x3] =	wrdreg s24  }
0xb0: {  	[dreg:$0x4] =	wrdreg $0xC0000  }
0xb1: {  	[dreg:$0x5] =	wrdreg $0x9  }
0xb2: {  	_ =	task.clear_ibuf [dreg:s7], $0x6FFFF;
	_ =	strace $0x90000049  }
0xb3: {  	s29 =	simm.s32 $0x9;
	_ =	strace $0x8000004B  }
0xb4: {  	_ =	swait.ge [sflag:s29], $0x1  }
0xb5: {  	[sflag:s29] =	ssyncadd.s32 $0xFFFFFFFF  }
0xb6: {  	_ =	strace $0x9000004B  }
0xb7: {  	_ =	sfence  }
0xb8: {  	s30 =	sld [smem:$0x0];
	_ =	sdelay $0x2  }
0xb9: {  	s31 =	sshll.u32 s1, $0xD;
	s1 =	sshrl.u32 s1, $0x2  }
0xba: {  	s3 =	sand.u32 $0x4000, s31;
	s1 =	sadd.s32 s1, s30  }
0xbb: {  	s0 =	sor.u32 s3, s0;
	s1 =	sshll.u32 s1, $0x11  }
0xbc: {  	s0 =	sor.u32 s1, s0  }
0xbd: {  	s0 =	sadd.s32 $0x8F2B, s0  }
0xbe: {  	[sflag:s0] =	ssyncadd.remote.s32 $0x1  }
0xbf: {  	_ =	sfence.sel $0xFFFF  }
0xc0: {  	[dreg:$0x0] =	wrdreg $0xFFFFFFFF;
	(pc) =	sbr.abs _section_cstart, $3  }
0xc1: {  	[dreg:$0x1] =	wrdreg $0xFFFFFFFF  }
0xc2: {  	_ =	task.clear_ibuf [dreg:s7], $0x2FFFF;
	_ =	strace $0x9FFFFFFF  }
0xc3: {  	(tm) =	ssettm $0x7FFFFFFF  }
tec
execute0_lowered:
.L_overlay_start_1:
0x0: {  	(tag) =	ssettag $0x1  }
0x1: {  	s0 =	rddreg [dreg:$0x0]  }
0x2: {  	s1 =	rddreg [dreg:$0x1]  }
0x3: {  	s2 =	srdreg.scid;
	s3 =	rddreg [dreg:$0x2]  }
0x4: {  	s10 =	stileid.u32;
	s4 =	simm.s32 $0x0;
	s28 =	simm.s32 $0x4000  }
0x5: {  	s29 =	simm.s32 $0xB;
	s31 =	simm.s32 $0x40;
	s6 =	smul.u32 $0x14000, s10  }
0x6: {  	s2 =	sand.u32 $0x1, s2;
	[smem:$0x7FF] =	sst s4;
	s24 =	smul.u32 $0x50000, s10  }
0x7: {  	s7 =	sadd.s32 $0x15C00, s1;
	s8 =	sadd.s32 $0x1C00, s1;
	s5 =	smul.u32 $0x140000, s2  }
0x8: {  	_ =	strace $0x8000004A;
	s9 =	ssub.s32 $0x2, s2;
	s2 =	sshll.u32 s2, $0x4  }
0x9: {  	s25 =	sshrl.u32 s24, $0x2;
	s26 =	sshrl.u32 s9, $0x1;
	s2 =	sor.u32 s10, s2  }
0xa: {  	s5 =	sadd.s32 s6, s5;
	s6 =	ssub.s32 s9, s26;
	s12 =	smul.u32 $0x5000, s2  }
0xb: {  	s2 =	smul.u32 $0xA00, s2;
	s5 =	sshrl.u32 s5, $0x3;
	s26 =	smax.u32 s6, $0x1  }
0xc: {  	s6 =	simm.s32 $0x100;
	s1 =	sadd.s32 s5, s1;
	s5 =	sadd.s32 s25, s3  }
0xd: {  	s9 =	sshrl.u32 s12, $0x3;
	s17 =	sadd.s32 s7, s2;
	[dreg:$0x17] =	wrdreg s26  }
0xe: {  	s2 =	sadd.s32 s8, s2;
	s12 =	simm.s32 $0x1;
	[dreg:$0xb] =	wrdreg s17  }
0xf: {  	s30 =	sadd.s32 $0x2000, s5;
	s10 =	sadd.s32 $0x4000, s5;
	[dreg:$0xc] =	wrdreg s2  }
0x10: {  	s11 =	sadd.s32 $0x6000, s5;
	s13 =	sadd.s32 $0x8000, s5;
	[dreg:$0x4] =	wrdreg s30  }
0x11: {  	s14 =	sadd.s32 $0xA000, s5;
	s15 =	sadd.s32 $0xC000, s5;
	[dreg:$0x5] =	wrdreg s10  }
0x12: {  	s16 =	sadd.s32 $0xE000, s5;
	s18 =	sadd.s32 $0x200, s9;
	[dreg:$0x6] =	wrdreg s11  }
0x13: {  	s20 =	sadd.s32 $0x400, s9;
	s22 =	sadd.s32 $0x600, s9;
	[dreg:$0x7] =	wrdreg s13  }
0x14: {  	s24 =	sadd.s32 $0x800, s9;
	s25 =	sadd.s32 $0x10000, s5;
	[dreg:$0x8] =	wrdreg s14  }
0x15: {  	s1 =	sadd.s32 $0x29C00, s1;
	s9 =	simm.s32 $0xA000;
	[dreg:$0x9] =	wrdreg s15  }
0x16: {  	s17 =	simm.s32 $0x6;
	[dreg:$0xa] =	wrdreg s16;
	s19 =	sadd.s32 s7, s18  }
0x17: {  	s2 =	sadd.s32 s8, s18;
	s21 =	sadd.s32 s7, s20;
	[dreg:$0x15] =	wrdreg s25  }
0x18: {  	s23 =	sadd.s32 s7, s22;
	s7 =	sadd.s32 s7, s24;
	[dreg:$0x16] =	wrdreg s1  }
0x19: {  	s30 =	sadd.s32 $0x12000, s5;
	s1 =	simm.s32 $0x80;
	[dreg:$0xd] =	wrdreg s19  }
0x1a: {  	s10 =	simm.s32 $0x1000;
	s13 =	simm.s32 $0x2;
	[dreg:$0xe] =	wrdreg s2  }
0x1b: {  	s14 =	simm.s32 $0x3;
	s15 =	simm.s32 $0x4;
	[dreg:$0xf] =	wrdreg s21  }
0x1c: {  	s16 =	simm.s32 $0x5;
	s18 =	simm.s32 $0x7;
	[dreg:$0x11] =	wrdreg s23  }
0x1d: {  	s11 =	simm.s32 $0x2F80;
	s2 =	sadd.s32 s8, s20;
	[dreg:$0x13] =	wrdreg s7  }
0x1e: {  	[dreg:$0x18] =	wrdreg s30;
	s7 =	simm.s32 $0x8000;
	s19 =	simm.s32 $0x8  }
0x1f: {  	s20 =	simm.s32 $0xA;
	s21 =	simm.s32 $0x2E00;
	s23 =	simm.s32 $0x2F00  }
0x20: {  	[dreg:$0x10] =	wrdreg s2;
	s2 =	sadd.s32 s8, s22;
	s22 =	simm.s32 $0x2E80  }
0x21: {  	[dreg:$0x12] =	wrdreg s2;
	s2 =	sadd.s32 s8, s24;
	s8 =	simm.s32 $0x180  }
0x22: {  	v0 =	vimm.f32 $0.0e+00;
	s24 =	simm.s32 $0x9;
	[dreg:$0x14] =	wrdreg s2;
	s2 =	simm.s32 $0x6000  }
.LBB2_1:
0x23: {  	s25 =	simm.s32 $0x0;
	s26 =	simm.s32 $0x200  }
.LBB2_2:
0x24: {  	p0 =	sne.s32 s26, $0x7E00;
	[tilespmem:s25+$0x4070] =	vst v0  }
0x25: {  	[tilespmem:s25+$0x4000] =	vst v0  }
0x26: {  	[tilespmem:s25+$0x4010] =	vst v0  }
.Ltmp0:
0x27: {  	[tilespmem:s25+$0x4020] =	vst v0;
	(pc) =	sbr.rel @p0 .LBB2_2-.Ltmp0, $4  }
0x28: {  	[tilespmem:s25+$0x4030] =	vst v0  }
0x29: {  	[tilespmem:s25+$0x4040] =	vst v0  }
0x2a: {  	[tilespmem:s25+$0x4050] =	vst v0  }
0x2b: {  	[tilespmem:s25+$0x4060] =	vst v0;
	s25 =	sshra.s32 s26, $0x2;
	s26 =	sadd.s32 $0x200, s26  }
0x2c: {  	[tilespmem:s25+$0x4070] =	vst v0  }
0x2d: {  	[tilespmem:s25+$0x4000] =	vst v0  }
0x2e: {  	[tilespmem:s25+$0x4010] =	vst v0  }
0x2f: {  	[tilespmem:s25+$0x4020] =	vst v0  }
0x30: {  	[tilespmem:s25+$0x4030] =	vst v0  }
0x31: {  	[tilespmem:s25+$0x4040] =	vst v0  }
0x32: {  	[tilespmem:s25+$0x4050] =	vst v0  }
0x33: {  	[tilespmem:s25+$0x4060] =	vst v0  }
0x34: {  	[spmem:s5] =	stream.linear.scatter [tilespmem:s28], [sflag:$0xB], $0x2000, $0x38;
	v63 =	vld [tilespmem:$0x0]  }
0x35: {  	_ =	swait.ge [sflag:s29], $0x2000  }
0x36: {  	[sflag:s29] =	ssyncset.done $0x0  }
0x37: {  	s26 =	rddreg [dreg:$0x4];
	[sflag:s29] =	ssyncadd.s32 $0xFFFFE000  }
0x38: {  	[spmem:s26] =	stream.linear.scatter [tilespmem:s28], [sflag:$0xB], $0x2000, $0x38;
	v63 =	vld [tilespmem:$0x0]  }
0x39: {  	_ =	swait.ge [sflag:s29], $0x2000  }
0x3a: {  	[sflag:s29] =	ssyncset.done $0x0  }
0x3b: {  	s30 =	rddreg [dreg:$0x5];
	[sflag:s29] =	ssyncadd.s32 $0xFFFFE000  }
0x3c: {  	[spmem:s30] =	stream.linear.scatter [tilespmem:s28], [sflag:$0xB], $0x2000, $0x38;
	v63 =	vld [tilespmem:$0x0]  }
0x3d: {  	_ =	swait.ge [sflag:s29], $0x2000  }
0x3e: {  	[sflag:s29] =	ssyncset.done $0x0  }
0x3f: {  	s26 =	rddreg [dreg:$0x6];
	[sflag:s29] =	ssyncadd.s32 $0xFFFFE000  }
0x40: {  	[spmem:s26] =	stream.linear.scatter [tilespmem:s28], [sflag:$0xB], $0x2000, $0x38;
	v63 =	vld [tilespmem:$0x0]  }
0x41: {  	_ =	swait.ge [sflag:s29], $0x2000  }
0x42: {  	[sflag:s29] =	ssyncset.done $0x0  }
0x43: {  	s30 =	rddreg [dreg:$0x7];
	[sflag:s29] =	ssyncadd.s32 $0xFFFFE000  }
0x44: {  	[spmem:s30] =	stream.linear.scatter [tilespmem:s28], [sflag:$0xB], $0x2000, $0x38;
	v63 =	vld [tilespmem:$0x0]  }
0x45: {  	_ =	swait.ge [sflag:s29], $0x2000  }
0x46: {  	[sflag:s29] =	ssyncset.done $0x0  }
0x47: {  	s26 =	rddreg [dreg:$0x8];
	[sflag:s29] =	ssyncadd.s32 $0xFFFFE000  }
0x48: {  	[spmem:s26] =	stream.linear.scatter [tilespmem:s28], [sflag:$0xB], $0x2000, $0x38;
	v63 =	vld [tilespmem:$0x0]  }
0x49: {  	_ =	swait.ge [sflag:s29], $0x2000  }
0x4a: {  	[sflag:s29] =	ssyncset.done $0x0  }
0x4b: {  	s30 =	rddreg [dreg:$0x9];
	[sflag:s29] =	ssyncadd.s32 $0xFFFFE000  }
0x4c: {  	[spmem:s30] =	stream.linear.scatter [tilespmem:s28], [sflag:$0xB], $0x2000, $0x38;
	v63 =	vld [tilespmem:$0x0]  }
0x4d: {  	_ =	swait.ge [sflag:s29], $0x2000  }
0x4e: {  	[sflag:s29] =	ssyncset.done $0x0  }
0x4f: {  	s26 =	rddreg [dreg:$0xa];
	[sflag:s29] =	ssyncadd.s32 $0xFFFFE000  }
0x50: {  	[spmem:s26] =	stream.linear.scatter [tilespmem:s28], [sflag:$0xB], $0x2000, $0x38;
	v63 =	vld [tilespmem:$0x0]  }
0x51: {  	_ =	swait.ge [sflag:s29], $0x2000  }
0x52: {  	[sflag:s29] =	ssyncset.done $0x0  }
0x53: {  	s30 =	rddreg [dreg:$0x15];
	[sflag:s29] =	ssyncadd.s32 $0xFFFFE000  }
0x54: {  	[spmem:s30] =	stream.linear.scatter [tilespmem:s28], [sflag:$0xB], $0x2000, $0x38;
	v63 =	vld [tilespmem:$0x0]  }
0x55: {  	_ =	swait.ge [sflag:s29], $0x2000  }
0x56: {  	[sflag:s29] =	ssyncset.done $0x0  }
0x57: {  	s26 =	rddreg [dreg:$0x18];
	[sflag:s29] =	ssyncadd.s32 $0xFFFFE000  }
0x58: {  	[spmem:s26] =	stream.linear.scatter [tilespmem:s28], [sflag:$0xB], $0x2000, $0x38;
	v63 =	vld [tilespmem:$0x0]  }
0x59: {  	_ =	swait.ge [sflag:s29], $0x2000  }
0x5a: {  	[sflag:s29] =	ssyncset.done $0x0  }
0x5b: {  	[sflag:s29] =	ssyncadd.s32 $0xFFFFE000  }
0x5c: {  	[bflag:$0x0] =	sbarrier.arrive $0xFFFF  }
0x5d: {  	s25 =	simm.s32 $0x0;
	s26 =	rddreg [dreg:$0xb]  }
0x5e: {  	[tilespmem:s25], [sflag:$0xB] =	stream.linear.gather [hbm4b:s26+s25], $0x1000, $0x38;
	v63 =	vld [tilespmem:$0x0]  }
0x5f: {  	_ =	swait.ge [sflag:s29], $0x1000  }
0x60: {  	[sflag:s29] =	ssyncset.done $0x0  }
0x61: {  	s30 =	simm.s32 $0x2000;
	s26 =	rddreg [dreg:$0xc];
	[sflag:s29] =	ssyncadd.s32 $0xFFFFF000  }
0x62: {  	[tilespmem:s30], [sflag:$0xB] =	stream.linear.gather [hbm4b:s26+s25], $0x1000, $0x38;
	v63 =	vld [tilespmem:$0x0]  }
0x63: {  	_ =	swait.ge [sflag:s29], $0x1000  }
0x64: {  	[sflag:s29] =	ssyncset.done $0x0  }
0x65: {  	[sflag:s29] =	ssyncadd.s32 $0xFFFFF000  }
0x66: {  	[tilespmem:s28], [sflag:$0x1] =	stream.indirect.gather [hbm4b:s0+s31], $0x80, s25, s31, $0xb8;
	v63 =	vld [tilespmem:$0x0]  }
0x67: {  	_ = 	snop  }
0x68: {  	[tilespmem:s2], [sflag:$0x2] =	stream.indirect.gather [hbm4b:s0+s31], $0x80, s1, s31, $0xb8;
	v63 =	vld [tilespmem:$0x0]  }
0x69: {  	_ = 	snop  }
0x6a: {  	[tilespmem:s7], [sflag:$0x3] =	stream.indirect.gather [hbm4b:s0+s31], $0x80, s6, s31, $0xb8;
	v63 =	vld [tilespmem:$0x0]  }
0x6b: {  	_ = 	snop  }
0x6c: {  	[tilespmem:s9], [sflag:$0x4] =	stream.indirect.gather [hbm4b:s0+s31], $0x80, s8, s31, $0xb8;
	v63 =	vld [tilespmem:$0x0]  }
0x6d: {  	s30 =	rddreg [dreg:$0xd]  }
0x6e: {  	[tilespmem:s10], [sflag:$0xA] =	stream.linear.gather [hbm4b:s30+s25], $0x1000, $0x38;
	v63 =	vld [tilespmem:$0x0]  }
0x6f: {  	s26 =	rddreg [dreg:$0xe];
	s30 =	simm.s32 $0x3000  }
0x70: {  	[tilespmem:s30], [sflag:$0xA] =	stream.linear.gather [hbm4b:s26+s25], $0x1000, $0x38;
	v63 =	vld [tilespmem:$0x0]  }
0x71: {  	_ =	swait.ge [sflag:s12], $0x2000  }
0x72: {  	[sflag:s12] =	ssyncset.done $0x0  }
0x73: {  	s30 =	simm.s32 $0x2000;
	[sflag:s12] =	ssyncadd.s32 $0xFFFFE000  }
0x74: {  	[spmem:s3] =	stream.indirect.scatter.add.f32 [tilespmem:s28], [sflag:$0x5], $0x80, s30, s31, $0xb8;
	v63 =	vld [tilespmem:$0x0]  }
0x75: {  	_ =	swait.ge [sflag:s13], $0x2000  }
0x76: {  	[sflag:s13] =	ssyncset.done $0x0  }
0x77: {  	s26 =	simm.s32 $0x2080;
	[sflag:s13] =	ssyncadd.s32 $0xFFFFE000  }
0x78: {  	[spmem:s3] =	stream.indirect.scatter.add.f32 [tilespmem:s2], [sflag:$0x6], $0x80, s26, s31, $0xb8;
	v63 =	vld [tilespmem:$0x0]  }
0x79: {  	_ =	swait.ge [sflag:s14], $0x2000  }
0x7a: {  	[sflag:s14] =	ssyncset.done $0x0  }
0x7b: {  	s30 =	simm.s32 $0x2100;
	[sflag:s14] =	ssyncadd.s32 $0xFFFFE000  }
0x7c: {  	[spmem:s3] =	stream.indirect.scatter.add.f32 [tilespmem:s7], [sflag:$0x7], $0x80, s30, s31, $0xb8;
	v63 =	vld [tilespmem:$0x0]  }
0x7d: {  	_ =	swait.ge [sflag:s15], $0x2000  }
0x7e: {  	[sflag:s15] =	ssyncset.done $0x0  }
0x7f: {  	s26 =	simm.s32 $0x2180;
	[sflag:s15] =	ssyncadd.s32 $0xFFFFE000  }
0x80: {  	[spmem:s3] =	stream.indirect.scatter.add.f32 [tilespmem:s9], [sflag:$0x8], $0x80, s26, s31, $0xb8;
	v63 =	vld [tilespmem:$0x0]  }
0x81: {  	_ =	swait.ge [sflag:s16], $0x2000  }
0x82: {  	[sflag:s16] =	ssyncset.done $0x0  }
0x83: {  	s30 =	simm.s32 $0x200;
	[sflag:s16] =	ssyncadd.s32 $0xFFFFE000  }
0x84: {  	[tilespmem:s28], [sflag:$0x1] =	stream.indirect.gather [hbm4b:s0+s31], $0x80, s30, s31, $0xb8;
	v63 =	vld [tilespmem:$0x0]  }
0x85: {  	_ =	swait.ge [sflag:s17], $0x2000  }
0x86: {  	[sflag:s17] =	ssyncset.done $0x0  }
0x87: {  	s26 =	simm.s32 $0x280;
	[sflag:s17] =	ssyncadd.s32 $0xFFFFE000  }
0x88: {  	[tilespmem:s2], [sflag:$0x2] =	stream.indirect.gather [hbm4b:s0+s31], $0x80, s26, s31, $0xb8;
	v63 =	vld [tilespmem:$0x0]  }
0x89: {  	_ =	swait.ge [sflag:s18], $0x2000  }
0x8a: {  	[sflag:s18] =	ssyncset.done $0x0  }
0x8b: {  	s30 =	simm.s32 $0x300;
	[sflag:s18] =	ssyncadd.s32 $0xFFFFE000  }
0x8c: {  	[tilespmem:s7], [sflag:$0x3] =	stream.indirect.gather [hbm4b:s0+s31], $0x80, s30, s31, $0xb8;
	v63 =	vld [tilespmem:$0x0]  }
0x8d: {  	_ =	swait.ge [sflag:s19], $0x2000  }
0x8e: {  	[sflag:s19] =	ssyncset.done $0x0  }
0x8f: {  	s25 =	simm.s32 $0x800;
	s26 =	simm.s32 $0x380;
	[sflag:s19] =	ssyncadd.s32 $0xFFFFE000  }
.LBB2_4:
0x90: {  	[tilespmem:s9], [sflag:$0x4] =	stream.indirect.gather [hbm4b:s0+s31], $0x80, s26, s31, $0xb8;
	v63 =	vld [tilespmem:$0x0]  }
0x91: {  	s26 =	smov.u32 s25  }
0x92: {  	p0 =	sne.s32 s25, $0x3000;
	s25 =	sadd.s32 $0x800, s25;
	_ =	swait.ge [sflag:s12], $0x2000  }
0x93: {  	s26 =	sshra.s32 s26, $0x2;
	[sflag:s12] =	ssyncset.done $0x0  }
0x94: {  	s30 =	sadd.s32 $0x2000, s26;
	[sflag:s12] =	ssyncadd.s32 $0xFFFFE000  }
0x95: {  	[spmem:s3] =	stream.indirect.scatter.add.f32 [tilespmem:s28], [sflag:$0x5], $0x80, s30, s31, $0xb8;
	v63 =	vld [tilespmem:$0x0]  }
0x96: {  	_ =	swait.ge [sflag:s13], $0x2000  }
0x97: {  	[sflag:s13] =	ssyncset.done $0x0  }
0x98: {  	s30 =	sadd.s32 $0x2080, s26;
	[sflag:s13] =	ssyncadd.s32 $0xFFFFE000  }
0x99: {  	[spmem:s3] =	stream.indirect.scatter.add.f32 [tilespmem:s2], [sflag:$0x6], $0x80, s30, s31, $0xb8;
	v63 =	vld [tilespmem:$0x0]  }
0x9a: {  	_ =	swait.ge [sflag:s14], $0x2000  }
0x9b: {  	[sflag:s14] =	ssyncset.done $0x0  }
0x9c: {  	s30 =	sadd.s32 $0x2100, s26;
	[sflag:s14] =	ssyncadd.s32 $0xFFFFE000  }
0x9d: {  	[spmem:s3] =	stream.indirect.scatter.add.f32 [tilespmem:s7], [sflag:$0x7], $0x80, s30, s31, $0xb8;
	v63 =	vld [tilespmem:$0x0]  }
0x9e: {  	_ =	swait.ge [sflag:s15], $0x2000  }
0x9f: {  	[sflag:s15] =	ssyncset.done $0x0  }
0xa0: {  	s30 =	sadd.s32 $0x2180, s26;
	[sflag:s15] =	ssyncadd.s32 $0xFFFFE000  }
0xa1: {  	[spmem:s3] =	stream.indirect.scatter.add.f32 [tilespmem:s9], [sflag:$0x8], $0x80, s30, s31, $0xb8;
	v63 =	vld [tilespmem:$0x0]  }
0xa2: {  	_ =	swait.ge [sflag:s16], $0x2000  }
0xa3: {  	[sflag:s16] =	ssyncset.done $0x0  }
0xa4: {  	s30 =	sadd.s32 $0x200, s26;
	[sflag:s16] =	ssyncadd.s32 $0xFFFFE000  }
0xa5: {  	[tilespmem:s28], [sflag:$0x1] =	stream.indirect.gather [hbm4b:s0+s31], $0x80, s30, s31, $0xb8;
	v63 =	vld [tilespmem:$0x0]  }
0xa6: {  	_ =	swait.ge [sflag:s17], $0x2000  }
0xa7: {  	[sflag:s17] =	ssyncset.done $0x0  }
0xa8: {  	s30 =	sadd.s32 $0x280, s26;
	[sflag:s17] =	ssyncadd.s32 $0xFFFFE000  }
0xa9: {  	[tilespmem:s2], [sflag:$0x2] =	stream.indirect.gather [hbm4b:s0+s31], $0x80, s30, s31, $0xb8;
	v63 =	vld [tilespmem:$0x0]  }
0xaa: {  	_ =	swait.ge [sflag:s18], $0x2000  }
0xab: {  	[sflag:s18] =	ssyncset.done $0x0  }
.Ltmp1:
0xac: {  	s30 =	sadd.s32 $0x300, s26;
	[sflag:s18] =	ssyncadd.s32 $0xFFFFE000;
	(pc) =	sbr.rel @p0 .LBB2_4-.Ltmp1, $4  }
0xad: {  	[tilespmem:s7], [sflag:$0x3] =	stream.indirect.gather [hbm4b:s0+s31], $0x80, s30, s31, $0xb8;
	v63 =	vld [tilespmem:$0x0]  }
0xae: {  	_ =	swait.ge [sflag:s19], $0x2000  }
0xaf: {  	[sflag:s19] =	ssyncset.done $0x0  }
0xb0: {  	s26 =	sadd.s32 $0x380, s26;
	[sflag:s19] =	ssyncadd.s32 $0xFFFFE000  }
0xb1: {  	[tilespmem:s9], [sflag:$0x4] =	stream.indirect.gather [hbm4b:s0+s31], $0x80, s26, s31, $0xb8;
	v63 =	vld [tilespmem:$0x0]  }
0xb2: {  	_ =	swait.ge [sflag:s20], $0x1000  }
0xb3: {  	[sflag:s20] =	ssyncset.done $0x0  }
0xb4: {  	[sflag:s20] =	ssyncadd.s32 $0xFFFFF000  }
0xb5: {  	_ =	swait.ge [sflag:s20], $0x1000  }
0xb6: {  	[sflag:s20] =	ssyncset.done $0x0  }
0xb7: {  	[sflag:s20] =	ssyncadd.s32 $0xFFFFF000  }
0xb8: {  	_ =	swait.ge [sflag:s12], $0x2000  }
0xb9: {  	[sflag:s12] =	ssyncset.done $0x0  }
0xba: {  	[sflag:s12] =	ssyncadd.s32 $0xFFFFE000  }
0xbb: {  	[spmem:s3] =	stream.indirect.scatter.add.f32 [tilespmem:s28], [sflag:$0x5], $0x80, s21, s31, $0xb8;
	v63 =	vld [tilespmem:$0x0]  }
0xbc: {  	_ =	swait.ge [sflag:s13], $0x2000  }
0xbd: {  	[sflag:s13] =	ssyncset.done $0x0  }
0xbe: {  	[sflag:s13] =	ssyncadd.s32 $0xFFFFE000  }
0xbf: {  	[spmem:s3] =	stream.indirect.scatter.add.f32 [tilespmem:s2], [sflag:$0x6], $0x80, s22, s31, $0xb8;
	v63 =	vld [tilespmem:$0x0]  }
0xc0: {  	_ =	swait.ge [sflag:s14], $0x2000  }
0xc1: {  	[sflag:s14] =	ssyncset.done $0x0  }
0xc2: {  	[sflag:s14] =	ssyncadd.s32 $0xFFFFE000  }
0xc3: {  	[spmem:s3] =	stream.indirect.scatter.add.f32 [tilespmem:s7], [sflag:$0x7], $0x80, s23, s31, $0xb8;
	v63 =	vld [tilespmem:$0x0]  }
0xc4: {  	_ =	swait.ge [sflag:s15], $0x2000  }
0xc5: {  	[sflag:s15] =	ssyncset.done $0x0  }
0xc6: {  	[sflag:s15] =	ssyncadd.s32 $0xFFFFE000  }
0xc7: {  	[spmem:s3] =	stream.indirect.scatter.add.f32 [tilespmem:s9], [sflag:$0x8], $0x80, s11, s31, $0xb8;
	v63 =	vld [tilespmem:$0x0]  }
0xc8: {  	_ =	swait.ge [sflag:s16], $0x2000  }
0xc9: {  	[sflag:s16] =	ssyncset.done $0x0  }
0xca: {  	[sflag:s16] =	ssyncadd.s32 $0xFFFFE000  }
0xcb: {  	[tilespmem:s28], [sflag:$0x1] =	stream.indirect.gather [hbm4b:s0+s31], $0x80, s10, s31, $0xb8;
	v63 =	vld [tilespmem:$0x0]  }
0xcc: {  	_ =	swait.ge [sflag:s17], $0x2000  }
0xcd: {  	[sflag:s17] =	ssyncset.done $0x0  }
0xce: {  	s25 =	simm.s32 $0x1080;
	[sflag:s17] =	ssyncadd.s32 $0xFFFFE000  }
0xcf: {  	[tilespmem:s2], [sflag:$0x2] =	stream.indirect.gather [hbm4b:s0+s31], $0x80, s25, s31, $0xb8;
	v63 =	vld [tilespmem:$0x0]  }
0xd0: {  	_ =	swait.ge [sflag:s18], $0x2000  }
0xd1: {  	[sflag:s18] =	ssyncset.done $0x0  }
0xd2: {  	s30 =	simm.s32 $0x1100;
	[sflag:s18] =	ssyncadd.s32 $0xFFFFE000  }
0xd3: {  	[tilespmem:s7], [sflag:$0x3] =	stream.indirect.gather [hbm4b:s0+s31], $0x80, s30, s31, $0xb8;
	v63 =	vld [tilespmem:$0x0]  }
0xd4: {  	_ =	swait.ge [sflag:s19], $0x2000  }
0xd5: {  	[sflag:s19] =	ssyncset.done $0x0  }
0xd6: {  	s26 =	simm.s32 $0x1180;
	[sflag:s19] =	ssyncadd.s32 $0xFFFFE000  }
0xd7: {  	[tilespmem:s9], [sflag:$0x4] =	stream.indirect.gather [hbm4b:s0+s31], $0x80, s26, s31, $0xb8;
	v63 =	vld [tilespmem:$0x0]  }
0xd8: {  	s25 =	simm.s32 $0x0;
	s30 =	rddreg [dreg:$0xf]  }
0xd9: {  	[tilespmem:s25], [sflag:$0x9] =	stream.linear.gather [hbm4b:s30+s25], $0x1000, $0x38;
	v63 =	vld [tilespmem:$0x0]  }
0xda: {  	s26 =	rddreg [dreg:$0x10];
	s30 =	simm.s32 $0x2000  }
0xdb: {  	[tilespmem:s30], [sflag:$0x9] =	stream.linear.gather [hbm4b:s26+s25], $0x1000, $0x38;
	v63 =	vld [tilespmem:$0x0]  }
0xdc: {  	_ =	swait.ge [sflag:s12], $0x2000  }
0xdd: {  	[sflag:s12] =	ssyncset.done $0x0  }
0xde: {  	s30 =	simm.s32 $0x3000;
	[sflag:s12] =	ssyncadd.s32 $0xFFFFE000  }
0xdf: {  	[spmem:s3] =	stream.indirect.scatter.add.f32 [tilespmem:s28], [sflag:$0x5], $0x80, s30, s31, $0xb8;
	v63 =	vld [tilespmem:$0x0]  }
0xe0: {  	_ =	swait.ge [sflag:s13], $0x2000  }
0xe1: {  	[sflag:s13] =	ssyncset.done $0x0  }
0xe2: {  	s26 =	simm.s32 $0x3080;
	[sflag:s13] =	ssyncadd.s32 $0xFFFFE000  }
0xe3: {  	[spmem:s3] =	stream.indirect.scatter.add.f32 [tilespmem:s2], [sflag:$0x6], $0x80, s26, s31, $0xb8;
	v63 =	vld [tilespmem:$0x0]  }
0xe4: {  	_ =	swait.ge [sflag:s14], $0x2000  }
0xe5: {  	[sflag:s14] =	ssyncset.done $0x0  }
0xe6: {  	s30 =	simm.s32 $0x3100;
	[sflag:s14] =	ssyncadd.s32 $0xFFFFE000  }
0xe7: {  	[spmem:s3] =	stream.indirect.scatter.add.f32 [tilespmem:s7], [sflag:$0x7], $0x80, s30, s31, $0xb8;
	v63 =	vld [tilespmem:$0x0]  }
0xe8: {  	_ =	swait.ge [sflag:s15], $0x2000  }
0xe9: {  	[sflag:s15] =	ssyncset.done $0x0  }
0xea: {  	s26 =	simm.s32 $0x3180;
	[sflag:s15] =	ssyncadd.s32 $0xFFFFE000  }
0xeb: {  	[spmem:s3] =	stream.indirect.scatter.add.f32 [tilespmem:s9], [sflag:$0x8], $0x80, s26, s31, $0xb8;
	v63 =	vld [tilespmem:$0x0]  }
0xec: {  	_ =	swait.ge [sflag:s16], $0x2000  }
0xed: {  	[sflag:s16] =	ssyncset.done $0x0  }
0xee: {  	s30 =	simm.s32 $0x1200;
	[sflag:s16] =	ssyncadd.s32 $0xFFFFE000  }
0xef: {  	[tilespmem:s28], [sflag:$0x1] =	stream.indirect.gather [hbm4b:s0+s31], $0x80, s30, s31, $0xb8;
	v63 =	vld [tilespmem:$0x0]  }
0xf0: {  	_ =	swait.ge [sflag:s17], $0x2000  }
0xf1: {  	[sflag:s17] =	ssyncset.done $0x0  }
0xf2: {  	s26 =	simm.s32 $0x1280;
	[sflag:s17] =	ssyncadd.s32 $0xFFFFE000  }
0xf3: {  	[tilespmem:s2], [sflag:$0x2] =	stream.indirect.gather [hbm4b:s0+s31], $0x80, s26, s31, $0xb8;
	v63 =	vld [tilespmem:$0x0]  }
0xf4: {  	_ =	swait.ge [sflag:s18], $0x2000  }
0xf5: {  	[sflag:s18] =	ssyncset.done $0x0  }
0xf6: {  	s30 =	simm.s32 $0x1300;
	[sflag:s18] =	ssyncadd.s32 $0xFFFFE000  }
0xf7: {  	[tilespmem:s7], [sflag:$0x3] =	stream.indirect.gather [hbm4b:s0+s31], $0x80, s30, s31, $0xb8;
	v63 =	vld [tilespmem:$0x0]  }
0xf8: {  	_ =	swait.ge [sflag:s19], $0x2000  }
0xf9: {  	[sflag:s19] =	ssyncset.done $0x0  }
0xfa: {  	s25 =	simm.s32 $0x800;
	s26 =	simm.s32 $0x1380;
	[sflag:s19] =	ssyncadd.s32 $0xFFFFE000  }
.LBB2_6:
0xfb: {  	[tilespmem:s9], [sflag:$0x4] =	stream.indirect.gather [hbm4b:s0+s31], $0x80, s26, s31, $0xb8;
	v63 =	vld [tilespmem:$0x0]  }
0xfc: {  	s26 =	smov.u32 s25  }
0xfd: {  	p0 =	sne.s32 s25, $0x3000;
	s25 =	sadd.s32 $0x800, s25;
	_ =	swait.ge [sflag:s12], $0x2000  }
0xfe: {  	s26 =	sshra.s32 s26, $0x2;
	[sflag:s12] =	ssyncset.done $0x0  }
0xff: {  	s30 =	sadd.s32 $0x3000, s26;
	[sflag:s12] =	ssyncadd.s32 $0xFFFFE000  }
0x100: {  	[spmem:s3] =	stream.indirect.scatter.add.f32 [tilespmem:s28], [sflag:$0x5], $0x80, s30, s31, $0xb8;
	v63 =	vld [tilespmem:$0x0]  }
0x101: {  	_ =	swait.ge [sflag:s13], $0x2000  }
0x102: {  	[sflag:s13] =	ssyncset.done $0x0  }
0x103: {  	s30 =	sadd.s32 $0x3080, s26;
	[sflag:s13] =	ssyncadd.s32 $0xFFFFE000  }
0x104: {  	[spmem:s3] =	stream.indirect.scatter.add.f32 [tilespmem:s2], [sflag:$0x6], $0x80, s30, s31, $0xb8;
	v63 =	vld [tilespmem:$0x0]  }
0x105: {  	_ =	swait.ge [sflag:s14], $0x2000  }
0x106: {  	[sflag:s14] =	ssyncset.done $0x0  }
0x107: {  	s30 =	sadd.s32 $0x3100, s26;
	[sflag:s14] =	ssyncadd.s32 $0xFFFFE000  }
0x108: {  	[spmem:s3] =	stream.indirect.scatter.add.f32 [tilespmem:s7], [sflag:$0x7], $0x80, s30, s31, $0xb8;
	v63 =	vld [tilespmem:$0x0]  }
0x109: {  	_ =	swait.ge [sflag:s15], $0x2000  }
0x10a: {  	[sflag:s15] =	ssyncset.done $0x0  }
0x10b: {  	s30 =	sadd.s32 $0x3180, s26;
	[sflag:s15] =	ssyncadd.s32 $0xFFFFE000  }
0x10c: {  	[spmem:s3] =	stream.indirect.scatter.add.f32 [tilespmem:s9], [sflag:$0x8], $0x80, s30, s31, $0xb8;
	v63 =	vld [tilespmem:$0x0]  }
0x10d: {  	_ =	swait.ge [sflag:s16], $0x2000  }
0x10e: {  	[sflag:s16] =	ssyncset.done $0x0  }
0x10f: {  	s30 =	sadd.s32 $0x1200, s26;
	[sflag:s16] =	ssyncadd.s32 $0xFFFFE000  }
0x110: {  	[tilespmem:s28], [sflag:$0x1] =	stream.indirect.gather [hbm4b:s0+s31], $0x80, s30, s31, $0xb8;
	v63 =	vld [tilespmem:$0x0]  }
0x111: {  	_ =	swait.ge [sflag:s17], $0x2000  }
0x112: {  	[sflag:s17] =	ssyncset.done $0x0  }
0x113: {  	s30 =	sadd.s32 $0x1280, s26;
	[sflag:s17] =	ssyncadd.s32 $0xFFFFE000  }
0x114: {  	[tilespmem:s2], [sflag:$0x2] =	stream.indirect.gather [hbm4b:s0+s31], $0x80, s30, s31, $0xb8;
	v63 =	vld [tilespmem:$0x0]  }
0x115: {  	_ =	swait.ge [sflag:s18], $0x2000  }
0x116: {  	[sflag:s18] =	ssyncset.done $0x0  }
.Ltmp2:
0x117: {  	s30 =	sadd.s32 $0x1300, s26;
	[sflag:s18] =	ssyncadd.s32 $0xFFFFE000;
	(pc) =	sbr.rel @p0 .LBB2_6-.Ltmp2, $4  }
0x118: {  	[tilespmem:s7], [sflag:$0x3] =	stream.indirect.gather [hbm4b:s0+s31], $0x80, s30, s31, $0xb8;
	v63 =	vld [tilespmem:$0x0]  }
0x119: {  	_ =	swait.ge [sflag:s19], $0x2000  }
0x11a: {  	[sflag:s19] =	ssyncset.done $0x0  }
0x11b: {  	s26 =	sadd.s32 $0x1380, s26;
	[sflag:s19] =	ssyncadd.s32 $0xFFFFE000  }
0x11c: {  	[tilespmem:s9], [sflag:$0x4] =	stream.indirect.gather [hbm4b:s0+s31], $0x80, s26, s31, $0xb8;
	v63 =	vld [tilespmem:$0x0]  }
0x11d: {  	_ =	swait.ge [sflag:s24], $0x1000  }
0x11e: {  	[sflag:s24] =	ssyncset.done $0x0  }
0x11f: {  	[sflag:s24] =	ssyncadd.s32 $0xFFFFF000  }
0x120: {  	_ =	swait.ge [sflag:s24], $0x1000  }
0x121: {  	[sflag:s24] =	ssyncset.done $0x0  }
0x122: {  	[sflag:s24] =	ssyncadd.s32 $0xFFFFF000  }
0x123: {  	_ =	swait.ge [sflag:s12], $0x2000  }
0x124: {  	[sflag:s12] =	ssyncset.done $0x0  }
0x125: {  	s25 =	simm.s32 $0x3E00;
	[sflag:s12] =	ssyncadd.s32 $0xFFFFE000  }
0x126: {  	[spmem:s3] =	stream.indirect.scatter.add.f32 [tilespmem:s28], [sflag:$0x5], $0x80, s25, s31, $0xb8;
	v63 =	vld [tilespmem:$0x0]  }
0x127: {  	_ =	swait.ge [sflag:s13], $0x2000  }
0x128: {  	[sflag:s13] =	ssyncset.done $0x0  }
0x129: {  	s26 =	simm.s32 $0x3E80;
	[sflag:s13] =	ssyncadd.s32 $0xFFFFE000  }
0x12a: {  	[spmem:s3] =	stream.indirect.scatter.add.f32 [tilespmem:s2], [sflag:$0x6], $0x80, s26, s31, $0xb8;
	v63 =	vld [tilespmem:$0x0]  }
0x12b: {  	_ =	swait.ge [sflag:s14], $0x2000  }
0x12c: {  	[sflag:s14] =	ssyncset.done $0x0  }
0x12d: {  	s30 =	simm.s32 $0x3F00;
	[sflag:s14] =	ssyncadd.s32 $0xFFFFE000  }
0x12e: {  	[spmem:s3] =	stream.indirect.scatter.add.f32 [tilespmem:s7], [sflag:$0x7], $0x80, s30, s31, $0xb8;
	v63 =	vld [tilespmem:$0x0]  }
0x12f: {  	_ =	swait.ge [sflag:s15], $0x2000  }
0x130: {  	[sflag:s15] =	ssyncset.done $0x0  }
0x131: {  	s26 =	simm.s32 $0x3F80;
	[sflag:s15] =	ssyncadd.s32 $0xFFFFE000  }
0x132: {  	[spmem:s3] =	stream.indirect.scatter.add.f32 [tilespmem:s9], [sflag:$0x8], $0x80, s26, s31, $0xb8;
	v63 =	vld [tilespmem:$0x0]  }
0x133: {  	_ =	swait.ge [sflag:s16], $0x2000  }
0x134: {  	[sflag:s16] =	ssyncset.done $0x0  }
0x135: {  	s25 =	simm.s32 $0x0;
	[sflag:s16] =	ssyncadd.s32 $0xFFFFE000  }
0x136: {  	[tilespmem:s28], [sflag:$0x1] =	stream.indirect.gather [hbm4b:s0+s31], $0x80, s25, s31, $0xb8;
	v63 =	vld [tilespmem:$0x0]  }
0x137: {  	_ =	swait.ge [sflag:s17], $0x2000  }
0x138: {  	[sflag:s17] =	ssyncset.done $0x0  }
0x139: {  	[sflag:s17] =	ssyncadd.s32 $0xFFFFE000  }
0x13a: {  	[tilespmem:s2], [sflag:$0x2] =	stream.indirect.gather [hbm4b:s0+s31], $0x80, s1, s31, $0xb8;
	v63 =	vld [tilespmem:$0x0]  }
0x13b: {  	_ =	swait.ge [sflag:s18], $0x2000  }
0x13c: {  	[sflag:s18] =	ssyncset.done $0x0  }
0x13d: {  	[sflag:s18] =	ssyncadd.s32 $0xFFFFE000  }
0x13e: {  	[tilespmem:s7], [sflag:$0x3] =	stream.indirect.gather [hbm4b:s0+s31], $0x80, s6, s31, $0xb8;
	v63 =	vld [tilespmem:$0x0]  }
0x13f: {  	_ =	swait.ge [sflag:s19], $0x2000  }
0x140: {  	[sflag:s19] =	ssyncset.done $0x0  }
0x141: {  	[sflag:s19] =	ssyncadd.s32 $0xFFFFE000  }
0x142: {  	[tilespmem:s9], [sflag:$0x4] =	stream.indirect.gather [hbm4b:s0+s31], $0x80, s8, s31, $0xb8;
	v63 =	vld [tilespmem:$0x0]  }
0x143: {  	s30 =	rddreg [dreg:$0x11]  }
0x144: {  	[tilespmem:s10], [sflag:$0xA] =	stream.linear.gather [hbm4b:s30+s25], $0x1000, $0x38;
	v63 =	vld [tilespmem:$0x0]  }
0x145: {  	s26 =	rddreg [dreg:$0x12];
	s30 =	simm.s32 $0x3000  }
0x146: {  	[tilespmem:s30], [sflag:$0xA] =	stream.linear.gather [hbm4b:s26+s25], $0x1000, $0x38;
	v63 =	vld [tilespmem:$0x0]  }
0x147: {  	_ =	swait.ge [sflag:s12], $0x2000  }
0x148: {  	[sflag:s12] =	ssyncset.done $0x0  }
0x149: {  	s30 =	simm.s32 $0x2000;
	[sflag:s12] =	ssyncadd.s32 $0xFFFFE000  }
0x14a: {  	[spmem:s3] =	stream.indirect.scatter.add.f32 [tilespmem:s28], [sflag:$0x5], $0x80, s30, s31, $0xb8;
	v63 =	vld [tilespmem:$0x0]  }
0x14b: {  	_ =	swait.ge [sflag:s13], $0x2000  }
0x14c: {  	[sflag:s13] =	ssyncset.done $0x0  }
0x14d: {  	s26 =	simm.s32 $0x2080;
	[sflag:s13] =	ssyncadd.s32 $0xFFFFE000  }
0x14e: {  	[spmem:s3] =	stream.indirect.scatter.add.f32 [tilespmem:s2], [sflag:$0x6], $0x80, s26, s31, $0xb8;
	v63 =	vld [tilespmem:$0x0]  }
0x14f: {  	_ =	swait.ge [sflag:s14], $0x2000  }
0x150: {  	[sflag:s14] =	ssyncset.done $0x0  }
0x151: {  	s30 =	simm.s32 $0x2100;
	[sflag:s14] =	ssyncadd.s32 $0xFFFFE000  }
0x152: {  	[spmem:s3] =	stream.indirect.scatter.add.f32 [tilespmem:s7], [sflag:$0x7], $0x80, s30, s31, $0xb8;
	v63 =	vld [tilespmem:$0x0]  }
0x153: {  	_ =	swait.ge [sflag:s15], $0x2000  }
0x154: {  	[sflag:s15] =	ssyncset.done $0x0  }
0x155: {  	s26 =	simm.s32 $0x2180;
	[sflag:s15] =	ssyncadd.s32 $0xFFFFE000  }
0x156: {  	[spmem:s3] =	stream.indirect.scatter.add.f32 [tilespmem:s9], [sflag:$0x8], $0x80, s26, s31, $0xb8;
	v63 =	vld [tilespmem:$0x0]  }
0x157: {  	_ =	swait.ge [sflag:s16], $0x2000  }
0x158: {  	[sflag:s16] =	ssyncset.done $0x0  }
0x159: {  	s30 =	simm.s32 $0x200;
	[sflag:s16] =	ssyncadd.s32 $0xFFFFE000  }
0x15a: {  	[tilespmem:s28], [sflag:$0x1] =	stream.indirect.gather [hbm4b:s0+s31], $0x80, s30, s31, $0xb8;
	v63 =	vld [tilespmem:$0x0]  }
0x15b: {  	_ =	swait.ge [sflag:s17], $0x2000  }
0x15c: {  	[sflag:s17] =	ssyncset.done $0x0  }
0x15d: {  	s26 =	simm.s32 $0x280;
	[sflag:s17] =	ssyncadd.s32 $0xFFFFE000  }
0x15e: {  	[tilespmem:s2], [sflag:$0x2] =	stream.indirect.gather [hbm4b:s0+s31], $0x80, s26, s31, $0xb8;
	v63 =	vld [tilespmem:$0x0]  }
0x15f: {  	_ =	swait.ge [sflag:s18], $0x2000  }
0x160: {  	[sflag:s18] =	ssyncset.done $0x0  }
0x161: {  	s30 =	simm.s32 $0x300;
	[sflag:s18] =	ssyncadd.s32 $0xFFFFE000  }
0x162: {  	[tilespmem:s7], [sflag:$0x3] =	stream.indirect.gather [hbm4b:s0+s31], $0x80, s30, s31, $0xb8;
	v63 =	vld [tilespmem:$0x0]  }
0x163: {  	_ =	swait.ge [sflag:s19], $0x2000  }
0x164: {  	[sflag:s19] =	ssyncset.done $0x0  }
0x165: {  	s25 =	simm.s32 $0x800;
	s26 =	simm.s32 $0x380;
	[sflag:s19] =	ssyncadd.s32 $0xFFFFE000  }
.LBB2_8:
0x166: {  	[tilespmem:s9], [sflag:$0x4] =	stream.indirect.gather [hbm4b:s0+s31], $0x80, s26, s31, $0xb8;
	v63 =	vld [tilespmem:$0x0]  }
0x167: {  	s26 =	smov.u32 s25  }
0x168: {  	p0 =	sne.s32 s25, $0x3000;
	s25 =	sadd.s32 $0x800, s25;
	_ =	swait.ge [sflag:s12], $0x2000  }
0x169: {  	s26 =	sshra.s32 s26, $0x2;
	[sflag:s12] =	ssyncset.done $0x0  }
0x16a: {  	s30 =	sadd.s32 $0x2000, s26;
	[sflag:s12] =	ssyncadd.s32 $0xFFFFE000  }
0x16b: {  	[spmem:s3] =	stream.indirect.scatter.add.f32 [tilespmem:s28], [sflag:$0x5], $0x80, s30, s31, $0xb8;
	v63 =	vld [tilespmem:$0x0]  }
0x16c: {  	_ =	swait.ge [sflag:s13], $0x2000  }
0x16d: {  	[sflag:s13] =	ssyncset.done $0x0  }
0x16e: {  	s30 =	sadd.s32 $0x2080, s26;
	[sflag:s13] =	ssyncadd.s32 $0xFFFFE000  }
0x16f: {  	[spmem:s3] =	stream.indirect.scatter.add.f32 [tilespmem:s2], [sflag:$0x6], $0x80, s30, s31, $0xb8;
	v63 =	vld [tilespmem:$0x0]  }
0x170: {  	_ =	swait.ge [sflag:s14], $0x2000  }
0x171: {  	[sflag:s14] =	ssyncset.done $0x0  }
0x172: {  	s30 =	sadd.s32 $0x2100, s26;
	[sflag:s14] =	ssyncadd.s32 $0xFFFFE000  }
0x173: {  	[spmem:s3] =	stream.indirect.scatter.add.f32 [tilespmem:s7], [sflag:$0x7], $0x80, s30, s31, $0xb8;
	v63 =	vld [tilespmem:$0x0]  }
0x174: {  	_ =	swait.ge [sflag:s15], $0x2000  }
0x175: {  	[sflag:s15] =	ssyncset.done $0x0  }
0x176: {  	s30 =	sadd.s32 $0x2180, s26;
	[sflag:s15] =	ssyncadd.s32 $0xFFFFE000  }
0x177: {  	[spmem:s3] =	stream.indirect.scatter.add.f32 [tilespmem:s9], [sflag:$0x8], $0x80, s30, s31, $0xb8;
	v63 =	vld [tilespmem:$0x0]  }
0x178: {  	_ =	swait.ge [sflag:s16], $0x2000  }
0x179: {  	[sflag:s16] =	ssyncset.done $0x0  }
0x17a: {  	s30 =	sadd.s32 $0x200, s26;
	[sflag:s16] =	ssyncadd.s32 $0xFFFFE000  }
0x17b: {  	[tilespmem:s28], [sflag:$0x1] =	stream.indirect.gather [hbm4b:s0+s31], $0x80, s30, s31, $0xb8;
	v63 =	vld [tilespmem:$0x0]  }
0x17c: {  	_ =	swait.ge [sflag:s17], $0x2000  }
0x17d: {  	[sflag:s17] =	ssyncset.done $0x0  }
0x17e: {  	s30 =	sadd.s32 $0x280, s26;
	[sflag:s17] =	ssyncadd.s32 $0xFFFFE000  }
0x17f: {  	[tilespmem:s2], [sflag:$0x2] =	stream.indirect.gather [hbm4b:s0+s31], $0x80, s30, s31, $0xb8;
	v63 =	vld [tilespmem:$0x0]  }
0x180: {  	_ =	swait.ge [sflag:s18], $0x2000  }
0x181: {  	[sflag:s18] =	ssyncset.done $0x0  }
.Ltmp3:
0x182: {  	s30 =	sadd.s32 $0x300, s26;
	[sflag:s18] =	ssyncadd.s32 $0xFFFFE000;
	(pc) =	sbr.rel @p0 .LBB2_8-.Ltmp3, $4  }
0x183: {  	[tilespmem:s7], [sflag:$0x3] =	stream.indirect.gather [hbm4b:s0+s31], $0x80, s30, s31, $0xb8;
	v63 =	vld [tilespmem:$0x0]  }
0x184: {  	_ =	swait.ge [sflag:s19], $0x2000  }
0x185: {  	[sflag:s19] =	ssyncset.done $0x0  }
0x186: {  	s26 =	sadd.s32 $0x380, s26;
	[sflag:s19] =	ssyncadd.s32 $0xFFFFE000  }
0x187: {  	[tilespmem:s9], [sflag:$0x4] =	stream.indirect.gather [hbm4b:s0+s31], $0x80, s26, s31, $0xb8;
	v63 =	vld [tilespmem:$0x0]  }
0x188: {  	_ =	swait.ge [sflag:s20], $0x1000  }
0x189: {  	[sflag:s20] =	ssyncset.done $0x0  }
0x18a: {  	[sflag:s20] =	ssyncadd.s32 $0xFFFFF000  }
0x18b: {  	_ =	swait.ge [sflag:s20], $0x1000  }
0x18c: {  	[sflag:s20] =	ssyncset.done $0x0  }
0x18d: {  	[sflag:s20] =	ssyncadd.s32 $0xFFFFF000  }
0x18e: {  	_ =	swait.ge [sflag:s12], $0x2000  }
0x18f: {  	[sflag:s12] =	ssyncset.done $0x0  }
0x190: {  	[sflag:s12] =	ssyncadd.s32 $0xFFFFE000  }
0x191: {  	[spmem:s3] =	stream.indirect.scatter.add.f32 [tilespmem:s28], [sflag:$0x5], $0x80, s21, s31, $0xb8;
	v63 =	vld [tilespmem:$0x0]  }
0x192: {  	_ =	swait.ge [sflag:s13], $0x2000  }
0x193: {  	[sflag:s13] =	ssyncset.done $0x0  }
0x194: {  	[sflag:s13] =	ssyncadd.s32 $0xFFFFE000  }
0x195: {  	[spmem:s3] =	stream.indirect.scatter.add.f32 [tilespmem:s2], [sflag:$0x6], $0x80, s22, s31, $0xb8;
	v63 =	vld [tilespmem:$0x0]  }
0x196: {  	_ =	swait.ge [sflag:s14], $0x2000  }
0x197: {  	[sflag:s14] =	ssyncset.done $0x0  }
0x198: {  	[sflag:s14] =	ssyncadd.s32 $0xFFFFE000  }
0x199: {  	[spmem:s3] =	stream.indirect.scatter.add.f32 [tilespmem:s7], [sflag:$0x7], $0x80, s23, s31, $0xb8;
	v63 =	vld [tilespmem:$0x0]  }
0x19a: {  	_ =	swait.ge [sflag:s15], $0x2000  }
0x19b: {  	[sflag:s15] =	ssyncset.done $0x0  }
0x19c: {  	[sflag:s15] =	ssyncadd.s32 $0xFFFFE000  }
0x19d: {  	[spmem:s3] =	stream.indirect.scatter.add.f32 [tilespmem:s9], [sflag:$0x8], $0x80, s11, s31, $0xb8;
	v63 =	vld [tilespmem:$0x0]  }
0x19e: {  	_ =	swait.ge [sflag:s16], $0x2000  }
0x19f: {  	[sflag:s16] =	ssyncset.done $0x0  }
0x1a0: {  	[sflag:s16] =	ssyncadd.s32 $0xFFFFE000  }
0x1a1: {  	[tilespmem:s28], [sflag:$0x1] =	stream.indirect.gather [hbm4b:s0+s31], $0x80, s10, s31, $0xb8;
	v63 =	vld [tilespmem:$0x0]  }
0x1a2: {  	_ =	swait.ge [sflag:s17], $0x2000  }
0x1a3: {  	[sflag:s17] =	ssyncset.done $0x0  }
0x1a4: {  	s25 =	simm.s32 $0x1080;
	[sflag:s17] =	ssyncadd.s32 $0xFFFFE000  }
0x1a5: {  	[tilespmem:s2], [sflag:$0x2] =	stream.indirect.gather [hbm4b:s0+s31], $0x80, s25, s31, $0xb8;
	v63 =	vld [tilespmem:$0x0]  }
0x1a6: {  	_ =	swait.ge [sflag:s18], $0x2000  }
0x1a7: {  	[sflag:s18] =	ssyncset.done $0x0  }
0x1a8: {  	s30 =	simm.s32 $0x1100;
	[sflag:s18] =	ssyncadd.s32 $0xFFFFE000  }
0x1a9: {  	[tilespmem:s7], [sflag:$0x3] =	stream.indirect.gather [hbm4b:s0+s31], $0x80, s30, s31, $0xb8;
	v63 =	vld [tilespmem:$0x0]  }
0x1aa: {  	_ =	swait.ge [sflag:s19], $0x2000  }
0x1ab: {  	[sflag:s19] =	ssyncset.done $0x0  }
0x1ac: {  	s26 =	simm.s32 $0x1180;
	[sflag:s19] =	ssyncadd.s32 $0xFFFFE000  }
0x1ad: {  	[tilespmem:s9], [sflag:$0x4] =	stream.indirect.gather [hbm4b:s0+s31], $0x80, s26, s31, $0xb8;
	v63 =	vld [tilespmem:$0x0]  }
0x1ae: {  	s25 =	simm.s32 $0x0;
	s30 =	rddreg [dreg:$0x13]  }
0x1af: {  	[tilespmem:s25], [sflag:$0x9] =	stream.linear.gather [hbm4b:s30+s25], $0x1000, $0x38;
	v63 =	vld [tilespmem:$0x0]  }
0x1b0: {  	s26 =	rddreg [dreg:$0x14];
	s30 =	simm.s32 $0x2000  }
0x1b1: {  	[tilespmem:s30], [sflag:$0x9] =	stream.linear.gather [hbm4b:s26+s25], $0x1000, $0x38;
	v63 =	vld [tilespmem:$0x0]  }
0x1b2: {  	_ =	swait.ge [sflag:s12], $0x2000  }
0x1b3: {  	[sflag:s12] =	ssyncset.done $0x0  }
0x1b4: {  	s30 =	simm.s32 $0x3000;
	[sflag:s12] =	ssyncadd.s32 $0xFFFFE000  }
0x1b5: {  	[spmem:s3] =	stream.indirect.scatter.add.f32 [tilespmem:s28], [sflag:$0x5], $0x80, s30, s31, $0xb8;
	v63 =	vld [tilespmem:$0x0]  }
0x1b6: {  	_ =	swait.ge [sflag:s13], $0x2000  }
0x1b7: {  	[sflag:s13] =	ssyncset.done $0x0  }
0x1b8: {  	s26 =	simm.s32 $0x3080;
	[sflag:s13] =	ssyncadd.s32 $0xFFFFE000  }
0x1b9: {  	[spmem:s3] =	stream.indirect.scatter.add.f32 [tilespmem:s2], [sflag:$0x6], $0x80, s26, s31, $0xb8;
	v63 =	vld [tilespmem:$0x0]  }
0x1ba: {  	_ =	swait.ge [sflag:s14], $0x2000  }
0x1bb: {  	[sflag:s14] =	ssyncset.done $0x0  }
0x1bc: {  	s30 =	simm.s32 $0x3100;
	[sflag:s14] =	ssyncadd.s32 $0xFFFFE000  }
0x1bd: {  	[spmem:s3] =	stream.indirect.scatter.add.f32 [tilespmem:s7], [sflag:$0x7], $0x80, s30, s31, $0xb8;
	v63 =	vld [tilespmem:$0x0]  }
0x1be: {  	_ =	swait.ge [sflag:s15], $0x2000  }
0x1bf: {  	[sflag:s15] =	ssyncset.done $0x0  }
0x1c0: {  	s26 =	simm.s32 $0x3180;
	[sflag:s15] =	ssyncadd.s32 $0xFFFFE000  }
0x1c1: {  	[spmem:s3] =	stream.indirect.scatter.add.f32 [tilespmem:s9], [sflag:$0x8], $0x80, s26, s31, $0xb8;
	v63 =	vld [tilespmem:$0x0]  }
0x1c2: {  	_ =	swait.ge [sflag:s16], $0x2000  }
0x1c3: {  	[sflag:s16] =	ssyncset.done $0x0  }
0x1c4: {  	s30 =	simm.s32 $0x1200;
	[sflag:s16] =	ssyncadd.s32 $0xFFFFE000  }
0x1c5: {  	[tilespmem:s28], [sflag:$0x1] =	stream.indirect.gather [hbm4b:s0+s31], $0x80, s30, s31, $0xb8;
	v63 =	vld [tilespmem:$0x0]  }
0x1c6: {  	_ =	swait.ge [sflag:s17], $0x2000  }
0x1c7: {  	[sflag:s17] =	ssyncset.done $0x0  }
0x1c8: {  	s26 =	simm.s32 $0x1280;
	[sflag:s17] =	ssyncadd.s32 $0xFFFFE000  }
0x1c9: {  	[tilespmem:s2], [sflag:$0x2] =	stream.indirect.gather [hbm4b:s0+s31], $0x80, s26, s31, $0xb8;
	v63 =	vld [tilespmem:$0x0]  }
0x1ca: {  	_ =	swait.ge [sflag:s18], $0x2000  }
0x1cb: {  	[sflag:s18] =	ssyncset.done $0x0  }
0x1cc: {  	s30 =	simm.s32 $0x1300;
	[sflag:s18] =	ssyncadd.s32 $0xFFFFE000  }
0x1cd: {  	[tilespmem:s7], [sflag:$0x3] =	stream.indirect.gather [hbm4b:s0+s31], $0x80, s30, s31, $0xb8;
	v63 =	vld [tilespmem:$0x0]  }
0x1ce: {  	_ =	swait.ge [sflag:s19], $0x2000  }
0x1cf: {  	[sflag:s19] =	ssyncset.done $0x0  }
0x1d0: {  	s25 =	simm.s32 $0x800;
	s26 =	simm.s32 $0x1380;
	[sflag:s19] =	ssyncadd.s32 $0xFFFFE000  }
.LBB2_10:
0x1d1: {  	[tilespmem:s9], [sflag:$0x4] =	stream.indirect.gather [hbm4b:s0+s31], $0x80, s26, s31, $0xb8;
	v63 =	vld [tilespmem:$0x0]  }
0x1d2: {  	s26 =	smov.u32 s25  }
0x1d3: {  	p0 =	sne.s32 s25, $0x3000;
	s25 =	sadd.s32 $0x800, s25;
	_ =	swait.ge [sflag:s12], $0x2000  }
0x1d4: {  	s26 =	sshra.s32 s26, $0x2;
	[sflag:s12] =	ssyncset.done $0x0  }
0x1d5: {  	s30 =	sadd.s32 $0x3000, s26;
	[sflag:s12] =	ssyncadd.s32 $0xFFFFE000  }
0x1d6: {  	[spmem:s3] =	stream.indirect.scatter.add.f32 [tilespmem:s28], [sflag:$0x5], $0x80, s30, s31, $0xb8;
	v63 =	vld [tilespmem:$0x0]  }
0x1d7: {  	_ =	swait.ge [sflag:s13], $0x2000  }
0x1d8: {  	[sflag:s13] =	ssyncset.done $0x0  }
0x1d9: {  	s30 =	sadd.s32 $0x3080, s26;
	[sflag:s13] =	ssyncadd.s32 $0xFFFFE000  }
0x1da: {  	[spmem:s3] =	stream.indirect.scatter.add.f32 [tilespmem:s2], [sflag:$0x6], $0x80, s30, s31, $0xb8;
	v63 =	vld [tilespmem:$0x0]  }
0x1db: {  	_ =	swait.ge [sflag:s14], $0x2000  }
0x1dc: {  	[sflag:s14] =	ssyncset.done $0x0  }
0x1dd: {  	s30 =	sadd.s32 $0x3100, s26;
	[sflag:s14] =	ssyncadd.s32 $0xFFFFE000  }
0x1de: {  	[spmem:s3] =	stream.indirect.scatter.add.f32 [tilespmem:s7], [sflag:$0x7], $0x80, s30, s31, $0xb8;
	v63 =	vld [tilespmem:$0x0]  }
0x1df: {  	_ =	swait.ge [sflag:s15], $0x2000  }
0x1e0: {  	[sflag:s15] =	ssyncset.done $0x0  }
0x1e1: {  	s30 =	sadd.s32 $0x3180, s26;
	[sflag:s15] =	ssyncadd.s32 $0xFFFFE000  }
0x1e2: {  	[spmem:s3] =	stream.indirect.scatter.add.f32 [tilespmem:s9], [sflag:$0x8], $0x80, s30, s31, $0xb8;
	v63 =	vld [tilespmem:$0x0]  }
0x1e3: {  	_ =	swait.ge [sflag:s16], $0x2000  }
0x1e4: {  	[sflag:s16] =	ssyncset.done $0x0  }
0x1e5: {  	s30 =	sadd.s32 $0x1200, s26;
	[sflag:s16] =	ssyncadd.s32 $0xFFFFE000  }
0x1e6: {  	[tilespmem:s28], [sflag:$0x1] =	stream.indirect.gather [hbm4b:s0+s31], $0x80, s30, s31, $0xb8;
	v63 =	vld [tilespmem:$0x0]  }
0x1e7: {  	_ =	swait.ge [sflag:s17], $0x2000  }
0x1e8: {  	[sflag:s17] =	ssyncset.done $0x0  }
0x1e9: {  	s30 =	sadd.s32 $0x1280, s26;
	[sflag:s17] =	ssyncadd.s32 $0xFFFFE000  }
0x1ea: {  	[tilespmem:s2], [sflag:$0x2] =	stream.indirect.gather [hbm4b:s0+s31], $0x80, s30, s31, $0xb8;
	v63 =	vld [tilespmem:$0x0]  }
0x1eb: {  	_ =	swait.ge [sflag:s18], $0x2000  }
0x1ec: {  	[sflag:s18] =	ssyncset.done $0x0  }
.Ltmp4:
0x1ed: {  	s30 =	sadd.s32 $0x1300, s26;
	[sflag:s18] =	ssyncadd.s32 $0xFFFFE000;
	(pc) =	sbr.rel @p0 .LBB2_10-.Ltmp4, $4  }
0x1ee: {  	[tilespmem:s7], [sflag:$0x3] =	stream.indirect.gather [hbm4b:s0+s31], $0x80, s30, s31, $0xb8;
	v63 =	vld [tilespmem:$0x0]  }
0x1ef: {  	_ =	swait.ge [sflag:s19], $0x2000  }
0x1f0: {  	[sflag:s19] =	ssyncset.done $0x0  }
0x1f1: {  	s26 =	sadd.s32 $0x1380, s26;
	[sflag:s19] =	ssyncadd.s32 $0xFFFFE000  }
0x1f2: {  	[tilespmem:s9], [sflag:$0x4] =	stream.indirect.gather [hbm4b:s0+s31], $0x80, s26, s31, $0xb8;
	v63 =	vld [tilespmem:$0x0]  }
0x1f3: {  	_ =	swait.ge [sflag:s24], $0x1000  }
0x1f4: {  	[sflag:s24] =	ssyncset.done $0x0  }
0x1f5: {  	[sflag:s24] =	ssyncadd.s32 $0xFFFFF000  }
0x1f6: {  	_ =	swait.ge [sflag:s24], $0x1000  }
0x1f7: {  	[sflag:s24] =	ssyncset.done $0x0  }
0x1f8: {  	[sflag:s24] =	ssyncadd.s32 $0xFFFFF000  }
0x1f9: {  	_ =	swait.ge [sflag:s12], $0x2000  }
0x1fa: {  	[sflag:s12] =	ssyncset.done $0x0  }
0x1fb: {  	s25 =	simm.s32 $0x3E00;
	[sflag:s12] =	ssyncadd.s32 $0xFFFFE000  }
0x1fc: {  	[spmem:s3] =	stream.indirect.scatter.add.f32 [tilespmem:s28], [sflag:$0x5], $0x80, s25, s31, $0xb8;
	v63 =	vld [tilespmem:$0x0]  }
0x1fd: {  	_ =	swait.ge [sflag:s13], $0x2000  }
0x1fe: {  	[sflag:s13] =	ssyncset.done $0x0  }
0x1ff: {  	s30 =	simm.s32 $0x3E80;
	[sflag:s13] =	ssyncadd.s32 $0xFFFFE000  }
0x200: {  	[spmem:s3] =	stream.indirect.scatter.add.f32 [tilespmem:s2], [sflag:$0x6], $0x80, s30, s31, $0xb8;
	v63 =	vld [tilespmem:$0x0]  }
0x201: {  	_ =	swait.ge [sflag:s14], $0x2000  }
0x202: {  	[sflag:s14] =	ssyncset.done $0x0  }
0x203: {  	s26 =	simm.s32 $0x3F00;
	[sflag:s14] =	ssyncadd.s32 $0xFFFFE000  }
0x204: {  	[spmem:s3] =	stream.indirect.scatter.add.f32 [tilespmem:s7], [sflag:$0x7], $0x80, s26, s31, $0xb8;
	v63 =	vld [tilespmem:$0x0]  }
0x205: {  	_ =	swait.ge [sflag:s15], $0x2000  }
0x206: {  	[sflag:s15] =	ssyncset.done $0x0  }
0x207: {  	s30 =	simm.s32 $0x3F80;
	[sflag:s15] =	ssyncadd.s32 $0xFFFFE000  }
0x208: {  	[spmem:s3] =	stream.indirect.scatter.add.f32 [tilespmem:s9], [sflag:$0x8], $0x80, s30, s31, $0xb8;
	v63 =	vld [tilespmem:$0x0]  }
0x209: {  	_ =	swait.ge [sflag:s16], $0x2000  }
0x20a: {  	[sflag:s16] =	ssyncset.done $0x0  }
0x20b: {  	s26 =	simm.s32 $0x0;
	[sflag:s16] =	ssyncadd.s32 $0xFFFFE000  }
0x20c: {  	[tilespmem:s28], [sflag:$0x1] =	stream.indirect.gather [hbm4b:s0+s31], $0x80, s26, s31, $0xb8;
	v63 =	vld [tilespmem:$0x0]  }
0x20d: {  	_ =	swait.ge [sflag:s17], $0x2000  }
0x20e: {  	[sflag:s17] =	ssyncset.done $0x0  }
0x20f: {  	[sflag:s17] =	ssyncadd.s32 $0xFFFFE000  }
0x210: {  	[tilespmem:s2], [sflag:$0x2] =	stream.indirect.gather [hbm4b:s0+s31], $0x80, s1, s31, $0xb8;
	v63 =	vld [tilespmem:$0x0]  }
0x211: {  	_ =	swait.ge [sflag:s18], $0x2000  }
0x212: {  	[sflag:s18] =	ssyncset.done $0x0  }
0x213: {  	[sflag:s18] =	ssyncadd.s32 $0xFFFFE000  }
0x214: {  	[tilespmem:s7], [sflag:$0x3] =	stream.indirect.gather [hbm4b:s0+s31], $0x80, s6, s31, $0xb8;
	v63 =	vld [tilespmem:$0x0]  }
0x215: {  	_ =	swait.ge [sflag:s19], $0x2000  }
0x216: {  	[sflag:s19] =	ssyncset.done $0x0  }
0x217: {  	[sflag:s19] =	ssyncadd.s32 $0xFFFFE000  }
0x218: {  	[tilespmem:s9], [sflag:$0x4] =	stream.indirect.gather [hbm4b:s0+s31], $0x80, s8, s31, $0xb8;
	v63 =	vld [tilespmem:$0x0]  }
0x219: {  	_ =	swait.ge [sflag:s12], $0x2000  }
0x21a: {  	[sflag:s12] =	ssyncset.done $0x0  }
0x21b: {  	s30 =	simm.s32 $0x2000;
	[sflag:s12] =	ssyncadd.s32 $0xFFFFE000  }
0x21c: {  	[spmem:s3] =	stream.indirect.scatter.add.f32 [tilespmem:s28], [sflag:$0x5], $0x80, s30, s31, $0xb8;
	v63 =	vld [tilespmem:$0x0]  }
0x21d: {  	_ =	swait.ge [sflag:s13], $0x2000  }
0x21e: {  	[sflag:s13] =	ssyncset.done $0x0  }
0x21f: {  	s26 =	simm.s32 $0x2080;
	[sflag:s13] =	ssyncadd.s32 $0xFFFFE000  }
0x220: {  	[spmem:s3] =	stream.indirect.scatter.add.f32 [tilespmem:s2], [sflag:$0x6], $0x80, s26, s31, $0xb8;
	v63 =	vld [tilespmem:$0x0]  }
0x221: {  	_ =	swait.ge [sflag:s14], $0x2000  }
0x222: {  	[sflag:s14] =	ssyncset.done $0x0  }
0x223: {  	s30 =	simm.s32 $0x2100;
	[sflag:s14] =	ssyncadd.s32 $0xFFFFE000  }
0x224: {  	[spmem:s3] =	stream.indirect.scatter.add.f32 [tilespmem:s7], [sflag:$0x7], $0x80, s30, s31, $0xb8;
	v63 =	vld [tilespmem:$0x0]  }
0x225: {  	_ =	swait.ge [sflag:s15], $0x2000  }
0x226: {  	[sflag:s15] =	ssyncset.done $0x0  }
0x227: {  	s26 =	simm.s32 $0x2180;
	[sflag:s15] =	ssyncadd.s32 $0xFFFFE000  }
0x228: {  	[spmem:s3] =	stream.indirect.scatter.add.f32 [tilespmem:s9], [sflag:$0x8], $0x80, s26, s31, $0xb8;
	v63 =	vld [tilespmem:$0x0]  }
0x229: {  	_ =	swait.ge [sflag:s16], $0x2000  }
0x22a: {  	[sflag:s16] =	ssyncset.done $0x0  }
0x22b: {  	s30 =	simm.s32 $0x200;
	[sflag:s16] =	ssyncadd.s32 $0xFFFFE000  }
0x22c: {  	[tilespmem:s28], [sflag:$0x1] =	stream.indirect.gather [hbm4b:s0+s31], $0x80, s30, s31, $0xb8;
	v63 =	vld [tilespmem:$0x0]  }
0x22d: {  	_ =	swait.ge [sflag:s17], $0x2000  }
0x22e: {  	[sflag:s17] =	ssyncset.done $0x0  }
0x22f: {  	s26 =	simm.s32 $0x280;
	[sflag:s17] =	ssyncadd.s32 $0xFFFFE000  }
0x230: {  	[tilespmem:s2], [sflag:$0x2] =	stream.indirect.gather [hbm4b:s0+s31], $0x80, s26, s31, $0xb8;
	v63 =	vld [tilespmem:$0x0]  }
0x231: {  	_ =	swait.ge [sflag:s18], $0x2000  }
0x232: {  	[sflag:s18] =	ssyncset.done $0x0  }
0x233: {  	s30 =	simm.s32 $0x300;
	[sflag:s18] =	ssyncadd.s32 $0xFFFFE000  }
0x234: {  	[tilespmem:s7], [sflag:$0x3] =	stream.indirect.gather [hbm4b:s0+s31], $0x80, s30, s31, $0xb8;
	v63 =	vld [tilespmem:$0x0]  }
0x235: {  	_ =	swait.ge [sflag:s19], $0x2000  }
0x236: {  	[sflag:s19] =	ssyncset.done $0x0  }
0x237: {  	s25 =	simm.s32 $0x800;
	s26 =	simm.s32 $0x380;
	[sflag:s19] =	ssyncadd.s32 $0xFFFFE000  }
.LBB2_12:
0x238: {  	[tilespmem:s9], [sflag:$0x4] =	stream.indirect.gather [hbm4b:s0+s31], $0x80, s26, s31, $0xb8;
	v63 =	vld [tilespmem:$0x0]  }
0x239: {  	s26 =	smov.u32 s25  }
0x23a: {  	p0 =	sne.s32 s25, $0x3000;
	s25 =	sadd.s32 $0x800, s25;
	_ =	swait.ge [sflag:s12], $0x2000  }
0x23b: {  	s26 =	sshra.s32 s26, $0x2;
	[sflag:s12] =	ssyncset.done $0x0  }
0x23c: {  	s30 =	sadd.s32 $0x2000, s26;
	[sflag:s12] =	ssyncadd.s32 $0xFFFFE000  }
0x23d: {  	[spmem:s3] =	stream.indirect.scatter.add.f32 [tilespmem:s28], [sflag:$0x5], $0x80, s30, s31, $0xb8;
	v63 =	vld [tilespmem:$0x0]  }
0x23e: {  	_ =	swait.ge [sflag:s13], $0x2000  }
0x23f: {  	[sflag:s13] =	ssyncset.done $0x0  }
0x240: {  	s30 =	sadd.s32 $0x2080, s26;
	[sflag:s13] =	ssyncadd.s32 $0xFFFFE000  }
0x241: {  	[spmem:s3] =	stream.indirect.scatter.add.f32 [tilespmem:s2], [sflag:$0x6], $0x80, s30, s31, $0xb8;
	v63 =	vld [tilespmem:$0x0]  }
0x242: {  	_ =	swait.ge [sflag:s14], $0x2000  }
0x243: {  	[sflag:s14] =	ssyncset.done $0x0  }
0x244: {  	s30 =	sadd.s32 $0x2100, s26;
	[sflag:s14] =	ssyncadd.s32 $0xFFFFE000  }
0x245: {  	[spmem:s3] =	stream.indirect.scatter.add.f32 [tilespmem:s7], [sflag:$0x7], $0x80, s30, s31, $0xb8;
	v63 =	vld [tilespmem:$0x0]  }
0x246: {  	_ =	swait.ge [sflag:s15], $0x2000  }
0x247: {  	[sflag:s15] =	ssyncset.done $0x0  }
0x248: {  	s30 =	sadd.s32 $0x2180, s26;
	[sflag:s15] =	ssyncadd.s32 $0xFFFFE000  }
0x249: {  	[spmem:s3] =	stream.indirect.scatter.add.f32 [tilespmem:s9], [sflag:$0x8], $0x80, s30, s31, $0xb8;
	v63 =	vld [tilespmem:$0x0]  }
0x24a: {  	_ =	swait.ge [sflag:s16], $0x2000  }
0x24b: {  	[sflag:s16] =	ssyncset.done $0x0  }
0x24c: {  	s30 =	sadd.s32 $0x200, s26;
	[sflag:s16] =	ssyncadd.s32 $0xFFFFE000  }
0x24d: {  	[tilespmem:s28], [sflag:$0x1] =	stream.indirect.gather [hbm4b:s0+s31], $0x80, s30, s31, $0xb8;
	v63 =	vld [tilespmem:$0x0]  }
0x24e: {  	_ =	swait.ge [sflag:s17], $0x2000  }
0x24f: {  	[sflag:s17] =	ssyncset.done $0x0  }
0x250: {  	s30 =	sadd.s32 $0x280, s26;
	[sflag:s17] =	ssyncadd.s32 $0xFFFFE000  }
0x251: {  	[tilespmem:s2], [sflag:$0x2] =	stream.indirect.gather [hbm4b:s0+s31], $0x80, s30, s31, $0xb8;
	v63 =	vld [tilespmem:$0x0]  }
0x252: {  	_ =	swait.ge [sflag:s18], $0x2000  }
0x253: {  	[sflag:s18] =	ssyncset.done $0x0  }
.Ltmp5:
0x254: {  	s30 =	sadd.s32 $0x300, s26;
	[sflag:s18] =	ssyncadd.s32 $0xFFFFE000;
	(pc) =	sbr.rel @p0 .LBB2_12-.Ltmp5, $4  }
0x255: {  	[tilespmem:s7], [sflag:$0x3] =	stream.indirect.gather [hbm4b:s0+s31], $0x80, s30, s31, $0xb8;
	v63 =	vld [tilespmem:$0x0]  }
0x256: {  	_ =	swait.ge [sflag:s19], $0x2000  }
0x257: {  	[sflag:s19] =	ssyncset.done $0x0  }
0x258: {  	s26 =	sadd.s32 $0x380, s26;
	[sflag:s19] =	ssyncadd.s32 $0xFFFFE000  }
0x259: {  	[tilespmem:s9], [sflag:$0x4] =	stream.indirect.gather [hbm4b:s0+s31], $0x80, s26, s31, $0xb8;
	v63 =	vld [tilespmem:$0x0]  }
0x25a: {  	_ =	swait.ge [sflag:s12], $0x2000  }
0x25b: {  	[sflag:s12] =	ssyncset.done $0x0  }
0x25c: {  	[sflag:s12] =	ssyncadd.s32 $0xFFFFE000  }
0x25d: {  	[spmem:s3] =	stream.indirect.scatter.add.f32 [tilespmem:s28], [sflag:$0x5], $0x80, s21, s31, $0xb8;
	v63 =	vld [tilespmem:$0x0]  }
0x25e: {  	_ =	swait.ge [sflag:s13], $0x2000  }
0x25f: {  	[sflag:s13] =	ssyncset.done $0x0  }
0x260: {  	[sflag:s13] =	ssyncadd.s32 $0xFFFFE000  }
0x261: {  	[spmem:s3] =	stream.indirect.scatter.add.f32 [tilespmem:s2], [sflag:$0x6], $0x80, s22, s31, $0xb8;
	v63 =	vld [tilespmem:$0x0]  }
0x262: {  	_ =	swait.ge [sflag:s14], $0x2000  }
0x263: {  	[sflag:s14] =	ssyncset.done $0x0  }
0x264: {  	[sflag:s14] =	ssyncadd.s32 $0xFFFFE000  }
0x265: {  	[spmem:s3] =	stream.indirect.scatter.add.f32 [tilespmem:s7], [sflag:$0x7], $0x80, s23, s31, $0xb8;
	v63 =	vld [tilespmem:$0x0]  }
0x266: {  	_ =	swait.ge [sflag:s15], $0x2000  }
0x267: {  	[sflag:s15] =	ssyncset.done $0x0  }
0x268: {  	[sflag:s15] =	ssyncadd.s32 $0xFFFFE000  }
0x269: {  	[spmem:s3] =	stream.indirect.scatter.add.f32 [tilespmem:s9], [sflag:$0x8], $0x80, s11, s31, $0xb8;
	v63 =	vld [tilespmem:$0x0]  }
0x26a: {  	_ =	swait.ge [sflag:s16], $0x2000  }
0x26b: {  	[sflag:s16] =	ssyncset.done $0x0  }
0x26c: {  	[sflag:s16] =	ssyncadd.s32 $0xFFFFE000  }
0x26d: {  	_ =	swait.ge [sflag:s17], $0x2000  }
0x26e: {  	[sflag:s17] =	ssyncset.done $0x0  }
0x26f: {  	[sflag:s17] =	ssyncadd.s32 $0xFFFFE000  }
0x270: {  	_ =	swait.ge [sflag:s18], $0x2000  }
0x271: {  	[sflag:s18] =	ssyncset.done $0x0  }
0x272: {  	[sflag:s18] =	ssyncadd.s32 $0xFFFFE000  }
0x273: {  	_ =	swait.ge [sflag:s19], $0x2000  }
0x274: {  	[sflag:s19] =	ssyncset.done $0x0  }
0x275: {  	s25 =	stileid.u32;
	[sflag:s19] =	ssyncadd.s32 $0xFFFFE000  }
0x276: {  	s25 =	sshll.u32 s25, $0x6;
	[bflag:$0x0] =	sbarrier.arrive $0xFFFF  }
0x277: {  	s26 =	sshrl.u32 s5, $0x3;
	s25 =	sor.u32 $0x1C0B, s25;
	s30 =	rddreg [dreg:$0x16]  }
0x278: {  	[hbm:s30], [sflag:s25] =	dma.local [spmem:s26], $0x2800  }
0x279: {  	_ =	swait.ge [sflag:s29], $0x2800  }
0x27a: {  	s4 =	sadd.s32 $0x1, s4;
	s30 =	rddreg [dreg:$0x17]  }
0x27b: {  	p0 =	sne.s32 s4, s30  }
.Ltmp6:
0x27c: {  	_ = 	snop;
	(pc) =	sbr.rel @p0 .LBB2_1-.Ltmp6, $3  }
0x27d: {  	_ =	sdelay $0x1  }
0x27e: {  	[sflag:s29] =	ssyncset.done $0x0  }
0x27f: {  	[sflag:s29] =	ssyncadd.s32 $0xFFFFD800  }
0x280: {  	_ =	sfence.sel $0x180000  }
0x281: {  	[bflag:$0x0] =	sbarrier.arrive $0xFFFF  }
0x282: {  	_ =	strace $0x9000004A  }
0x283: {  	s0 =	stileid.u32;
	[bflag:$0x2] =	sbarrier.arrive $0xFFFF  }
0x284: {  	p0 =	sne.s32 s0, $0x0;
	s0 =	rddreg [dreg:$0x3]  }
0x285: {  	s0 =	sadd.s32 @!p0 $0x100000, s0  }
0x286: {  	[sflag:s0] =	ssyncadd.tile.s32 @!p0 $0x1;
	_ =	shalt  }
.Lfunc_end2:
_tile_overlayer_lowered:
.L_overlay_start_2:
0x287: {  	(tag) =	ssettag $0x2  }
0x288: {  	s0 =	rddreg [dreg:$0x0];
	s2 =	stileid.u32  }
0x289: {  	s1 =	rddreg [dreg:$0x1];
	p0 =	sne.s32 s2, $0x0  }
0x28a: {  	s3 =	rddreg [dreg:$0x2];
	[bflag:$0x3] =	sbarrier.arrive $0xFFFF;
	s2 =	simm.s32 @!p0 $0x1C0B  }
0x28b: {  	[timem:s3], [sflag:s2] =	dma.local @!p0 [hbm:s0], s1  }
0x28c: {  	s0 =	simm.s32 @!p0 $0xB  }
0x28d: {  	_ =	swait.ge @!p0 [sflag:s0], s1  }
0x28e: {  	s1 =	ssub.s32 @!p0 $0x0, s1;
	[sflag:s0] =	ssyncset.done @!p0 $0x0  }
0x28f: {  	[sflag:s0] =	ssyncadd.s32 @!p0 s1  }
0x290: {  	[bflag:$0x3] =	sbarrier.arrive $0xFFFF  }
0x291: {  	_ =	shalt  }

</sc_bundles>
